<compile_context>
chip_gen: v7x
topology: tpu7x:2x2x1
jax: 0.10.2.dev20260603
libtpu: 0.0.44.dev20260713+nightly
codegen_flags: <defaults>
</compile_context>

<pallas_src>
import jax
import jax.numpy as jnp
from jax import lax
from jax.experimental import pallas as pl
from jax.experimental.pallas import tpu as pltpu
from jax.experimental.pallas import tpu_sc as plsc

N_NODES = 10000
N_EDGES = 640000
LANES = 16
NUM_CORES = 2
NUM_SUBCORES = 16
NUM_TILES = NUM_CORES * NUM_SUBCORES
PER_TILE = N_EDGES // NUM_TILES
CHUNK = 2000
N_CHUNKS = PER_TILE // CHUNK
GROUPS = CHUNK // LANES
N_PAD = 10240
SLICE = N_PAD // NUM_SUBCORES


def _lj_kernel_body(x_hbm, y_hbm, z_hbm, idx_i_hbm, idx_j_hbm, species_hbm,
                    ptab_hbm, out_hbm,
                    species_v, energy_v, ptab_v, x_buf0, y_buf0, z_buf0,
                    i_buf0, j_buf0, x_buf1, y_buf1, z_buf1, i_buf1, j_buf1,
                    shared, red_buf, out_buf, sems, csem):
    c = lax.axis_index("c")
    s = lax.axis_index("s")
    wid = c * NUM_SUBCORES + s
    tile_base = wid * PER_TILE

    bufs = [
        (x_buf0, y_buf0, z_buf0, i_buf0, j_buf0),
        (x_buf1, y_buf1, z_buf1, i_buf1, j_buf1),
    ]

    def start_chunk(ci, bi):
        e0 = tile_base + ci * CHUNK
        sem = sems.at[bi]
        xb, yb, zb, ib, jb = bufs[bi]
        return [
            pltpu.async_copy(x_hbm.at[pl.ds(e0, CHUNK)], xb, sem),
            pltpu.async_copy(y_hbm.at[pl.ds(e0, CHUNK)], yb, sem),
            pltpu.async_copy(z_hbm.at[pl.ds(e0, CHUNK)], zb, sem),
            pltpu.async_copy(idx_i_hbm.at[pl.ds(e0, CHUNK)], ib, sem),
            pltpu.async_copy(idx_j_hbm.at[pl.ds(e0, CHUNK)], jb, sem),
        ]

    descs = {0: start_chunk(0, 0), 1: start_chunk(1, 1)}
    spec_copy = pltpu.async_copy(species_hbm, species_v, csem)
    pltpu.sync_copy(ptab_hbm, ptab_v)

    zeros16 = jnp.zeros((LANES,), jnp.float32)

    @plsc.parallel_loop(0, N_PAD // LANES, 1, unroll=8)
    def _(v):
        energy_v[pl.ds(v * LANES, LANES)] = zeros16

    def process_chunk(bi):
        xb, yb, zb, ib, jb = bufs[bi]

        @plsc.parallel_loop(0, GROUPS, 1, unroll=5)
        def _(g):
            base = g * LANES
            i_vec = ib[pl.ds(base, LANES)]
            j_vec = jb[pl.ds(base, LANES)]
            x = xb[pl.ds(base, LANES)]
            y = yb[pl.ds(base, LANES)]
            z = zb[pl.ds(base, LANES)]
            si = plsc.load_gather(species_v, [i_vec])
            sj = plsc.load_gather(species_v, [j_vec])
            p = si * 2 + sj
            s6 = plsc.load_gather(ptab_v, [p])
            fe = plsc.load_gather(ptab_v, [p + 8])
            sh = plsc.load_gather(ptab_v, [p + 16])
            r2 = x * x + y * y + z * z
            r6 = r2 * r2 * r2
            sr6 = s6 / r6
            e_half = fe * (sr6 * sr6 - sr6) - sh
            plsc.addupdate_scatter(energy_v, [i_vec], e_half)
            plsc.addupdate_scatter(energy_v, [j_vec], e_half)

    spec_copy.wait()
    for ci in range(N_CHUNKS):
        bi = ci % 2
        for d in descs.pop(ci):
            d.wait()
        process_chunk(bi)
        if ci + 2 < N_CHUNKS:
            descs[ci + 2] = start_chunk(ci + 2, bi)

    pltpu.sync_copy(energy_v, shared.at[s])
    plsc.subcore_barrier()
    pltpu.sync_copy(shared.at[:, pl.ds(s * SLICE, SLICE)], red_buf)

    @plsc.parallel_loop(0, SLICE // LANES, 1, unroll=4)
    def _(v):
        col = v * LANES
        acc = red_buf[0, pl.ds(col, LANES)]
        for r in range(1, NUM_SUBCORES):
            acc = acc + red_buf[r, pl.ds(col, LANES)]
        out_buf[pl.ds(col, LANES)] = acc

    pltpu.sync_copy(out_buf, out_hbm.at[c, pl.ds(s * SLICE, SLICE)])


@jax.jit
def _lj_sc(x, y, z, idx_i, idx_j, species, ptab):
    mesh = plsc.VectorSubcoreMesh(core_axis_name="c", subcore_axis_name="s")
    run = pl.kernel(
        _lj_kernel_body,
        out_type=jax.ShapeDtypeStruct((NUM_CORES, N_PAD), jnp.float32),
        mesh=mesh,
        compiler_params=pltpu.CompilerParams(needs_layout_passes=False),
        scratch_types=[
            pltpu.VMEM((N_NODES,), jnp.int32),
            pltpu.VMEM((N_PAD,), jnp.float32),
            pltpu.VMEM((24,), jnp.float32),
            pltpu.VMEM((CHUNK,), jnp.float32),
            pltpu.VMEM((CHUNK,), jnp.float32),
            pltpu.VMEM((CHUNK,), jnp.float32),
            pltpu.VMEM((CHUNK,), jnp.int32),
            pltpu.VMEM((CHUNK,), jnp.int32),
            pltpu.VMEM((CHUNK,), jnp.float32),
            pltpu.VMEM((CHUNK,), jnp.float32),
            pltpu.VMEM((CHUNK,), jnp.float32),
            pltpu.VMEM((CHUNK,), jnp.int32),
            pltpu.VMEM((CHUNK,), jnp.int32),
            pltpu.VMEM_SHARED((NUM_SUBCORES, N_PAD), jnp.float32),
            pltpu.VMEM((NUM_SUBCORES, SLICE), jnp.float32),
            pltpu.VMEM((SLICE,), jnp.float32),
            pltpu.SemaphoreType.DMA((2,)),
            pltpu.SemaphoreType.DMA,
        ],
    )
    return run(x, y, z, idx_i, idx_j, species, ptab)


def kernel(edge_vectors, edge_index, species, lj_table):
    sigma = lj_table[..., 0].reshape(-1)
    eps = lj_table[..., 1].reshape(-1)
    shift = lj_table[..., 2].reshape(-1)
    s3 = sigma * sigma * sigma
    ptab = jnp.zeros((24,), jnp.float32)
    ptab = ptab.at[0:4].set(s3 * s3)
    ptab = ptab.at[8:12].set(2.0 * eps)
    ptab = ptab.at[16:20].set(0.5 * shift)

    idx = edge_index.astype(jnp.int32)
    ev = edge_vectors.astype(jnp.float32)
    out = _lj_sc(ev[:, 0], ev[:, 1], ev[:, 2],
                 idx[0], idx[1],
                 species.astype(jnp.int32), ptab)
    energy = out[0, :N_NODES] + out[1, :N_NODES]
    return energy.reshape(-1, 1)

# --- scband reference (transcript-rebuilt; emitter-appended) ---
"""Pipeline reference for scband-lennard-jones-72988674228250 (READ-ONLY COPY).

The authoritative reference and input builder live on the scoring server;
editing this copy changes nothing except your own understanding.
"""

import jax, jax.numpy as jnp
import numpy as np

CUTOFF = 8.5
PARAMS = [((0, 0), (3.405, 0.01032)), ((0, 1), (3.0, 0.02)), ((1, 0), (3.0, 0.02)), ((1, 1), (2.5, 0.03))]
N_NODES = 10000
N_EDGES = 640000
N_SPECIES = 2


def _build_lj_table():
    # table[a, b] = (sigma, epsilon, shift) where shift = 4*eps*((s/c)^12 - (s/c)^6)
    table = np.zeros((N_SPECIES, N_SPECIES, 3), dtype=np.float32)
    for (a, b), (s, e) in PARAMS:
        shift = 4.0 * e * ((s / CUTOFF) ** 12 - (s / CUTOFF) ** 6)
        table[a, b] = (s, e, shift)
    return jnp.asarray(table)


def setup_inputs(seed: int = 0) -> dict:
    key = jax.random.key(seed)
    k1, k2, k3 = jax.random.split(key, 3)
    # edge displacement vectors; keep interatomic distances in a physically
    # reasonable range ~[1.7, 5.2] so LJ energies stay finite
    edge_vectors = jax.random.uniform(k1, (N_EDGES, 3), dtype=jnp.float32, minval=1.0, maxval=3.0)
    edge_index = jax.random.randint(k2, (2, N_EDGES), 0, N_NODES, dtype=jnp.int64 if jax.config.read('jax_enable_x64') else jnp.int32)
    species = jax.random.randint(k3, (N_NODES,), 0, N_SPECIES, dtype=jnp.int32)
    lj_table = _build_lj_table()
    return {"edge_vectors": edge_vectors, "edge_index": edge_index, "species": species, "lj_table": lj_table}


def reference(edge_vectors, edge_index, species, lj_table):
    # Faithful vectorized translation of the per-edge LJ loop (per_atom=True).
    i = edge_index[0]
    j = edge_index[1]
    si = species[i]  # [E]
    sj = species[j]  # [E]
    params = lj_table[si, sj]  # gather [E, 3]
    sigma = params[:, 0]
    epsilon = params[:, 1]
    shift = params[:, 2]
    r2 = jnp.sum(edge_vectors * edge_vectors, axis=-1)  # distance.dot(distance)
    r6 = r2 * r2 * r2
    sigma3 = sigma * sigma * sigma
    sigma6 = sigma3 * sigma3
    sigma_r_6 = sigma6 / r6
    sigma_r_12 = sigma_r_6 * sigma_r_6
    e = 4.0 * epsilon * (sigma_r_12 - sigma_r_6) - shift  # [E]
    n_atoms = species.shape[0]
    energy = jnp.zeros((n_atoms,), dtype=edge_vectors.dtype)
    energy = energy.at[i].add(e / 2.0)
    energy = energy.at[j].add(e / 2.0)
    # TensorBlock values: per-atom energies reshaped to [-1, 1]
    return energy.reshape(-1, 1)

if __name__ == "__main__":
    import jax
    _d = setup_inputs()
    print(jax.jit(kernel)(*tuple(_d.values())))

</pallas_src>

<mosaic_0001>
#map = affine_map<(d0, d1) -> (0)>
#map1 = affine_map<(d0, d1) -> (0, 0)>
module attributes {stable_mosaic.version = 14 : i64} {
  func.func @_lj_kernel_body(%arg0: i32, %arg1: i32, %arg2: memref<640000xf32, #tpu.memory_space<hbm>>, %arg3: memref<640000xf32, #tpu.memory_space<hbm>>, %arg4: memref<640000xf32, #tpu.memory_space<hbm>>, %arg5: memref<640000xi32, #tpu.memory_space<hbm>>, %arg6: memref<640000xi32, #tpu.memory_space<hbm>>, %arg7: memref<10000xi32, #tpu.memory_space<hbm>>, %arg8: memref<24xf32, #tpu.memory_space<hbm>>, %arg9: memref<2x10240xf32, #tpu.memory_space<hbm>>, %arg10: memref<10000xi32, #tpu.memory_space<vmem>>, %arg11: memref<10240xf32, #tpu.memory_space<vmem>>, %arg12: memref<24xf32, #tpu.memory_space<vmem>>, %arg13: memref<2000xf32, #tpu.memory_space<vmem>>, %arg14: memref<2000xf32, #tpu.memory_space<vmem>>, %arg15: memref<2000xf32, #tpu.memory_space<vmem>>, %arg16: memref<2000xi32, #tpu.memory_space<vmem>>, %arg17: memref<2000xi32, #tpu.memory_space<vmem>>, %arg18: memref<2000xf32, #tpu.memory_space<vmem>>, %arg19: memref<2000xf32, #tpu.memory_space<vmem>>, %arg20: memref<2000xf32, #tpu.memory_space<vmem>>, %arg21: memref<2000xi32, #tpu.memory_space<vmem>>, %arg22: memref<2000xi32, #tpu.memory_space<vmem>>, %arg23: memref<16x10240xf32, #tpu.memory_space<vmem_shared>>, %arg24: memref<16x640xf32, #tpu.memory_space<vmem>>, %arg25: memref<640xf32, #tpu.memory_space<vmem>>, %arg26: memref<2x!tpu.dma_semaphore, #tpu.memory_space<semaphore_mem>>, %arg27: memref<!tpu.dma_semaphore, #tpu.memory_space<semaphore_mem>>) attributes {dimension_semantics = [#tpu.dimension_semantics<core_parallel>, #tpu.dimension_semantics<subcore_parallel>], iteration_bounds = array<i64: 2, 16>, scalar_prefetch = 0 : i64, scratch_operands = 18 : i64, tpu.core_type = #tpu.core_type<sc_vector_subcore>, window_params = [{transform_indices = #map}, {transform_indices = #map}, {transform_indices = #map}, {transform_indices = #map}, {transform_indices = #map}, {transform_indices = #map}, {transform_indices = #map}, {transform_indices = #map1}]} {
    %mul3A = arith.constant 16 : i32
    %mul3A_0 = arith.muli %arg0, %mul3A : i32
    %add3A = arith.addi %mul3A_0, %arg1 : i32
    %mul3A_1 = arith.constant 20000 : i32
    %mul3A_2 = arith.muli %add3A, %mul3A_1 : i32
    %add3A_3 = arith.constant 0 : i32
    %add3A_4 = arith.addi %mul3A_2, %add3A_3 : i32
    %dma_start3A = arith.constant 0 : i32
    %dma_start3A_5 = tpu.memref_slice %arg2[%add3A_4] : memref<640000xf32, #tpu.memory_space<hbm>> -> memref<2000xf32, #tpu.memory_space<hbm>>
    %dma_start3A_6 = tpu.memref_slice %arg26[%dma_start3A] : memref<2x!tpu.dma_semaphore, #tpu.memory_space<semaphore_mem>> -> memref<1x!tpu.dma_semaphore, #tpu.memory_space<semaphore_mem>>
    %dma_start3A_7 = tpu.memref_squeeze %dma_start3A_6 : memref<1x!tpu.dma_semaphore, #tpu.memory_space<semaphore_mem>> -> memref<!tpu.dma_semaphore, #tpu.memory_space<semaphore_mem>>
    %dma_start3A_8 = tpu.memref_slice %arg2[%add3A_4] : memref<640000xf32, #tpu.memory_space<hbm>> -> memref<2000xf32, #tpu.memory_space<hbm>>
    tpu.enqueue_dma source(%dma_start3A_8 : memref<2000xf32, #tpu.memory_space<hbm>>) target(%arg13 : memref<2000xf32, #tpu.memory_space<vmem>>) target_semaphore(%dma_start3A_7 : memref<!tpu.dma_semaphore, #tpu.memory_space<semaphore_mem>>)
    %dma_start3A_9 = arith.constant 0 : i32
    %dma_start3A_10 = tpu.memref_slice %arg3[%add3A_4] : memref<640000xf32, #tpu.memory_space<hbm>> -> memref<2000xf32, #tpu.memory_space<hbm>>
    %dma_start3A_11 = tpu.memref_slice %arg26[%dma_start3A_9] : memref<2x!tpu.dma_semaphore, #tpu.memory_space<semaphore_mem>> -> memref<1x!tpu.dma_semaphore, #tpu.memory_space<semaphore_mem>>
    %dma_start3A_12 = tpu.memref_squeeze %dma_start3A_11 : memref<1x!tpu.dma_semaphore, #tpu.memory_space<semaphore_mem>> -> memref<!tpu.dma_semaphore, #tpu.memory_space<semaphore_mem>>
    %dma_start3A_13 = tpu.memref_slice %arg3[%add3A_4] : memref<640000xf32, #tpu.memory_space<hbm>> -> memref<2000xf32, #tpu.memory_space<hbm>>
    tpu.enqueue_dma source(%dma_start3A_13 : memref<2000xf32, #tpu.memory_space<hbm>>) target(%arg14 : memref<2000xf32, #tpu.memory_space<vmem>>) target_semaphore(%dma_start3A_12 : memref<!tpu.dma_semaphore, #tpu.memory_space<semaphore_mem>>)
    %dma_start3A_14 = arith.constant 0 : i32
    %dma_start3A_15 = tpu.memref_slice %arg4[%add3A_4] : memref<640000xf32, #tpu.memory_space<hbm>> -> memref<2000xf32, #tpu.memory_space<hbm>>
    %dma_start3A_16 = tpu.memref_slice %arg26[%dma_start3A_14] : memref<2x!tpu.dma_semaphore, #tpu.memory_space<semaphore_mem>> -> memref<1x!tpu.dma_semaphore, #tpu.memory_space<semaphore_mem>>
    %dma_start3A_17 = tpu.memref_squeeze %dma_start3A_16 : memref<1x!tpu.dma_semaphore, #tpu.memory_space<semaphore_mem>> -> memref<!tpu.dma_semaphore, #tpu.memory_space<semaphore_mem>>
    %dma_start3A_18 = tpu.memref_slice %arg4[%add3A_4] : memref<640000xf32, #tpu.memory_space<hbm>> -> memref<2000xf32, #tpu.memory_space<hbm>>
    tpu.enqueue_dma source(%dma_start3A_18 : memref<2000xf32, #tpu.memory_space<hbm>>) target(%arg15 : memref<2000xf32, #tpu.memory_space<vmem>>) target_semaphore(%dma_start3A_17 : memref<!tpu.dma_semaphore, #tpu.memory_space<semaphore_mem>>)
    %dma_start3A_19 = arith.constant 0 : i32
    %dma_start3A_20 = tpu.memref_slice %arg5[%add3A_4] : memref<640000xi32, #tpu.memory_space<hbm>> -> memref<2000xi32, #tpu.memory_space<hbm>>
    %dma_start3A_21 = tpu.memref_slice %arg26[%dma_start3A_19] : memref<2x!tpu.dma_semaphore, #tpu.memory_space<semaphore_mem>> -> memref<1x!tpu.dma_semaphore, #tpu.memory_space<semaphore_mem>>
    %dma_start3A_22 = tpu.memref_squeeze %dma_start3A_21 : memref<1x!tpu.dma_semaphore, #tpu.memory_space<semaphore_mem>> -> memref<!tpu.dma_semaphore, #tpu.memory_space<semaphore_mem>>
    %dma_start3A_23 = tpu.memref_slice %arg5[%add3A_4] : memref<640000xi32, #tpu.memory_space<hbm>> -> memref<2000xi32, #tpu.memory_space<hbm>>
    tpu.enqueue_dma source(%dma_start3A_23 : memref<2000xi32, #tpu.memory_space<hbm>>) target(%arg16 : memref<2000xi32, #tpu.memory_space<vmem>>) target_semaphore(%dma_start3A_22 : memref<!tpu.dma_semaphore, #tpu.memory_space<semaphore_mem>>)
    %dma_start3A_24 = arith.constant 0 : i32
    %dma_start3A_25 = tpu.memref_slice %arg6[%add3A_4] : memref<640000xi32, #tpu.memory_space<hbm>> -> memref<2000xi32, #tpu.memory_space<hbm>>
    %dma_start3A_26 = tpu.memref_slice %arg26[%dma_start3A_24] : memref<2x!tpu.dma_semaphore, #tpu.memory_space<semaphore_mem>> -> memref<1x!tpu.dma_semaphore, #tpu.memory_space<semaphore_mem>>
    %dma_start3A_27 = tpu.memref_squeeze %dma_start3A_26 : memref<1x!tpu.dma_semaphore, #tpu.memory_space<semaphore_mem>> -> memref<!tpu.dma_semaphore, #tpu.memory_space<semaphore_mem>>
    %dma_start3A_28 = tpu.memref_slice %arg6[%add3A_4] : memref<640000xi32, #tpu.memory_space<hbm>> -> memref<2000xi32, #tpu.memory_space<hbm>>
    tpu.enqueue_dma source(%dma_start3A_28 : memref<2000xi32, #tpu.memory_space<hbm>>) target(%arg17 : memref<2000xi32, #tpu.memory_space<vmem>>) target_semaphore(%dma_start3A_27 : memref<!tpu.dma_semaphore, #tpu.memory_space<semaphore_mem>>)
    %add3A_29 = arith.constant 2000 : i32
    %add3A_30 = arith.addi %mul3A_2, %add3A_29 : i32
    %dma_start3A_31 = arith.constant 1 : i32
    %dma_start3A_32 = tpu.memref_slice %arg2[%add3A_30] : memref<640000xf32, #tpu.memory_space<hbm>> -> memref<2000xf32, #tpu.memory_space<hbm>>
    %dma_start3A_33 = tpu.memref_slice %arg26[%dma_start3A_31] : memref<2x!tpu.dma_semaphore, #tpu.memory_space<semaphore_mem>> -> memref<1x!tpu.dma_semaphore, #tpu.memory_space<semaphore_mem>>
    %dma_start3A_34 = tpu.memref_squeeze %dma_start3A_33 : memref<1x!tpu.dma_semaphore, #tpu.memory_space<semaphore_mem>> -> memref<!tpu.dma_semaphore, #tpu.memory_space<semaphore_mem>>
    %dma_start3A_35 = tpu.memref_slice %arg2[%add3A_30] : memref<640000xf32, #tpu.memory_space<hbm>> -> memref<2000xf32, #tpu.memory_space<hbm>>
    tpu.enqueue_dma source(%dma_start3A_35 : memref<2000xf32, #tpu.memory_space<hbm>>) target(%arg18 : memref<2000xf32, #tpu.memory_space<vmem>>) target_semaphore(%dma_start3A_34 : memref<!tpu.dma_semaphore, #tpu.memory_space<semaphore_mem>>)
    %dma_start3A_36 = arith.constant 1 : i32
    %dma_start3A_37 = tpu.memref_slice %arg3[%add3A_30] : memref<640000xf32, #tpu.memory_space<hbm>> -> memref<2000xf32, #tpu.memory_space<hbm>>
    %dma_start3A_38 = tpu.memref_slice %arg26[%dma_start3A_36] : memref<2x!tpu.dma_semaphore, #tpu.memory_space<semaphore_mem>> -> memref<1x!tpu.dma_semaphore, #tpu.memory_space<semaphore_mem>>
    %dma_start3A_39 = tpu.memref_squeeze %dma_start3A_38 : memref<1x!tpu.dma_semaphore, #tpu.memory_space<semaphore_mem>> -> memref<!tpu.dma_semaphore, #tpu.memory_space<semaphore_mem>>
    %dma_start3A_40 = tpu.memref_slice %arg3[%add3A_30] : memref<640000xf32, #tpu.memory_space<hbm>> -> memref<2000xf32, #tpu.memory_space<hbm>>
    tpu.enqueue_dma source(%dma_start3A_40 : memref<2000xf32, #tpu.memory_space<hbm>>) target(%arg19 : memref<2000xf32, #tpu.memory_space<vmem>>) target_semaphore(%dma_start3A_39 : memref<!tpu.dma_semaphore, #tpu.memory_space<semaphore_mem>>)
    %dma_start3A_41 = arith.constant 1 : i32
    %dma_start3A_42 = tpu.memref_slice %arg4[%add3A_30] : memref<640000xf32, #tpu.memory_space<hbm>> -> memref<2000xf32, #tpu.memory_space<hbm>>
    %dma_start3A_43 = tpu.memref_slice %arg26[%dma_start3A_41] : memref<2x!tpu.dma_semaphore, #tpu.memory_space<semaphore_mem>> -> memref<1x!tpu.dma_semaphore, #tpu.memory_space<semaphore_mem>>
    %dma_start3A_44 = tpu.memref_squeeze %dma_start3A_43 : memref<1x!tpu.dma_semaphore, #tpu.memory_space<semaphore_mem>> -> memref<!tpu.dma_semaphore, #tpu.memory_space<semaphore_mem>>
    %dma_start3A_45 = tpu.memref_slice %arg4[%add3A_30] : memref<640000xf32, #tpu.memory_space<hbm>> -> memref<2000xf32, #tpu.memory_space<hbm>>
    tpu.enqueue_dma source(%dma_start3A_45 : memref<2000xf32, #tpu.memory_space<hbm>>) target(%arg20 : memref<2000xf32, #tpu.memory_space<vmem>>) target_semaphore(%dma_start3A_44 : memref<!tpu.dma_semaphore, #tpu.memory_space<semaphore_mem>>)
    %dma_start3A_46 = arith.constant 1 : i32
    %dma_start3A_47 = tpu.memref_slice %arg5[%add3A_30] : memref<640000xi32, #tpu.memory_space<hbm>> -> memref<2000xi32, #tpu.memory_space<hbm>>
    %dma_start3A_48 = tpu.memref_slice %arg26[%dma_start3A_46] : memref<2x!tpu.dma_semaphore, #tpu.memory_space<semaphore_mem>> -> memref<1x!tpu.dma_semaphore, #tpu.memory_space<semaphore_mem>>
    %dma_start3A_49 = tpu.memref_squeeze %dma_start3A_48 : memref<1x!tpu.dma_semaphore, #tpu.memory_space<semaphore_mem>> -> memref<!tpu.dma_semaphore, #tpu.memory_space<semaphore_mem>>
    %dma_start3A_50 = tpu.memref_slice %arg5[%add3A_30] : memref<640000xi32, #tpu.memory_space<hbm>> -> memref<2000xi32, #tpu.memory_space<hbm>>
    tpu.enqueue_dma source(%dma_start3A_50 : memref<2000xi32, #tpu.memory_space<hbm>>) target(%arg21 : memref<2000xi32, #tpu.memory_space<vmem>>) target_semaphore(%dma_start3A_49 : memref<!tpu.dma_semaphore, #tpu.memory_space<semaphore_mem>>)
    %dma_start3A_51 = arith.constant 1 : i32
    %dma_start3A_52 = tpu.memref_slice %arg6[%add3A_30] : memref<640000xi32, #tpu.memory_space<hbm>> -> memref<2000xi32, #tpu.memory_space<hbm>>
    %dma_start3A_53 = tpu.memref_slice %arg26[%dma_start3A_51] : memref<2x!tpu.dma_semaphore, #tpu.memory_space<semaphore_mem>> -> memref<1x!tpu.dma_semaphore, #tpu.memory_space<semaphore_mem>>
    %dma_start3A_54 = tpu.memref_squeeze %dma_start3A_53 : memref<1x!tpu.dma_semaphore, #tpu.memory_space<semaphore_mem>> -> memref<!tpu.dma_semaphore, #tpu.memory_space<semaphore_mem>>
    %dma_start3A_55 = tpu.memref_slice %arg6[%add3A_30] : memref<640000xi32, #tpu.memory_space<hbm>> -> memref<2000xi32, #tpu.memory_space<hbm>>
    tpu.enqueue_dma source(%dma_start3A_55 : memref<2000xi32, #tpu.memory_space<hbm>>) target(%arg22 : memref<2000xi32, #tpu.memory_space<vmem>>) target_semaphore(%dma_start3A_54 : memref<!tpu.dma_semaphore, #tpu.memory_space<semaphore_mem>>)
    tpu.enqueue_dma source(%arg7 : memref<10000xi32, #tpu.memory_space<hbm>>) target(%arg10 : memref<10000xi32, #tpu.memory_space<vmem>>) target_semaphore(%arg27 : memref<!tpu.dma_semaphore, #tpu.memory_space<semaphore_mem>>)
    "tpu.region"() ({
      %run_scoped3A = tpu.sem_alloc : memref<!tpu.dma_semaphore, #tpu.memory_space<semaphore_mem>>
      tpu.enqueue_dma source(%arg8 : memref<24xf32, #tpu.memory_space<hbm>>) target(%arg12 : memref<24xf32, #tpu.memory_space<vmem>>) target_semaphore(%run_scoped3A : memref<!tpu.dma_semaphore, #tpu.memory_space<semaphore_mem>>)
      tpu.wait_dma2 semaphore(%run_scoped3A : memref<!tpu.dma_semaphore, #tpu.memory_space<semaphore_mem>>) src(%arg8 : memref<24xf32, #tpu.memory_space<hbm>>) dst(%arg12 : memref<24xf32, #tpu.memory_space<vmem>>)
      tpu.yield
    }) : () -> ()
    %broadcast_in_dim3A = arith.constant 0.000000e+00 : f32
    %broadcast_in_dim3A_56 = vector.broadcast %broadcast_in_dim3A : f32 to vector<16xf32>
    %parallel_loop3A = arith.constant 0 : i32
    %parallel_loop3A_57 = arith.constant 640 : i32
    %parallel_loop3A_58 = arith.constant 1 : i32
    scf.for %parallel_loop3A_561 = %parallel_loop3A to %parallel_loop3A_57 step %parallel_loop3A_58  : i32 {
      %parallel_loop3A_562 = arith.constant 16 : i32
      %parallel_loop3A_563 = arith.muli %parallel_loop3A_561, %parallel_loop3A_562 : i32
      %parallel_loop3A_564 = arith.index_cast %parallel_loop3A_563 : i32 to index
      %parallel_loop3A_565 = tpu.vector_load %arg11[%parallel_loop3A_564] {strides = array<i32>} : memref<10240xf32, #tpu.memory_space<vmem>>, vector<16xf32>,
      tpu.vector_store %arg11[%parallel_loop3A_564], %broadcast_in_dim3A_56 {strides = array<i32>} : memref<10240xf32, #tpu.memory_space<vmem>>, vector<16xf32>,
    } {sc.loop_unroll_factor = 8 : i64, sc.parallel_access}
    tpu.wait_dma2 semaphore(%arg27 : memref<!tpu.dma_semaphore, #tpu.memory_space<semaphore_mem>>) src(%arg7 : memref<10000xi32, #tpu.memory_space<hbm>>) dst(%arg10 : memref<10000xi32, #tpu.memory_space<vmem>>)
    %dma_wait3A = arith.constant 0 : i32
    %dma_wait3A_59 = tpu.memref_slice %arg2[%add3A_4] : memref<640000xf32, #tpu.memory_space<hbm>> -> memref<2000xf32, #tpu.memory_space<hbm>>
    %dma_wait3A_60 = tpu.memref_slice %arg26[%dma_wait3A] : memref<2x!tpu.dma_semaphore, #tpu.memory_space<semaphore_mem>> -> memref<1x!tpu.dma_semaphore, #tpu.memory_space<semaphore_mem>>
    %dma_wait3A_61 = tpu.memref_squeeze %dma_wait3A_60 : memref<1x!tpu.dma_semaphore, #tpu.memory_space<semaphore_mem>> -> memref<!tpu.dma_semaphore, #tpu.memory_space<semaphore_mem>>
    %dma_wait3A_62 = tpu.memref_slice %arg2[%add3A_4] : memref<640000xf32, #tpu.memory_space<hbm>> -> memref<2000xf32, #tpu.memory_space<hbm>>
    tpu.wait_dma2 semaphore(%dma_wait3A_61 : memref<!tpu.dma_semaphore, #tpu.memory_space<semaphore_mem>>) src(%dma_wait3A_62 : memref<2000xf32, #tpu.memory_space<hbm>>) dst(%arg13 : memref<2000xf32, #tpu.memory_space<vmem>>)
    %dma_wait3A_63 = arith.constant 0 : i32
    %dma_wait3A_64 = tpu.memref_slice %arg3[%add3A_4] : memref<640000xf32, #tpu.memory_space<hbm>> -> memref<2000xf32, #tpu.memory_space<hbm>>
    %dma_wait3A_65 = tpu.memref_slice %arg26[%dma_wait3A_63] : memref<2x!tpu.dma_semaphore, #tpu.memory_space<semaphore_mem>> -> memref<1x!tpu.dma_semaphore, #tpu.memory_space<semaphore_mem>>
    %dma_wait3A_66 = tpu.memref_squeeze %dma_wait3A_65 : memref<1x!tpu.dma_semaphore, #tpu.memory_space<semaphore_mem>> -> memref<!tpu.dma_semaphore, #tpu.memory_space<semaphore_mem>>
    %dma_wait3A_67 = tpu.memref_slice %arg3[%add3A_4] : memref<640000xf32, #tpu.memory_space<hbm>> -> memref<2000xf32, #tpu.memory_space<hbm>>
    tpu.wait_dma2 semaphore(%dma_wait3A_66 : memref<!tpu.dma_semaphore, #tpu.memory_space<semaphore_mem>>) src(%dma_wait3A_67 : memref<2000xf32, #tpu.memory_space<hbm>>) dst(%arg14 : memref<2000xf32, #tpu.memory_space<vmem>>)
    %dma_wait3A_68 = arith.constant 0 : i32
    %dma_wait3A_69 = tpu.memref_slice %arg4[%add3A_4] : memref<640000xf32, #tpu.memory_space<hbm>> -> memref<2000xf32, #tpu.memory_space<hbm>>
    %dma_wait3A_70 = tpu.memref_slice %arg26[%dma_wait3A_68] : memref<2x!tpu.dma_semaphore, #tpu.memory_space<semaphore_mem>> -> memref<1x!tpu.dma_semaphore, #tpu.memory_space<semaphore_mem>>
    %dma_wait3A_71 = tpu.memref_squeeze %dma_wait3A_70 : memref<1x!tpu.dma_semaphore, #tpu.memory_space<semaphore_mem>> -> memref<!tpu.dma_semaphore, #tpu.memory_space<semaphore_mem>>
    %dma_wait3A_72 = tpu.memref_slice %arg4[%add3A_4] : memref<640000xf32, #tpu.memory_space<hbm>> -> memref<2000xf32, #tpu.memory_space<hbm>>
    tpu.wait_dma2 semaphore(%dma_wait3A_71 : memref<!tpu.dma_semaphore, #tpu.memory_space<semaphore_mem>>) src(%dma_wait3A_72 : memref<2000xf32, #tpu.memory_space<hbm>>) dst(%arg15 : memref<2000xf32, #tpu.memory_space<vmem>>)
    %dma_wait3A_73 = arith.constant 0 : i32
    %dma_wait3A_74 = tpu.memref_slice %arg5[%add3A_4] : memref<640000xi32, #tpu.memory_space<hbm>> -> memref<2000xi32, #tpu.memory_space<hbm>>
    %dma_wait3A_75 = tpu.memref_slice %arg26[%dma_wait3A_73] : memref<2x!tpu.dma_semaphore, #tpu.memory_space<semaphore_mem>> -> memref<1x!tpu.dma_semaphore, #tpu.memory_space<semaphore_mem>>
    %dma_wait3A_76 = tpu.memref_squeeze %dma_wait3A_75 : memref<1x!tpu.dma_semaphore, #tpu.memory_space<semaphore_mem>> -> memref<!tpu.dma_semaphore, #tpu.memory_space<semaphore_mem>>
    %dma_wait3A_77 = tpu.memref_slice %arg5[%add3A_4] : memref<640000xi32, #tpu.memory_space<hbm>> -> memref<2000xi32, #tpu.memory_space<hbm>>
    tpu.wait_dma2 semaphore(%dma_wait3A_76 : memref<!tpu.dma_semaphore, #tpu.memory_space<semaphore_mem>>) src(%dma_wait3A_77 : memref<2000xi32, #tpu.memory_space<hbm>>) dst(%arg16 : memref<2000xi32, #tpu.memory_space<vmem>>)
    %dma_wait3A_78 = arith.constant 0 : i32
    %dma_wait3A_79 = tpu.memref_slice %arg6[%add3A_4] : memref<640000xi32, #tpu.memory_space<hbm>> -> memref<2000xi32, #tpu.memory_space<hbm>>
    %dma_wait3A_80 = tpu.memref_slice %arg26[%dma_wait3A_78] : memref<2x!tpu.dma_semaphore, #tpu.memory_space<semaphore_mem>> -> memref<1x!tpu.dma_semaphore, #tpu.memory_space<semaphore_mem>>
    %dma_wait3A_81 = tpu.memref_squeeze %dma_wait3A_80 : memref<1x!tpu.dma_semaphore, #tpu.memory_space<semaphore_mem>> -> memref<!tpu.dma_semaphore, #tpu.memory_space<semaphore_mem>>
    %dma_wait3A_82 = tpu.memref_slice %arg6[%add3A_4] : memref<640000xi32, #tpu.memory_space<hbm>> -> memref<2000xi32, #tpu.memory_space<hbm>>
    tpu.wait_dma2 semaphore(%dma_wait3A_81 : memref<!tpu.dma_semaphore, #tpu.memory_space<semaphore_mem>>) src(%dma_wait3A_82 : memref<2000xi32, #tpu.memory_space<hbm>>) dst(%arg17 : memref<2000xi32, #tpu.memory_space<vmem>>)
    %parallel_loop3A_83 = arith.constant 0 : i32
    %parallel_loop3A_84 = arith.constant 125 : i32
    %parallel_loop3A_85 = arith.constant 1 : i32
    scf.for %parallel_loop3A_561 = %parallel_loop3A_83 to %parallel_loop3A_84 step %parallel_loop3A_85  : i32 {
      %parallel_loop3A_562 = arith.constant 16 : i32
      %parallel_loop3A_563 = arith.muli %parallel_loop3A_561, %parallel_loop3A_562 : i32
      %parallel_loop3A_564 = arith.index_cast %parallel_loop3A_563 : i32 to index
      %parallel_loop3A_565 = tpu.vector_load %arg16[%parallel_loop3A_564] {strides = array<i32>} : memref<2000xi32, #tpu.memory_space<vmem>>, vector<16xi32>,
      %parallel_loop3A_566 = arith.index_cast %parallel_loop3A_563 : i32 to index
      %parallel_loop3A_567 = tpu.vector_load %arg17[%parallel_loop3A_566] {strides = array<i32>} : memref<2000xi32, #tpu.memory_space<vmem>>, vector<16xi32>,
      %parallel_loop3A_568 = arith.index_cast %parallel_loop3A_563 : i32 to index
      %parallel_loop3A_569 = tpu.vector_load %arg13[%parallel_loop3A_568] {strides = array<i32>} : memref<2000xf32, #tpu.memory_space<vmem>>, vector<16xf32>,
      %parallel_loop3A_570 = arith.index_cast %parallel_loop3A_563 : i32 to index
      %parallel_loop3A_571 = tpu.vector_load %arg14[%parallel_loop3A_570] {strides = array<i32>} : memref<2000xf32, #tpu.memory_space<vmem>>, vector<16xf32>,
      %parallel_loop3A_572 = arith.index_cast %parallel_loop3A_563 : i32 to index
      %parallel_loop3A_573 = tpu.vector_load %arg15[%parallel_loop3A_572] {strides = array<i32>} : memref<2000xf32, #tpu.memory_space<vmem>>, vector<16xf32>,
      %parallel_loop3A_574 = tpu.vector_load_idx %arg10[%parallel_loop3A_565] : memref<10000xi32, #tpu.memory_space<vmem>>[vector<16xi32>], vector<16xi32>,
      %parallel_loop3A_575 = tpu.vector_load_idx %arg10[%parallel_loop3A_567] : memref<10000xi32, #tpu.memory_space<vmem>>[vector<16xi32>], vector<16xi32>,
      %parallel_loop3A_576 = arith.constant 2 : i32
      %parallel_loop3A_577 = vector.broadcast %parallel_loop3A_576 : i32 to vector<16xi32>
      %parallel_loop3A_578 = arith.muli %parallel_loop3A_574, %parallel_loop3A_577 : vector<16xi32>
      %parallel_loop3A_579 = arith.addi %parallel_loop3A_578, %parallel_loop3A_575 : vector<16xi32>
      %parallel_loop3A_580 = tpu.vector_load_idx %arg12[%parallel_loop3A_579] : memref<24xf32, #tpu.memory_space<vmem>>[vector<16xi32>], vector<16xf32>,
      %parallel_loop3A_581 = arith.constant 8 : i32
      %parallel_loop3A_582 = vector.broadcast %parallel_loop3A_581 : i32 to vector<16xi32>
      %parallel_loop3A_583 = arith.addi %parallel_loop3A_579, %parallel_loop3A_582 : vector<16xi32>
      %parallel_loop3A_584 = tpu.vector_load_idx %arg12[%parallel_loop3A_583] : memref<24xf32, #tpu.memory_space<vmem>>[vector<16xi32>], vector<16xf32>,
      %parallel_loop3A_585 = arith.constant 16 : i32
      %parallel_loop3A_586 = vector.broadcast %parallel_loop3A_585 : i32 to vector<16xi32>
      %parallel_loop3A_587 = arith.addi %parallel_loop3A_579, %parallel_loop3A_586 : vector<16xi32>
      %parallel_loop3A_588 = tpu.vector_load_idx %arg12[%parallel_loop3A_587] : memref<24xf32, #tpu.memory_space<vmem>>[vector<16xi32>], vector<16xf32>,
      %parallel_loop3A_589 = arith.mulf %parallel_loop3A_569, %parallel_loop3A_569 : vector<16xf32>
      %parallel_loop3A_590 = arith.mulf %parallel_loop3A_571, %parallel_loop3A_571 : vector<16xf32>
      %parallel_loop3A_591 = arith.addf %parallel_loop3A_589, %parallel_loop3A_590 : vector<16xf32>
      %parallel_loop3A_592 = arith.mulf %parallel_loop3A_573, %parallel_loop3A_573 : vector<16xf32>
      %parallel_loop3A_593 = arith.addf %parallel_loop3A_591, %parallel_loop3A_592 : vector<16xf32>
      %parallel_loop3A_594 = arith.mulf %parallel_loop3A_593, %parallel_loop3A_593 : vector<16xf32>
      %parallel_loop3A_595 = arith.mulf %parallel_loop3A_594, %parallel_loop3A_593 : vector<16xf32>
      %parallel_loop3A_596 = arith.divf %parallel_loop3A_580, %parallel_loop3A_595 : vector<16xf32>
      %parallel_loop3A_597 = arith.mulf %parallel_loop3A_596, %parallel_loop3A_596 : vector<16xf32>
      %parallel_loop3A_598 = arith.subf %parallel_loop3A_597, %parallel_loop3A_596 : vector<16xf32>
      %parallel_loop3A_599 = arith.mulf %parallel_loop3A_584, %parallel_loop3A_598 : vector<16xf32>
      %parallel_loop3A_600 = arith.subf %parallel_loop3A_599, %parallel_loop3A_588 : vector<16xf32>
      tpu.vector_store_idx %arg11[%parallel_loop3A_565], %parallel_loop3A_600 {add = true} : memref<10240xf32, #tpu.memory_space<vmem>>[vector<16xi32>], vector<16xf32>,
      tpu.vector_store_idx %arg11[%parallel_loop3A_567], %parallel_loop3A_600 {add = true} : memref<10240xf32, #tpu.memory_space<vmem>>[vector<16xi32>], vector<16xf32>,
    } {sc.loop_unroll_factor = 5 : i64, sc.parallel_access}
    %add3A_86 = arith.constant 4000 : i32
    %add3A_87 = arith.addi %mul3A_2, %add3A_86 : i32
    %dma_start3A_88 = arith.constant 0 : i32
    %dma_start3A_89 = tpu.memref_slice %arg2[%add3A_87] : memref<640000xf32, #tpu.memory_space<hbm>> -> memref<2000xf32, #tpu.memory_space<hbm>>
    %dma_start3A_90 = tpu.memref_slice %arg26[%dma_start3A_88] : memref<2x!tpu.dma_semaphore, #tpu.memory_space<semaphore_mem>> -> memref<1x!tpu.dma_semaphore, #tpu.memory_space<semaphore_mem>>
    %dma_start3A_91 = tpu.memref_squeeze %dma_start3A_90 : memref<1x!tpu.dma_semaphore, #tpu.memory_space<semaphore_mem>> -> memref<!tpu.dma_semaphore, #tpu.memory_space<semaphore_mem>>
    %dma_start3A_92 = tpu.memref_slice %arg2[%add3A_87] : memref<640000xf32, #tpu.memory_space<hbm>> -> memref<2000xf32, #tpu.memory_space<hbm>>
    tpu.enqueue_dma source(%dma_start3A_92 : memref<2000xf32, #tpu.memory_space<hbm>>) target(%arg13 : memref<2000xf32, #tpu.memory_space<vmem>>) target_semaphore(%dma_start3A_91 : memref<!tpu.dma_semaphore, #tpu.memory_space<semaphore_mem>>)
    %dma_start3A_93 = arith.constant 0 : i32
    %dma_start3A_94 = tpu.memref_slice %arg3[%add3A_87] : memref<640000xf32, #tpu.memory_space<hbm>> -> memref<2000xf32, #tpu.memory_space<hbm>>
    %dma_start3A_95 = tpu.memref_slice %arg26[%dma_start3A_93] : memref<2x!tpu.dma_semaphore, #tpu.memory_space<semaphore_mem>> -> memref<1x!tpu.dma_semaphore, #tpu.memory_space<semaphore_mem>>
    %dma_start3A_96 = tpu.memref_squeeze %dma_start3A_95 : memref<1x!tpu.dma_semaphore, #tpu.memory_space<semaphore_mem>> -> memref<!tpu.dma_semaphore, #tpu.memory_space<semaphore_mem>>
    %dma_start3A_97 = tpu.memref_slice %arg3[%add3A_87] : memref<640000xf32, #tpu.memory_space<hbm>> -> memref<2000xf32, #tpu.memory_space<hbm>>
    tpu.enqueue_dma source(%dma_start3A_97 : memref<2000xf32, #tpu.memory_space<hbm>>) target(%arg14 : memref<2000xf32, #tpu.memory_space<vmem>>) target_semaphore(%dma_start3A_96 : memref<!tpu.dma_semaphore, #tpu.memory_space<semaphore_mem>>)
    %dma_start3A_98 = arith.constant 0 : i32
    %dma_start3A_99 = tpu.memref_slice %arg4[%add3A_87] : memref<640000xf32, #tpu.memory_space<hbm>> -> memref<2000xf32, #tpu.memory_space<hbm>>
    %dma_start3A_100 = tpu.memref_slice %arg26[%dma_start3A_98] : memref<2x!tpu.dma_semaphore, #tpu.memory_space<semaphore_mem>> -> memref<1x!tpu.dma_semaphore, #tpu.memory_space<semaphore_mem>>
    %dma_start3A_101 = tpu.memref_squeeze %dma_start3A_100 : memref<1x!tpu.dma_semaphore, #tpu.memory_space<semaphore_mem>> -> memref<!tpu.dma_semaphore, #tpu.memory_space<semaphore_mem>>
    %dma_start3A_102 = tpu.memref_slice %arg4[%add3A_87] : memref<640000xf32, #tpu.memory_space<hbm>> -> memref<2000xf32, #tpu.memory_space<hbm>>
    tpu.enqueue_dma source(%dma_start3A_102 : memref<2000xf32, #tpu.memory_space<hbm>>) target(%arg15 : memref<2000xf32, #tpu.memory_space<vmem>>) target_semaphore(%dma_start3A_101 : memref<!tpu.dma_semaphore, #tpu.memory_space<semaphore_mem>>)
    %dma_start3A_103 = arith.constant 0 : i32
    %dma_start3A_104 = tpu.memref_slice %arg5[%add3A_87] : memref<640000xi32, #tpu.memory_space<hbm>> -> memref<2000xi32, #tpu.memory_space<hbm>>
    %dma_start3A_105 = tpu.memref_slice %arg26[%dma_start3A_103] : memref<2x!tpu.dma_semaphore, #tpu.memory_space<semaphore_mem>> -> memref<1x!tpu.dma_semaphore, #tpu.memory_space<semaphore_mem>>
    %dma_start3A_106 = tpu.memref_squeeze %dma_start3A_105 : memref<1x!tpu.dma_semaphore, #tpu.memory_space<semaphore_mem>> -> memref<!tpu.dma_semaphore, #tpu.memory_space<semaphore_mem>>
    %dma_start3A_107 = tpu.memref_slice %arg5[%add3A_87] : memref<640000xi32, #tpu.memory_space<hbm>> -> memref<2000xi32, #tpu.memory_space<hbm>>
    tpu.enqueue_dma source(%dma_start3A_107 : memref<2000xi32, #tpu.memory_space<hbm>>) target(%arg16 : memref<2000xi32, #tpu.memory_space<vmem>>) target_semaphore(%dma_start3A_106 : memref<!tpu.dma_semaphore, #tpu.memory_space<semaphore_mem>>)
    %dma_start3A_108 = arith.constant 0 : i32
    %dma_start3A_109 = tpu.memref_slice %arg6[%add3A_87] : memref<640000xi32, #tpu.memory_space<hbm>> -> memref<2000xi32, #tpu.memory_space<hbm>>
    %dma_start3A_110 = tpu.memref_slice %arg26[%dma_start3A_108] : memref<2x!tpu.dma_semaphore, #tpu.memory_space<semaphore_mem>> -> memref<1x!tpu.dma_semaphore, #tpu.memory_space<semaphore_mem>>
    %dma_start3A_111 = tpu.memref_squeeze %dma_start3A_110 : memref<1x!tpu.dma_semaphore, #tpu.memory_space<semaphore_mem>> -> memref<!tpu.dma_semaphore, #tpu.memory_space<semaphore_mem>>
    %dma_start3A_112 = tpu.memref_slice %arg6[%add3A_87] : memref<640000xi32, #tpu.memory_space<hbm>> -> memref<2000xi32, #tpu.memory_space<hbm>>
    tpu.enqueue_dma source(%dma_start3A_112 : memref<2000xi32, #tpu.memory_space<hbm>>) target(%arg17 : memref<2000xi32, #tpu.memory_space<vmem>>) target_semaphore(%dma_start3A_111 : memref<!tpu.dma_semaphore, #tpu.memory_space<semaphore_mem>>)
    %dma_wait3A_113 = arith.constant 1 : i32
    %dma_wait3A_114 = tpu.memref_slice %arg2[%add3A_30] : memref<640000xf32, #tpu.memory_space<hbm>> -> memref<2000xf32, #tpu.memory_space<hbm>>
    %dma_wait3A_115 = tpu.memref_slice %arg26[%dma_wait3A_113] : memref<2x!tpu.dma_semaphore, #tpu.memory_space<semaphore_mem>> -> memref<1x!tpu.dma_semaphore, #tpu.memory_space<semaphore_mem>>
    %dma_wait3A_116 = tpu.memref_squeeze %dma_wait3A_115 : memref<1x!tpu.dma_semaphore, #tpu.memory_space<semaphore_mem>> -> memref<!tpu.dma_semaphore, #tpu.memory_space<semaphore_mem>>
    %dma_wait3A_117 = tpu.memref_slice %arg2[%add3A_30] : memref<640000xf32, #tpu.memory_space<hbm>> -> memref<2000xf32, #tpu.memory_space<hbm>>
    tpu.wait_dma2 semaphore(%dma_wait3A_116 : memref<!tpu.dma_semaphore, #tpu.memory_space<semaphore_mem>>) src(%dma_wait3A_117 : memref<2000xf32, #tpu.memory_space<hbm>>) dst(%arg18 : memref<2000xf32, #tpu.memory_space<vmem>>)
    %dma_wait3A_118 = arith.constant 1 : i32
    %dma_wait3A_119 = tpu.memref_slice %arg3[%add3A_30] : memref<640000xf32, #tpu.memory_space<hbm>> -> memref<2000xf32, #tpu.memory_space<hbm>>
    %dma_wait3A_120 = tpu.memref_slice %arg26[%dma_wait3A_118] : memref<2x!tpu.dma_semaphore, #tpu.memory_space<semaphore_mem>> -> memref<1x!tpu.dma_semaphore, #tpu.memory_space<semaphore_mem>>
    %dma_wait3A_121 = tpu.memref_squeeze %dma_wait3A_120 : memref<1x!tpu.dma_semaphore, #tpu.memory_space<semaphore_mem>> -> memref<!tpu.dma_semaphore, #tpu.memory_space<semaphore_mem>>
    %dma_wait3A_122 = tpu.memref_slice %arg3[%add3A_30] : memref<640000xf32, #tpu.memory_space<hbm>> -> memref<2000xf32, #tpu.memory_space<hbm>>
    tpu.wait_dma2 semaphore(%dma_wait3A_121 : memref<!tpu.dma_semaphore, #tpu.memory_space<semaphore_mem>>) src(%dma_wait3A_122 : memref<2000xf32, #tpu.memory_space<hbm>>) dst(%arg19 : memref<2000xf32, #tpu.memory_space<vmem>>)
    %dma_wait3A_123 = arith.constant 1 : i32
    %dma_wait3A_124 = tpu.memref_slice %arg4[%add3A_30] : memref<640000xf32, #tpu.memory_space<hbm>> -> memref<2000xf32, #tpu.memory_space<hbm>>
    %dma_wait3A_125 = tpu.memref_slice %arg26[%dma_wait3A_123] : memref<2x!tpu.dma_semaphore, #tpu.memory_space<semaphore_mem>> -> memref<1x!tpu.dma_semaphore, #tpu.memory_space<semaphore_mem>>
    %dma_wait3A_126 = tpu.memref_squeeze %dma_wait3A_125 : memref<1x!tpu.dma_semaphore, #tpu.memory_space<semaphore_mem>> -> memref<!tpu.dma_semaphore, #tpu.memory_space<semaphore_mem>>
    %dma_wait3A_127 = tpu.memref_slice %arg4[%add3A_30] : memref<640000xf32, #tpu.memory_space<hbm>> -> memref<2000xf32, #tpu.memory_space<hbm>>
    tpu.wait_dma2 semaphore(%dma_wait3A_126 : memref<!tpu.dma_semaphore, #tpu.memory_space<semaphore_mem>>) src(%dma_wait3A_127 : memref<2000xf32, #tpu.memory_space<hbm>>) dst(%arg20 : memref<2000xf32, #tpu.memory_space<vmem>>)
    %dma_wait3A_128 = arith.constant 1 : i32
    %dma_wait3A_129 = tpu.memref_slice %arg5[%add3A_30] : memref<640000xi32, #tpu.memory_space<hbm>> -> memref<2000xi32, #tpu.memory_space<hbm>>
    %dma_wait3A_130 = tpu.memref_slice %arg26[%dma_wait3A_128] : memref<2x!tpu.dma_semaphore, #tpu.memory_space<semaphore_mem>> -> memref<1x!tpu.dma_semaphore, #tpu.memory_space<semaphore_mem>>
    %dma_wait3A_131 = tpu.memref_squeeze %dma_wait3A_130 : memref<1x!tpu.dma_semaphore, #tpu.memory_space<semaphore_mem>> -> memref<!tpu.dma_semaphore, #tpu.memory_space<semaphore_mem>>
    %dma_wait3A_132 = tpu.memref_slice %arg5[%add3A_30] : memref<640000xi32, #tpu.memory_space<hbm>> -> memref<2000xi32, #tpu.memory_space<hbm>>
    tpu.wait_dma2 semaphore(%dma_wait3A_131 : memref<!tpu.dma_semaphore, #tpu.memory_space<semaphore_mem>>) src(%dma_wait3A_132 : memref<2000xi32, #tpu.memory_space<hbm>>) dst(%arg21 : memref<2000xi32, #tpu.memory_space<vmem>>)
    %dma_wait3A_133 = arith.constant 1 : i32
    %dma_wait3A_134 = tpu.memref_slice %arg6[%add3A_30] : memref<640000xi32, #tpu.memory_space<hbm>> -> memref<2000xi32, #tpu.memory_space<hbm>>
    %dma_wait3A_135 = tpu.memref_slice %arg26[%dma_wait3A_133] : memref<2x!tpu.dma_semaphore, #tpu.memory_space<semaphore_mem>> -> memref<1x!tpu.dma_semaphore, #tpu.memory_space<semaphore_mem>>
    %dma_wait3A_136 = tpu.memref_squeeze %dma_wait3A_135 : memref<1x!tpu.dma_semaphore, #tpu.memory_space<semaphore_mem>> -> memref<!tpu.dma_semaphore, #tpu.memory_space<semaphore_mem>>
    %dma_wait3A_137 = tpu.memref_slice %arg6[%add3A_30] : memref<640000xi32, #tpu.memory_space<hbm>> -> memref<2000xi32, #tpu.memory_space<hbm>>
    tpu.wait_dma2 semaphore(%dma_wait3A_136 : memref<!tpu.dma_semaphore, #tpu.memory_space<semaphore_mem>>) src(%dma_wait3A_137 : memref<2000xi32, #tpu.memory_space<hbm>>) dst(%arg22 : memref<2000xi32, #tpu.memory_space<vmem>>)
    %parallel_loop3A_138 = arith.constant 0 : i32
    %parallel_loop3A_139 = arith.constant 125 : i32
    %parallel_loop3A_140 = arith.constant 1 : i32
    scf.for %parallel_loop3A_561 = %parallel_loop3A_138 to %parallel_loop3A_139 step %parallel_loop3A_140  : i32 {
      %parallel_loop3A_562 = arith.constant 16 : i32
      %parallel_loop3A_563 = arith.muli %parallel_loop3A_561, %parallel_loop3A_562 : i32
      %parallel_loop3A_564 = arith.index_cast %parallel_loop3A_563 : i32 to index
      %parallel_loop3A_565 = tpu.vector_load %arg21[%parallel_loop3A_564] {strides = array<i32>} : memref<2000xi32, #tpu.memory_space<vmem>>, vector<16xi32>,
      %parallel_loop3A_566 = arith.index_cast %parallel_loop3A_563 : i32 to index
      %parallel_loop3A_567 = tpu.vector_load %arg22[%parallel_loop3A_566] {strides = array<i32>} : memref<2000xi32, #tpu.memory_space<vmem>>, vector<16xi32>,
      %parallel_loop3A_568 = arith.index_cast %parallel_loop3A_563 : i32 to index
      %parallel_loop3A_569 = tpu.vector_load %arg18[%parallel_loop3A_568] {strides = array<i32>} : memref<2000xf32, #tpu.memory_space<vmem>>, vector<16xf32>,
      %parallel_loop3A_570 = arith.index_cast %parallel_loop3A_563 : i32 to index
      %parallel_loop3A_571 = tpu.vector_load %arg19[%parallel_loop3A_570] {strides = array<i32>} : memref<2000xf32, #tpu.memory_space<vmem>>, vector<16xf32>,
      %parallel_loop3A_572 = arith.index_cast %parallel_loop3A_563 : i32 to index
      %parallel_loop3A_573 = tpu.vector_load %arg20[%parallel_loop3A_572] {strides = array<i32>} : memref<2000xf32, #tpu.memory_space<vmem>>, vector<16xf32>,
      %parallel_loop3A_574 = tpu.vector_load_idx %arg10[%parallel_loop3A_565] : memref<10000xi32, #tpu.memory_space<vmem>>[vector<16xi32>], vector<16xi32>,
      %parallel_loop3A_575 = tpu.vector_load_idx %arg10[%parallel_loop3A_567] : memref<10000xi32, #tpu.memory_space<vmem>>[vector<16xi32>], vector<16xi32>,
      %parallel_loop3A_576 = arith.constant 2 : i32
      %parallel_loop3A_577 = vector.broadcast %parallel_loop3A_576 : i32 to vector<16xi32>
      %parallel_loop3A_578 = arith.muli %parallel_loop3A_574, %parallel_loop3A_577 : vector<16xi32>
      %parallel_loop3A_579 = arith.addi %parallel_loop3A_578, %parallel_loop3A_575 : vector<16xi32>
      %parallel_loop3A_580 = tpu.vector_load_idx %arg12[%parallel_loop3A_579] : memref<24xf32, #tpu.memory_space<vmem>>[vector<16xi32>], vector<16xf32>,
      %parallel_loop3A_581 = arith.constant 8 : i32
      %parallel_loop3A_582 = vector.broadcast %parallel_loop3A_581 : i32 to vector<16xi32>
      %parallel_loop3A_583 = arith.addi %parallel_loop3A_579, %parallel_loop3A_582 : vector<16xi32>
      %parallel_loop3A_584 = tpu.vector_load_idx %arg12[%parallel_loop3A_583] : memref<24xf32, #tpu.memory_space<vmem>>[vector<16xi32>], vector<16xf32>,
      %parallel_loop3A_585 = arith.constant 16 : i32
      %parallel_loop3A_586 = vector.broadcast %parallel_loop3A_585 : i32 to vector<16xi32>
      %parallel_loop3A_587 = arith.addi %parallel_loop3A_579, %parallel_loop3A_586 : vector<16xi32>
      %parallel_loop3A_588 = tpu.vector_load_idx %arg12[%parallel_loop3A_587] : memref<24xf32, #tpu.memory_space<vmem>>[vector<16xi32>], vector<16xf32>,
      %parallel_loop3A_589 = arith.mulf %parallel_loop3A_569, %parallel_loop3A_569 : vector<16xf32>
      %parallel_loop3A_590 = arith.mulf %parallel_loop3A_571, %parallel_loop3A_571 : vector<16xf32>
      %parallel_loop3A_591 = arith.addf %parallel_loop3A_589, %parallel_loop3A_590 : vector<16xf32>
      %parallel_loop3A_592 = arith.mulf %parallel_loop3A_573, %parallel_loop3A_573 : vector<16xf32>
      %parallel_loop3A_593 = arith.addf %parallel_loop3A_591, %parallel_loop3A_592 : vector<16xf32>
      %parallel_loop3A_594 = arith.mulf %parallel_loop3A_593, %parallel_loop3A_593 : vector<16xf32>
      %parallel_loop3A_595 = arith.mulf %parallel_loop3A_594, %parallel_loop3A_593 : vector<16xf32>
      %parallel_loop3A_596 = arith.divf %parallel_loop3A_580, %parallel_loop3A_595 : vector<16xf32>
      %parallel_loop3A_597 = arith.mulf %parallel_loop3A_596, %parallel_loop3A_596 : vector<16xf32>
      %parallel_loop3A_598 = arith.subf %parallel_loop3A_597, %parallel_loop3A_596 : vector<16xf32>
      %parallel_loop3A_599 = arith.mulf %parallel_loop3A_584, %parallel_loop3A_598 : vector<16xf32>
      %parallel_loop3A_600 = arith.subf %parallel_loop3A_599, %parallel_loop3A_588 : vector<16xf32>
      tpu.vector_store_idx %arg11[%parallel_loop3A_565], %parallel_loop3A_600 {add = true} : memref<10240xf32, #tpu.memory_space<vmem>>[vector<16xi32>], vector<16xf32>,
      tpu.vector_store_idx %arg11[%parallel_loop3A_567], %parallel_loop3A_600 {add = true} : memref<10240xf32, #tpu.memory_space<vmem>>[vector<16xi32>], vector<16xf32>,
    } {sc.loop_unroll_factor = 5 : i64, sc.parallel_access}
    %add3A_141 = arith.constant 6000 : i32
    %add3A_142 = arith.addi %mul3A_2, %add3A_141 : i32
    %dma_start3A_143 = arith.constant 1 : i32
    %dma_start3A_144 = tpu.memref_slice %arg2[%add3A_142] : memref<640000xf32, #tpu.memory_space<hbm>> -> memref<2000xf32, #tpu.memory_space<hbm>>
    %dma_start3A_145 = tpu.memref_slice %arg26[%dma_start3A_143] : memref<2x!tpu.dma_semaphore, #tpu.memory_space<semaphore_mem>> -> memref<1x!tpu.dma_semaphore, #tpu.memory_space<semaphore_mem>>
    %dma_start3A_146 = tpu.memref_squeeze %dma_start3A_145 : memref<1x!tpu.dma_semaphore, #tpu.memory_space<semaphore_mem>> -> memref<!tpu.dma_semaphore, #tpu.memory_space<semaphore_mem>>
    %dma_start3A_147 = tpu.memref_slice %arg2[%add3A_142] : memref<640000xf32, #tpu.memory_space<hbm>> -> memref<2000xf32, #tpu.memory_space<hbm>>
    tpu.enqueue_dma source(%dma_start3A_147 : memref<2000xf32, #tpu.memory_space<hbm>>) target(%arg18 : memref<2000xf32, #tpu.memory_space<vmem>>) target_semaphore(%dma_start3A_146 : memref<!tpu.dma_semaphore, #tpu.memory_space<semaphore_mem>>)
    %dma_start3A_148 = arith.constant 1 : i32
    %dma_start3A_149 = tpu.memref_slice %arg3[%add3A_142] : memref<640000xf32, #tpu.memory_space<hbm>> -> memref<2000xf32, #tpu.memory_space<hbm>>
    %dma_start3A_150 = tpu.memref_slice %arg26[%dma_start3A_148] : memref<2x!tpu.dma_semaphore, #tpu.memory_space<semaphore_mem>> -> memref<1x!tpu.dma_semaphore, #tpu.memory_space<semaphore_mem>>
    %dma_start3A_151 = tpu.memref_squeeze %dma_start3A_150 : memref<1x!tpu.dma_semaphore, #tpu.memory_space<semaphore_mem>> -> memref<!tpu.dma_semaphore, #tpu.memory_space<semaphore_mem>>
    %dma_start3A_152 = tpu.memref_slice %arg3[%add3A_142] : memref<640000xf32, #tpu.memory_space<hbm>> -> memref<2000xf32, #tpu.memory_space<hbm>>
    tpu.enqueue_dma source(%dma_start3A_152 : memref<2000xf32, #tpu.memory_space<hbm>>) target(%arg19 : memref<2000xf32, #tpu.memory_space<vmem>>) target_semaphore(%dma_start3A_151 : memref<!tpu.dma_semaphore, #tpu.memory_space<semaphore_mem>>)
    %dma_start3A_153 = arith.constant 1 : i32
    %dma_start3A_154 = tpu.memref_slice %arg4[%add3A_142] : memref<640000xf32, #tpu.memory_space<hbm>> -> memref<2000xf32, #tpu.memory_space<hbm>>
    %dma_start3A_155 = tpu.memref_slice %arg26[%dma_start3A_153] : memref<2x!tpu.dma_semaphore, #tpu.memory_space<semaphore_mem>> -> memref<1x!tpu.dma_semaphore, #tpu.memory_space<semaphore_mem>>
    %dma_start3A_156 = tpu.memref_squeeze %dma_start3A_155 : memref<1x!tpu.dma_semaphore, #tpu.memory_space<semaphore_mem>> -> memref<!tpu.dma_semaphore, #tpu.memory_space<semaphore_mem>>
    %dma_start3A_157 = tpu.memref_slice %arg4[%add3A_142] : memref<640000xf32, #tpu.memory_space<hbm>> -> memref<2000xf32, #tpu.memory_space<hbm>>
    tpu.enqueue_dma source(%dma_start3A_157 : memref<2000xf32, #tpu.memory_space<hbm>>) target(%arg20 : memref<2000xf32, #tpu.memory_space<vmem>>) target_semaphore(%dma_start3A_156 : memref<!tpu.dma_semaphore, #tpu.memory_space<semaphore_mem>>)
    %dma_start3A_158 = arith.constant 1 : i32
    %dma_start3A_159 = tpu.memref_slice %arg5[%add3A_142] : memref<640000xi32, #tpu.memory_space<hbm>> -> memref<2000xi32, #tpu.memory_space<hbm>>
    %dma_start3A_160 = tpu.memref_slice %arg26[%dma_start3A_158] : memref<2x!tpu.dma_semaphore, #tpu.memory_space<semaphore_mem>> -> memref<1x!tpu.dma_semaphore, #tpu.memory_space<semaphore_mem>>
    %dma_start3A_161 = tpu.memref_squeeze %dma_start3A_160 : memref<1x!tpu.dma_semaphore, #tpu.memory_space<semaphore_mem>> -> memref<!tpu.dma_semaphore, #tpu.memory_space<semaphore_mem>>
    %dma_start3A_162 = tpu.memref_slice %arg5[%add3A_142] : memref<640000xi32, #tpu.memory_space<hbm>> -> memref<2000xi32, #tpu.memory_space<hbm>>
    tpu.enqueue_dma source(%dma_start3A_162 : memref<2000xi32, #tpu.memory_space<hbm>>) target(%arg21 : memref<2000xi32, #tpu.memory_space<vmem>>) target_semaphore(%dma_start3A_161 : memref<!tpu.dma_semaphore, #tpu.memory_space<semaphore_mem>>)
    %dma_start3A_163 = arith.constant 1 : i32
    %dma_start3A_164 = tpu.memref_slice %arg6[%add3A_142] : memref<640000xi32, #tpu.memory_space<hbm>> -> memref<2000xi32, #tpu.memory_space<hbm>>
    %dma_start3A_165 = tpu.memref_slice %arg26[%dma_start3A_163] : memref<2x!tpu.dma_semaphore, #tpu.memory_space<semaphore_mem>> -> memref<1x!tpu.dma_semaphore, #tpu.memory_space<semaphore_mem>>
    %dma_start3A_166 = tpu.memref_squeeze %dma_start3A_165 : memref<1x!tpu.dma_semaphore, #tpu.memory_space<semaphore_mem>> -> memref<!tpu.dma_semaphore, #tpu.memory_space<semaphore_mem>>
    %dma_start3A_167 = tpu.memref_slice %arg6[%add3A_142] : memref<640000xi32, #tpu.memory_space<hbm>> -> memref<2000xi32, #tpu.memory_space<hbm>>
    tpu.enqueue_dma source(%dma_start3A_167 : memref<2000xi32, #tpu.memory_space<hbm>>) target(%arg22 : memref<2000xi32, #tpu.memory_space<vmem>>) target_semaphore(%dma_start3A_166 : memref<!tpu.dma_semaphore, #tpu.memory_space<semaphore_mem>>)
    %dma_wait3A_168 = arith.constant 0 : i32
    %dma_wait3A_169 = tpu.memref_slice %arg2[%add3A_87] : memref<640000xf32, #tpu.memory_space<hbm>> -> memref<2000xf32, #tpu.memory_space<hbm>>
    %dma_wait3A_170 = tpu.memref_slice %arg26[%dma_wait3A_168] : memref<2x!tpu.dma_semaphore, #tpu.memory_space<semaphore_mem>> -> memref<1x!tpu.dma_semaphore, #tpu.memory_space<semaphore_mem>>
    %dma_wait3A_171 = tpu.memref_squeeze %dma_wait3A_170 : memref<1x!tpu.dma_semaphore, #tpu.memory_space<semaphore_mem>> -> memref<!tpu.dma_semaphore, #tpu.memory_space<semaphore_mem>>
    %dma_wait3A_172 = tpu.memref_slice %arg2[%add3A_87] : memref<640000xf32, #tpu.memory_space<hbm>> -> memref<2000xf32, #tpu.memory_space<hbm>>
    tpu.wait_dma2 semaphore(%dma_wait3A_171 : memref<!tpu.dma_semaphore, #tpu.memory_space<semaphore_mem>>) src(%dma_wait3A_172 : memref<2000xf32, #tpu.memory_space<hbm>>) dst(%arg13 : memref<2000xf32, #tpu.memory_space<vmem>>)
    %dma_wait3A_173 = arith.constant 0 : i32
    %dma_wait3A_174 = tpu.memref_slice %arg3[%add3A_87] : memref<640000xf32, #tpu.memory_space<hbm>> -> memref<2000xf32, #tpu.memory_space<hbm>>
    %dma_wait3A_175 = tpu.memref_slice %arg26[%dma_wait3A_173] : memref<2x!tpu.dma_semaphore, #tpu.memory_space<semaphore_mem>> -> memref<1x!tpu.dma_semaphore, #tpu.memory_space<semaphore_mem>>
    %dma_wait3A_176 = tpu.memref_squeeze %dma_wait3A_175 : memref<1x!tpu.dma_semaphore, #tpu.memory_space<semaphore_mem>> -> memref<!tpu.dma_semaphore, #tpu.memory_space<semaphore_mem>>
    %dma_wait3A_177 = tpu.memref_slice %arg3[%add3A_87] : memref<640000xf32, #tpu.memory_space<hbm>> -> memref<2000xf32, #tpu.memory_space<hbm>>
    tpu.wait_dma2 semaphore(%dma_wait3A_176 : memref<!tpu.dma_semaphore, #tpu.memory_space<semaphore_mem>>) src(%dma_wait3A_177 : memref<2000xf32, #tpu.memory_space<hbm>>) dst(%arg14 : memref<2000xf32, #tpu.memory_space<vmem>>)
    %dma_wait3A_178 = arith.constant 0 : i32
    %dma_wait3A_179 = tpu.memref_slice %arg4[%add3A_87] : memref<640000xf32, #tpu.memory_space<hbm>> -> memref<2000xf32, #tpu.memory_space<hbm>>
    %dma_wait3A_180 = tpu.memref_slice %arg26[%dma_wait3A_178] : memref<2x!tpu.dma_semaphore, #tpu.memory_space<semaphore_mem>> -> memref<1x!tpu.dma_semaphore, #tpu.memory_space<semaphore_mem>>
    %dma_wait3A_181 = tpu.memref_squeeze %dma_wait3A_180 : memref<1x!tpu.dma_semaphore, #tpu.memory_space<semaphore_mem>> -> memref<!tpu.dma_semaphore, #tpu.memory_space<semaphore_mem>>
    %dma_wait3A_182 = tpu.memref_slice %arg4[%add3A_87] : memref<640000xf32, #tpu.memory_space<hbm>> -> memref<2000xf32, #tpu.memory_space<hbm>>
    tpu.wait_dma2 semaphore(%dma_wait3A_181 : memref<!tpu.dma_semaphore, #tpu.memory_space<semaphore_mem>>) src(%dma_wait3A_182 : memref<2000xf32, #tpu.memory_space<hbm>>) dst(%arg15 : memref<2000xf32, #tpu.memory_space<vmem>>)
    %dma_wait3A_183 = arith.constant 0 : i32
    %dma_wait3A_184 = tpu.memref_slice %arg5[%add3A_87] : memref<640000xi32, #tpu.memory_space<hbm>> -> memref<2000xi32, #tpu.memory_space<hbm>>
    %dma_wait3A_185 = tpu.memref_slice %arg26[%dma_wait3A_183] : memref<2x!tpu.dma_semaphore, #tpu.memory_space<semaphore_mem>> -> memref<1x!tpu.dma_semaphore, #tpu.memory_space<semaphore_mem>>
    %dma_wait3A_186 = tpu.memref_squeeze %dma_wait3A_185 : memref<1x!tpu.dma_semaphore, #tpu.memory_space<semaphore_mem>> -> memref<!tpu.dma_semaphore, #tpu.memory_space<semaphore_mem>>
    %dma_wait3A_187 = tpu.memref_slice %arg5[%add3A_87] : memref<640000xi32, #tpu.memory_space<hbm>> -> memref<2000xi32, #tpu.memory_space<hbm>>
    tpu.wait_dma2 semaphore(%dma_wait3A_186 : memref<!tpu.dma_semaphore, #tpu.memory_space<semaphore_mem>>) src(%dma_wait3A_187 : memref<2000xi32, #tpu.memory_space<hbm>>) dst(%arg16 : memref<2000xi32, #tpu.memory_space<vmem>>)
    %dma_wait3A_188 = arith.constant 0 : i32
    %dma_wait3A_189 = tpu.memref_slice %arg6[%add3A_87] : memref<640000xi32, #tpu.memory_space<hbm>> -> memref<2000xi32, #tpu.memory_space<hbm>>
    %dma_wait3A_190 = tpu.memref_slice %arg26[%dma_wait3A_188] : memref<2x!tpu.dma_semaphore, #tpu.memory_space<semaphore_mem>> -> memref<1x!tpu.dma_semaphore, #tpu.memory_space<semaphore_mem>>
    %dma_wait3A_191 = tpu.memref_squeeze %dma_wait3A_190 : memref<1x!tpu.dma_semaphore, #tpu.memory_space<semaphore_mem>> -> memref<!tpu.dma_semaphore, #tpu.memory_space<semaphore_mem>>
    %dma_wait3A_192 = tpu.memref_slice %arg6[%add3A_87] : memref<640000xi32, #tpu.memory_space<hbm>> -> memref<2000xi32, #tpu.memory_space<hbm>>
    tpu.wait_dma2 semaphore(%dma_wait3A_191 : memref<!tpu.dma_semaphore, #tpu.memory_space<semaphore_mem>>) src(%dma_wait3A_192 : memref<2000xi32, #tpu.memory_space<hbm>>) dst(%arg17 : memref<2000xi32, #tpu.memory_space<vmem>>)
    %parallel_loop3A_193 = arith.constant 0 : i32
    %parallel_loop3A_194 = arith.constant 125 : i32
    %parallel_loop3A_195 = arith.constant 1 : i32
    scf.for %parallel_loop3A_561 = %parallel_loop3A_193 to %parallel_loop3A_194 step %parallel_loop3A_195  : i32 {
      %parallel_loop3A_562 = arith.constant 16 : i32
      %parallel_loop3A_563 = arith.muli %parallel_loop3A_561, %parallel_loop3A_562 : i32
      %parallel_loop3A_564 = arith.index_cast %parallel_loop3A_563 : i32 to index
      %parallel_loop3A_565 = tpu.vector_load %arg16[%parallel_loop3A_564] {strides = array<i32>} : memref<2000xi32, #tpu.memory_space<vmem>>, vector<16xi32>,
      %parallel_loop3A_566 = arith.index_cast %parallel_loop3A_563 : i32 to index
      %parallel_loop3A_567 = tpu.vector_load %arg17[%parallel_loop3A_566] {strides = array<i32>} : memref<2000xi32, #tpu.memory_space<vmem>>, vector<16xi32>,
      %parallel_loop3A_568 = arith.index_cast %parallel_loop3A_563 : i32 to index
      %parallel_loop3A_569 = tpu.vector_load %arg13[%parallel_loop3A_568] {strides = array<i32>} : memref<2000xf32, #tpu.memory_space<vmem>>, vector<16xf32>,
      %parallel_loop3A_570 = arith.index_cast %parallel_loop3A_563 : i32 to index
      %parallel_loop3A_571 = tpu.vector_load %arg14[%parallel_loop3A_570] {strides = array<i32>} : memref<2000xf32, #tpu.memory_space<vmem>>, vector<16xf32>,
      %parallel_loop3A_572 = arith.index_cast %parallel_loop3A_563 : i32 to index
      %parallel_loop3A_573 = tpu.vector_load %arg15[%parallel_loop3A_572] {strides = array<i32>} : memref<2000xf32, #tpu.memory_space<vmem>>, vector<16xf32>,
      %parallel_loop3A_574 = tpu.vector_load_idx %arg10[%parallel_loop3A_565] : memref<10000xi32, #tpu.memory_space<vmem>>[vector<16xi32>], vector<16xi32>,
      %parallel_loop3A_575 = tpu.vector_load_idx %arg10[%parallel_loop3A_567] : memref<10000xi32, #tpu.memory_space<vmem>>[vector<16xi32>], vector<16xi32>,
      %parallel_loop3A_576 = arith.constant 2 : i32
      %parallel_loop3A_577 = vector.broadcast %parallel_loop3A_576 : i32 to vector<16xi32>
      %parallel_loop3A_578 = arith.muli %parallel_loop3A_574, %parallel_loop3A_577 : vector<16xi32>
      %parallel_loop3A_579 = arith.addi %parallel_loop3A_578, %parallel_loop3A_575 : vector<16xi32>
      %parallel_loop3A_580 = tpu.vector_load_idx %arg12[%parallel_loop3A_579] : memref<24xf32, #tpu.memory_space<vmem>>[vector<16xi32>], vector<16xf32>,
      %parallel_loop3A_581 = arith.constant 8 : i32
      %parallel_loop3A_582 = vector.broadcast %parallel_loop3A_581 : i32 to vector<16xi32>
      %parallel_loop3A_583 = arith.addi %parallel_loop3A_579, %parallel_loop3A_582 : vector<16xi32>
      %parallel_loop3A_584 = tpu.vector_load_idx %arg12[%parallel_loop3A_583] : memref<24xf32, #tpu.memory_space<vmem>>[vector<16xi32>], vector<16xf32>,
      %parallel_loop3A_585 = arith.constant 16 : i32
      %parallel_loop3A_586 = vector.broadcast %parallel_loop3A_585 : i32 to vector<16xi32>
      %parallel_loop3A_587 = arith.addi %parallel_loop3A_579, %parallel_loop3A_586 : vector<16xi32>
      %parallel_loop3A_588 = tpu.vector_load_idx %arg12[%parallel_loop3A_587] : memref<24xf32, #tpu.memory_space<vmem>>[vector<16xi32>], vector<16xf32>,
      %parallel_loop3A_589 = arith.mulf %parallel_loop3A_569, %parallel_loop3A_569 : vector<16xf32>
      %parallel_loop3A_590 = arith.mulf %parallel_loop3A_571, %parallel_loop3A_571 : vector<16xf32>
      %parallel_loop3A_591 = arith.addf %parallel_loop3A_589, %parallel_loop3A_590 : vector<16xf32>
      %parallel_loop3A_592 = arith.mulf %parallel_loop3A_573, %parallel_loop3A_573 : vector<16xf32>
      %parallel_loop3A_593 = arith.addf %parallel_loop3A_591, %parallel_loop3A_592 : vector<16xf32>
      %parallel_loop3A_594 = arith.mulf %parallel_loop3A_593, %parallel_loop3A_593 : vector<16xf32>
      %parallel_loop3A_595 = arith.mulf %parallel_loop3A_594, %parallel_loop3A_593 : vector<16xf32>
      %parallel_loop3A_596 = arith.divf %parallel_loop3A_580, %parallel_loop3A_595 : vector<16xf32>
      %parallel_loop3A_597 = arith.mulf %parallel_loop3A_596, %parallel_loop3A_596 : vector<16xf32>
      %parallel_loop3A_598 = arith.subf %parallel_loop3A_597, %parallel_loop3A_596 : vector<16xf32>
      %parallel_loop3A_599 = arith.mulf %parallel_loop3A_584, %parallel_loop3A_598 : vector<16xf32>
      %parallel_loop3A_600 = arith.subf %parallel_loop3A_599, %parallel_loop3A_588 : vector<16xf32>
      tpu.vector_store_idx %arg11[%parallel_loop3A_565], %parallel_loop3A_600 {add = true} : memref<10240xf32, #tpu.memory_space<vmem>>[vector<16xi32>], vector<16xf32>,
      tpu.vector_store_idx %arg11[%parallel_loop3A_567], %parallel_loop3A_600 {add = true} : memref<10240xf32, #tpu.memory_space<vmem>>[vector<16xi32>], vector<16xf32>,
    } {sc.loop_unroll_factor = 5 : i64, sc.parallel_access}
    %add3A_196 = arith.constant 8000 : i32
    %add3A_197 = arith.addi %mul3A_2, %add3A_196 : i32
    %dma_start3A_198 = arith.constant 0 : i32
    %dma_start3A_199 = tpu.memref_slice %arg2[%add3A_197] : memref<640000xf32, #tpu.memory_space<hbm>> -> memref<2000xf32, #tpu.memory_space<hbm>>
    %dma_start3A_200 = tpu.memref_slice %arg26[%dma_start3A_198] : memref<2x!tpu.dma_semaphore, #tpu.memory_space<semaphore_mem>> -> memref<1x!tpu.dma_semaphore, #tpu.memory_space<semaphore_mem>>
    %dma_start3A_201 = tpu.memref_squeeze %dma_start3A_200 : memref<1x!tpu.dma_semaphore, #tpu.memory_space<semaphore_mem>> -> memref<!tpu.dma_semaphore, #tpu.memory_space<semaphore_mem>>
    %dma_start3A_202 = tpu.memref_slice %arg2[%add3A_197] : memref<640000xf32, #tpu.memory_space<hbm>> -> memref<2000xf32, #tpu.memory_space<hbm>>
    tpu.enqueue_dma source(%dma_start3A_202 : memref<2000xf32, #tpu.memory_space<hbm>>) target(%arg13 : memref<2000xf32, #tpu.memory_space<vmem>>) target_semaphore(%dma_start3A_201 : memref<!tpu.dma_semaphore, #tpu.memory_space<semaphore_mem>>)
    %dma_start3A_203 = arith.constant 0 : i32
    %dma_start3A_204 = tpu.memref_slice %arg3[%add3A_197] : memref<640000xf32, #tpu.memory_space<hbm>> -> memref<2000xf32, #tpu.memory_space<hbm>>
    %dma_start3A_205 = tpu.memref_slice %arg26[%dma_start3A_203] : memref<2x!tpu.dma_semaphore, #tpu.memory_space<semaphore_mem>> -> memref<1x!tpu.dma_semaphore, #tpu.memory_space<semaphore_mem>>
    %dma_start3A_206 = tpu.memref_squeeze %dma_start3A_205 : memref<1x!tpu.dma_semaphore, #tpu.memory_space<semaphore_mem>> -> memref<!tpu.dma_semaphore, #tpu.memory_space<semaphore_mem>>
    %dma_start3A_207 = tpu.memref_slice %arg3[%add3A_197] : memref<640000xf32, #tpu.memory_space<hbm>> -> memref<2000xf32, #tpu.memory_space<hbm>>
    tpu.enqueue_dma source(%dma_start3A_207 : memref<2000xf32, #tpu.memory_space<hbm>>) target(%arg14 : memref<2000xf32, #tpu.memory_space<vmem>>) target_semaphore(%dma_start3A_206 : memref<!tpu.dma_semaphore, #tpu.memory_space<semaphore_mem>>)
    %dma_start3A_208 = arith.constant 0 : i32
    %dma_start3A_209 = tpu.memref_slice %arg4[%add3A_197] : memref<640000xf32, #tpu.memory_space<hbm>> -> memref<2000xf32, #tpu.memory_space<hbm>>
    %dma_start3A_210 = tpu.memref_slice %arg26[%dma_start3A_208] : memref<2x!tpu.dma_semaphore, #tpu.memory_space<semaphore_mem>> -> memref<1x!tpu.dma_semaphore, #tpu.memory_space<semaphore_mem>>
    %dma_start3A_211 = tpu.memref_squeeze %dma_start3A_210 : memref<1x!tpu.dma_semaphore, #tpu.memory_space<semaphore_mem>> -> memref<!tpu.dma_semaphore, #tpu.memory_space<semaphore_mem>>
    %dma_start3A_212 = tpu.memref_slice %arg4[%add3A_197] : memref<640000xf32, #tpu.memory_space<hbm>> -> memref<2000xf32, #tpu.memory_space<hbm>>
    tpu.enqueue_dma source(%dma_start3A_212 : memref<2000xf32, #tpu.memory_space<hbm>>) target(%arg15 : memref<2000xf32, #tpu.memory_space<vmem>>) target_semaphore(%dma_start3A_211 : memref<!tpu.dma_semaphore, #tpu.memory_space<semaphore_mem>>)
    %dma_start3A_213 = arith.constant 0 : i32
    %dma_start3A_214 = tpu.memref_slice %arg5[%add3A_197] : memref<640000xi32, #tpu.memory_space<hbm>> -> memref<2000xi32, #tpu.memory_space<hbm>>
    %dma_start3A_215 = tpu.memref_slice %arg26[%dma_start3A_213] : memref<2x!tpu.dma_semaphore, #tpu.memory_space<semaphore_mem>> -> memref<1x!tpu.dma_semaphore, #tpu.memory_space<semaphore_mem>>
    %dma_start3A_216 = tpu.memref_squeeze %dma_start3A_215 : memref<1x!tpu.dma_semaphore, #tpu.memory_space<semaphore_mem>> -> memref<!tpu.dma_semaphore, #tpu.memory_space<semaphore_mem>>
    %dma_start3A_217 = tpu.memref_slice %arg5[%add3A_197] : memref<640000xi32, #tpu.memory_space<hbm>> -> memref<2000xi32, #tpu.memory_space<hbm>>
    tpu.enqueue_dma source(%dma_start3A_217 : memref<2000xi32, #tpu.memory_space<hbm>>) target(%arg16 : memref<2000xi32, #tpu.memory_space<vmem>>) target_semaphore(%dma_start3A_216 : memref<!tpu.dma_semaphore, #tpu.memory_space<semaphore_mem>>)
    %dma_start3A_218 = arith.constant 0 : i32
    %dma_start3A_219 = tpu.memref_slice %arg6[%add3A_197] : memref<640000xi32, #tpu.memory_space<hbm>> -> memref<2000xi32, #tpu.memory_space<hbm>>
    %dma_start3A_220 = tpu.memref_slice %arg26[%dma_start3A_218] : memref<2x!tpu.dma_semaphore, #tpu.memory_space<semaphore_mem>> -> memref<1x!tpu.dma_semaphore, #tpu.memory_space<semaphore_mem>>
    %dma_start3A_221 = tpu.memref_squeeze %dma_start3A_220 : memref<1x!tpu.dma_semaphore, #tpu.memory_space<semaphore_mem>> -> memref<!tpu.dma_semaphore, #tpu.memory_space<semaphore_mem>>
    %dma_start3A_222 = tpu.memref_slice %arg6[%add3A_197] : memref<640000xi32, #tpu.memory_space<hbm>> -> memref<2000xi32, #tpu.memory_space<hbm>>
    tpu.enqueue_dma source(%dma_start3A_222 : memref<2000xi32, #tpu.memory_space<hbm>>) target(%arg17 : memref<2000xi32, #tpu.memory_space<vmem>>) target_semaphore(%dma_start3A_221 : memref<!tpu.dma_semaphore, #tpu.memory_space<semaphore_mem>>)
    %dma_wait3A_223 = arith.constant 1 : i32
    %dma_wait3A_224 = tpu.memref_slice %arg2[%add3A_142] : memref<640000xf32, #tpu.memory_space<hbm>> -> memref<2000xf32, #tpu.memory_space<hbm>>
    %dma_wait3A_225 = tpu.memref_slice %arg26[%dma_wait3A_223] : memref<2x!tpu.dma_semaphore, #tpu.memory_space<semaphore_mem>> -> memref<1x!tpu.dma_semaphore, #tpu.memory_space<semaphore_mem>>
    %dma_wait3A_226 = tpu.memref_squeeze %dma_wait3A_225 : memref<1x!tpu.dma_semaphore, #tpu.memory_space<semaphore_mem>> -> memref<!tpu.dma_semaphore, #tpu.memory_space<semaphore_mem>>
    %dma_wait3A_227 = tpu.memref_slice %arg2[%add3A_142] : memref<640000xf32, #tpu.memory_space<hbm>> -> memref<2000xf32, #tpu.memory_space<hbm>>
    tpu.wait_dma2 semaphore(%dma_wait3A_226 : memref<!tpu.dma_semaphore, #tpu.memory_space<semaphore_mem>>) src(%dma_wait3A_227 : memref<2000xf32, #tpu.memory_space<hbm>>) dst(%arg18 : memref<2000xf32, #tpu.memory_space<vmem>>)
    %dma_wait3A_228 = arith.constant 1 : i32
    %dma_wait3A_229 = tpu.memref_slice %arg3[%add3A_142] : memref<640000xf32, #tpu.memory_space<hbm>> -> memref<2000xf32, #tpu.memory_space<hbm>>
    %dma_wait3A_230 = tpu.memref_slice %arg26[%dma_wait3A_228] : memref<2x!tpu.dma_semaphore, #tpu.memory_space<semaphore_mem>> -> memref<1x!tpu.dma_semaphore, #tpu.memory_space<semaphore_mem>>
    %dma_wait3A_231 = tpu.memref_squeeze %dma_wait3A_230 : memref<1x!tpu.dma_semaphore, #tpu.memory_space<semaphore_mem>> -> memref<!tpu.dma_semaphore, #tpu.memory_space<semaphore_mem>>
    %dma_wait3A_232 = tpu.memref_slice %arg3[%add3A_142] : memref<640000xf32, #tpu.memory_space<hbm>> -> memref<2000xf32, #tpu.memory_space<hbm>>
    tpu.wait_dma2 semaphore(%dma_wait3A_231 : memref<!tpu.dma_semaphore, #tpu.memory_space<semaphore_mem>>) src(%dma_wait3A_232 : memref<2000xf32, #tpu.memory_space<hbm>>) dst(%arg19 : memref<2000xf32, #tpu.memory_space<vmem>>)
    %dma_wait3A_233 = arith.constant 1 : i32
    %dma_wait3A_234 = tpu.memref_slice %arg4[%add3A_142] : memref<640000xf32, #tpu.memory_space<hbm>> -> memref<2000xf32, #tpu.memory_space<hbm>>
    %dma_wait3A_235 = tpu.memref_slice %arg26[%dma_wait3A_233] : memref<2x!tpu.dma_semaphore, #tpu.memory_space<semaphore_mem>> -> memref<1x!tpu.dma_semaphore, #tpu.memory_space<semaphore_mem>>
    %dma_wait3A_236 = tpu.memref_squeeze %dma_wait3A_235 : memref<1x!tpu.dma_semaphore, #tpu.memory_space<semaphore_mem>> -> memref<!tpu.dma_semaphore, #tpu.memory_space<semaphore_mem>>
    %dma_wait3A_237 = tpu.memref_slice %arg4[%add3A_142] : memref<640000xf32, #tpu.memory_space<hbm>> -> memref<2000xf32, #tpu.memory_space<hbm>>
    tpu.wait_dma2 semaphore(%dma_wait3A_236 : memref<!tpu.dma_semaphore, #tpu.memory_space<semaphore_mem>>) src(%dma_wait3A_237 : memref<2000xf32, #tpu.memory_space<hbm>>) dst(%arg20 : memref<2000xf32, #tpu.memory_space<vmem>>)
    %dma_wait3A_238 = arith.constant 1 : i32
    %dma_wait3A_239 = tpu.memref_slice %arg5[%add3A_142] : memref<640000xi32, #tpu.memory_space<hbm>> -> memref<2000xi32, #tpu.memory_space<hbm>>
    %dma_wait3A_240 = tpu.memref_slice %arg26[%dma_wait3A_238] : memref<2x!tpu.dma_semaphore, #tpu.memory_space<semaphore_mem>> -> memref<1x!tpu.dma_semaphore, #tpu.memory_space<semaphore_mem>>
    %dma_wait3A_241 = tpu.memref_squeeze %dma_wait3A_240 : memref<1x!tpu.dma_semaphore, #tpu.memory_space<semaphore_mem>> -> memref<!tpu.dma_semaphore, #tpu.memory_space<semaphore_mem>>
    %dma_wait3A_242 = tpu.memref_slice %arg5[%add3A_142] : memref<640000xi32, #tpu.memory_space<hbm>> -> memref<2000xi32, #tpu.memory_space<hbm>>
    tpu.wait_dma2 semaphore(%dma_wait3A_241 : memref<!tpu.dma_semaphore, #tpu.memory_space<semaphore_mem>>) src(%dma_wait3A_242 : memref<2000xi32, #tpu.memory_space<hbm>>) dst(%arg21 : memref<2000xi32, #tpu.memory_space<vmem>>)
    %dma_wait3A_243 = arith.constant 1 : i32
    %dma_wait3A_244 = tpu.memref_slice %arg6[%add3A_142] : memref<640000xi32, #tpu.memory_space<hbm>> -> memref<2000xi32, #tpu.memory_space<hbm>>
    %dma_wait3A_245 = tpu.memref_slice %arg26[%dma_wait3A_243] : memref<2x!tpu.dma_semaphore, #tpu.memory_space<semaphore_mem>> -> memref<1x!tpu.dma_semaphore, #tpu.memory_space<semaphore_mem>>
    %dma_wait3A_246 = tpu.memref_squeeze %dma_wait3A_245 : memref<1x!tpu.dma_semaphore, #tpu.memory_space<semaphore_mem>> -> memref<!tpu.dma_semaphore, #tpu.memory_space<semaphore_mem>>
    %dma_wait3A_247 = tpu.memref_slice %arg6[%add3A_142] : memref<640000xi32, #tpu.memory_space<hbm>> -> memref<2000xi32, #tpu.memory_space<hbm>>
    tpu.wait_dma2 semaphore(%dma_wait3A_246 : memref<!tpu.dma_semaphore, #tpu.memory_space<semaphore_mem>>) src(%dma_wait3A_247 : memref<2000xi32, #tpu.memory_space<hbm>>) dst(%arg22 : memref<2000xi32, #tpu.memory_space<vmem>>)
    %parallel_loop3A_248 = arith.constant 0 : i32
    %parallel_loop3A_249 = arith.constant 125 : i32
    %parallel_loop3A_250 = arith.constant 1 : i32
    scf.for %parallel_loop3A_561 = %parallel_loop3A_248 to %parallel_loop3A_249 step %parallel_loop3A_250  : i32 {
      %parallel_loop3A_562 = arith.constant 16 : i32
      %parallel_loop3A_563 = arith.muli %parallel_loop3A_561, %parallel_loop3A_562 : i32
      %parallel_loop3A_564 = arith.index_cast %parallel_loop3A_563 : i32 to index
      %parallel_loop3A_565 = tpu.vector_load %arg21[%parallel_loop3A_564] {strides = array<i32>} : memref<2000xi32, #tpu.memory_space<vmem>>, vector<16xi32>,
      %parallel_loop3A_566 = arith.index_cast %parallel_loop3A_563 : i32 to index
      %parallel_loop3A_567 = tpu.vector_load %arg22[%parallel_loop3A_566] {strides = array<i32>} : memref<2000xi32, #tpu.memory_space<vmem>>, vector<16xi32>,
      %parallel_loop3A_568 = arith.index_cast %parallel_loop3A_563 : i32 to index
      %parallel_loop3A_569 = tpu.vector_load %arg18[%parallel_loop3A_568] {strides = array<i32>} : memref<2000xf32, #tpu.memory_space<vmem>>, vector<16xf32>,
      %parallel_loop3A_570 = arith.index_cast %parallel_loop3A_563 : i32 to index
      %parallel_loop3A_571 = tpu.vector_load %arg19[%parallel_loop3A_570] {strides = array<i32>} : memref<2000xf32, #tpu.memory_space<vmem>>, vector<16xf32>,
      %parallel_loop3A_572 = arith.index_cast %parallel_loop3A_563 : i32 to index
      %parallel_loop3A_573 = tpu.vector_load %arg20[%parallel_loop3A_572] {strides = array<i32>} : memref<2000xf32, #tpu.memory_space<vmem>>, vector<16xf32>,
      %parallel_loop3A_574 = tpu.vector_load_idx %arg10[%parallel_loop3A_565] : memref<10000xi32, #tpu.memory_space<vmem>>[vector<16xi32>], vector<16xi32>,
      %parallel_loop3A_575 = tpu.vector_load_idx %arg10[%parallel_loop3A_567] : memref<10000xi32, #tpu.memory_space<vmem>>[vector<16xi32>], vector<16xi32>,
      %parallel_loop3A_576 = arith.constant 2 : i32
      %parallel_loop3A_577 = vector.broadcast %parallel_loop3A_576 : i32 to vector<16xi32>
      %parallel_loop3A_578 = arith.muli %parallel_loop3A_574, %parallel_loop3A_577 : vector<16xi32>
      %parallel_loop3A_579 = arith.addi %parallel_loop3A_578, %parallel_loop3A_575 : vector<16xi32>
      %parallel_loop3A_580 = tpu.vector_load_idx %arg12[%parallel_loop3A_579] : memref<24xf32, #tpu.memory_space<vmem>>[vector<16xi32>], vector<16xf32>,
      %parallel_loop3A_581 = arith.constant 8 : i32
      %parallel_loop3A_582 = vector.broadcast %parallel_loop3A_581 : i32 to vector<16xi32>
      %parallel_loop3A_583 = arith.addi %parallel_loop3A_579, %parallel_loop3A_582 : vector<16xi32>
      %parallel_loop3A_584 = tpu.vector_load_idx %arg12[%parallel_loop3A_583] : memref<24xf32, #tpu.memory_space<vmem>>[vector<16xi32>], vector<16xf32>,
      %parallel_loop3A_585 = arith.constant 16 : i32
      %parallel_loop3A_586 = vector.broadcast %parallel_loop3A_585 : i32 to vector<16xi32>
      %parallel_loop3A_587 = arith.addi %parallel_loop3A_579, %parallel_loop3A_586 : vector<16xi32>
      %parallel_loop3A_588 = tpu.vector_load_idx %arg12[%parallel_loop3A_587] : memref<24xf32, #tpu.memory_space<vmem>>[vector<16xi32>], vector<16xf32>,
      %parallel_loop3A_589 = arith.mulf %parallel_loop3A_569, %parallel_loop3A_569 : vector<16xf32>
      %parallel_loop3A_590 = arith.mulf %parallel_loop3A_571, %parallel_loop3A_571 : vector<16xf32>
      %parallel_loop3A_591 = arith.addf %parallel_loop3A_589, %parallel_loop3A_590 : vector<16xf32>
      %parallel_loop3A_592 = arith.mulf %parallel_loop3A_573, %parallel_loop3A_573 : vector<16xf32>
      %parallel_loop3A_593 = arith.addf %parallel_loop3A_591, %parallel_loop3A_592 : vector<16xf32>
      %parallel_loop3A_594 = arith.mulf %parallel_loop3A_593, %parallel_loop3A_593 : vector<16xf32>
      %parallel_loop3A_595 = arith.mulf %parallel_loop3A_594, %parallel_loop3A_593 : vector<16xf32>
      %parallel_loop3A_596 = arith.divf %parallel_loop3A_580, %parallel_loop3A_595 : vector<16xf32>
      %parallel_loop3A_597 = arith.mulf %parallel_loop3A_596, %parallel_loop3A_596 : vector<16xf32>
      %parallel_loop3A_598 = arith.subf %parallel_loop3A_597, %parallel_loop3A_596 : vector<16xf32>
      %parallel_loop3A_599 = arith.mulf %parallel_loop3A_584, %parallel_loop3A_598 : vector<16xf32>
      %parallel_loop3A_600 = arith.subf %parallel_loop3A_599, %parallel_loop3A_588 : vector<16xf32>
      tpu.vector_store_idx %arg11[%parallel_loop3A_565], %parallel_loop3A_600 {add = true} : memref<10240xf32, #tpu.memory_space<vmem>>[vector<16xi32>], vector<16xf32>,
      tpu.vector_store_idx %arg11[%parallel_loop3A_567], %parallel_loop3A_600 {add = true} : memref<10240xf32, #tpu.memory_space<vmem>>[vector<16xi32>], vector<16xf32>,
    } {sc.loop_unroll_factor = 5 : i64, sc.parallel_access}
    %add3A_251 = arith.constant 10000 : i32
    %add3A_252 = arith.addi %mul3A_2, %add3A_251 : i32
    %dma_start3A_253 = arith.constant 1 : i32
    %dma_start3A_254 = tpu.memref_slice %arg2[%add3A_252] : memref<640000xf32, #tpu.memory_space<hbm>> -> memref<2000xf32, #tpu.memory_space<hbm>>
    %dma_start3A_255 = tpu.memref_slice %arg26[%dma_start3A_253] : memref<2x!tpu.dma_semaphore, #tpu.memory_space<semaphore_mem>> -> memref<1x!tpu.dma_semaphore, #tpu.memory_space<semaphore_mem>>
    %dma_start3A_256 = tpu.memref_squeeze %dma_start3A_255 : memref<1x!tpu.dma_semaphore, #tpu.memory_space<semaphore_mem>> -> memref<!tpu.dma_semaphore, #tpu.memory_space<semaphore_mem>>
    %dma_start3A_257 = tpu.memref_slice %arg2[%add3A_252] : memref<640000xf32, #tpu.memory_space<hbm>> -> memref<2000xf32, #tpu.memory_space<hbm>>
    tpu.enqueue_dma source(%dma_start3A_257 : memref<2000xf32, #tpu.memory_space<hbm>>) target(%arg18 : memref<2000xf32, #tpu.memory_space<vmem>>) target_semaphore(%dma_start3A_256 : memref<!tpu.dma_semaphore, #tpu.memory_space<semaphore_mem>>)
    %dma_start3A_258 = arith.constant 1 : i32
    %dma_start3A_259 = tpu.memref_slice %arg3[%add3A_252] : memref<640000xf32, #tpu.memory_space<hbm>> -> memref<2000xf32, #tpu.memory_space<hbm>>
    %dma_start3A_260 = tpu.memref_slice %arg26[%dma_start3A_258] : memref<2x!tpu.dma_semaphore, #tpu.memory_space<semaphore_mem>> -> memref<1x!tpu.dma_semaphore, #tpu.memory_space<semaphore_mem>>
    %dma_start3A_261 = tpu.memref_squeeze %dma_start3A_260 : memref<1x!tpu.dma_semaphore, #tpu.memory_space<semaphore_mem>> -> memref<!tpu.dma_semaphore, #tpu.memory_space<semaphore_mem>>
    %dma_start3A_262 = tpu.memref_slice %arg3[%add3A_252] : memref<640000xf32, #tpu.memory_space<hbm>> -> memref<2000xf32, #tpu.memory_space<hbm>>
    tpu.enqueue_dma source(%dma_start3A_262 : memref<2000xf32, #tpu.memory_space<hbm>>) target(%arg19 : memref<2000xf32, #tpu.memory_space<vmem>>) target_semaphore(%dma_start3A_261 : memref<!tpu.dma_semaphore, #tpu.memory_space<semaphore_mem>>)
    %dma_start3A_263 = arith.constant 1 : i32
    %dma_start3A_264 = tpu.memref_slice %arg4[%add3A_252] : memref<640000xf32, #tpu.memory_space<hbm>> -> memref<2000xf32, #tpu.memory_space<hbm>>
    %dma_start3A_265 = tpu.memref_slice %arg26[%dma_start3A_263] : memref<2x!tpu.dma_semaphore, #tpu.memory_space<semaphore_mem>> -> memref<1x!tpu.dma_semaphore, #tpu.memory_space<semaphore_mem>>
    %dma_start3A_266 = tpu.memref_squeeze %dma_start3A_265 : memref<1x!tpu.dma_semaphore, #tpu.memory_space<semaphore_mem>> -> memref<!tpu.dma_semaphore, #tpu.memory_space<semaphore_mem>>
    %dma_start3A_267 = tpu.memref_slice %arg4[%add3A_252] : memref<640000xf32, #tpu.memory_space<hbm>> -> memref<2000xf32, #tpu.memory_space<hbm>>
    tpu.enqueue_dma source(%dma_start3A_267 : memref<2000xf32, #tpu.memory_space<hbm>>) target(%arg20 : memref<2000xf32, #tpu.memory_space<vmem>>) target_semaphore(%dma_start3A_266 : memref<!tpu.dma_semaphore, #tpu.memory_space<semaphore_mem>>)
    %dma_start3A_268 = arith.constant 1 : i32
    %dma_start3A_269 = tpu.memref_slice %arg5[%add3A_252] : memref<640000xi32, #tpu.memory_space<hbm>> -> memref<2000xi32, #tpu.memory_space<hbm>>
    %dma_start3A_270 = tpu.memref_slice %arg26[%dma_start3A_268] : memref<2x!tpu.dma_semaphore, #tpu.memory_space<semaphore_mem>> -> memref<1x!tpu.dma_semaphore, #tpu.memory_space<semaphore_mem>>
    %dma_start3A_271 = tpu.memref_squeeze %dma_start3A_270 : memref<1x!tpu.dma_semaphore, #tpu.memory_space<semaphore_mem>> -> memref<!tpu.dma_semaphore, #tpu.memory_space<semaphore_mem>>
    %dma_start3A_272 = tpu.memref_slice %arg5[%add3A_252] : memref<640000xi32, #tpu.memory_space<hbm>> -> memref<2000xi32, #tpu.memory_space<hbm>>
    tpu.enqueue_dma source(%dma_start3A_272 : memref<2000xi32, #tpu.memory_space<hbm>>) target(%arg21 : memref<2000xi32, #tpu.memory_space<vmem>>) target_semaphore(%dma_start3A_271 : memref<!tpu.dma_semaphore, #tpu.memory_space<semaphore_mem>>)
    %dma_start3A_273 = arith.constant 1 : i32
    %dma_start3A_274 = tpu.memref_slice %arg6[%add3A_252] : memref<640000xi32, #tpu.memory_space<hbm>> -> memref<2000xi32, #tpu.memory_space<hbm>>
    %dma_start3A_275 = tpu.memref_slice %arg26[%dma_start3A_273] : memref<2x!tpu.dma_semaphore, #tpu.memory_space<semaphore_mem>> -> memref<1x!tpu.dma_semaphore, #tpu.memory_space<semaphore_mem>>
    %dma_start3A_276 = tpu.memref_squeeze %dma_start3A_275 : memref<1x!tpu.dma_semaphore, #tpu.memory_space<semaphore_mem>> -> memref<!tpu.dma_semaphore, #tpu.memory_space<semaphore_mem>>
    %dma_start3A_277 = tpu.memref_slice %arg6[%add3A_252] : memref<640000xi32, #tpu.memory_space<hbm>> -> memref<2000xi32, #tpu.memory_space<hbm>>
    tpu.enqueue_dma source(%dma_start3A_277 : memref<2000xi32, #tpu.memory_space<hbm>>) target(%arg22 : memref<2000xi32, #tpu.memory_space<vmem>>) target_semaphore(%dma_start3A_276 : memref<!tpu.dma_semaphore, #tpu.memory_space<semaphore_mem>>)
    %dma_wait3A_278 = arith.constant 0 : i32
    %dma_wait3A_279 = tpu.memref_slice %arg2[%add3A_197] : memref<640000xf32, #tpu.memory_space<hbm>> -> memref<2000xf32, #tpu.memory_space<hbm>>
    %dma_wait3A_280 = tpu.memref_slice %arg26[%dma_wait3A_278] : memref<2x!tpu.dma_semaphore, #tpu.memory_space<semaphore_mem>> -> memref<1x!tpu.dma_semaphore, #tpu.memory_space<semaphore_mem>>
    %dma_wait3A_281 = tpu.memref_squeeze %dma_wait3A_280 : memref<1x!tpu.dma_semaphore, #tpu.memory_space<semaphore_mem>> -> memref<!tpu.dma_semaphore, #tpu.memory_space<semaphore_mem>>
    %dma_wait3A_282 = tpu.memref_slice %arg2[%add3A_197] : memref<640000xf32, #tpu.memory_space<hbm>> -> memref<2000xf32, #tpu.memory_space<hbm>>
    tpu.wait_dma2 semaphore(%dma_wait3A_281 : memref<!tpu.dma_semaphore, #tpu.memory_space<semaphore_mem>>) src(%dma_wait3A_282 : memref<2000xf32, #tpu.memory_space<hbm>>) dst(%arg13 : memref<2000xf32, #tpu.memory_space<vmem>>)
    %dma_wait3A_283 = arith.constant 0 : i32
    %dma_wait3A_284 = tpu.memref_slice %arg3[%add3A_197] : memref<640000xf32, #tpu.memory_space<hbm>> -> memref<2000xf32, #tpu.memory_space<hbm>>
    %dma_wait3A_285 = tpu.memref_slice %arg26[%dma_wait3A_283] : memref<2x!tpu.dma_semaphore, #tpu.memory_space<semaphore_mem>> -> memref<1x!tpu.dma_semaphore, #tpu.memory_space<semaphore_mem>>
    %dma_wait3A_286 = tpu.memref_squeeze %dma_wait3A_285 : memref<1x!tpu.dma_semaphore, #tpu.memory_space<semaphore_mem>> -> memref<!tpu.dma_semaphore, #tpu.memory_space<semaphore_mem>>
    %dma_wait3A_287 = tpu.memref_slice %arg3[%add3A_197] : memref<640000xf32, #tpu.memory_space<hbm>> -> memref<2000xf32, #tpu.memory_space<hbm>>
    tpu.wait_dma2 semaphore(%dma_wait3A_286 : memref<!tpu.dma_semaphore, #tpu.memory_space<semaphore_mem>>) src(%dma_wait3A_287 : memref<2000xf32, #tpu.memory_space<hbm>>) dst(%arg14 : memref<2000xf32, #tpu.memory_space<vmem>>)
    %dma_wait3A_288 = arith.constant 0 : i32
    %dma_wait3A_289 = tpu.memref_slice %arg4[%add3A_197] : memref<640000xf32, #tpu.memory_space<hbm>> -> memref<2000xf32, #tpu.memory_space<hbm>>
    %dma_wait3A_290 = tpu.memref_slice %arg26[%dma_wait3A_288] : memref<2x!tpu.dma_semaphore, #tpu.memory_space<semaphore_mem>> -> memref<1x!tpu.dma_semaphore, #tpu.memory_space<semaphore_mem>>
    %dma_wait3A_291 = tpu.memref_squeeze %dma_wait3A_290 : memref<1x!tpu.dma_semaphore, #tpu.memory_space<semaphore_mem>> -> memref<!tpu.dma_semaphore, #tpu.memory_space<semaphore_mem>>
    %dma_wait3A_292 = tpu.memref_slice %arg4[%add3A_197] : memref<640000xf32, #tpu.memory_space<hbm>> -> memref<2000xf32, #tpu.memory_space<hbm>>
    tpu.wait_dma2 semaphore(%dma_wait3A_291 : memref<!tpu.dma_semaphore, #tpu.memory_space<semaphore_mem>>) src(%dma_wait3A_292 : memref<2000xf32, #tpu.memory_space<hbm>>) dst(%arg15 : memref<2000xf32, #tpu.memory_space<vmem>>)
    %dma_wait3A_293 = arith.constant 0 : i32
    %dma_wait3A_294 = tpu.memref_slice %arg5[%add3A_197] : memref<640000xi32, #tpu.memory_space<hbm>> -> memref<2000xi32, #tpu.memory_space<hbm>>
    %dma_wait3A_295 = tpu.memref_slice %arg26[%dma_wait3A_293] : memref<2x!tpu.dma_semaphore, #tpu.memory_space<semaphore_mem>> -> memref<1x!tpu.dma_semaphore, #tpu.memory_space<semaphore_mem>>
    %dma_wait3A_296 = tpu.memref_squeeze %dma_wait3A_295 : memref<1x!tpu.dma_semaphore, #tpu.memory_space<semaphore_mem>> -> memref<!tpu.dma_semaphore, #tpu.memory_space<semaphore_mem>>
    %dma_wait3A_297 = tpu.memref_slice %arg5[%add3A_197] : memref<640000xi32, #tpu.memory_space<hbm>> -> memref<2000xi32, #tpu.memory_space<hbm>>
    tpu.wait_dma2 semaphore(%dma_wait3A_296 : memref<!tpu.dma_semaphore, #tpu.memory_space<semaphore_mem>>) src(%dma_wait3A_297 : memref<2000xi32, #tpu.memory_space<hbm>>) dst(%arg16 : memref<2000xi32, #tpu.memory_space<vmem>>)
    %dma_wait3A_298 = arith.constant 0 : i32
    %dma_wait3A_299 = tpu.memref_slice %arg6[%add3A_197] : memref<640000xi32, #tpu.memory_space<hbm>> -> memref<2000xi32, #tpu.memory_space<hbm>>
    %dma_wait3A_300 = tpu.memref_slice %arg26[%dma_wait3A_298] : memref<2x!tpu.dma_semaphore, #tpu.memory_space<semaphore_mem>> -> memref<1x!tpu.dma_semaphore, #tpu.memory_space<semaphore_mem>>
    %dma_wait3A_301 = tpu.memref_squeeze %dma_wait3A_300 : memref<1x!tpu.dma_semaphore, #tpu.memory_space<semaphore_mem>> -> memref<!tpu.dma_semaphore, #tpu.memory_space<semaphore_mem>>
    %dma_wait3A_302 = tpu.memref_slice %arg6[%add3A_197] : memref<640000xi32, #tpu.memory_space<hbm>> -> memref<2000xi32, #tpu.memory_space<hbm>>
    tpu.wait_dma2 semaphore(%dma_wait3A_301 : memref<!tpu.dma_semaphore, #tpu.memory_space<semaphore_mem>>) src(%dma_wait3A_302 : memref<2000xi32, #tpu.memory_space<hbm>>) dst(%arg17 : memref<2000xi32, #tpu.memory_space<vmem>>)
    %parallel_loop3A_303 = arith.constant 0 : i32
    %parallel_loop3A_304 = arith.constant 125 : i32
    %parallel_loop3A_305 = arith.constant 1 : i32
    scf.for %parallel_loop3A_561 = %parallel_loop3A_303 to %parallel_loop3A_304 step %parallel_loop3A_305  : i32 {
      %parallel_loop3A_562 = arith.constant 16 : i32
      %parallel_loop3A_563 = arith.muli %parallel_loop3A_561, %parallel_loop3A_562 : i32
      %parallel_loop3A_564 = arith.index_cast %parallel_loop3A_563 : i32 to index
      %parallel_loop3A_565 = tpu.vector_load %arg16[%parallel_loop3A_564] {strides = array<i32>} : memref<2000xi32, #tpu.memory_space<vmem>>, vector<16xi32>,
      %parallel_loop3A_566 = arith.index_cast %parallel_loop3A_563 : i32 to index
      %parallel_loop3A_567 = tpu.vector_load %arg17[%parallel_loop3A_566] {strides = array<i32>} : memref<2000xi32, #tpu.memory_space<vmem>>, vector<16xi32>,
      %parallel_loop3A_568 = arith.index_cast %parallel_loop3A_563 : i32 to index
      %parallel_loop3A_569 = tpu.vector_load %arg13[%parallel_loop3A_568] {strides = array<i32>} : memref<2000xf32, #tpu.memory_space<vmem>>, vector<16xf32>,
      %parallel_loop3A_570 = arith.index_cast %parallel_loop3A_563 : i32 to index
      %parallel_loop3A_571 = tpu.vector_load %arg14[%parallel_loop3A_570] {strides = array<i32>} : memref<2000xf32, #tpu.memory_space<vmem>>, vector<16xf32>,
      %parallel_loop3A_572 = arith.index_cast %parallel_loop3A_563 : i32 to index
      %parallel_loop3A_573 = tpu.vector_load %arg15[%parallel_loop3A_572] {strides = array<i32>} : memref<2000xf32, #tpu.memory_space<vmem>>, vector<16xf32>,
      %parallel_loop3A_574 = tpu.vector_load_idx %arg10[%parallel_loop3A_565] : memref<10000xi32, #tpu.memory_space<vmem>>[vector<16xi32>], vector<16xi32>,
      %parallel_loop3A_575 = tpu.vector_load_idx %arg10[%parallel_loop3A_567] : memref<10000xi32, #tpu.memory_space<vmem>>[vector<16xi32>], vector<16xi32>,
      %parallel_loop3A_576 = arith.constant 2 : i32
      %parallel_loop3A_577 = vector.broadcast %parallel_loop3A_576 : i32 to vector<16xi32>
      %parallel_loop3A_578 = arith.muli %parallel_loop3A_574, %parallel_loop3A_577 : vector<16xi32>
      %parallel_loop3A_579 = arith.addi %parallel_loop3A_578, %parallel_loop3A_575 : vector<16xi32>
      %parallel_loop3A_580 = tpu.vector_load_idx %arg12[%parallel_loop3A_579] : memref<24xf32, #tpu.memory_space<vmem>>[vector<16xi32>], vector<16xf32>,
      %parallel_loop3A_581 = arith.constant 8 : i32
      %parallel_loop3A_582 = vector.broadcast %parallel_loop3A_581 : i32 to vector<16xi32>
      %parallel_loop3A_583 = arith.addi %parallel_loop3A_579, %parallel_loop3A_582 : vector<16xi32>
      %parallel_loop3A_584 = tpu.vector_load_idx %arg12[%parallel_loop3A_583] : memref<24xf32, #tpu.memory_space<vmem>>[vector<16xi32>], vector<16xf32>,
      %parallel_loop3A_585 = arith.constant 16 : i32
      %parallel_loop3A_586 = vector.broadcast %parallel_loop3A_585 : i32 to vector<16xi32>
      %parallel_loop3A_587 = arith.addi %parallel_loop3A_579, %parallel_loop3A_586 : vector<16xi32>
      %parallel_loop3A_588 = tpu.vector_load_idx %arg12[%parallel_loop3A_587] : memref<24xf32, #tpu.memory_space<vmem>>[vector<16xi32>], vector<16xf32>,
      %parallel_loop3A_589 = arith.mulf %parallel_loop3A_569, %parallel_loop3A_569 : vector<16xf32>
      %parallel_loop3A_590 = arith.mulf %parallel_loop3A_571, %parallel_loop3A_571 : vector<16xf32>
      %parallel_loop3A_591 = arith.addf %parallel_loop3A_589, %parallel_loop3A_590 : vector<16xf32>
      %parallel_loop3A_592 = arith.mulf %parallel_loop3A_573, %parallel_loop3A_573 : vector<16xf32>
      %parallel_loop3A_593 = arith.addf %parallel_loop3A_591, %parallel_loop3A_592 : vector<16xf32>
      %parallel_loop3A_594 = arith.mulf %parallel_loop3A_593, %parallel_loop3A_593 : vector<16xf32>
      %parallel_loop3A_595 = arith.mulf %parallel_loop3A_594, %parallel_loop3A_593 : vector<16xf32>
      %parallel_loop3A_596 = arith.divf %parallel_loop3A_580, %parallel_loop3A_595 : vector<16xf32>
      %parallel_loop3A_597 = arith.mulf %parallel_loop3A_596, %parallel_loop3A_596 : vector<16xf32>
      %parallel_loop3A_598 = arith.subf %parallel_loop3A_597, %parallel_loop3A_596 : vector<16xf32>
      %parallel_loop3A_599 = arith.mulf %parallel_loop3A_584, %parallel_loop3A_598 : vector<16xf32>
      %parallel_loop3A_600 = arith.subf %parallel_loop3A_599, %parallel_loop3A_588 : vector<16xf32>
      tpu.vector_store_idx %arg11[%parallel_loop3A_565], %parallel_loop3A_600 {add = true} : memref<10240xf32, #tpu.memory_space<vmem>>[vector<16xi32>], vector<16xf32>,
      tpu.vector_store_idx %arg11[%parallel_loop3A_567], %parallel_loop3A_600 {add = true} : memref<10240xf32, #tpu.memory_space<vmem>>[vector<16xi32>], vector<16xf32>,
    } {sc.loop_unroll_factor = 5 : i64, sc.parallel_access}
    %add3A_306 = arith.constant 12000 : i32
    %add3A_307 = arith.addi %mul3A_2, %add3A_306 : i32
    %dma_start3A_308 = arith.constant 0 : i32
    %dma_start3A_309 = tpu.memref_slice %arg2[%add3A_307] : memref<640000xf32, #tpu.memory_space<hbm>> -> memref<2000xf32, #tpu.memory_space<hbm>>
    %dma_start3A_310 = tpu.memref_slice %arg26[%dma_start3A_308] : memref<2x!tpu.dma_semaphore, #tpu.memory_space<semaphore_mem>> -> memref<1x!tpu.dma_semaphore, #tpu.memory_space<semaphore_mem>>
    %dma_start3A_311 = tpu.memref_squeeze %dma_start3A_310 : memref<1x!tpu.dma_semaphore, #tpu.memory_space<semaphore_mem>> -> memref<!tpu.dma_semaphore, #tpu.memory_space<semaphore_mem>>
    %dma_start3A_312 = tpu.memref_slice %arg2[%add3A_307] : memref<640000xf32, #tpu.memory_space<hbm>> -> memref<2000xf32, #tpu.memory_space<hbm>>
    tpu.enqueue_dma source(%dma_start3A_312 : memref<2000xf32, #tpu.memory_space<hbm>>) target(%arg13 : memref<2000xf32, #tpu.memory_space<vmem>>) target_semaphore(%dma_start3A_311 : memref<!tpu.dma_semaphore, #tpu.memory_space<semaphore_mem>>)
    %dma_start3A_313 = arith.constant 0 : i32
    %dma_start3A_314 = tpu.memref_slice %arg3[%add3A_307] : memref<640000xf32, #tpu.memory_space<hbm>> -> memref<2000xf32, #tpu.memory_space<hbm>>
    %dma_start3A_315 = tpu.memref_slice %arg26[%dma_start3A_313] : memref<2x!tpu.dma_semaphore, #tpu.memory_space<semaphore_mem>> -> memref<1x!tpu.dma_semaphore, #tpu.memory_space<semaphore_mem>>
    %dma_start3A_316 = tpu.memref_squeeze %dma_start3A_315 : memref<1x!tpu.dma_semaphore, #tpu.memory_space<semaphore_mem>> -> memref<!tpu.dma_semaphore, #tpu.memory_space<semaphore_mem>>
    %dma_start3A_317 = tpu.memref_slice %arg3[%add3A_307] : memref<640000xf32, #tpu.memory_space<hbm>> -> memref<2000xf32, #tpu.memory_space<hbm>>
    tpu.enqueue_dma source(%dma_start3A_317 : memref<2000xf32, #tpu.memory_space<hbm>>) target(%arg14 : memref<2000xf32, #tpu.memory_space<vmem>>) target_semaphore(%dma_start3A_316 : memref<!tpu.dma_semaphore, #tpu.memory_space<semaphore_mem>>)
    %dma_start3A_318 = arith.constant 0 : i32
    %dma_start3A_319 = tpu.memref_slice %arg4[%add3A_307] : memref<640000xf32, #tpu.memory_space<hbm>> -> memref<2000xf32, #tpu.memory_space<hbm>>
    %dma_start3A_320 = tpu.memref_slice %arg26[%dma_start3A_318] : memref<2x!tpu.dma_semaphore, #tpu.memory_space<semaphore_mem>> -> memref<1x!tpu.dma_semaphore, #tpu.memory_space<semaphore_mem>>
    %dma_start3A_321 = tpu.memref_squeeze %dma_start3A_320 : memref<1x!tpu.dma_semaphore, #tpu.memory_space<semaphore_mem>> -> memref<!tpu.dma_semaphore, #tpu.memory_space<semaphore_mem>>
    %dma_start3A_322 = tpu.memref_slice %arg4[%add3A_307] : memref<640000xf32, #tpu.memory_space<hbm>> -> memref<2000xf32, #tpu.memory_space<hbm>>
    tpu.enqueue_dma source(%dma_start3A_322 : memref<2000xf32, #tpu.memory_space<hbm>>) target(%arg15 : memref<2000xf32, #tpu.memory_space<vmem>>) target_semaphore(%dma_start3A_321 : memref<!tpu.dma_semaphore, #tpu.memory_space<semaphore_mem>>)
    %dma_start3A_323 = arith.constant 0 : i32
    %dma_start3A_324 = tpu.memref_slice %arg5[%add3A_307] : memref<640000xi32, #tpu.memory_space<hbm>> -> memref<2000xi32, #tpu.memory_space<hbm>>
    %dma_start3A_325 = tpu.memref_slice %arg26[%dma_start3A_323] : memref<2x!tpu.dma_semaphore, #tpu.memory_space<semaphore_mem>> -> memref<1x!tpu.dma_semaphore, #tpu.memory_space<semaphore_mem>>
    %dma_start3A_326 = tpu.memref_squeeze %dma_start3A_325 : memref<1x!tpu.dma_semaphore, #tpu.memory_space<semaphore_mem>> -> memref<!tpu.dma_semaphore, #tpu.memory_space<semaphore_mem>>
    %dma_start3A_327 = tpu.memref_slice %arg5[%add3A_307] : memref<640000xi32, #tpu.memory_space<hbm>> -> memref<2000xi32, #tpu.memory_space<hbm>>
    tpu.enqueue_dma source(%dma_start3A_327 : memref<2000xi32, #tpu.memory_space<hbm>>) target(%arg16 : memref<2000xi32, #tpu.memory_space<vmem>>) target_semaphore(%dma_start3A_326 : memref<!tpu.dma_semaphore, #tpu.memory_space<semaphore_mem>>)
    %dma_start3A_328 = arith.constant 0 : i32
    %dma_start3A_329 = tpu.memref_slice %arg6[%add3A_307] : memref<640000xi32, #tpu.memory_space<hbm>> -> memref<2000xi32, #tpu.memory_space<hbm>>
    %dma_start3A_330 = tpu.memref_slice %arg26[%dma_start3A_328] : memref<2x!tpu.dma_semaphore, #tpu.memory_space<semaphore_mem>> -> memref<1x!tpu.dma_semaphore, #tpu.memory_space<semaphore_mem>>
    %dma_start3A_331 = tpu.memref_squeeze %dma_start3A_330 : memref<1x!tpu.dma_semaphore, #tpu.memory_space<semaphore_mem>> -> memref<!tpu.dma_semaphore, #tpu.memory_space<semaphore_mem>>
    %dma_start3A_332 = tpu.memref_slice %arg6[%add3A_307] : memref<640000xi32, #tpu.memory_space<hbm>> -> memref<2000xi32, #tpu.memory_space<hbm>>
    tpu.enqueue_dma source(%dma_start3A_332 : memref<2000xi32, #tpu.memory_space<hbm>>) target(%arg17 : memref<2000xi32, #tpu.memory_space<vmem>>) target_semaphore(%dma_start3A_331 : memref<!tpu.dma_semaphore, #tpu.memory_space<semaphore_mem>>)
    %dma_wait3A_333 = arith.constant 1 : i32
    %dma_wait3A_334 = tpu.memref_slice %arg2[%add3A_252] : memref<640000xf32, #tpu.memory_space<hbm>> -> memref<2000xf32, #tpu.memory_space<hbm>>
    %dma_wait3A_335 = tpu.memref_slice %arg26[%dma_wait3A_333] : memref<2x!tpu.dma_semaphore, #tpu.memory_space<semaphore_mem>> -> memref<1x!tpu.dma_semaphore, #tpu.memory_space<semaphore_mem>>
    %dma_wait3A_336 = tpu.memref_squeeze %dma_wait3A_335 : memref<1x!tpu.dma_semaphore, #tpu.memory_space<semaphore_mem>> -> memref<!tpu.dma_semaphore, #tpu.memory_space<semaphore_mem>>
    %dma_wait3A_337 = tpu.memref_slice %arg2[%add3A_252] : memref<640000xf32, #tpu.memory_space<hbm>> -> memref<2000xf32, #tpu.memory_space<hbm>>
    tpu.wait_dma2 semaphore(%dma_wait3A_336 : memref<!tpu.dma_semaphore, #tpu.memory_space<semaphore_mem>>) src(%dma_wait3A_337 : memref<2000xf32, #tpu.memory_space<hbm>>) dst(%arg18 : memref<2000xf32, #tpu.memory_space<vmem>>)
    %dma_wait3A_338 = arith.constant 1 : i32
    %dma_wait3A_339 = tpu.memref_slice %arg3[%add3A_252] : memref<640000xf32, #tpu.memory_space<hbm>> -> memref<2000xf32, #tpu.memory_space<hbm>>
    %dma_wait3A_340 = tpu.memref_slice %arg26[%dma_wait3A_338] : memref<2x!tpu.dma_semaphore, #tpu.memory_space<semaphore_mem>> -> memref<1x!tpu.dma_semaphore, #tpu.memory_space<semaphore_mem>>
    %dma_wait3A_341 = tpu.memref_squeeze %dma_wait3A_340 : memref<1x!tpu.dma_semaphore, #tpu.memory_space<semaphore_mem>> -> memref<!tpu.dma_semaphore, #tpu.memory_space<semaphore_mem>>
    %dma_wait3A_342 = tpu.memref_slice %arg3[%add3A_252] : memref<640000xf32, #tpu.memory_space<hbm>> -> memref<2000xf32, #tpu.memory_space<hbm>>
    tpu.wait_dma2 semaphore(%dma_wait3A_341 : memref<!tpu.dma_semaphore, #tpu.memory_space<semaphore_mem>>) src(%dma_wait3A_342 : memref<2000xf32, #tpu.memory_space<hbm>>) dst(%arg19 : memref<2000xf32, #tpu.memory_space<vmem>>)
    %dma_wait3A_343 = arith.constant 1 : i32
    %dma_wait3A_344 = tpu.memref_slice %arg4[%add3A_252] : memref<640000xf32, #tpu.memory_space<hbm>> -> memref<2000xf32, #tpu.memory_space<hbm>>
    %dma_wait3A_345 = tpu.memref_slice %arg26[%dma_wait3A_343] : memref<2x!tpu.dma_semaphore, #tpu.memory_space<semaphore_mem>> -> memref<1x!tpu.dma_semaphore, #tpu.memory_space<semaphore_mem>>
    %dma_wait3A_346 = tpu.memref_squeeze %dma_wait3A_345 : memref<1x!tpu.dma_semaphore, #tpu.memory_space<semaphore_mem>> -> memref<!tpu.dma_semaphore, #tpu.memory_space<semaphore_mem>>
    %dma_wait3A_347 = tpu.memref_slice %arg4[%add3A_252] : memref<640000xf32, #tpu.memory_space<hbm>> -> memref<2000xf32, #tpu.memory_space<hbm>>
    tpu.wait_dma2 semaphore(%dma_wait3A_346 : memref<!tpu.dma_semaphore, #tpu.memory_space<semaphore_mem>>) src(%dma_wait3A_347 : memref<2000xf32, #tpu.memory_space<hbm>>) dst(%arg20 : memref<2000xf32, #tpu.memory_space<vmem>>)
    %dma_wait3A_348 = arith.constant 1 : i32
    %dma_wait3A_349 = tpu.memref_slice %arg5[%add3A_252] : memref<640000xi32, #tpu.memory_space<hbm>> -> memref<2000xi32, #tpu.memory_space<hbm>>
    %dma_wait3A_350 = tpu.memref_slice %arg26[%dma_wait3A_348] : memref<2x!tpu.dma_semaphore, #tpu.memory_space<semaphore_mem>> -> memref<1x!tpu.dma_semaphore, #tpu.memory_space<semaphore_mem>>
    %dma_wait3A_351 = tpu.memref_squeeze %dma_wait3A_350 : memref<1x!tpu.dma_semaphore, #tpu.memory_space<semaphore_mem>> -> memref<!tpu.dma_semaphore, #tpu.memory_space<semaphore_mem>>
    %dma_wait3A_352 = tpu.memref_slice %arg5[%add3A_252] : memref<640000xi32, #tpu.memory_space<hbm>> -> memref<2000xi32, #tpu.memory_space<hbm>>
    tpu.wait_dma2 semaphore(%dma_wait3A_351 : memref<!tpu.dma_semaphore, #tpu.memory_space<semaphore_mem>>) src(%dma_wait3A_352 : memref<2000xi32, #tpu.memory_space<hbm>>) dst(%arg21 : memref<2000xi32, #tpu.memory_space<vmem>>)
    %dma_wait3A_353 = arith.constant 1 : i32
    %dma_wait3A_354 = tpu.memref_slice %arg6[%add3A_252] : memref<640000xi32, #tpu.memory_space<hbm>> -> memref<2000xi32, #tpu.memory_space<hbm>>
    %dma_wait3A_355 = tpu.memref_slice %arg26[%dma_wait3A_353] : memref<2x!tpu.dma_semaphore, #tpu.memory_space<semaphore_mem>> -> memref<1x!tpu.dma_semaphore, #tpu.memory_space<semaphore_mem>>
    %dma_wait3A_356 = tpu.memref_squeeze %dma_wait3A_355 : memref<1x!tpu.dma_semaphore, #tpu.memory_space<semaphore_mem>> -> memref<!tpu.dma_semaphore, #tpu.memory_space<semaphore_mem>>
    %dma_wait3A_357 = tpu.memref_slice %arg6[%add3A_252] : memref<640000xi32, #tpu.memory_space<hbm>> -> memref<2000xi32, #tpu.memory_space<hbm>>
    tpu.wait_dma2 semaphore(%dma_wait3A_356 : memref<!tpu.dma_semaphore, #tpu.memory_space<semaphore_mem>>) src(%dma_wait3A_357 : memref<2000xi32, #tpu.memory_space<hbm>>) dst(%arg22 : memref<2000xi32, #tpu.memory_space<vmem>>)
    %parallel_loop3A_358 = arith.constant 0 : i32
    %parallel_loop3A_359 = arith.constant 125 : i32
    %parallel_loop3A_360 = arith.constant 1 : i32
    scf.for %parallel_loop3A_561 = %parallel_loop3A_358 to %parallel_loop3A_359 step %parallel_loop3A_360  : i32 {
      %parallel_loop3A_562 = arith.constant 16 : i32
      %parallel_loop3A_563 = arith.muli %parallel_loop3A_561, %parallel_loop3A_562 : i32
      %parallel_loop3A_564 = arith.index_cast %parallel_loop3A_563 : i32 to index
      %parallel_loop3A_565 = tpu.vector_load %arg21[%parallel_loop3A_564] {strides = array<i32>} : memref<2000xi32, #tpu.memory_space<vmem>>, vector<16xi32>,
      %parallel_loop3A_566 = arith.index_cast %parallel_loop3A_563 : i32 to index
      %parallel_loop3A_567 = tpu.vector_load %arg22[%parallel_loop3A_566] {strides = array<i32>} : memref<2000xi32, #tpu.memory_space<vmem>>, vector<16xi32>,
      %parallel_loop3A_568 = arith.index_cast %parallel_loop3A_563 : i32 to index
      %parallel_loop3A_569 = tpu.vector_load %arg18[%parallel_loop3A_568] {strides = array<i32>} : memref<2000xf32, #tpu.memory_space<vmem>>, vector<16xf32>,
      %parallel_loop3A_570 = arith.index_cast %parallel_loop3A_563 : i32 to index
      %parallel_loop3A_571 = tpu.vector_load %arg19[%parallel_loop3A_570] {strides = array<i32>} : memref<2000xf32, #tpu.memory_space<vmem>>, vector<16xf32>,
      %parallel_loop3A_572 = arith.index_cast %parallel_loop3A_563 : i32 to index
      %parallel_loop3A_573 = tpu.vector_load %arg20[%parallel_loop3A_572] {strides = array<i32>} : memref<2000xf32, #tpu.memory_space<vmem>>, vector<16xf32>,
      %parallel_loop3A_574 = tpu.vector_load_idx %arg10[%parallel_loop3A_565] : memref<10000xi32, #tpu.memory_space<vmem>>[vector<16xi32>], vector<16xi32>,
      %parallel_loop3A_575 = tpu.vector_load_idx %arg10[%parallel_loop3A_567] : memref<10000xi32, #tpu.memory_space<vmem>>[vector<16xi32>], vector<16xi32>,
      %parallel_loop3A_576 = arith.constant 2 : i32
      %parallel_loop3A_577 = vector.broadcast %parallel_loop3A_576 : i32 to vector<16xi32>
      %parallel_loop3A_578 = arith.muli %parallel_loop3A_574, %parallel_loop3A_577 : vector<16xi32>
      %parallel_loop3A_579 = arith.addi %parallel_loop3A_578, %parallel_loop3A_575 : vector<16xi32>
      %parallel_loop3A_580 = tpu.vector_load_idx %arg12[%parallel_loop3A_579] : memref<24xf32, #tpu.memory_space<vmem>>[vector<16xi32>], vector<16xf32>,
      %parallel_loop3A_581 = arith.constant 8 : i32
      %parallel_loop3A_582 = vector.broadcast %parallel_loop3A_581 : i32 to vector<16xi32>
      %parallel_loop3A_583 = arith.addi %parallel_loop3A_579, %parallel_loop3A_582 : vector<16xi32>
      %parallel_loop3A_584 = tpu.vector_load_idx %arg12[%parallel_loop3A_583] : memref<24xf32, #tpu.memory_space<vmem>>[vector<16xi32>], vector<16xf32>,
      %parallel_loop3A_585 = arith.constant 16 : i32
      %parallel_loop3A_586 = vector.broadcast %parallel_loop3A_585 : i32 to vector<16xi32>
      %parallel_loop3A_587 = arith.addi %parallel_loop3A_579, %parallel_loop3A_586 : vector<16xi32>
      %parallel_loop3A_588 = tpu.vector_load_idx %arg12[%parallel_loop3A_587] : memref<24xf32, #tpu.memory_space<vmem>>[vector<16xi32>], vector<16xf32>,
      %parallel_loop3A_589 = arith.mulf %parallel_loop3A_569, %parallel_loop3A_569 : vector<16xf32>
      %parallel_loop3A_590 = arith.mulf %parallel_loop3A_571, %parallel_loop3A_571 : vector<16xf32>
      %parallel_loop3A_591 = arith.addf %parallel_loop3A_589, %parallel_loop3A_590 : vector<16xf32>
      %parallel_loop3A_592 = arith.mulf %parallel_loop3A_573, %parallel_loop3A_573 : vector<16xf32>
      %parallel_loop3A_593 = arith.addf %parallel_loop3A_591, %parallel_loop3A_592 : vector<16xf32>
      %parallel_loop3A_594 = arith.mulf %parallel_loop3A_593, %parallel_loop3A_593 : vector<16xf32>
      %parallel_loop3A_595 = arith.mulf %parallel_loop3A_594, %parallel_loop3A_593 : vector<16xf32>
      %parallel_loop3A_596 = arith.divf %parallel_loop3A_580, %parallel_loop3A_595 : vector<16xf32>
      %parallel_loop3A_597 = arith.mulf %parallel_loop3A_596, %parallel_loop3A_596 : vector<16xf32>
      %parallel_loop3A_598 = arith.subf %parallel_loop3A_597, %parallel_loop3A_596 : vector<16xf32>
      %parallel_loop3A_599 = arith.mulf %parallel_loop3A_584, %parallel_loop3A_598 : vector<16xf32>
      %parallel_loop3A_600 = arith.subf %parallel_loop3A_599, %parallel_loop3A_588 : vector<16xf32>
      tpu.vector_store_idx %arg11[%parallel_loop3A_565], %parallel_loop3A_600 {add = true} : memref<10240xf32, #tpu.memory_space<vmem>>[vector<16xi32>], vector<16xf32>,
      tpu.vector_store_idx %arg11[%parallel_loop3A_567], %parallel_loop3A_600 {add = true} : memref<10240xf32, #tpu.memory_space<vmem>>[vector<16xi32>], vector<16xf32>,
    } {sc.loop_unroll_factor = 5 : i64, sc.parallel_access}
    %add3A_361 = arith.constant 14000 : i32
    %add3A_362 = arith.addi %mul3A_2, %add3A_361 : i32
    %dma_start3A_363 = arith.constant 1 : i32
    %dma_start3A_364 = tpu.memref_slice %arg2[%add3A_362] : memref<640000xf32, #tpu.memory_space<hbm>> -> memref<2000xf32, #tpu.memory_space<hbm>>
    %dma_start3A_365 = tpu.memref_slice %arg26[%dma_start3A_363] : memref<2x!tpu.dma_semaphore, #tpu.memory_space<semaphore_mem>> -> memref<1x!tpu.dma_semaphore, #tpu.memory_space<semaphore_mem>>
    %dma_start3A_366 = tpu.memref_squeeze %dma_start3A_365 : memref<1x!tpu.dma_semaphore, #tpu.memory_space<semaphore_mem>> -> memref<!tpu.dma_semaphore, #tpu.memory_space<semaphore_mem>>
    %dma_start3A_367 = tpu.memref_slice %arg2[%add3A_362] : memref<640000xf32, #tpu.memory_space<hbm>> -> memref<2000xf32, #tpu.memory_space<hbm>>
    tpu.enqueue_dma source(%dma_start3A_367 : memref<2000xf32, #tpu.memory_space<hbm>>) target(%arg18 : memref<2000xf32, #tpu.memory_space<vmem>>) target_semaphore(%dma_start3A_366 : memref<!tpu.dma_semaphore, #tpu.memory_space<semaphore_mem>>)
    %dma_start3A_368 = arith.constant 1 : i32
    %dma_start3A_369 = tpu.memref_slice %arg3[%add3A_362] : memref<640000xf32, #tpu.memory_space<hbm>> -> memref<2000xf32, #tpu.memory_space<hbm>>
    %dma_start3A_370 = tpu.memref_slice %arg26[%dma_start3A_368] : memref<2x!tpu.dma_semaphore, #tpu.memory_space<semaphore_mem>> -> memref<1x!tpu.dma_semaphore, #tpu.memory_space<semaphore_mem>>
    %dma_start3A_371 = tpu.memref_squeeze %dma_start3A_370 : memref<1x!tpu.dma_semaphore, #tpu.memory_space<semaphore_mem>> -> memref<!tpu.dma_semaphore, #tpu.memory_space<semaphore_mem>>
    %dma_start3A_372 = tpu.memref_slice %arg3[%add3A_362] : memref<640000xf32, #tpu.memory_space<hbm>> -> memref<2000xf32, #tpu.memory_space<hbm>>
    tpu.enqueue_dma source(%dma_start3A_372 : memref<2000xf32, #tpu.memory_space<hbm>>) target(%arg19 : memref<2000xf32, #tpu.memory_space<vmem>>) target_semaphore(%dma_start3A_371 : memref<!tpu.dma_semaphore, #tpu.memory_space<semaphore_mem>>)
    %dma_start3A_373 = arith.constant 1 : i32
    %dma_start3A_374 = tpu.memref_slice %arg4[%add3A_362] : memref<640000xf32, #tpu.memory_space<hbm>> -> memref<2000xf32, #tpu.memory_space<hbm>>
    %dma_start3A_375 = tpu.memref_slice %arg26[%dma_start3A_373] : memref<2x!tpu.dma_semaphore, #tpu.memory_space<semaphore_mem>> -> memref<1x!tpu.dma_semaphore, #tpu.memory_space<semaphore_mem>>
    %dma_start3A_376 = tpu.memref_squeeze %dma_start3A_375 : memref<1x!tpu.dma_semaphore, #tpu.memory_space<semaphore_mem>> -> memref<!tpu.dma_semaphore, #tpu.memory_space<semaphore_mem>>
    %dma_start3A_377 = tpu.memref_slice %arg4[%add3A_362] : memref<640000xf32, #tpu.memory_space<hbm>> -> memref<2000xf32, #tpu.memory_space<hbm>>
    tpu.enqueue_dma source(%dma_start3A_377 : memref<2000xf32, #tpu.memory_space<hbm>>) target(%arg20 : memref<2000xf32, #tpu.memory_space<vmem>>) target_semaphore(%dma_start3A_376 : memref<!tpu.dma_semaphore, #tpu.memory_space<semaphore_mem>>)
    %dma_start3A_378 = arith.constant 1 : i32
    %dma_start3A_379 = tpu.memref_slice %arg5[%add3A_362] : memref<640000xi32, #tpu.memory_space<hbm>> -> memref<2000xi32, #tpu.memory_space<hbm>>
    %dma_start3A_380 = tpu.memref_slice %arg26[%dma_start3A_378] : memref<2x!tpu.dma_semaphore, #tpu.memory_space<semaphore_mem>> -> memref<1x!tpu.dma_semaphore, #tpu.memory_space<semaphore_mem>>
    %dma_start3A_381 = tpu.memref_squeeze %dma_start3A_380 : memref<1x!tpu.dma_semaphore, #tpu.memory_space<semaphore_mem>> -> memref<!tpu.dma_semaphore, #tpu.memory_space<semaphore_mem>>
    %dma_start3A_382 = tpu.memref_slice %arg5[%add3A_362] : memref<640000xi32, #tpu.memory_space<hbm>> -> memref<2000xi32, #tpu.memory_space<hbm>>
    tpu.enqueue_dma source(%dma_start3A_382 : memref<2000xi32, #tpu.memory_space<hbm>>) target(%arg21 : memref<2000xi32, #tpu.memory_space<vmem>>) target_semaphore(%dma_start3A_381 : memref<!tpu.dma_semaphore, #tpu.memory_space<semaphore_mem>>)
    %dma_start3A_383 = arith.constant 1 : i32
    %dma_start3A_384 = tpu.memref_slice %arg6[%add3A_362] : memref<640000xi32, #tpu.memory_space<hbm>> -> memref<2000xi32, #tpu.memory_space<hbm>>
    %dma_start3A_385 = tpu.memref_slice %arg26[%dma_start3A_383] : memref<2x!tpu.dma_semaphore, #tpu.memory_space<semaphore_mem>> -> memref<1x!tpu.dma_semaphore, #tpu.memory_space<semaphore_mem>>
    %dma_start3A_386 = tpu.memref_squeeze %dma_start3A_385 : memref<1x!tpu.dma_semaphore, #tpu.memory_space<semaphore_mem>> -> memref<!tpu.dma_semaphore, #tpu.memory_space<semaphore_mem>>
    %dma_start3A_387 = tpu.memref_slice %arg6[%add3A_362] : memref<640000xi32, #tpu.memory_space<hbm>> -> memref<2000xi32, #tpu.memory_space<hbm>>
    tpu.enqueue_dma source(%dma_start3A_387 : memref<2000xi32, #tpu.memory_space<hbm>>) target(%arg22 : memref<2000xi32, #tpu.memory_space<vmem>>) target_semaphore(%dma_start3A_386 : memref<!tpu.dma_semaphore, #tpu.memory_space<semaphore_mem>>)
    %dma_wait3A_388 = arith.constant 0 : i32
    %dma_wait3A_389 = tpu.memref_slice %arg2[%add3A_307] : memref<640000xf32, #tpu.memory_space<hbm>> -> memref<2000xf32, #tpu.memory_space<hbm>>
    %dma_wait3A_390 = tpu.memref_slice %arg26[%dma_wait3A_388] : memref<2x!tpu.dma_semaphore, #tpu.memory_space<semaphore_mem>> -> memref<1x!tpu.dma_semaphore, #tpu.memory_space<semaphore_mem>>
    %dma_wait3A_391 = tpu.memref_squeeze %dma_wait3A_390 : memref<1x!tpu.dma_semaphore, #tpu.memory_space<semaphore_mem>> -> memref<!tpu.dma_semaphore, #tpu.memory_space<semaphore_mem>>
    %dma_wait3A_392 = tpu.memref_slice %arg2[%add3A_307] : memref<640000xf32, #tpu.memory_space<hbm>> -> memref<2000xf32, #tpu.memory_space<hbm>>
    tpu.wait_dma2 semaphore(%dma_wait3A_391 : memref<!tpu.dma_semaphore, #tpu.memory_space<semaphore_mem>>) src(%dma_wait3A_392 : memref<2000xf32, #tpu.memory_space<hbm>>) dst(%arg13 : memref<2000xf32, #tpu.memory_space<vmem>>)
    %dma_wait3A_393 = arith.constant 0 : i32
    %dma_wait3A_394 = tpu.memref_slice %arg3[%add3A_307] : memref<640000xf32, #tpu.memory_space<hbm>> -> memref<2000xf32, #tpu.memory_space<hbm>>
    %dma_wait3A_395 = tpu.memref_slice %arg26[%dma_wait3A_393] : memref<2x!tpu.dma_semaphore, #tpu.memory_space<semaphore_mem>> -> memref<1x!tpu.dma_semaphore, #tpu.memory_space<semaphore_mem>>
    %dma_wait3A_396 = tpu.memref_squeeze %dma_wait3A_395 : memref<1x!tpu.dma_semaphore, #tpu.memory_space<semaphore_mem>> -> memref<!tpu.dma_semaphore, #tpu.memory_space<semaphore_mem>>
    %dma_wait3A_397 = tpu.memref_slice %arg3[%add3A_307] : memref<640000xf32, #tpu.memory_space<hbm>> -> memref<2000xf32, #tpu.memory_space<hbm>>
    tpu.wait_dma2 semaphore(%dma_wait3A_396 : memref<!tpu.dma_semaphore, #tpu.memory_space<semaphore_mem>>) src(%dma_wait3A_397 : memref<2000xf32, #tpu.memory_space<hbm>>) dst(%arg14 : memref<2000xf32, #tpu.memory_space<vmem>>)
    %dma_wait3A_398 = arith.constant 0 : i32
    %dma_wait3A_399 = tpu.memref_slice %arg4[%add3A_307] : memref<640000xf32, #tpu.memory_space<hbm>> -> memref<2000xf32, #tpu.memory_space<hbm>>
    %dma_wait3A_400 = tpu.memref_slice %arg26[%dma_wait3A_398] : memref<2x!tpu.dma_semaphore, #tpu.memory_space<semaphore_mem>> -> memref<1x!tpu.dma_semaphore, #tpu.memory_space<semaphore_mem>>
    %dma_wait3A_401 = tpu.memref_squeeze %dma_wait3A_400 : memref<1x!tpu.dma_semaphore, #tpu.memory_space<semaphore_mem>> -> memref<!tpu.dma_semaphore, #tpu.memory_space<semaphore_mem>>
    %dma_wait3A_402 = tpu.memref_slice %arg4[%add3A_307] : memref<640000xf32, #tpu.memory_space<hbm>> -> memref<2000xf32, #tpu.memory_space<hbm>>
    tpu.wait_dma2 semaphore(%dma_wait3A_401 : memref<!tpu.dma_semaphore, #tpu.memory_space<semaphore_mem>>) src(%dma_wait3A_402 : memref<2000xf32, #tpu.memory_space<hbm>>) dst(%arg15 : memref<2000xf32, #tpu.memory_space<vmem>>)
    %dma_wait3A_403 = arith.constant 0 : i32
    %dma_wait3A_404 = tpu.memref_slice %arg5[%add3A_307] : memref<640000xi32, #tpu.memory_space<hbm>> -> memref<2000xi32, #tpu.memory_space<hbm>>
    %dma_wait3A_405 = tpu.memref_slice %arg26[%dma_wait3A_403] : memref<2x!tpu.dma_semaphore, #tpu.memory_space<semaphore_mem>> -> memref<1x!tpu.dma_semaphore, #tpu.memory_space<semaphore_mem>>
    %dma_wait3A_406 = tpu.memref_squeeze %dma_wait3A_405 : memref<1x!tpu.dma_semaphore, #tpu.memory_space<semaphore_mem>> -> memref<!tpu.dma_semaphore, #tpu.memory_space<semaphore_mem>>
    %dma_wait3A_407 = tpu.memref_slice %arg5[%add3A_307] : memref<640000xi32, #tpu.memory_space<hbm>> -> memref<2000xi32, #tpu.memory_space<hbm>>
    tpu.wait_dma2 semaphore(%dma_wait3A_406 : memref<!tpu.dma_semaphore, #tpu.memory_space<semaphore_mem>>) src(%dma_wait3A_407 : memref<2000xi32, #tpu.memory_space<hbm>>) dst(%arg16 : memref<2000xi32, #tpu.memory_space<vmem>>)
    %dma_wait3A_408 = arith.constant 0 : i32
    %dma_wait3A_409 = tpu.memref_slice %arg6[%add3A_307] : memref<640000xi32, #tpu.memory_space<hbm>> -> memref<2000xi32, #tpu.memory_space<hbm>>
    %dma_wait3A_410 = tpu.memref_slice %arg26[%dma_wait3A_408] : memref<2x!tpu.dma_semaphore, #tpu.memory_space<semaphore_mem>> -> memref<1x!tpu.dma_semaphore, #tpu.memory_space<semaphore_mem>>
    %dma_wait3A_411 = tpu.memref_squeeze %dma_wait3A_410 : memref<1x!tpu.dma_semaphore, #tpu.memory_space<semaphore_mem>> -> memref<!tpu.dma_semaphore, #tpu.memory_space<semaphore_mem>>
    %dma_wait3A_412 = tpu.memref_slice %arg6[%add3A_307] : memref<640000xi32, #tpu.memory_space<hbm>> -> memref<2000xi32, #tpu.memory_space<hbm>>
    tpu.wait_dma2 semaphore(%dma_wait3A_411 : memref<!tpu.dma_semaphore, #tpu.memory_space<semaphore_mem>>) src(%dma_wait3A_412 : memref<2000xi32, #tpu.memory_space<hbm>>) dst(%arg17 : memref<2000xi32, #tpu.memory_space<vmem>>)
    %parallel_loop3A_413 = arith.constant 0 : i32
    %parallel_loop3A_414 = arith.constant 125 : i32
    %parallel_loop3A_415 = arith.constant 1 : i32
    scf.for %parallel_loop3A_561 = %parallel_loop3A_413 to %parallel_loop3A_414 step %parallel_loop3A_415  : i32 {
      %parallel_loop3A_562 = arith.constant 16 : i32
      %parallel_loop3A_563 = arith.muli %parallel_loop3A_561, %parallel_loop3A_562 : i32
      %parallel_loop3A_564 = arith.index_cast %parallel_loop3A_563 : i32 to index
      %parallel_loop3A_565 = tpu.vector_load %arg16[%parallel_loop3A_564] {strides = array<i32>} : memref<2000xi32, #tpu.memory_space<vmem>>, vector<16xi32>,
      %parallel_loop3A_566 = arith.index_cast %parallel_loop3A_563 : i32 to index
      %parallel_loop3A_567 = tpu.vector_load %arg17[%parallel_loop3A_566] {strides = array<i32>} : memref<2000xi32, #tpu.memory_space<vmem>>, vector<16xi32>,
      %parallel_loop3A_568 = arith.index_cast %parallel_loop3A_563 : i32 to index
      %parallel_loop3A_569 = tpu.vector_load %arg13[%parallel_loop3A_568] {strides = array<i32>} : memref<2000xf32, #tpu.memory_space<vmem>>, vector<16xf32>,
      %parallel_loop3A_570 = arith.index_cast %parallel_loop3A_563 : i32 to index
      %parallel_loop3A_571 = tpu.vector_load %arg14[%parallel_loop3A_570] {strides = array<i32>} : memref<2000xf32, #tpu.memory_space<vmem>>, vector<16xf32>,
      %parallel_loop3A_572 = arith.index_cast %parallel_loop3A_563 : i32 to index
      %parallel_loop3A_573 = tpu.vector_load %arg15[%parallel_loop3A_572] {strides = array<i32>} : memref<2000xf32, #tpu.memory_space<vmem>>, vector<16xf32>,
      %parallel_loop3A_574 = tpu.vector_load_idx %arg10[%parallel_loop3A_565] : memref<10000xi32, #tpu.memory_space<vmem>>[vector<16xi32>], vector<16xi32>,
      %parallel_loop3A_575 = tpu.vector_load_idx %arg10[%parallel_loop3A_567] : memref<10000xi32, #tpu.memory_space<vmem>>[vector<16xi32>], vector<16xi32>,
      %parallel_loop3A_576 = arith.constant 2 : i32
      %parallel_loop3A_577 = vector.broadcast %parallel_loop3A_576 : i32 to vector<16xi32>
      %parallel_loop3A_578 = arith.muli %parallel_loop3A_574, %parallel_loop3A_577 : vector<16xi32>
      %parallel_loop3A_579 = arith.addi %parallel_loop3A_578, %parallel_loop3A_575 : vector<16xi32>
      %parallel_loop3A_580 = tpu.vector_load_idx %arg12[%parallel_loop3A_579] : memref<24xf32, #tpu.memory_space<vmem>>[vector<16xi32>], vector<16xf32>,
      %parallel_loop3A_581 = arith.constant 8 : i32
      %parallel_loop3A_582 = vector.broadcast %parallel_loop3A_581 : i32 to vector<16xi32>
      %parallel_loop3A_583 = arith.addi %parallel_loop3A_579, %parallel_loop3A_582 : vector<16xi32>
      %parallel_loop3A_584 = tpu.vector_load_idx %arg12[%parallel_loop3A_583] : memref<24xf32, #tpu.memory_space<vmem>>[vector<16xi32>], vector<16xf32>,
      %parallel_loop3A_585 = arith.constant 16 : i32
      %parallel_loop3A_586 = vector.broadcast %parallel_loop3A_585 : i32 to vector<16xi32>
      %parallel_loop3A_587 = arith.addi %parallel_loop3A_579, %parallel_loop3A_586 : vector<16xi32>
      %parallel_loop3A_588 = tpu.vector_load_idx %arg12[%parallel_loop3A_587] : memref<24xf32, #tpu.memory_space<vmem>>[vector<16xi32>], vector<16xf32>,
      %parallel_loop3A_589 = arith.mulf %parallel_loop3A_569, %parallel_loop3A_569 : vector<16xf32>
      %parallel_loop3A_590 = arith.mulf %parallel_loop3A_571, %parallel_loop3A_571 : vector<16xf32>
      %parallel_loop3A_591 = arith.addf %parallel_loop3A_589, %parallel_loop3A_590 : vector<16xf32>
      %parallel_loop3A_592 = arith.mulf %parallel_loop3A_573, %parallel_loop3A_573 : vector<16xf32>
      %parallel_loop3A_593 = arith.addf %parallel_loop3A_591, %parallel_loop3A_592 : vector<16xf32>
      %parallel_loop3A_594 = arith.mulf %parallel_loop3A_593, %parallel_loop3A_593 : vector<16xf32>
      %parallel_loop3A_595 = arith.mulf %parallel_loop3A_594, %parallel_loop3A_593 : vector<16xf32>
      %parallel_loop3A_596 = arith.divf %parallel_loop3A_580, %parallel_loop3A_595 : vector<16xf32>
      %parallel_loop3A_597 = arith.mulf %parallel_loop3A_596, %parallel_loop3A_596 : vector<16xf32>
      %parallel_loop3A_598 = arith.subf %parallel_loop3A_597, %parallel_loop3A_596 : vector<16xf32>
      %parallel_loop3A_599 = arith.mulf %parallel_loop3A_584, %parallel_loop3A_598 : vector<16xf32>
      %parallel_loop3A_600 = arith.subf %parallel_loop3A_599, %parallel_loop3A_588 : vector<16xf32>
      tpu.vector_store_idx %arg11[%parallel_loop3A_565], %parallel_loop3A_600 {add = true} : memref<10240xf32, #tpu.memory_space<vmem>>[vector<16xi32>], vector<16xf32>,
      tpu.vector_store_idx %arg11[%parallel_loop3A_567], %parallel_loop3A_600 {add = true} : memref<10240xf32, #tpu.memory_space<vmem>>[vector<16xi32>], vector<16xf32>,
    } {sc.loop_unroll_factor = 5 : i64, sc.parallel_access}
    %add3A_416 = arith.constant 16000 : i32
    %add3A_417 = arith.addi %mul3A_2, %add3A_416 : i32
    %dma_start3A_418 = arith.constant 0 : i32
    %dma_start3A_419 = tpu.memref_slice %arg2[%add3A_417] : memref<640000xf32, #tpu.memory_space<hbm>> -> memref<2000xf32, #tpu.memory_space<hbm>>
    %dma_start3A_420 = tpu.memref_slice %arg26[%dma_start3A_418] : memref<2x!tpu.dma_semaphore, #tpu.memory_space<semaphore_mem>> -> memref<1x!tpu.dma_semaphore, #tpu.memory_space<semaphore_mem>>
    %dma_start3A_421 = tpu.memref_squeeze %dma_start3A_420 : memref<1x!tpu.dma_semaphore, #tpu.memory_space<semaphore_mem>> -> memref<!tpu.dma_semaphore, #tpu.memory_space<semaphore_mem>>
    %dma_start3A_422 = tpu.memref_slice %arg2[%add3A_417] : memref<640000xf32, #tpu.memory_space<hbm>> -> memref<2000xf32, #tpu.memory_space<hbm>>
    tpu.enqueue_dma source(%dma_start3A_422 : memref<2000xf32, #tpu.memory_space<hbm>>) target(%arg13 : memref<2000xf32, #tpu.memory_space<vmem>>) target_semaphore(%dma_start3A_421 : memref<!tpu.dma_semaphore, #tpu.memory_space<semaphore_mem>>)
    %dma_start3A_423 = arith.constant 0 : i32
    %dma_start3A_424 = tpu.memref_slice %arg3[%add3A_417] : memref<640000xf32, #tpu.memory_space<hbm>> -> memref<2000xf32, #tpu.memory_space<hbm>>
    %dma_start3A_425 = tpu.memref_slice %arg26[%dma_start3A_423] : memref<2x!tpu.dma_semaphore, #tpu.memory_space<semaphore_mem>> -> memref<1x!tpu.dma_semaphore, #tpu.memory_space<semaphore_mem>>
    %dma_start3A_426 = tpu.memref_squeeze %dma_start3A_425 : memref<1x!tpu.dma_semaphore, #tpu.memory_space<semaphore_mem>> -> memref<!tpu.dma_semaphore, #tpu.memory_space<semaphore_mem>>
    %dma_start3A_427 = tpu.memref_slice %arg3[%add3A_417] : memref<640000xf32, #tpu.memory_space<hbm>> -> memref<2000xf32, #tpu.memory_space<hbm>>
    tpu.enqueue_dma source(%dma_start3A_427 : memref<2000xf32, #tpu.memory_space<hbm>>) target(%arg14 : memref<2000xf32, #tpu.memory_space<vmem>>) target_semaphore(%dma_start3A_426 : memref<!tpu.dma_semaphore, #tpu.memory_space<semaphore_mem>>)
    %dma_start3A_428 = arith.constant 0 : i32
    %dma_start3A_429 = tpu.memref_slice %arg4[%add3A_417] : memref<640000xf32, #tpu.memory_space<hbm>> -> memref<2000xf32, #tpu.memory_space<hbm>>
    %dma_start3A_430 = tpu.memref_slice %arg26[%dma_start3A_428] : memref<2x!tpu.dma_semaphore, #tpu.memory_space<semaphore_mem>> -> memref<1x!tpu.dma_semaphore, #tpu.memory_space<semaphore_mem>>
    %dma_start3A_431 = tpu.memref_squeeze %dma_start3A_430 : memref<1x!tpu.dma_semaphore, #tpu.memory_space<semaphore_mem>> -> memref<!tpu.dma_semaphore, #tpu.memory_space<semaphore_mem>>
    %dma_start3A_432 = tpu.memref_slice %arg4[%add3A_417] : memref<640000xf32, #tpu.memory_space<hbm>> -> memref<2000xf32, #tpu.memory_space<hbm>>
    tpu.enqueue_dma source(%dma_start3A_432 : memref<2000xf32, #tpu.memory_space<hbm>>) target(%arg15 : memref<2000xf32, #tpu.memory_space<vmem>>) target_semaphore(%dma_start3A_431 : memref<!tpu.dma_semaphore, #tpu.memory_space<semaphore_mem>>)
    %dma_start3A_433 = arith.constant 0 : i32
    %dma_start3A_434 = tpu.memref_slice %arg5[%add3A_417] : memref<640000xi32, #tpu.memory_space<hbm>> -> memref<2000xi32, #tpu.memory_space<hbm>>
    %dma_start3A_435 = tpu.memref_slice %arg26[%dma_start3A_433] : memref<2x!tpu.dma_semaphore, #tpu.memory_space<semaphore_mem>> -> memref<1x!tpu.dma_semaphore, #tpu.memory_space<semaphore_mem>>
    %dma_start3A_436 = tpu.memref_squeeze %dma_start3A_435 : memref<1x!tpu.dma_semaphore, #tpu.memory_space<semaphore_mem>> -> memref<!tpu.dma_semaphore, #tpu.memory_space<semaphore_mem>>
    %dma_start3A_437 = tpu.memref_slice %arg5[%add3A_417] : memref<640000xi32, #tpu.memory_space<hbm>> -> memref<2000xi32, #tpu.memory_space<hbm>>
    tpu.enqueue_dma source(%dma_start3A_437 : memref<2000xi32, #tpu.memory_space<hbm>>) target(%arg16 : memref<2000xi32, #tpu.memory_space<vmem>>) target_semaphore(%dma_start3A_436 : memref<!tpu.dma_semaphore, #tpu.memory_space<semaphore_mem>>)
    %dma_start3A_438 = arith.constant 0 : i32
    %dma_start3A_439 = tpu.memref_slice %arg6[%add3A_417] : memref<640000xi32, #tpu.memory_space<hbm>> -> memref<2000xi32, #tpu.memory_space<hbm>>
    %dma_start3A_440 = tpu.memref_slice %arg26[%dma_start3A_438] : memref<2x!tpu.dma_semaphore, #tpu.memory_space<semaphore_mem>> -> memref<1x!tpu.dma_semaphore, #tpu.memory_space<semaphore_mem>>
    %dma_start3A_441 = tpu.memref_squeeze %dma_start3A_440 : memref<1x!tpu.dma_semaphore, #tpu.memory_space<semaphore_mem>> -> memref<!tpu.dma_semaphore, #tpu.memory_space<semaphore_mem>>
    %dma_start3A_442 = tpu.memref_slice %arg6[%add3A_417] : memref<640000xi32, #tpu.memory_space<hbm>> -> memref<2000xi32, #tpu.memory_space<hbm>>
    tpu.enqueue_dma source(%dma_start3A_442 : memref<2000xi32, #tpu.memory_space<hbm>>) target(%arg17 : memref<2000xi32, #tpu.memory_space<vmem>>) target_semaphore(%dma_start3A_441 : memref<!tpu.dma_semaphore, #tpu.memory_space<semaphore_mem>>)
    %dma_wait3A_443 = arith.constant 1 : i32
    %dma_wait3A_444 = tpu.memref_slice %arg2[%add3A_362] : memref<640000xf32, #tpu.memory_space<hbm>> -> memref<2000xf32, #tpu.memory_space<hbm>>
    %dma_wait3A_445 = tpu.memref_slice %arg26[%dma_wait3A_443] : memref<2x!tpu.dma_semaphore, #tpu.memory_space<semaphore_mem>> -> memref<1x!tpu.dma_semaphore, #tpu.memory_space<semaphore_mem>>
    %dma_wait3A_446 = tpu.memref_squeeze %dma_wait3A_445 : memref<1x!tpu.dma_semaphore, #tpu.memory_space<semaphore_mem>> -> memref<!tpu.dma_semaphore, #tpu.memory_space<semaphore_mem>>
    %dma_wait3A_447 = tpu.memref_slice %arg2[%add3A_362] : memref<640000xf32, #tpu.memory_space<hbm>> -> memref<2000xf32, #tpu.memory_space<hbm>>
    tpu.wait_dma2 semaphore(%dma_wait3A_446 : memref<!tpu.dma_semaphore, #tpu.memory_space<semaphore_mem>>) src(%dma_wait3A_447 : memref<2000xf32, #tpu.memory_space<hbm>>) dst(%arg18 : memref<2000xf32, #tpu.memory_space<vmem>>)
    %dma_wait3A_448 = arith.constant 1 : i32
    %dma_wait3A_449 = tpu.memref_slice %arg3[%add3A_362] : memref<640000xf32, #tpu.memory_space<hbm>> -> memref<2000xf32, #tpu.memory_space<hbm>>
    %dma_wait3A_450 = tpu.memref_slice %arg26[%dma_wait3A_448] : memref<2x!tpu.dma_semaphore, #tpu.memory_space<semaphore_mem>> -> memref<1x!tpu.dma_semaphore, #tpu.memory_space<semaphore_mem>>
    %dma_wait3A_451 = tpu.memref_squeeze %dma_wait3A_450 : memref<1x!tpu.dma_semaphore, #tpu.memory_space<semaphore_mem>> -> memref<!tpu.dma_semaphore, #tpu.memory_space<semaphore_mem>>
    %dma_wait3A_452 = tpu.memref_slice %arg3[%add3A_362] : memref<640000xf32, #tpu.memory_space<hbm>> -> memref<2000xf32, #tpu.memory_space<hbm>>
    tpu.wait_dma2 semaphore(%dma_wait3A_451 : memref<!tpu.dma_semaphore, #tpu.memory_space<semaphore_mem>>) src(%dma_wait3A_452 : memref<2000xf32, #tpu.memory_space<hbm>>) dst(%arg19 : memref<2000xf32, #tpu.memory_space<vmem>>)
    %dma_wait3A_453 = arith.constant 1 : i32
    %dma_wait3A_454 = tpu.memref_slice %arg4[%add3A_362] : memref<640000xf32, #tpu.memory_space<hbm>> -> memref<2000xf32, #tpu.memory_space<hbm>>
    %dma_wait3A_455 = tpu.memref_slice %arg26[%dma_wait3A_453] : memref<2x!tpu.dma_semaphore, #tpu.memory_space<semaphore_mem>> -> memref<1x!tpu.dma_semaphore, #tpu.memory_space<semaphore_mem>>
    %dma_wait3A_456 = tpu.memref_squeeze %dma_wait3A_455 : memref<1x!tpu.dma_semaphore, #tpu.memory_space<semaphore_mem>> -> memref<!tpu.dma_semaphore, #tpu.memory_space<semaphore_mem>>
    %dma_wait3A_457 = tpu.memref_slice %arg4[%add3A_362] : memref<640000xf32, #tpu.memory_space<hbm>> -> memref<2000xf32, #tpu.memory_space<hbm>>
    tpu.wait_dma2 semaphore(%dma_wait3A_456 : memref<!tpu.dma_semaphore, #tpu.memory_space<semaphore_mem>>) src(%dma_wait3A_457 : memref<2000xf32, #tpu.memory_space<hbm>>) dst(%arg20 : memref<2000xf32, #tpu.memory_space<vmem>>)
    %dma_wait3A_458 = arith.constant 1 : i32
    %dma_wait3A_459 = tpu.memref_slice %arg5[%add3A_362] : memref<640000xi32, #tpu.memory_space<hbm>> -> memref<2000xi32, #tpu.memory_space<hbm>>
    %dma_wait3A_460 = tpu.memref_slice %arg26[%dma_wait3A_458] : memref<2x!tpu.dma_semaphore, #tpu.memory_space<semaphore_mem>> -> memref<1x!tpu.dma_semaphore, #tpu.memory_space<semaphore_mem>>
    %dma_wait3A_461 = tpu.memref_squeeze %dma_wait3A_460 : memref<1x!tpu.dma_semaphore, #tpu.memory_space<semaphore_mem>> -> memref<!tpu.dma_semaphore, #tpu.memory_space<semaphore_mem>>
    %dma_wait3A_462 = tpu.memref_slice %arg5[%add3A_362] : memref<640000xi32, #tpu.memory_space<hbm>> -> memref<2000xi32, #tpu.memory_space<hbm>>
    tpu.wait_dma2 semaphore(%dma_wait3A_461 : memref<!tpu.dma_semaphore, #tpu.memory_space<semaphore_mem>>) src(%dma_wait3A_462 : memref<2000xi32, #tpu.memory_space<hbm>>) dst(%arg21 : memref<2000xi32, #tpu.memory_space<vmem>>)
    %dma_wait3A_463 = arith.constant 1 : i32
    %dma_wait3A_464 = tpu.memref_slice %arg6[%add3A_362] : memref<640000xi32, #tpu.memory_space<hbm>> -> memref<2000xi32, #tpu.memory_space<hbm>>
    %dma_wait3A_465 = tpu.memref_slice %arg26[%dma_wait3A_463] : memref<2x!tpu.dma_semaphore, #tpu.memory_space<semaphore_mem>> -> memref<1x!tpu.dma_semaphore, #tpu.memory_space<semaphore_mem>>
    %dma_wait3A_466 = tpu.memref_squeeze %dma_wait3A_465 : memref<1x!tpu.dma_semaphore, #tpu.memory_space<semaphore_mem>> -> memref<!tpu.dma_semaphore, #tpu.memory_space<semaphore_mem>>
    %dma_wait3A_467 = tpu.memref_slice %arg6[%add3A_362] : memref<640000xi32, #tpu.memory_space<hbm>> -> memref<2000xi32, #tpu.memory_space<hbm>>
    tpu.wait_dma2 semaphore(%dma_wait3A_466 : memref<!tpu.dma_semaphore, #tpu.memory_space<semaphore_mem>>) src(%dma_wait3A_467 : memref<2000xi32, #tpu.memory_space<hbm>>) dst(%arg22 : memref<2000xi32, #tpu.memory_space<vmem>>)
    %parallel_loop3A_468 = arith.constant 0 : i32
    %parallel_loop3A_469 = arith.constant 125 : i32
    %parallel_loop3A_470 = arith.constant 1 : i32
    scf.for %parallel_loop3A_561 = %parallel_loop3A_468 to %parallel_loop3A_469 step %parallel_loop3A_470  : i32 {
      %parallel_loop3A_562 = arith.constant 16 : i32
      %parallel_loop3A_563 = arith.muli %parallel_loop3A_561, %parallel_loop3A_562 : i32
      %parallel_loop3A_564 = arith.index_cast %parallel_loop3A_563 : i32 to index
      %parallel_loop3A_565 = tpu.vector_load %arg21[%parallel_loop3A_564] {strides = array<i32>} : memref<2000xi32, #tpu.memory_space<vmem>>, vector<16xi32>,
      %parallel_loop3A_566 = arith.index_cast %parallel_loop3A_563 : i32 to index
      %parallel_loop3A_567 = tpu.vector_load %arg22[%parallel_loop3A_566] {strides = array<i32>} : memref<2000xi32, #tpu.memory_space<vmem>>, vector<16xi32>,
      %parallel_loop3A_568 = arith.index_cast %parallel_loop3A_563 : i32 to index
      %parallel_loop3A_569 = tpu.vector_load %arg18[%parallel_loop3A_568] {strides = array<i32>} : memref<2000xf32, #tpu.memory_space<vmem>>, vector<16xf32>,
      %parallel_loop3A_570 = arith.index_cast %parallel_loop3A_563 : i32 to index
      %parallel_loop3A_571 = tpu.vector_load %arg19[%parallel_loop3A_570] {strides = array<i32>} : memref<2000xf32, #tpu.memory_space<vmem>>, vector<16xf32>,
      %parallel_loop3A_572 = arith.index_cast %parallel_loop3A_563 : i32 to index
      %parallel_loop3A_573 = tpu.vector_load %arg20[%parallel_loop3A_572] {strides = array<i32>} : memref<2000xf32, #tpu.memory_space<vmem>>, vector<16xf32>,
      %parallel_loop3A_574 = tpu.vector_load_idx %arg10[%parallel_loop3A_565] : memref<10000xi32, #tpu.memory_space<vmem>>[vector<16xi32>], vector<16xi32>,
      %parallel_loop3A_575 = tpu.vector_load_idx %arg10[%parallel_loop3A_567] : memref<10000xi32, #tpu.memory_space<vmem>>[vector<16xi32>], vector<16xi32>,
      %parallel_loop3A_576 = arith.constant 2 : i32
      %parallel_loop3A_577 = vector.broadcast %parallel_loop3A_576 : i32 to vector<16xi32>
      %parallel_loop3A_578 = arith.muli %parallel_loop3A_574, %parallel_loop3A_577 : vector<16xi32>
      %parallel_loop3A_579 = arith.addi %parallel_loop3A_578, %parallel_loop3A_575 : vector<16xi32>
      %parallel_loop3A_580 = tpu.vector_load_idx %arg12[%parallel_loop3A_579] : memref<24xf32, #tpu.memory_space<vmem>>[vector<16xi32>], vector<16xf32>,
      %parallel_loop3A_581 = arith.constant 8 : i32
      %parallel_loop3A_582 = vector.broadcast %parallel_loop3A_581 : i32 to vector<16xi32>
      %parallel_loop3A_583 = arith.addi %parallel_loop3A_579, %parallel_loop3A_582 : vector<16xi32>
      %parallel_loop3A_584 = tpu.vector_load_idx %arg12[%parallel_loop3A_583] : memref<24xf32, #tpu.memory_space<vmem>>[vector<16xi32>], vector<16xf32>,
      %parallel_loop3A_585 = arith.constant 16 : i32
      %parallel_loop3A_586 = vector.broadcast %parallel_loop3A_585 : i32 to vector<16xi32>
      %parallel_loop3A_587 = arith.addi %parallel_loop3A_579, %parallel_loop3A_586 : vector<16xi32>
      %parallel_loop3A_588 = tpu.vector_load_idx %arg12[%parallel_loop3A_587] : memref<24xf32, #tpu.memory_space<vmem>>[vector<16xi32>], vector<16xf32>,
      %parallel_loop3A_589 = arith.mulf %parallel_loop3A_569, %parallel_loop3A_569 : vector<16xf32>
      %parallel_loop3A_590 = arith.mulf %parallel_loop3A_571, %parallel_loop3A_571 : vector<16xf32>
      %parallel_loop3A_591 = arith.addf %parallel_loop3A_589, %parallel_loop3A_590 : vector<16xf32>
      %parallel_loop3A_592 = arith.mulf %parallel_loop3A_573, %parallel_loop3A_573 : vector<16xf32>
      %parallel_loop3A_593 = arith.addf %parallel_loop3A_591, %parallel_loop3A_592 : vector<16xf32>
      %parallel_loop3A_594 = arith.mulf %parallel_loop3A_593, %parallel_loop3A_593 : vector<16xf32>
      %parallel_loop3A_595 = arith.mulf %parallel_loop3A_594, %parallel_loop3A_593 : vector<16xf32>
      %parallel_loop3A_596 = arith.divf %parallel_loop3A_580, %parallel_loop3A_595 : vector<16xf32>
      %parallel_loop3A_597 = arith.mulf %parallel_loop3A_596, %parallel_loop3A_596 : vector<16xf32>
      %parallel_loop3A_598 = arith.subf %parallel_loop3A_597, %parallel_loop3A_596 : vector<16xf32>
      %parallel_loop3A_599 = arith.mulf %parallel_loop3A_584, %parallel_loop3A_598 : vector<16xf32>
      %parallel_loop3A_600 = arith.subf %parallel_loop3A_599, %parallel_loop3A_588 : vector<16xf32>
      tpu.vector_store_idx %arg11[%parallel_loop3A_565], %parallel_loop3A_600 {add = true} : memref<10240xf32, #tpu.memory_space<vmem>>[vector<16xi32>], vector<16xf32>,
      tpu.vector_store_idx %arg11[%parallel_loop3A_567], %parallel_loop3A_600 {add = true} : memref<10240xf32, #tpu.memory_space<vmem>>[vector<16xi32>], vector<16xf32>,
    } {sc.loop_unroll_factor = 5 : i64, sc.parallel_access}
    %add3A_471 = arith.constant 18000 : i32
    %add3A_472 = arith.addi %mul3A_2, %add3A_471 : i32
    %dma_start3A_473 = arith.constant 1 : i32
    %dma_start3A_474 = tpu.memref_slice %arg2[%add3A_472] : memref<640000xf32, #tpu.memory_space<hbm>> -> memref<2000xf32, #tpu.memory_space<hbm>>
    %dma_start3A_475 = tpu.memref_slice %arg26[%dma_start3A_473] : memref<2x!tpu.dma_semaphore, #tpu.memory_space<semaphore_mem>> -> memref<1x!tpu.dma_semaphore, #tpu.memory_space<semaphore_mem>>
    %dma_start3A_476 = tpu.memref_squeeze %dma_start3A_475 : memref<1x!tpu.dma_semaphore, #tpu.memory_space<semaphore_mem>> -> memref<!tpu.dma_semaphore, #tpu.memory_space<semaphore_mem>>
    %dma_start3A_477 = tpu.memref_slice %arg2[%add3A_472] : memref<640000xf32, #tpu.memory_space<hbm>> -> memref<2000xf32, #tpu.memory_space<hbm>>
    tpu.enqueue_dma source(%dma_start3A_477 : memref<2000xf32, #tpu.memory_space<hbm>>) target(%arg18 : memref<2000xf32, #tpu.memory_space<vmem>>) target_semaphore(%dma_start3A_476 : memref<!tpu.dma_semaphore, #tpu.memory_space<semaphore_mem>>)
    %dma_start3A_478 = arith.constant 1 : i32
    %dma_start3A_479 = tpu.memref_slice %arg3[%add3A_472] : memref<640000xf32, #tpu.memory_space<hbm>> -> memref<2000xf32, #tpu.memory_space<hbm>>
    %dma_start3A_480 = tpu.memref_slice %arg26[%dma_start3A_478] : memref<2x!tpu.dma_semaphore, #tpu.memory_space<semaphore_mem>> -> memref<1x!tpu.dma_semaphore, #tpu.memory_space<semaphore_mem>>
    %dma_start3A_481 = tpu.memref_squeeze %dma_start3A_480 : memref<1x!tpu.dma_semaphore, #tpu.memory_space<semaphore_mem>> -> memref<!tpu.dma_semaphore, #tpu.memory_space<semaphore_mem>>
    %dma_start3A_482 = tpu.memref_slice %arg3[%add3A_472] : memref<640000xf32, #tpu.memory_space<hbm>> -> memref<2000xf32, #tpu.memory_space<hbm>>
    tpu.enqueue_dma source(%dma_start3A_482 : memref<2000xf32, #tpu.memory_space<hbm>>) target(%arg19 : memref<2000xf32, #tpu.memory_space<vmem>>) target_semaphore(%dma_start3A_481 : memref<!tpu.dma_semaphore, #tpu.memory_space<semaphore_mem>>)
    %dma_start3A_483 = arith.constant 1 : i32
    %dma_start3A_484 = tpu.memref_slice %arg4[%add3A_472] : memref<640000xf32, #tpu.memory_space<hbm>> -> memref<2000xf32, #tpu.memory_space<hbm>>
    %dma_start3A_485 = tpu.memref_slice %arg26[%dma_start3A_483] : memref<2x!tpu.dma_semaphore, #tpu.memory_space<semaphore_mem>> -> memref<1x!tpu.dma_semaphore, #tpu.memory_space<semaphore_mem>>
    %dma_start3A_486 = tpu.memref_squeeze %dma_start3A_485 : memref<1x!tpu.dma_semaphore, #tpu.memory_space<semaphore_mem>> -> memref<!tpu.dma_semaphore, #tpu.memory_space<semaphore_mem>>
    %dma_start3A_487 = tpu.memref_slice %arg4[%add3A_472] : memref<640000xf32, #tpu.memory_space<hbm>> -> memref<2000xf32, #tpu.memory_space<hbm>>
    tpu.enqueue_dma source(%dma_start3A_487 : memref<2000xf32, #tpu.memory_space<hbm>>) target(%arg20 : memref<2000xf32, #tpu.memory_space<vmem>>) target_semaphore(%dma_start3A_486 : memref<!tpu.dma_semaphore, #tpu.memory_space<semaphore_mem>>)
    %dma_start3A_488 = arith.constant 1 : i32
    %dma_start3A_489 = tpu.memref_slice %arg5[%add3A_472] : memref<640000xi32, #tpu.memory_space<hbm>> -> memref<2000xi32, #tpu.memory_space<hbm>>
    %dma_start3A_490 = tpu.memref_slice %arg26[%dma_start3A_488] : memref<2x!tpu.dma_semaphore, #tpu.memory_space<semaphore_mem>> -> memref<1x!tpu.dma_semaphore, #tpu.memory_space<semaphore_mem>>
    %dma_start3A_491 = tpu.memref_squeeze %dma_start3A_490 : memref<1x!tpu.dma_semaphore, #tpu.memory_space<semaphore_mem>> -> memref<!tpu.dma_semaphore, #tpu.memory_space<semaphore_mem>>
    %dma_start3A_492 = tpu.memref_slice %arg5[%add3A_472] : memref<640000xi32, #tpu.memory_space<hbm>> -> memref<2000xi32, #tpu.memory_space<hbm>>
    tpu.enqueue_dma source(%dma_start3A_492 : memref<2000xi32, #tpu.memory_space<hbm>>) target(%arg21 : memref<2000xi32, #tpu.memory_space<vmem>>) target_semaphore(%dma_start3A_491 : memref<!tpu.dma_semaphore, #tpu.memory_space<semaphore_mem>>)
    %dma_start3A_493 = arith.constant 1 : i32
    %dma_start3A_494 = tpu.memref_slice %arg6[%add3A_472] : memref<640000xi32, #tpu.memory_space<hbm>> -> memref<2000xi32, #tpu.memory_space<hbm>>
    %dma_start3A_495 = tpu.memref_slice %arg26[%dma_start3A_493] : memref<2x!tpu.dma_semaphore, #tpu.memory_space<semaphore_mem>> -> memref<1x!tpu.dma_semaphore, #tpu.memory_space<semaphore_mem>>
    %dma_start3A_496 = tpu.memref_squeeze %dma_start3A_495 : memref<1x!tpu.dma_semaphore, #tpu.memory_space<semaphore_mem>> -> memref<!tpu.dma_semaphore, #tpu.memory_space<semaphore_mem>>
    %dma_start3A_497 = tpu.memref_slice %arg6[%add3A_472] : memref<640000xi32, #tpu.memory_space<hbm>> -> memref<2000xi32, #tpu.memory_space<hbm>>
    tpu.enqueue_dma source(%dma_start3A_497 : memref<2000xi32, #tpu.memory_space<hbm>>) target(%arg22 : memref<2000xi32, #tpu.memory_space<vmem>>) target_semaphore(%dma_start3A_496 : memref<!tpu.dma_semaphore, #tpu.memory_space<semaphore_mem>>)
    %dma_wait3A_498 = arith.constant 0 : i32
    %dma_wait3A_499 = tpu.memref_slice %arg2[%add3A_417] : memref<640000xf32, #tpu.memory_space<hbm>> -> memref<2000xf32, #tpu.memory_space<hbm>>
    %dma_wait3A_500 = tpu.memref_slice %arg26[%dma_wait3A_498] : memref<2x!tpu.dma_semaphore, #tpu.memory_space<semaphore_mem>> -> memref<1x!tpu.dma_semaphore, #tpu.memory_space<semaphore_mem>>
    %dma_wait3A_501 = tpu.memref_squeeze %dma_wait3A_500 : memref<1x!tpu.dma_semaphore, #tpu.memory_space<semaphore_mem>> -> memref<!tpu.dma_semaphore, #tpu.memory_space<semaphore_mem>>
    %dma_wait3A_502 = tpu.memref_slice %arg2[%add3A_417] : memref<640000xf32, #tpu.memory_space<hbm>> -> memref<2000xf32, #tpu.memory_space<hbm>>
    tpu.wait_dma2 semaphore(%dma_wait3A_501 : memref<!tpu.dma_semaphore, #tpu.memory_space<semaphore_mem>>) src(%dma_wait3A_502 : memref<2000xf32, #tpu.memory_space<hbm>>) dst(%arg13 : memref<2000xf32, #tpu.memory_space<vmem>>)
    %dma_wait3A_503 = arith.constant 0 : i32
    %dma_wait3A_504 = tpu.memref_slice %arg3[%add3A_417] : memref<640000xf32, #tpu.memory_space<hbm>> -> memref<2000xf32, #tpu.memory_space<hbm>>
    %dma_wait3A_505 = tpu.memref_slice %arg26[%dma_wait3A_503] : memref<2x!tpu.dma_semaphore, #tpu.memory_space<semaphore_mem>> -> memref<1x!tpu.dma_semaphore, #tpu.memory_space<semaphore_mem>>
    %dma_wait3A_506 = tpu.memref_squeeze %dma_wait3A_505 : memref<1x!tpu.dma_semaphore, #tpu.memory_space<semaphore_mem>> -> memref<!tpu.dma_semaphore, #tpu.memory_space<semaphore_mem>>
    %dma_wait3A_507 = tpu.memref_slice %arg3[%add3A_417] : memref<640000xf32, #tpu.memory_space<hbm>> -> memref<2000xf32, #tpu.memory_space<hbm>>
    tpu.wait_dma2 semaphore(%dma_wait3A_506 : memref<!tpu.dma_semaphore, #tpu.memory_space<semaphore_mem>>) src(%dma_wait3A_507 : memref<2000xf32, #tpu.memory_space<hbm>>) dst(%arg14 : memref<2000xf32, #tpu.memory_space<vmem>>)
    %dma_wait3A_508 = arith.constant 0 : i32
    %dma_wait3A_509 = tpu.memref_slice %arg4[%add3A_417] : memref<640000xf32, #tpu.memory_space<hbm>> -> memref<2000xf32, #tpu.memory_space<hbm>>
    %dma_wait3A_510 = tpu.memref_slice %arg26[%dma_wait3A_508] : memref<2x!tpu.dma_semaphore, #tpu.memory_space<semaphore_mem>> -> memref<1x!tpu.dma_semaphore, #tpu.memory_space<semaphore_mem>>
    %dma_wait3A_511 = tpu.memref_squeeze %dma_wait3A_510 : memref<1x!tpu.dma_semaphore, #tpu.memory_space<semaphore_mem>> -> memref<!tpu.dma_semaphore, #tpu.memory_space<semaphore_mem>>
    %dma_wait3A_512 = tpu.memref_slice %arg4[%add3A_417] : memref<640000xf32, #tpu.memory_space<hbm>> -> memref<2000xf32, #tpu.memory_space<hbm>>
    tpu.wait_dma2 semaphore(%dma_wait3A_511 : memref<!tpu.dma_semaphore, #tpu.memory_space<semaphore_mem>>) src(%dma_wait3A_512 : memref<2000xf32, #tpu.memory_space<hbm>>) dst(%arg15 : memref<2000xf32, #tpu.memory_space<vmem>>)
    %dma_wait3A_513 = arith.constant 0 : i32
    %dma_wait3A_514 = tpu.memref_slice %arg5[%add3A_417] : memref<640000xi32, #tpu.memory_space<hbm>> -> memref<2000xi32, #tpu.memory_space<hbm>>
    %dma_wait3A_515 = tpu.memref_slice %arg26[%dma_wait3A_513] : memref<2x!tpu.dma_semaphore, #tpu.memory_space<semaphore_mem>> -> memref<1x!tpu.dma_semaphore, #tpu.memory_space<semaphore_mem>>
    %dma_wait3A_516 = tpu.memref_squeeze %dma_wait3A_515 : memref<1x!tpu.dma_semaphore, #tpu.memory_space<semaphore_mem>> -> memref<!tpu.dma_semaphore, #tpu.memory_space<semaphore_mem>>
    %dma_wait3A_517 = tpu.memref_slice %arg5[%add3A_417] : memref<640000xi32, #tpu.memory_space<hbm>> -> memref<2000xi32, #tpu.memory_space<hbm>>
    tpu.wait_dma2 semaphore(%dma_wait3A_516 : memref<!tpu.dma_semaphore, #tpu.memory_space<semaphore_mem>>) src(%dma_wait3A_517 : memref<2000xi32, #tpu.memory_space<hbm>>) dst(%arg16 : memref<2000xi32, #tpu.memory_space<vmem>>)
    %dma_wait3A_518 = arith.constant 0 : i32
    %dma_wait3A_519 = tpu.memref_slice %arg6[%add3A_417] : memref<640000xi32, #tpu.memory_space<hbm>> -> memref<2000xi32, #tpu.memory_space<hbm>>
    %dma_wait3A_520 = tpu.memref_slice %arg26[%dma_wait3A_518] : memref<2x!tpu.dma_semaphore, #tpu.memory_space<semaphore_mem>> -> memref<1x!tpu.dma_semaphore, #tpu.memory_space<semaphore_mem>>
    %dma_wait3A_521 = tpu.memref_squeeze %dma_wait3A_520 : memref<1x!tpu.dma_semaphore, #tpu.memory_space<semaphore_mem>> -> memref<!tpu.dma_semaphore, #tpu.memory_space<semaphore_mem>>
    %dma_wait3A_522 = tpu.memref_slice %arg6[%add3A_417] : memref<640000xi32, #tpu.memory_space<hbm>> -> memref<2000xi32, #tpu.memory_space<hbm>>
    tpu.wait_dma2 semaphore(%dma_wait3A_521 : memref<!tpu.dma_semaphore, #tpu.memory_space<semaphore_mem>>) src(%dma_wait3A_522 : memref<2000xi32, #tpu.memory_space<hbm>>) dst(%arg17 : memref<2000xi32, #tpu.memory_space<vmem>>)
    %parallel_loop3A_523 = arith.constant 0 : i32
    %parallel_loop3A_524 = arith.constant 125 : i32
    %parallel_loop3A_525 = arith.constant 1 : i32
    scf.for %parallel_loop3A_561 = %parallel_loop3A_523 to %parallel_loop3A_524 step %parallel_loop3A_525  : i32 {
      %parallel_loop3A_562 = arith.constant 16 : i32
      %parallel_loop3A_563 = arith.muli %parallel_loop3A_561, %parallel_loop3A_562 : i32
      %parallel_loop3A_564 = arith.index_cast %parallel_loop3A_563 : i32 to index
      %parallel_loop3A_565 = tpu.vector_load %arg16[%parallel_loop3A_564] {strides = array<i32>} : memref<2000xi32, #tpu.memory_space<vmem>>, vector<16xi32>,
      %parallel_loop3A_566 = arith.index_cast %parallel_loop3A_563 : i32 to index
      %parallel_loop3A_567 = tpu.vector_load %arg17[%parallel_loop3A_566] {strides = array<i32>} : memref<2000xi32, #tpu.memory_space<vmem>>, vector<16xi32>,
      %parallel_loop3A_568 = arith.index_cast %parallel_loop3A_563 : i32 to index
      %parallel_loop3A_569 = tpu.vector_load %arg13[%parallel_loop3A_568] {strides = array<i32>} : memref<2000xf32, #tpu.memory_space<vmem>>, vector<16xf32>,
      %parallel_loop3A_570 = arith.index_cast %parallel_loop3A_563 : i32 to index
      %parallel_loop3A_571 = tpu.vector_load %arg14[%parallel_loop3A_570] {strides = array<i32>} : memref<2000xf32, #tpu.memory_space<vmem>>, vector<16xf32>,
      %parallel_loop3A_572 = arith.index_cast %parallel_loop3A_563 : i32 to index
      %parallel_loop3A_573 = tpu.vector_load %arg15[%parallel_loop3A_572] {strides = array<i32>} : memref<2000xf32, #tpu.memory_space<vmem>>, vector<16xf32>,
      %parallel_loop3A_574 = tpu.vector_load_idx %arg10[%parallel_loop3A_565] : memref<10000xi32, #tpu.memory_space<vmem>>[vector<16xi32>], vector<16xi32>,
      %parallel_loop3A_575 = tpu.vector_load_idx %arg10[%parallel_loop3A_567] : memref<10000xi32, #tpu.memory_space<vmem>>[vector<16xi32>], vector<16xi32>,
      %parallel_loop3A_576 = arith.constant 2 : i32
      %parallel_loop3A_577 = vector.broadcast %parallel_loop3A_576 : i32 to vector<16xi32>
      %parallel_loop3A_578 = arith.muli %parallel_loop3A_574, %parallel_loop3A_577 : vector<16xi32>
      %parallel_loop3A_579 = arith.addi %parallel_loop3A_578, %parallel_loop3A_575 : vector<16xi32>
      %parallel_loop3A_580 = tpu.vector_load_idx %arg12[%parallel_loop3A_579] : memref<24xf32, #tpu.memory_space<vmem>>[vector<16xi32>], vector<16xf32>,
      %parallel_loop3A_581 = arith.constant 8 : i32
      %parallel_loop3A_582 = vector.broadcast %parallel_loop3A_581 : i32 to vector<16xi32>
      %parallel_loop3A_583 = arith.addi %parallel_loop3A_579, %parallel_loop3A_582 : vector<16xi32>
      %parallel_loop3A_584 = tpu.vector_load_idx %arg12[%parallel_loop3A_583] : memref<24xf32, #tpu.memory_space<vmem>>[vector<16xi32>], vector<16xf32>,
      %parallel_loop3A_585 = arith.constant 16 : i32
      %parallel_loop3A_586 = vector.broadcast %parallel_loop3A_585 : i32 to vector<16xi32>
      %parallel_loop3A_587 = arith.addi %parallel_loop3A_579, %parallel_loop3A_586 : vector<16xi32>
      %parallel_loop3A_588 = tpu.vector_load_idx %arg12[%parallel_loop3A_587] : memref<24xf32, #tpu.memory_space<vmem>>[vector<16xi32>], vector<16xf32>,
      %parallel_loop3A_589 = arith.mulf %parallel_loop3A_569, %parallel_loop3A_569 : vector<16xf32>
      %parallel_loop3A_590 = arith.mulf %parallel_loop3A_571, %parallel_loop3A_571 : vector<16xf32>
      %parallel_loop3A_591 = arith.addf %parallel_loop3A_589, %parallel_loop3A_590 : vector<16xf32>
      %parallel_loop3A_592 = arith.mulf %parallel_loop3A_573, %parallel_loop3A_573 : vector<16xf32>
      %parallel_loop3A_593 = arith.addf %parallel_loop3A_591, %parallel_loop3A_592 : vector<16xf32>
      %parallel_loop3A_594 = arith.mulf %parallel_loop3A_593, %parallel_loop3A_593 : vector<16xf32>
      %parallel_loop3A_595 = arith.mulf %parallel_loop3A_594, %parallel_loop3A_593 : vector<16xf32>
      %parallel_loop3A_596 = arith.divf %parallel_loop3A_580, %parallel_loop3A_595 : vector<16xf32>
      %parallel_loop3A_597 = arith.mulf %parallel_loop3A_596, %parallel_loop3A_596 : vector<16xf32>
      %parallel_loop3A_598 = arith.subf %parallel_loop3A_597, %parallel_loop3A_596 : vector<16xf32>
      %parallel_loop3A_599 = arith.mulf %parallel_loop3A_584, %parallel_loop3A_598 : vector<16xf32>
      %parallel_loop3A_600 = arith.subf %parallel_loop3A_599, %parallel_loop3A_588 : vector<16xf32>
      tpu.vector_store_idx %arg11[%parallel_loop3A_565], %parallel_loop3A_600 {add = true} : memref<10240xf32, #tpu.memory_space<vmem>>[vector<16xi32>], vector<16xf32>,
      tpu.vector_store_idx %arg11[%parallel_loop3A_567], %parallel_loop3A_600 {add = true} : memref<10240xf32, #tpu.memory_space<vmem>>[vector<16xi32>], vector<16xf32>,
    } {sc.loop_unroll_factor = 5 : i64, sc.parallel_access}
    %dma_wait3A_526 = arith.constant 1 : i32
    %dma_wait3A_527 = tpu.memref_slice %arg2[%add3A_472] : memref<640000xf32, #tpu.memory_space<hbm>> -> memref<2000xf32, #tpu.memory_space<hbm>>
    %dma_wait3A_528 = tpu.memref_slice %arg26[%dma_wait3A_526] : memref<2x!tpu.dma_semaphore, #tpu.memory_space<semaphore_mem>> -> memref<1x!tpu.dma_semaphore, #tpu.memory_space<semaphore_mem>>
    %dma_wait3A_529 = tpu.memref_squeeze %dma_wait3A_528 : memref<1x!tpu.dma_semaphore, #tpu.memory_space<semaphore_mem>> -> memref<!tpu.dma_semaphore, #tpu.memory_space<semaphore_mem>>
    %dma_wait3A_530 = tpu.memref_slice %arg2[%add3A_472] : memref<640000xf32, #tpu.memory_space<hbm>> -> memref<2000xf32, #tpu.memory_space<hbm>>
    tpu.wait_dma2 semaphore(%dma_wait3A_529 : memref<!tpu.dma_semaphore, #tpu.memory_space<semaphore_mem>>) src(%dma_wait3A_530 : memref<2000xf32, #tpu.memory_space<hbm>>) dst(%arg18 : memref<2000xf32, #tpu.memory_space<vmem>>)
    %dma_wait3A_531 = arith.constant 1 : i32
    %dma_wait3A_532 = tpu.memref_slice %arg3[%add3A_472] : memref<640000xf32, #tpu.memory_space<hbm>> -> memref<2000xf32, #tpu.memory_space<hbm>>
    %dma_wait3A_533 = tpu.memref_slice %arg26[%dma_wait3A_531] : memref<2x!tpu.dma_semaphore, #tpu.memory_space<semaphore_mem>> -> memref<1x!tpu.dma_semaphore, #tpu.memory_space<semaphore_mem>>
    %dma_wait3A_534 = tpu.memref_squeeze %dma_wait3A_533 : memref<1x!tpu.dma_semaphore, #tpu.memory_space<semaphore_mem>> -> memref<!tpu.dma_semaphore, #tpu.memory_space<semaphore_mem>>
    %dma_wait3A_535 = tpu.memref_slice %arg3[%add3A_472] : memref<640000xf32, #tpu.memory_space<hbm>> -> memref<2000xf32, #tpu.memory_space<hbm>>
    tpu.wait_dma2 semaphore(%dma_wait3A_534 : memref<!tpu.dma_semaphore, #tpu.memory_space<semaphore_mem>>) src(%dma_wait3A_535 : memref<2000xf32, #tpu.memory_space<hbm>>) dst(%arg19 : memref<2000xf32, #tpu.memory_space<vmem>>)
    %dma_wait3A_536 = arith.constant 1 : i32
    %dma_wait3A_537 = tpu.memref_slice %arg4[%add3A_472] : memref<640000xf32, #tpu.memory_space<hbm>> -> memref<2000xf32, #tpu.memory_space<hbm>>
    %dma_wait3A_538 = tpu.memref_slice %arg26[%dma_wait3A_536] : memref<2x!tpu.dma_semaphore, #tpu.memory_space<semaphore_mem>> -> memref<1x!tpu.dma_semaphore, #tpu.memory_space<semaphore_mem>>
    %dma_wait3A_539 = tpu.memref_squeeze %dma_wait3A_538 : memref<1x!tpu.dma_semaphore, #tpu.memory_space<semaphore_mem>> -> memref<!tpu.dma_semaphore, #tpu.memory_space<semaphore_mem>>
    %dma_wait3A_540 = tpu.memref_slice %arg4[%add3A_472] : memref<640000xf32, #tpu.memory_space<hbm>> -> memref<2000xf32, #tpu.memory_space<hbm>>
    tpu.wait_dma2 semaphore(%dma_wait3A_539 : memref<!tpu.dma_semaphore, #tpu.memory_space<semaphore_mem>>) src(%dma_wait3A_540 : memref<2000xf32, #tpu.memory_space<hbm>>) dst(%arg20 : memref<2000xf32, #tpu.memory_space<vmem>>)
    %dma_wait3A_541 = arith.constant 1 : i32
    %dma_wait3A_542 = tpu.memref_slice %arg5[%add3A_472] : memref<640000xi32, #tpu.memory_space<hbm>> -> memref<2000xi32, #tpu.memory_space<hbm>>
    %dma_wait3A_543 = tpu.memref_slice %arg26[%dma_wait3A_541] : memref<2x!tpu.dma_semaphore, #tpu.memory_space<semaphore_mem>> -> memref<1x!tpu.dma_semaphore, #tpu.memory_space<semaphore_mem>>
    %dma_wait3A_544 = tpu.memref_squeeze %dma_wait3A_543 : memref<1x!tpu.dma_semaphore, #tpu.memory_space<semaphore_mem>> -> memref<!tpu.dma_semaphore, #tpu.memory_space<semaphore_mem>>
    %dma_wait3A_545 = tpu.memref_slice %arg5[%add3A_472] : memref<640000xi32, #tpu.memory_space<hbm>> -> memref<2000xi32, #tpu.memory_space<hbm>>
    tpu.wait_dma2 semaphore(%dma_wait3A_544 : memref<!tpu.dma_semaphore, #tpu.memory_space<semaphore_mem>>) src(%dma_wait3A_545 : memref<2000xi32, #tpu.memory_space<hbm>>) dst(%arg21 : memref<2000xi32, #tpu.memory_space<vmem>>)
    %dma_wait3A_546 = arith.constant 1 : i32
    %dma_wait3A_547 = tpu.memref_slice %arg6[%add3A_472] : memref<640000xi32, #tpu.memory_space<hbm>> -> memref<2000xi32, #tpu.memory_space<hbm>>
    %dma_wait3A_548 = tpu.memref_slice %arg26[%dma_wait3A_546] : memref<2x!tpu.dma_semaphore, #tpu.memory_space<semaphore_mem>> -> memref<1x!tpu.dma_semaphore, #tpu.memory_space<semaphore_mem>>
    %dma_wait3A_549 = tpu.memref_squeeze %dma_wait3A_548 : memref<1x!tpu.dma_semaphore, #tpu.memory_space<semaphore_mem>> -> memref<!tpu.dma_semaphore, #tpu.memory_space<semaphore_mem>>
    %dma_wait3A_550 = tpu.memref_slice %arg6[%add3A_472] : memref<640000xi32, #tpu.memory_space<hbm>> -> memref<2000xi32, #tpu.memory_space<hbm>>
    tpu.wait_dma2 semaphore(%dma_wait3A_549 : memref<!tpu.dma_semaphore, #tpu.memory_space<semaphore_mem>>) src(%dma_wait3A_550 : memref<2000xi32, #tpu.memory_space<hbm>>) dst(%arg22 : memref<2000xi32, #tpu.memory_space<vmem>>)
    %parallel_loop3A_551 = arith.constant 0 : i32
    %parallel_loop3A_552 = arith.constant 125 : i32
    %parallel_loop3A_553 = arith.constant 1 : i32
    scf.for %parallel_loop3A_561 = %parallel_loop3A_551 to %parallel_loop3A_552 step %parallel_loop3A_553  : i32 {
      %parallel_loop3A_562 = arith.constant 16 : i32
      %parallel_loop3A_563 = arith.muli %parallel_loop3A_561, %parallel_loop3A_562 : i32
      %parallel_loop3A_564 = arith.index_cast %parallel_loop3A_563 : i32 to index
      %parallel_loop3A_565 = tpu.vector_load %arg21[%parallel_loop3A_564] {strides = array<i32>} : memref<2000xi32, #tpu.memory_space<vmem>>, vector<16xi32>,
      %parallel_loop3A_566 = arith.index_cast %parallel_loop3A_563 : i32 to index
      %parallel_loop3A_567 = tpu.vector_load %arg22[%parallel_loop3A_566] {strides = array<i32>} : memref<2000xi32, #tpu.memory_space<vmem>>, vector<16xi32>,
      %parallel_loop3A_568 = arith.index_cast %parallel_loop3A_563 : i32 to index
      %parallel_loop3A_569 = tpu.vector_load %arg18[%parallel_loop3A_568] {strides = array<i32>} : memref<2000xf32, #tpu.memory_space<vmem>>, vector<16xf32>,
      %parallel_loop3A_570 = arith.index_cast %parallel_loop3A_563 : i32 to index
      %parallel_loop3A_571 = tpu.vector_load %arg19[%parallel_loop3A_570] {strides = array<i32>} : memref<2000xf32, #tpu.memory_space<vmem>>, vector<16xf32>,
      %parallel_loop3A_572 = arith.index_cast %parallel_loop3A_563 : i32 to index
      %parallel_loop3A_573 = tpu.vector_load %arg20[%parallel_loop3A_572] {strides = array<i32>} : memref<2000xf32, #tpu.memory_space<vmem>>, vector<16xf32>,
      %parallel_loop3A_574 = tpu.vector_load_idx %arg10[%parallel_loop3A_565] : memref<10000xi32, #tpu.memory_space<vmem>>[vector<16xi32>], vector<16xi32>,
      %parallel_loop3A_575 = tpu.vector_load_idx %arg10[%parallel_loop3A_567] : memref<10000xi32, #tpu.memory_space<vmem>>[vector<16xi32>], vector<16xi32>,
      %parallel_loop3A_576 = arith.constant 2 : i32
      %parallel_loop3A_577 = vector.broadcast %parallel_loop3A_576 : i32 to vector<16xi32>
      %parallel_loop3A_578 = arith.muli %parallel_loop3A_574, %parallel_loop3A_577 : vector<16xi32>
      %parallel_loop3A_579 = arith.addi %parallel_loop3A_578, %parallel_loop3A_575 : vector<16xi32>
      %parallel_loop3A_580 = tpu.vector_load_idx %arg12[%parallel_loop3A_579] : memref<24xf32, #tpu.memory_space<vmem>>[vector<16xi32>], vector<16xf32>,
      %parallel_loop3A_581 = arith.constant 8 : i32
      %parallel_loop3A_582 = vector.broadcast %parallel_loop3A_581 : i32 to vector<16xi32>
      %parallel_loop3A_583 = arith.addi %parallel_loop3A_579, %parallel_loop3A_582 : vector<16xi32>
      %parallel_loop3A_584 = tpu.vector_load_idx %arg12[%parallel_loop3A_583] : memref<24xf32, #tpu.memory_space<vmem>>[vector<16xi32>], vector<16xf32>,
      %parallel_loop3A_585 = arith.constant 16 : i32
      %parallel_loop3A_586 = vector.broadcast %parallel_loop3A_585 : i32 to vector<16xi32>
      %parallel_loop3A_587 = arith.addi %parallel_loop3A_579, %parallel_loop3A_586 : vector<16xi32>
      %parallel_loop3A_588 = tpu.vector_load_idx %arg12[%parallel_loop3A_587] : memref<24xf32, #tpu.memory_space<vmem>>[vector<16xi32>], vector<16xf32>,
      %parallel_loop3A_589 = arith.mulf %parallel_loop3A_569, %parallel_loop3A_569 : vector<16xf32>
      %parallel_loop3A_590 = arith.mulf %parallel_loop3A_571, %parallel_loop3A_571 : vector<16xf32>
      %parallel_loop3A_591 = arith.addf %parallel_loop3A_589, %parallel_loop3A_590 : vector<16xf32>
      %parallel_loop3A_592 = arith.mulf %parallel_loop3A_573, %parallel_loop3A_573 : vector<16xf32>
      %parallel_loop3A_593 = arith.addf %parallel_loop3A_591, %parallel_loop3A_592 : vector<16xf32>
      %parallel_loop3A_594 = arith.mulf %parallel_loop3A_593, %parallel_loop3A_593 : vector<16xf32>
      %parallel_loop3A_595 = arith.mulf %parallel_loop3A_594, %parallel_loop3A_593 : vector<16xf32>
      %parallel_loop3A_596 = arith.divf %parallel_loop3A_580, %parallel_loop3A_595 : vector<16xf32>
      %parallel_loop3A_597 = arith.mulf %parallel_loop3A_596, %parallel_loop3A_596 : vector<16xf32>
      %parallel_loop3A_598 = arith.subf %parallel_loop3A_597, %parallel_loop3A_596 : vector<16xf32>
      %parallel_loop3A_599 = arith.mulf %parallel_loop3A_584, %parallel_loop3A_598 : vector<16xf32>
      %parallel_loop3A_600 = arith.subf %parallel_loop3A_599, %parallel_loop3A_588 : vector<16xf32>
      tpu.vector_store_idx %arg11[%parallel_loop3A_565], %parallel_loop3A_600 {add = true} : memref<10240xf32, #tpu.memory_space<vmem>>[vector<16xi32>], vector<16xf32>,
      tpu.vector_store_idx %arg11[%parallel_loop3A_567], %parallel_loop3A_600 {add = true} : memref<10240xf32, #tpu.memory_space<vmem>>[vector<16xi32>], vector<16xf32>,
    } {sc.loop_unroll_factor = 5 : i64, sc.parallel_access}
    "tpu.region"() ({
      %run_scoped3A = tpu.sem_alloc : memref<!tpu.dma_semaphore, #tpu.memory_space<semaphore_mem>>
      %dma_start3A_561 = arith.constant 0 : i32
      %dma_start3A_562 = tpu.memref_slice %arg23[%arg1, %dma_start3A_561] : memref<16x10240xf32, #tpu.memory_space<vmem_shared>> -> memref<1x10240xf32, #tpu.memory_space<vmem_shared>>
      %dma_start3A_563 = tpu.memref_squeeze %dma_start3A_562 : memref<1x10240xf32, #tpu.memory_space<vmem_shared>> -> memref<10240xf32, #tpu.memory_space<vmem_shared>>
      %dma_start3A_564 = arith.constant 0 : i32
      %dma_start3A_565 = tpu.memref_slice %arg23[%arg1, %dma_start3A_564] : memref<16x10240xf32, #tpu.memory_space<vmem_shared>> -> memref<1x10240xf32, #tpu.memory_space<vmem_shared>>
      %dma_start3A_566 = tpu.memref_squeeze %dma_start3A_565 : memref<1x10240xf32, #tpu.memory_space<vmem_shared>> -> memref<10240xf32, #tpu.memory_space<vmem_shared>>
      tpu.enqueue_dma source(%arg11 : memref<10240xf32, #tpu.memory_space<vmem>>) target(%dma_start3A_566 : memref<10240xf32, #tpu.memory_space<vmem_shared>>) target_semaphore(%run_scoped3A : memref<!tpu.dma_semaphore, #tpu.memory_space<semaphore_mem>>)
      %dma_wait3A_567 = arith.constant 0 : i32
      %dma_wait3A_568 = tpu.memref_slice %arg23[%arg1, %dma_wait3A_567] : memref<16x10240xf32, #tpu.memory_space<vmem_shared>> -> memref<1x10240xf32, #tpu.memory_space<vmem_shared>>
      %dma_wait3A_569 = tpu.memref_squeeze %dma_wait3A_568 : memref<1x10240xf32, #tpu.memory_space<vmem_shared>> -> memref<10240xf32, #tpu.memory_space<vmem_shared>>
      %dma_wait3A_570 = arith.constant 0 : i32
      %dma_wait3A_571 = tpu.memref_slice %arg23[%arg1, %dma_wait3A_570] : memref<16x10240xf32, #tpu.memory_space<vmem_shared>> -> memref<1x10240xf32, #tpu.memory_space<vmem_shared>>
      %dma_wait3A_572 = tpu.memref_squeeze %dma_wait3A_571 : memref<1x10240xf32, #tpu.memory_space<vmem_shared>> -> memref<10240xf32, #tpu.memory_space<vmem_shared>>
      tpu.wait_dma2 semaphore(%run_scoped3A : memref<!tpu.dma_semaphore, #tpu.memory_space<semaphore_mem>>) src(%arg11 : memref<10240xf32, #tpu.memory_space<vmem>>) dst(%dma_wait3A_572 : memref<10240xf32, #tpu.memory_space<vmem_shared>>)
      tpu.yield
    }) : () -> ()
    %barrier3A = arith.constant 0 : index
    tpu.barrier barrier_id(%barrier3A)
    %mul3A_554 = arith.constant 640 : i32
    %mul3A_555 = arith.muli %arg1, %mul3A_554 : i32
    "tpu.region"() ({
      %run_scoped3A = tpu.sem_alloc : memref<!tpu.dma_semaphore, #tpu.memory_space<semaphore_mem>>
      %dma_start3A_561 = arith.constant 0 : i32
      %dma_start3A_562 = tpu.memref_slice %arg23[%dma_start3A_561, %mul3A_555] : memref<16x10240xf32, #tpu.memory_space<vmem_shared>> -> memref<16x640xf32, #tpu.memory_space<vmem_shared>>
      %dma_start3A_563 = arith.constant 0 : i32
      %dma_start3A_564 = tpu.memref_slice %arg23[%dma_start3A_563, %mul3A_555] : memref<16x10240xf32, #tpu.memory_space<vmem_shared>> -> memref<16x640xf32, #tpu.memory_space<vmem_shared>>
      tpu.enqueue_dma source(%dma_start3A_564 : memref<16x640xf32, #tpu.memory_space<vmem_shared>>) target(%arg24 : memref<16x640xf32, #tpu.memory_space<vmem>>) target_semaphore(%run_scoped3A : memref<!tpu.dma_semaphore, #tpu.memory_space<semaphore_mem>>)
      %dma_wait3A_565 = arith.constant 0 : i32
      %dma_wait3A_566 = tpu.memref_slice %arg23[%dma_wait3A_565, %mul3A_555] : memref<16x10240xf32, #tpu.memory_space<vmem_shared>> -> memref<16x640xf32, #tpu.memory_space<vmem_shared>>
      %dma_wait3A_567 = arith.constant 0 : i32
      %dma_wait3A_568 = tpu.memref_slice %arg23[%dma_wait3A_567, %mul3A_555] : memref<16x10240xf32, #tpu.memory_space<vmem_shared>> -> memref<16x640xf32, #tpu.memory_space<vmem_shared>>
      tpu.wait_dma2 semaphore(%run_scoped3A : memref<!tpu.dma_semaphore, #tpu.memory_space<semaphore_mem>>) src(%dma_wait3A_568 : memref<16x640xf32, #tpu.memory_space<vmem_shared>>) dst(%arg24 : memref<16x640xf32, #tpu.memory_space<vmem>>)
      tpu.yield
    }) : () -> ()
    %parallel_loop3A_556 = arith.constant 0 : i32
    %parallel_loop3A_557 = arith.constant 40 : i32
    %parallel_loop3A_558 = arith.constant 1 : i32
    scf.for %parallel_loop3A_561 = %parallel_loop3A_556 to %parallel_loop3A_557 step %parallel_loop3A_558  : i32 {
      %parallel_loop3A_562 = arith.constant 16 : i32
      %parallel_loop3A_563 = arith.muli %parallel_loop3A_561, %parallel_loop3A_562 : i32
      %parallel_loop3A_564 = arith.constant 0 : i32
      %parallel_loop3A_565 = arith.index_cast %parallel_loop3A_564 : i32 to index
      %parallel_loop3A_566 = arith.index_cast %parallel_loop3A_563 : i32 to index
      %parallel_loop3A_567 = tpu.vector_load %arg24[%parallel_loop3A_565, %parallel_loop3A_566] {strides = array<i32>} : memref<16x640xf32, #tpu.memory_space<vmem>>, vector<16xf32>,
      %parallel_loop3A_568 = arith.constant 1 : i32
      %parallel_loop3A_569 = arith.index_cast %parallel_loop3A_568 : i32 to index
      %parallel_loop3A_570 = arith.index_cast %parallel_loop3A_563 : i32 to index
      %parallel_loop3A_571 = tpu.vector_load %arg24[%parallel_loop3A_569, %parallel_loop3A_570] {strides = array<i32>} : memref<16x640xf32, #tpu.memory_space<vmem>>, vector<16xf32>,
      %parallel_loop3A_572 = arith.addf %parallel_loop3A_567, %parallel_loop3A_571 : vector<16xf32>
      %parallel_loop3A_573 = arith.constant 2 : i32
      %parallel_loop3A_574 = arith.index_cast %parallel_loop3A_573 : i32 to index
      %parallel_loop3A_575 = arith.index_cast %parallel_loop3A_563 : i32 to index
      %parallel_loop3A_576 = tpu.vector_load %arg24[%parallel_loop3A_574, %parallel_loop3A_575] {strides = array<i32>} : memref<16x640xf32, #tpu.memory_space<vmem>>, vector<16xf32>,
      %parallel_loop3A_577 = arith.addf %parallel_loop3A_572, %parallel_loop3A_576 : vector<16xf32>
      %parallel_loop3A_578 = arith.constant 3 : i32
      %parallel_loop3A_579 = arith.index_cast %parallel_loop3A_578 : i32 to index
      %parallel_loop3A_580 = arith.index_cast %parallel_loop3A_563 : i32 to index
      %parallel_loop3A_581 = tpu.vector_load %arg24[%parallel_loop3A_579, %parallel_loop3A_580] {strides = array<i32>} : memref<16x640xf32, #tpu.memory_space<vmem>>, vector<16xf32>,
      %parallel_loop3A_582 = arith.addf %parallel_loop3A_577, %parallel_loop3A_581 : vector<16xf32>
      %parallel_loop3A_583 = arith.constant 4 : i32
      %parallel_loop3A_584 = arith.index_cast %parallel_loop3A_583 : i32 to index
      %parallel_loop3A_585 = arith.index_cast %parallel_loop3A_563 : i32 to index
      %parallel_loop3A_586 = tpu.vector_load %arg24[%parallel_loop3A_584, %parallel_loop3A_585] {strides = array<i32>} : memref<16x640xf32, #tpu.memory_space<vmem>>, vector<16xf32>,
      %parallel_loop3A_587 = arith.addf %parallel_loop3A_582, %parallel_loop3A_586 : vector<16xf32>
      %parallel_loop3A_588 = arith.constant 5 : i32
      %parallel_loop3A_589 = arith.index_cast %parallel_loop3A_588 : i32 to index
      %parallel_loop3A_590 = arith.index_cast %parallel_loop3A_563 : i32 to index
      %parallel_loop3A_591 = tpu.vector_load %arg24[%parallel_loop3A_589, %parallel_loop3A_590] {strides = array<i32>} : memref<16x640xf32, #tpu.memory_space<vmem>>, vector<16xf32>,
      %parallel_loop3A_592 = arith.addf %parallel_loop3A_587, %parallel_loop3A_591 : vector<16xf32>
      %parallel_loop3A_593 = arith.constant 6 : i32
      %parallel_loop3A_594 = arith.index_cast %parallel_loop3A_593 : i32 to index
      %parallel_loop3A_595 = arith.index_cast %parallel_loop3A_563 : i32 to index
      %parallel_loop3A_596 = tpu.vector_load %arg24[%parallel_loop3A_594, %parallel_loop3A_595] {strides = array<i32>} : memref<16x640xf32, #tpu.memory_space<vmem>>, vector<16xf32>,
      %parallel_loop3A_597 = arith.addf %parallel_loop3A_592, %parallel_loop3A_596 : vector<16xf32>
      %parallel_loop3A_598 = arith.constant 7 : i32
      %parallel_loop3A_599 = arith.index_cast %parallel_loop3A_598 : i32 to index
      %parallel_loop3A_600 = arith.index_cast %parallel_loop3A_563 : i32 to index
      %parallel_loop3A_601 = tpu.vector_load %arg24[%parallel_loop3A_599, %parallel_loop3A_600] {strides = array<i32>} : memref<16x640xf32, #tpu.memory_space<vmem>>, vector<16xf32>,
      %parallel_loop3A_602 = arith.addf %parallel_loop3A_597, %parallel_loop3A_601 : vector<16xf32>
      %parallel_loop3A_603 = arith.constant 8 : i32
      %parallel_loop3A_604 = arith.index_cast %parallel_loop3A_603 : i32 to index
      %parallel_loop3A_605 = arith.index_cast %parallel_loop3A_563 : i32 to index
      %parallel_loop3A_606 = tpu.vector_load %arg24[%parallel_loop3A_604, %parallel_loop3A_605] {strides = array<i32>} : memref<16x640xf32, #tpu.memory_space<vmem>>, vector<16xf32>,
      %parallel_loop3A_607 = arith.addf %parallel_loop3A_602, %parallel_loop3A_606 : vector<16xf32>
      %parallel_loop3A_608 = arith.constant 9 : i32
      %parallel_loop3A_609 = arith.index_cast %parallel_loop3A_608 : i32 to index
      %parallel_loop3A_610 = arith.index_cast %parallel_loop3A_563 : i32 to index
      %parallel_loop3A_611 = tpu.vector_load %arg24[%parallel_loop3A_609, %parallel_loop3A_610] {strides = array<i32>} : memref<16x640xf32, #tpu.memory_space<vmem>>, vector<16xf32>,
      %parallel_loop3A_612 = arith.addf %parallel_loop3A_607, %parallel_loop3A_611 : vector<16xf32>
      %parallel_loop3A_613 = arith.constant 10 : i32
      %parallel_loop3A_614 = arith.index_cast %parallel_loop3A_613 : i32 to index
      %parallel_loop3A_615 = arith.index_cast %parallel_loop3A_563 : i32 to index
      %parallel_loop3A_616 = tpu.vector_load %arg24[%parallel_loop3A_614, %parallel_loop3A_615] {strides = array<i32>} : memref<16x640xf32, #tpu.memory_space<vmem>>, vector<16xf32>,
      %parallel_loop3A_617 = arith.addf %parallel_loop3A_612, %parallel_loop3A_616 : vector<16xf32>
      %parallel_loop3A_618 = arith.constant 11 : i32
      %parallel_loop3A_619 = arith.index_cast %parallel_loop3A_618 : i32 to index
      %parallel_loop3A_620 = arith.index_cast %parallel_loop3A_563 : i32 to index
      %parallel_loop3A_621 = tpu.vector_load %arg24[%parallel_loop3A_619, %parallel_loop3A_620] {strides = array<i32>} : memref<16x640xf32, #tpu.memory_space<vmem>>, vector<16xf32>,
      %parallel_loop3A_622 = arith.addf %parallel_loop3A_617, %parallel_loop3A_621 : vector<16xf32>
      %parallel_loop3A_623 = arith.constant 12 : i32
      %parallel_loop3A_624 = arith.index_cast %parallel_loop3A_623 : i32 to index
      %parallel_loop3A_625 = arith.index_cast %parallel_loop3A_563 : i32 to index
      %parallel_loop3A_626 = tpu.vector_load %arg24[%parallel_loop3A_624, %parallel_loop3A_625] {strides = array<i32>} : memref<16x640xf32, #tpu.memory_space<vmem>>, vector<16xf32>,
      %parallel_loop3A_627 = arith.addf %parallel_loop3A_622, %parallel_loop3A_626 : vector<16xf32>
      %parallel_loop3A_628 = arith.constant 13 : i32
      %parallel_loop3A_629 = arith.index_cast %parallel_loop3A_628 : i32 to index
      %parallel_loop3A_630 = arith.index_cast %parallel_loop3A_563 : i32 to index
      %parallel_loop3A_631 = tpu.vector_load %arg24[%parallel_loop3A_629, %parallel_loop3A_630] {strides = array<i32>} : memref<16x640xf32, #tpu.memory_space<vmem>>, vector<16xf32>,
      %parallel_loop3A_632 = arith.addf %parallel_loop3A_627, %parallel_loop3A_631 : vector<16xf32>
      %parallel_loop3A_633 = arith.constant 14 : i32
      %parallel_loop3A_634 = arith.index_cast %parallel_loop3A_633 : i32 to index
      %parallel_loop3A_635 = arith.index_cast %parallel_loop3A_563 : i32 to index
      %parallel_loop3A_636 = tpu.vector_load %arg24[%parallel_loop3A_634, %parallel_loop3A_635] {strides = array<i32>} : memref<16x640xf32, #tpu.memory_space<vmem>>, vector<16xf32>,
      %parallel_loop3A_637 = arith.addf %parallel_loop3A_632, %parallel_loop3A_636 : vector<16xf32>
      %parallel_loop3A_638 = arith.constant 15 : i32
      %parallel_loop3A_639 = arith.index_cast %parallel_loop3A_638 : i32 to index
      %parallel_loop3A_640 = arith.index_cast %parallel_loop3A_563 : i32 to index
      %parallel_loop3A_641 = tpu.vector_load %arg24[%parallel_loop3A_639, %parallel_loop3A_640] {strides = array<i32>} : memref<16x640xf32, #tpu.memory_space<vmem>>, vector<16xf32>,
      %parallel_loop3A_642 = arith.addf %parallel_loop3A_637, %parallel_loop3A_641 : vector<16xf32>
      %parallel_loop3A_643 = arith.index_cast %parallel_loop3A_563 : i32 to index
      %parallel_loop3A_644 = tpu.vector_load %arg25[%parallel_loop3A_643] {strides = array<i32>} : memref<640xf32, #tpu.memory_space<vmem>>, vector<16xf32>,
      tpu.vector_store %arg25[%parallel_loop3A_643], %parallel_loop3A_642 {strides = array<i32>} : memref<640xf32, #tpu.memory_space<vmem>>, vector<16xf32>,
    } {sc.loop_unroll_factor = 4 : i64, sc.parallel_access}
    %mul3A_559 = arith.constant 640 : i32
    %mul3A_560 = arith.muli %arg1, %mul3A_559 : i32
    "tpu.region"() ({
      %run_scoped3A = tpu.sem_alloc : memref<!tpu.dma_semaphore, #tpu.memory_space<semaphore_mem>>
      %dma_start3A_561 = tpu.memref_slice %arg9[%arg0, %mul3A_560] : memref<2x10240xf32, #tpu.memory_space<hbm>> -> memref<1x640xf32, #tpu.memory_space<hbm>>
      %dma_start3A_562 = tpu.memref_squeeze %dma_start3A_561 : memref<1x640xf32, #tpu.memory_space<hbm>> -> memref<640xf32, #tpu.memory_space<hbm>>
      %dma_start3A_563 = tpu.memref_slice %arg9[%arg0, %mul3A_560] : memref<2x10240xf32, #tpu.memory_space<hbm>> -> memref<1x640xf32, #tpu.memory_space<hbm>>
      %dma_start3A_564 = tpu.memref_squeeze %dma_start3A_563 : memref<1x640xf32, #tpu.memory_space<hbm>> -> memref<640xf32, #tpu.memory_space<hbm>>
      tpu.enqueue_dma source(%arg25 : memref<640xf32, #tpu.memory_space<vmem>>) target(%dma_start3A_564 : memref<640xf32, #tpu.memory_space<hbm>>) target_semaphore(%run_scoped3A : memref<!tpu.dma_semaphore, #tpu.memory_space<semaphore_mem>>)
      %dma_wait3A_565 = tpu.memref_slice %arg9[%arg0, %mul3A_560] : memref<2x10240xf32, #tpu.memory_space<hbm>> -> memref<1x640xf32, #tpu.memory_space<hbm>>
      %dma_wait3A_566 = tpu.memref_squeeze %dma_wait3A_565 : memref<1x640xf32, #tpu.memory_space<hbm>> -> memref<640xf32, #tpu.memory_space<hbm>>
      %dma_wait3A_567 = tpu.memref_slice %arg9[%arg0, %mul3A_560] : memref<2x10240xf32, #tpu.memory_space<hbm>> -> memref<1x640xf32, #tpu.memory_space<hbm>>
      %dma_wait3A_568 = tpu.memref_squeeze %dma_wait3A_567 : memref<1x640xf32, #tpu.memory_space<hbm>> -> memref<640xf32, #tpu.memory_space<hbm>>
      tpu.wait_dma2 semaphore(%run_scoped3A : memref<!tpu.dma_semaphore, #tpu.memory_space<semaphore_mem>>) src(%arg25 : memref<640xf32, #tpu.memory_space<vmem>>) dst(%dma_wait3A_568 : memref<640xf32, #tpu.memory_space<hbm>>)
      tpu.yield
    }) : () -> ()
    return
  }
}

</mosaic_0001>

<sc_bundles>
// kernel: _lj_sc.3.cloned.1.call-start
scs
__scs_entry_jumppad:
0x0: {  	(pc) =	sbr.rel $0x88, $3  }
0x1: {  	(tag) =	ssettag $0x0;
	lr =	simm.s32 $0x1  }
0x2: {  	[smem:$0x3F9A] =	sst lr;
	_ =	strace $0xD0000000  }
0x3: {  	_ = 	snop  }
0x4: {  	_ = 	snop  }
0x5: {  	_ = 	snop  }
0x6: {  	_ = 	snop  }
0x7: {  	_ = 	snop  }
__scs_overlays_trampoline_lowered:
0x8: {  	[smem:$0x3FA9] =	sst s0  }
0x9: {  	[smem:$0x3FAA] =	sst s1  }
0xa: {  	[smem:$0x3FAB] =	sst s2  }
0xb: {  	[smem:$0x3FAC] =	sst s3  }
0xc: {  	[smem:$0x3FAD] =	sst s4  }
0xd: {  	[smem:$0x3FAE] =	sst s5  }
0xe: {  	[smem:$0x3FAF] =	sst s6  }
0xf: {  	[smem:$0x3FB0] =	sst s7  }
0x10: {  	[smem:$0x3FB1] =	sst s8  }
0x11: {  	[smem:$0x3FB2] =	sst s9;
	s0 =	simm.s32 @!p0 $0x0  }
0x12: {  	s1 =	sld [smem:$0x3F98];
	s0 =	simm.s32 @p0 $0x1  }
0x13: {  	[smem:$0x3FB3] =	sst s0;
	s0 =	simm.s32 @!p1 $0x0  }
0x14: {  	s2 =	sld [smem:$0x3F97];
	s0 =	simm.s32 @p1 $0x1  }
0x15: {  	[smem:$0x3FB4] =	sst s0;
	s0 =	simm.s32 @!p2 $0x0  }
0x16: {  	s3 =	sld [smem:$0x3FDB];
	s0 =	simm.s32 @p2 $0x1  }
0x17: {  	s4 =	simm.s32 $0x1BF5;
	[smem:$0x3FB6] =	sst s0  }
0x18: {  	s0 =	sld [smem:$0x3F99];
	_ =	swait.ge [sflag:s4], $0x0  }
0x19: {  	s7 =	sld [smem:$0x3F9A]  }
0x1a: {  	s8 =	sadd.s32 $0xFFFFE003, lr  }
0x1b: {  	s9 =	sadd.s32 $0xFFFFFEF7, lr;
	s5 =	simm.s32 $0xFFFFFFFF;
	p2 =	slt.u32 s8, $0xFFFFF086  }
0x1c: {  	p1 =	slt.u32 s9, $0xF7A;
	s5 =	simm.s32 @!p2 $0x0  }
0x1d: {  	s5 =	simm.s32 @p1 $0x1;
	p0 =	seq.s32 s7, s2  }
0x1e: {  	s7 =	smul.u32 @!p0 $0xF7A, s2;
	p2 =	seq.s32 @!p0 s5, $0x0  }
0x1f: {  	s9 =	smul.u32 $0xF7A, s1;
	s8 =	simm.s32 @!p0 $0x1BF5;
	p2 =	por !p2, p0  }
0x20: {  	[sflag:s8] =	ssyncset.s32 @!p0 $0xFFFFF086;
	s6 =	sadd.s32 @!p0 s3, s7;
	s7 =	simm.s32 @!p0 $0x108  }
0x21: {  	s3 =	sadd.s32 s3, s9;
	s6 =	sadd.s32 @!p0 $0x88, s6;
	s7 =	simm.s32 @p2 $0x1082  }
0x22: {  	[simem:s7], [sflag:s8] =	dma.local @!p0 [hbm:s6], $0xF7A  }
0x23: {  	s9 =	sor.u32 $0xD0000000, s2;
	s6 =	simm.s32 $0x108;
	_ =	swait.ge @!p0 [sflag:s8], $0x0  }
0x24: {  	s3 =	sadd.s32 $0x88, s3;
	s6 =	simm.s32 @!p1 $0x1082;
	[sflag:s4] =	ssyncset.s32 $0xFFFFF086  }
0x25: {  	[simem:s6], [sflag:s4] =	dma.local [hbm:s3], $0xF7A  }
0x26: {  	[smem:$0x3F9A] =	sst s1;
	(tag) =	ssettag s2;
	_ =	strace s9  }
0x27: {  	s1 =	sld [smem:$0x3FAA]  }
0x28: {  	s2 =	sld [smem:$0x3FAB]  }
0x29: {  	s4 =	sld [smem:$0x3FAD]  }
0x2a: {  	p0 =	seq.s32 s5, $0x0;
	s5 =	sld [smem:$0x3FAE]  }
0x2b: {  	s6 =	sld [smem:$0x3FAF]  }
0x2c: {  	s7 =	sld [smem:$0x3FB0]  }
0x2d: {  	s3 =	simm.s32 $0x108;
	s8 =	sld [smem:$0x3FB1]  }
0x2e: {  	s3 =	simm.s32 @!p0 $0x1082;
	s9 =	sld [smem:$0x3FB2]  }
0x2f: {  	lr =	sadd.s32 s0, s3;
	s0 =	sld [smem:$0x3FA9]  }
0x30: {  	s3 =	sld [smem:$0x3FAC]  }
0x31: {  	[smem:$0x3FB5] =	sst s10  }
0x32: {  	s10 =	sld [smem:$0x3FB3];
	_ =	sdelay $0x3  }
0x33: {  	p0 =	seq.s32 s10, $0x1;
	s10 =	sld [smem:$0x3FB5];
	_ =	sdelay $0x3  }
0x34: {  	[smem:$0x3FB5] =	sst s10  }
0x35: {  	s10 =	sld [smem:$0x3FB4];
	_ =	sdelay $0x3  }
0x36: {  	p1 =	seq.s32 s10, $0x1;
	s10 =	sld [smem:$0x3FB5];
	_ =	sdelay $0x3  }
0x37: {  	[smem:$0x3FB5] =	sst s10  }
0x38: {  	s10 =	sld [smem:$0x3FB6]  }
0x39: {  	_ = 	snop;
	(pc) =	sbr.ind lr, $3  }
0x3a: {  	_ = 	snop  }
0x3b: {  	_ = 	snop  }
0x3c: {  	p2 =	seq.s32 s10, $0x1;
	s10 =	sld [smem:$0x3FB5]  }
0x3d: {  	_ =	shalt  }
0x3e: {  	_ =	shalt  }
0x3f: {  	_ =	shalt  }
0x40: {  	_ =	shalt  }
0x41: {  	_ =	shalt  }
0x42: {  	_ =	shalt  }
0x43: {  	_ =	shalt  }
0x44: {  	_ =	shalt  }
0x45: {  	_ =	shalt  }
0x46: {  	_ =	shalt  }
0x47: {  	_ =	shalt  }
0x48: {  	_ =	shalt  }
0x49: {  	_ =	shalt  }
0x4a: {  	_ =	shalt  }
0x4b: {  	_ =	shalt  }
0x4c: {  	_ =	shalt  }
0x4d: {  	_ =	shalt  }
0x4e: {  	_ =	shalt  }
0x4f: {  	_ =	shalt  }
0x50: {  	_ =	shalt  }
0x51: {  	_ =	shalt  }
0x52: {  	_ =	shalt  }
0x53: {  	_ =	shalt  }
0x54: {  	_ =	shalt  }
0x55: {  	_ =	shalt  }
0x56: {  	_ =	shalt  }
0x57: {  	_ =	shalt  }
0x58: {  	_ =	shalt  }
0x59: {  	_ =	shalt  }
0x5a: {  	_ =	shalt  }
0x5b: {  	_ =	shalt  }
0x5c: {  	_ =	shalt  }
0x5d: {  	_ =	shalt  }
0x5e: {  	_ =	shalt  }
0x5f: {  	_ =	shalt  }
0x60: {  	_ =	shalt  }
0x61: {  	_ =	shalt  }
0x62: {  	_ =	shalt  }
0x63: {  	_ =	shalt  }
0x64: {  	_ =	shalt  }
0x65: {  	_ =	shalt  }
0x66: {  	_ =	shalt  }
0x67: {  	_ =	shalt  }
0x68: {  	_ =	shalt  }
0x69: {  	_ =	shalt  }
0x6a: {  	_ =	shalt  }
0x6b: {  	_ =	shalt  }
0x6c: {  	_ =	shalt  }
0x6d: {  	_ =	shalt  }
0x6e: {  	_ =	shalt  }
0x6f: {  	_ =	shalt  }
0x70: {  	_ =	shalt  }
0x71: {  	_ =	shalt  }
0x72: {  	_ =	shalt  }
0x73: {  	_ =	shalt  }
0x74: {  	_ =	shalt  }
0x75: {  	_ =	shalt  }
0x76: {  	_ =	shalt  }
0x77: {  	_ =	shalt  }
0x78: {  	_ =	shalt  }
0x79: {  	_ =	shalt  }
0x7a: {  	_ =	shalt  }
0x7b: {  	_ =	shalt  }
0x7c: {  	_ =	shalt  }
0x7d: {  	_ =	shalt  }
0x7e: {  	_ =	shalt  }
0x7f: {  	_ =	shalt  }
0x80: {  	_ =	shalt  }
0x81: {  	_ =	shalt  }
0x82: {  	_ =	shalt  }
0x83: {  	_ =	shalt  }
0x84: {  	_ =	shalt  }
0x85: {  	_ =	shalt  }
0x86: {  	_ =	shalt  }
0x87: {  	_ =	shalt  }
.Lfunc_end0:
.L_simem_size_0:
called_computation_lowered:
.L_overlay_start_0:
0x88: {  	s2 =	sld [smem:$0x3FD9]  }
0x89: {  	s3 =	sld [smem:$0x3FFE];
	_ =	sdelay $0x1  }
0x8a: {  	s1 =	srdreg.scid  }
0x8b: {  	s0 =	sand.u32 $0x1, s1  }
0x8c: {  	s18 =	sshll.u32 s0, $0xA;
	s2 =	sadd.s32 s3, s2  }
0x8d: {  	s2 =	sadd.s32 s2, s18  }
0x8e: {  	[smem:$0x3FC1] =	sst s2  }
0x8f: {  	_ = 	snop  }
0x90: {  	s2 =	sld [smem:$0x3FC9]  }
0x91: {  	s19 =	sld [smem:$0x3FC8]  }
0x92: {  	s4 =	sld [smem:$0x3FC7]  }
0x93: {  	s5 =	sld [smem:$0x3FC6]  }
0x94: {  	s6 =	sld [smem:$0x3FC5]  }
0x95: {  	s7 =	sld [smem:$0x3FC4]  }
0x96: {  	s8 =	sld [smem:$0x3FC3]  }
0x97: {  	s9 =	sld [smem:$0x3FD0];
	(tm) =	ssettm $0x1  }
0x98: {  	s10 =	sld [smem:$0x3FFB];
	_ =	sdelay $0x3  }
0x99: {  	_ =	strace s10  }
0x9a: {  	s10 =	sld [smem:$0x3FFC];
	_ =	sdelay $0x3  }
0x9b: {  	_ =	strace s10  }
0x9c: {  	s10 =	sld [smem:$0x3FFD];
	_ =	sdelay $0x3  }
0x9d: {  	_ =	strace s10  }
0x9e: {  	_ =	strace $0x8FFFFFFF  }
0x9f: {  	s20 =	sld [smem:$0x3FDB];
	_ =	sdelay $0x1  }
0xa0: {  	s11 =	simm.s32 $_scs_section_size  }
0xa1: {  	s12 =	simm.s32 $_size__tile_overlayer_lowered;
	s13 =	simm.s32 $_tile_overlayer_lowered  }
0xa2: {  	s23 =	simm.s32 $0x1BFF;
	s22 =	sshll.u32 s13, $0x1;
	s10 =	sadd.s32 s11, s20  }
0xa3: {  	s14 =	simm.s32 $0x0;
	s21 =	sshll.u32 s12, $0x1;
	s12 =	sadd.s32 s22, s10  }
0xa4: {  	[timem:s14], [sflag:s23] =	dma.local [hbm:s12], s21  }
0xa5: {  	_ =	swait.ge [sflag:s23], s21  }
0xa6: {  	s11 =	ssub.s32 $0x0, s21;
	[sflag:s23] =	ssyncset.done $0x0  }
0xa7: {  	[sflag:s23] =	ssyncadd.s32 s11;
	_ =	sdelay $0x1  }
0xa8: {  	s24 =	simm.s32 $0x1B8B  }
0xa9: {  	_ =	swait.ge [sflag:s24], $0x1  }
0xaa: {  	[sflag:s24] =	ssyncset.done $0x0  }
0xab: {  	s25 =	simm.s32 $0x1B8E;
	[sflag:s24] =	ssyncadd.s32 $0xFFFFFFFF  }
0xac: {  	s26 =	simm.s32 $execute0_lowered;
	[smem:$0x3FD2] =	sst s25  }
0xad: {  	s11 =	sshll.u32 s26, $0x1;
	_ =	strace $0x80000046;
	[dreg:$0x1] =	wrdreg $0xFFFFFFFF  }
0xae: {  	s28 =	simm.s32 $_size_execute0_lowered;
	s10 =	sadd.s32 s10, s11;
	[dreg:$0x0] =	wrdreg $0x0  }
0xaf: {  	s11 =	sshll.u32 s28, $0x1;
	[dreg:$0x2] =	wrdreg s10  }
0xb0: {  	[dreg:$0x3] =	wrdreg s11  }
0xb1: {  	[dreg:$0x4] =	wrdreg $0xC0  }
0xb2: {  	_ =	task [dreg:s14], $0x5FFFF  }
0xb3: {  	[dreg:$0x1] =	wrdreg $0xFFFFFFFF  }
0xb4: {  	[dreg:$0x0] =	wrdreg $0x60  }
0xb5: {  	[dreg:$0x2] =	wrdreg s2  }
0xb6: {  	[dreg:$0x3] =	wrdreg s19  }
0xb7: {  	[dreg:$0x4] =	wrdreg s4  }
0xb8: {  	[dreg:$0x5] =	wrdreg s5  }
0xb9: {  	[dreg:$0x6] =	wrdreg s6  }
0xba: {  	[dreg:$0x7] =	wrdreg s7  }
0xbb: {  	[dreg:$0x8] =	wrdreg s8  }
0xbc: {  	[dreg:$0x9] =	wrdreg s9  }
0xbd: {  	[dreg:$0xa] =	wrdreg $0xA0000  }
0xbe: {  	[dreg:$0xb] =	wrdreg $0x9  }
0xbf: {  	_ =	task.clear_ibuf [dreg:s14], $0xCFFFF;
	_ =	strace $0x90000046  }
0xc0: {  	s29 =	simm.s32 $0x9;
	_ =	strace $0x80000048  }
0xc1: {  	_ =	swait.ge [sflag:s29], $0x1  }
0xc2: {  	[sflag:s29] =	ssyncadd.s32 $0xFFFFFFFF  }
0xc3: {  	_ =	strace $0x90000048  }
0xc4: {  	_ =	sfence  }
0xc5: {  	s30 =	sld [smem:$0x0];
	_ =	sdelay $0x2  }
0xc6: {  	s31 =	sshll.u32 s1, $0xD;
	s1 =	sshrl.u32 s1, $0x2  }
0xc7: {  	s3 =	sand.u32 $0x4000, s31;
	s1 =	sadd.s32 s1, s30  }
0xc8: {  	s0 =	sor.u32 s3, s0;
	s1 =	sshll.u32 s1, $0x11  }
0xc9: {  	s0 =	sor.u32 s1, s0  }
0xca: {  	s0 =	sadd.s32 $0x8F2B, s0  }
0xcb: {  	[sflag:s0] =	ssyncadd.remote.s32 $0x1  }
0xcc: {  	_ =	sfence.sel $0xFFFF  }
0xcd: {  	[dreg:$0x0] =	wrdreg $0xFFFFFFFF;
	(pc) =	sbr.abs _section_cstart, $3  }
0xce: {  	[dreg:$0x1] =	wrdreg $0xFFFFFFFF  }
0xcf: {  	_ =	task.clear_ibuf [dreg:s14], $0x2FFFF;
	_ =	strace $0x9FFFFFFF  }
0xd0: {  	(tm) =	ssettm $0x7FFFFFFF  }
0xd1: {  	_ =	shalt  }
tec
execute0_lowered:
.L_overlay_start_1:
0x0: {  	(tag) =	ssettag $0x1  }
0x1: {  	s0 =	srdreg.scid  }
0x2: {  	s0 =	sand.u32 $0x1, s0  }
0x3: {  	s10 =	stileid.u32;
	s1 =	sshll.u32 s0, $0x4  }
0x4: {  	s1 =	sor.u32 s10, s1  }
0x5: {  	s2 =	rddreg [dreg:$0x0];
	s1 =	smul.u32 $0x4E20, s1  }
0x6: {  	s3 =	rddreg [dreg:$0x1]  }
0x7: {  	s4 =	rddreg [dreg:$0x2];
	s7 =	sshrl.u32 s1, $0x3  }
0x8: {  	s8 =	rddreg [dreg:$0x3];
	s9 =	sadd.s32 $0xFA, s7  }
0x9: {  	s5 =	rddreg [dreg:$0x4];
	s16 =	sadd.s32 s2, s9  }
0xa: {  	s17 =	sadd.s32 s3, s9;
	[dreg:$0x11] =	wrdreg s16  }
0xb: {  	s18 =	sadd.s32 s4, s9;
	[dreg:$0x12] =	wrdreg s17  }
0xc: {  	s11 =	sadd.s32 s8, s9;
	[dreg:$0x13] =	wrdreg s18  }
0xd: {  	s19 =	sadd.s32 $0x1F4, s7;
	s9 =	sadd.s32 s5, s9;
	[dreg:$0x14] =	wrdreg s11  }
0xe: {  	s20 =	sadd.s32 s2, s19;
	[dreg:$0x15] =	wrdreg s9  }
0xf: {  	s6 =	ssub.s32 $0x2, s0;
	s21 =	sadd.s32 s3, s19;
	[dreg:$0x16] =	wrdreg s20  }
0x10: {  	s15 =	sshrl.u32 s6, $0x1;
	s22 =	sadd.s32 s4, s19;
	[dreg:$0x17] =	wrdreg s21  }
0x11: {  	s1 =	ssub.s32 s6, s15;
	s24 =	sadd.s32 s8, s19;
	[dreg:$0x18] =	wrdreg s22  }
0x12: {  	s23 =	sadd.s32 $0x2EE, s7;
	s6 =	sadd.s32 s5, s19;
	[dreg:$0x19] =	wrdreg s24  }
0x13: {  	s25 =	sadd.s32 s2, s23;
	[dreg:$0x1a] =	wrdreg s6  }
0x14: {  	s26 =	sadd.s32 s3, s23;
	[dreg:$0x1b] =	wrdreg s25  }
0x15: {  	s28 =	sadd.s32 s4, s23;
	[dreg:$0x1c] =	wrdreg s26  }
0x16: {  	s29 =	sadd.s32 $0x3E8, s7;
	s30 =	sadd.s32 s8, s23;
	[dreg:$0x1d] =	wrdreg s28  }
0x17: {  	s31 =	sadd.s32 s2, s29;
	[dreg:$0x1e] =	wrdreg s30  }
0x18: {  	s12 =	sadd.s32 s4, s29;
	[smem:$0x7D7] =	sst s31  }
0x19: {  	s13 =	sadd.s32 $0x4E2, s7;
	s14 =	sadd.s32 s8, s29;
	[smem:$0x7D9] =	sst s12  }
0x1a: {  	s15 =	sadd.s32 s2, s13;
	[smem:$0x7DA] =	sst s14  }
0x1b: {  	s19 =	sadd.s32 s8, s13;
	[smem:$0x7DC] =	sst s15  }
0x1c: {  	s9 =	sadd.s32 s5, s23;
	[smem:$0x7DF] =	sst s19  }
0x1d: {  	s11 =	sadd.s32 s3, s29;
	[dreg:$0x1f] =	wrdreg s9  }
0x1e: {  	s6 =	sadd.s32 s5, s29;
	[smem:$0x7D8] =	sst s11  }
0x1f: {  	s16 =	sadd.s32 s3, s13;
	[smem:$0x7DB] =	sst s6  }
0x20: {  	s17 =	sadd.s32 s4, s13;
	[smem:$0x7DD] =	sst s16  }
0x21: {  	s31 =	sadd.s32 s2, s7;
	[smem:$0x7DE] =	sst s17  }
0x22: {  	s12 =	sadd.s32 s8, s7;
	[smem:$0x7EB] =	sst s31  }
0x23: {  	s14 =	sadd.s32 s5, s7;
	[smem:$0x7EE] =	sst s12  }
0x24: {  	s18 =	sadd.s32 $0x5DC, s7;
	s9 =	sadd.s32 s5, s13;
	[smem:$0x7EF] =	sst s14  }
0x25: {  	s20 =	sadd.s32 s2, s18;
	[smem:$0x7E0] =	sst s9  }
0x26: {  	s21 =	sadd.s32 s3, s18;
	[smem:$0x7E1] =	sst s20  }
0x27: {  	s22 =	sadd.s32 s4, s18;
	[smem:$0x7E2] =	sst s21  }
0x28: {  	s24 =	sadd.s32 s8, s18;
	[smem:$0x7E3] =	sst s22  }
0x29: {  	s23 =	sadd.s32 $0x6D6, s7;
	s6 =	sadd.s32 s5, s18;
	[smem:$0x7E4] =	sst s24  }
0x2a: {  	s25 =	sadd.s32 s2, s23;
	[smem:$0x7E5] =	sst s6  }
0x2b: {  	s26 =	sadd.s32 s3, s23;
	[smem:$0x7E6] =	sst s25  }
0x2c: {  	s28 =	sadd.s32 s4, s23;
	[smem:$0x7E7] =	sst s26  }
0x2d: {  	s29 =	sadd.s32 s8, s23;
	[smem:$0x7E8] =	sst s28  }
0x2e: {  	s30 =	sadd.s32 s5, s23;
	[smem:$0x7E9] =	sst s29  }
0x2f: {  	s11 =	sadd.s32 s4, s7;
	[smem:$0x7EA] =	sst s30  }
0x30: {  	[smem:$0x7ED] =	sst s11  }
0x31: {  	s0 =	sshll.u32 s0, $0x7;
	s13 =	sadd.s32 $0x7D0, s7;
	s25 =	rddreg [dreg:$0x8]  }
0x32: {  	s23 =	sshll.u32 s10, $0x7;
	s9 =	sadd.s32 s3, s7;
	s30 =	rddreg [dreg:$0x7]  }
0x33: {  	s31 =	smax.u32 s1, $0x1;
	s15 =	sadd.s32 s2, s13;
	[smem:$0x7EC] =	sst s9  }
0x34: {  	s1 =	simm.s32 $0x0;
	s16 =	sadd.s32 s3, s13;
	[smem:$0x7F0] =	sst s15  }
0x35: {  	s7 =	sadd.s32 $0x8CA, s7;
	s17 =	sadd.s32 s4, s13;
	[smem:$0x7F1] =	sst s16  }
0x36: {  	s18 =	sadd.s32 s8, s13;
	s6 =	sadd.s32 s5, s13;
	[smem:$0x7F2] =	sst s17  }
0x37: {  	s22 =	sshrl.u32 s10, $0x3;
	s26 =	smul.u32 $0x5000, s10;
	[smem:$0x7F3] =	sst s18  }
0x38: {  	s28 =	smul.u32 $0x500, s10;
	s10 =	simm.s32 $0x8000;
	[smem:$0x7F4] =	sst s6  }
0x39: {  	s2 =	sadd.s32 s2, s7;
	s19 =	sadd.s32 s3, s7;
	s20 =	sadd.s32 s4, s7  }
0x3a: {  	s21 =	sadd.s32 s8, s7;
	s8 =	simm.s32 $0x0;
	s24 =	sadd.s32 s5, s7  }
0x3b: {  	s3 =	sand.u32 $0x380, s23;
	s5 =	simm.s32 $0x6000;
	[smem:$0x7F5] =	sst s2  }
0x3c: {  	s6 =	simm.s32 $0x6800;
	s7 =	simm.s32 $0x7000;
	[smem:$0x7F6] =	sst s19  }
0x3d: {  	s9 =	simm.s32 $0x7800;
	s17 =	simm.s32 $0x8800;
	[smem:$0x7F7] =	sst s20  }
0x3e: {  	s18 =	simm.s32 $0x9000;
	s4 =	simm.s32 $0x4F80;
	[smem:$0x7F8] =	sst s21  }
0x3f: {  	s23 =	simm.s32 $0x2;
	s2 =	smul.u32 $0x50000, s22;
	[smem:$0x7F9] =	sst s24  }
0x40: {  	[smem:$0x7FF] =	sst s8;
	s0 =	sor.u32 s0, s28;
	s29 =	sshrl.u32 s26, $0x2  }
0x41: {  	s19 =	simm.s32 $0x9800;
	s0 =	sshrl.u32 s0, $0x3;
	s2 =	sshrl.u32 s2, $0x2  }
0x42: {  	s20 =	simm.s32 $0x4;
	s0 =	sadd.s32 s30, s0;
	s2 =	sadd.s32 s2, s25  }
0x43: {  	s21 =	simm.s32 $0x1;
	[smem:$0x7FC] =	sst s0;
	s2 =	sadd.s32 s3, s2  }
0x44: {  	s22 =	simm.s32 $0x2780;
	[smem:$0x7FA] =	sst s2;
	s2 =	sadd.s32 s29, s25  }
0x45: {  	s24 =	simm.s32 $0x80;
	s3 =	simm.s32 $0x5800;
	[smem:$0x7FB] =	sst s2  }
0x46: {  	v0 =	vimm.f32 $0.0e+00;
	s2 =	simm.s32 $0x5000;
	_ =	strace $0x80000047;
	[smem:$0x7FD] =	sst s31  }
.LBB2_1:
0x47: {  	s0 =	sld [smem:$0x7EB];
	_ =	sdelay $0x1  }
0x48: {  	s12 =	sld [smem:$0x7EC]  }
0x49: {  	[tilespmem:s2], [sflag:$0x1] =	stream.linear.gather [hbm4b:s0+s8], $0x7D0, $0x38;
	[tilespmem:$0xF280] =	vst v63  }
0x4a: {  	s13 =	sld [smem:$0x7ED]  }
0x4b: {  	[tilespmem:s3], [sflag:$0x1] =	stream.linear.gather [hbm4b:s12+s8], $0x7D0, $0x38;
	[tilespmem:$0xF280] =	vst v63  }
0x4c: {  	s14 =	sld [smem:$0x7EE]  }
0x4d: {  	[tilespmem:s5], [sflag:$0x1] =	stream.linear.gather [hbm4b:s13+s8], $0x7D0, $0x38;
	[tilespmem:$0xF280] =	vst v63  }
0x4e: {  	s15 =	sld [smem:$0x7EF]  }
0x4f: {  	[tilespmem:s6], [sflag:$0x1] =	stream.linear.gather [hbm4b:s14+s8], $0x7D0, $0x38;
	[tilespmem:$0xF280] =	vst v63  }
0x50: {  	[smem:$0x7D6] =	sst s1  }
0x51: {  	[tilespmem:s7], [sflag:$0x1] =	stream.linear.gather [hbm4b:s15+s8], $0x7D0, $0x38;
	[tilespmem:$0xF280] =	vst v63  }
0x52: {  	s16 =	rddreg [dreg:$0x11]  }
0x53: {  	[tilespmem:s9], [sflag:$0x2] =	stream.linear.gather [hbm4b:s16+s8], $0x7D0, $0x38;
	[tilespmem:$0xF280] =	vst v63  }
0x54: {  	s25 =	rddreg [dreg:$0x12]  }
0x55: {  	[tilespmem:s10], [sflag:$0x2] =	stream.linear.gather [hbm4b:s25+s8], $0x7D0, $0x38;
	[tilespmem:$0xF280] =	vst v63  }
0x56: {  	s26 =	rddreg [dreg:$0x13]  }
0x57: {  	[tilespmem:s17], [sflag:$0x2] =	stream.linear.gather [hbm4b:s26+s8], $0x7D0, $0x38;
	[tilespmem:$0xF280] =	vst v63  }
0x58: {  	s28 =	rddreg [dreg:$0x14]  }
0x59: {  	[tilespmem:s18], [sflag:$0x2] =	stream.linear.gather [hbm4b:s28+s8], $0x7D0, $0x38;
	[tilespmem:$0xF280] =	vst v63  }
0x5a: {  	s29 =	rddreg [dreg:$0x15]  }
0x5b: {  	[tilespmem:s19], [sflag:$0x2] =	stream.linear.gather [hbm4b:s29+s8], $0x7D0, $0x38;
	[tilespmem:$0xF280] =	vst v63  }
0x5c: {  	s30 =	rddreg [dreg:$0x5]  }
0x5d: {  	[tilespmem:s8], [sflag:$0x3] =	stream.linear.gather [hbm4b:s30+s8], $0x2780, $0x38;
	[tilespmem:$0xF280] =	vst v63  }
0x5e: {  	s31 =	rddreg [dreg:$0x6]  }
0x5f: {  	[tilespmem:s4], [sflag:$0x4] =	stream.linear.gather [hbm4b:s31+s8], $0x80, $0x38;
	[tilespmem:$0xF280] =	vst v63  }
0x60: {  	_ =	swait.ge [sflag:s20], $0x80  }
0x61: {  	[sflag:s20] =	ssyncset.done $0x0  }
0x62: {  	s0 =	simm.s32 $0x27C0;
	[sflag:s20] =	ssyncadd.s32 $0xFFFFFF80  }
0x63: {  	[tilespmem:s0+$0xFFFFFFC0] =	vst v0  }
0x64: {  	[tilespmem:s0+$0x30] =	vst v0  }
0x65: {  	[tilespmem:s0+$0x20] =	vst v0  }
0x66: {  	[tilespmem:s0+$0x10] =	vst v0  }
0x67: {  	[tilespmem:s0+$0x0] =	vst v0  }
0x68: {  	[tilespmem:s0+$0xFFFFFFF0] =	vst v0  }
0x69: {  	s1 =	simm.s32 $0x0;
	[tilespmem:s0+$0xFFFFFFE0] =	vst v0  }
.LBB2_2:
0x6a: {  	s1 =	sadd.s32 $0x8, s1;
	[tilespmem:s0+$0xFFFFFFD0] =	vst v0;
	s0 =	sadd.s32 $0x80, s0  }
0x6b: {  	[tilespmem:s0+$0xFFFFFFC0] =	vst v0;
	p0 =	slt.u32 s1, $0x278  }
0x6c: {  	[tilespmem:s0+$0x30] =	vst v0  }
.Ltmp0:
0x6d: {  	[tilespmem:s0+$0x20] =	vst v0;
	(pc) =	sbr.rel @p0 .LBB2_2-.Ltmp0, $4  }
0x6e: {  	[tilespmem:s0+$0x10] =	vst v0  }
0x6f: {  	[tilespmem:s0+$0x0] =	vst v0  }
0x70: {  	[tilespmem:s0+$0xFFFFFFF0] =	vst v0  }
0x71: {  	[tilespmem:s0+$0xFFFFFFE0] =	vst v0  }
0x72: {  	[tilespmem:s0+$0xFFFFFFD0] =	vst v0;
	s30 =	simm.s32 $0x3  }
0x73: {  	_ =	swait.ge [sflag:s30], $0x2780  }
0x74: {  	[sflag:s30] =	ssyncset.done $0x0  }
0x75: {  	[sflag:s30] =	ssyncadd.s32 $0xFFFFD880  }
0x76: {  	_ =	swait.ge [sflag:s21], $0x7D0  }
0x77: {  	[sflag:s21] =	ssyncset.done $0x0  }
0x78: {  	[sflag:s21] =	ssyncadd.s32 $0xFFFFF830  }
0x79: {  	_ =	swait.ge [sflag:s21], $0x7D0  }
0x7a: {  	[sflag:s21] =	ssyncset.done $0x0  }
0x7b: {  	[sflag:s21] =	ssyncadd.s32 $0xFFFFF830  }
0x7c: {  	_ =	swait.ge [sflag:s21], $0x7D0  }
0x7d: {  	[sflag:s21] =	ssyncset.done $0x0  }
0x7e: {  	[sflag:s21] =	ssyncadd.s32 $0xFFFFF830  }
0x7f: {  	_ =	swait.ge [sflag:s21], $0x7D0  }
0x80: {  	[sflag:s21] =	ssyncset.done $0x0  }
0x81: {  	[sflag:s21] =	ssyncadd.s32 $0xFFFFF830  }
0x82: {  	_ =	swait.ge [sflag:s21], $0x7D0  }
0x83: {  	[sflag:s21] =	ssyncset.done $0x0  }
0x84: {  	s31 =	simm.s32 $0x7020;
	[sflag:s21] =	ssyncadd.s32 $0xFFFFF830  }
0x85: {  	s11 =	simm.s32 $0x5020;
	v9 =	vld [tilespmem:s31+$0x20]  }
0x86: {  	s12 =	simm.s32 $0x6820;
	v1 =	vld [tilespmem:s11+$0x20]  }
0x87: {  	s13 =	simm.s32 $0x5820;
	v10 =	vld [tilespmem:s12+$0x20]  }
0x88: {  	v2 =	vld [tilespmem:s13+$0x20]  }
0x89: {  	s14 =	simm.s32 $0x6020;
	v5 =	vld [tilespmem:s11+$0xFFFFFFE0]  }
0x8a: {  	v3 =	vld [tilespmem:s14+$0x20]  }
0x8b: {  	v6 =	vld [tilespmem:s13+$0xFFFFFFE0]  }
0x8c: {  	v11 =	vld [tilespmem:s11+$0xFFFFFFF0]  }
0x8d: {  	v12 =	vld [tilespmem:s13+$0xFFFFFFF0]  }
0x8e: {  	v13 =	vld [tilespmem:s11+$0x0]  }
0x8f: {  	v14 =	vld [tilespmem:s13+$0x0]  }
0x90: {  	v15 =	vld [tilespmem:s11+$0x10]  }
0x91: {  	v1 =	vmul.f32 v1, v1;
	v2 =	vmul.f32 v2, v2;
	v4 =	vld.idx.msk [tilespmem:v10+s8+$0x0], $0xffff  }
0x92: {  	v7 =	vld.idx.msk [tilespmem:v9+s8+$0x0], $0xffff  }
0x93: {  	v16 =	vld [tilespmem:s13+$0x10];
	v1 =	vadd.f32 v2, v1;
	v2 =	vmul.f32 v3, v3  }
0x94: {  	v17 =	vld [tilespmem:s14+$0xFFFFFFE0]  }
0x95: {  	v18 =	vld [tilespmem:s14+$0xFFFFFFF0];
	v1 =	vadd.f32 v2, v1  }
0x96: {  	v19 =	vld [tilespmem:s14+$0x0];
	v24 =	vmul.f32 v5, v5;
	v2 =	vshll.u32 v4, $0x1  }
0x97: {  	v21 =	vld [tilespmem:s14+$0x10];
	v25 =	vmul.f32 v6, v6;
	v20 =	vadd.s32 v7, v2;
	v2 =	vmul.f32 v1, v1  }
0x98: {  	v8 =	vld [tilespmem:s31+$0xFFFFFFE0];
	v11 =	vmul.f32 v11, v11;
	v12 =	vmul.f32 v12, v12  }
0x99: {  	v5 =	vld [tilespmem:s31+$0x0];
	v13 =	vmul.f32 v13, v13;
	v4 =	vmul.f32 v2, v1  }
0x9a: {  	v14 =	vmul.f32 v14, v14;
	v15 =	vmul.f32 v15, v15;
	v3 =	vld [tilespmem:s12+$0xFFFFFFF0]  }
0x9b: {  	v6 =	vld [tilespmem:s31+$0x10];
	v16 =	vmul.f32 v16, v16;
	(erf) = vrcp.f32 v4  }
0x9c: {  	v11 =	vadd.f32 v12, v11;
	v12 =	vmul.f32 v17, v17;
	v17 =	vmul.f32 v18, v18;
	v7 =	vld [tilespmem:s31+$0xFFFFFFF0]  }
0x9d: {  	v13 =	vadd.f32 v14, v13;
	v14 =	vadd.f32 v16, v15;
	v4 =	vld [tilespmem:s12+$0xFFFFFFE0]  }
0x9e: {  	v11 =	vadd.f32 v17, v11;
	v17 =	vmul.f32 v21, v21;
	v23 =	vadd.s32 $0x8, v20;
	v2 =	vld [tilespmem:s12+$0x0]  }
0x9f: {  	v22 =	vld.idx.msk [tilespmem:v20+s4+$0x0], $0xffff;
	v20 =	vadd.s32 $0x10, v20  }
0xa0: {  	v14 =	vadd.f32 v17, v14;
	v17 =	vld.idx.msk [tilespmem:v8+s8+$0x0], $0xffff  }
0xa1: {  	v1 =	vld [tilespmem:s12+$0x10]  }
0xa2: {  	v24 =	vadd.f32 v25, v24;
	v18 =	vld.idx.msk [tilespmem:v3+s8+$0x0], $0xffff  }
0xa3: {  	v15 =	vmul.f32 v19, v19;
	v23 =	vld.idx.msk [tilespmem:v23+s4+$0x0], $0xffff  }
0xa4: {  	v12 =	vadd.f32 v12, v24;
	v16 =	vld.idx.msk [tilespmem:v20+s4+$0x0], $0xffff;
	v19 =	vpop (erf)  }
0xa5: {  	v13 =	vadd.f32 v15, v13;
	v20 =	vld.idx.msk [tilespmem:v4+s8+$0x0], $0xffff;
	v15 =	vmul.f32 v19, v22  }
0xa6: {  	v52 =	vmul.f32 v12, v12;
	v53 =	vmul.f32 v11, v11;
	v26 =	vld.idx.msk [tilespmem:v7+s8+$0x0], $0xffff  }
0xa7: {  	v54 =	vmul.f32 v13, v13;
	v19 =	vld.idx.msk [tilespmem:v2+s8+$0x0], $0xffff;
	v55 =	vmul.f32 v15, v15  }
0xa8: {  	v12 =	vmul.f32 v52, v12;
	v56 =	vmul.f32 v14, v14;
	v27 =	vld.idx.msk [tilespmem:v5+s8+$0x0], $0xffff  }
0xa9: {  	v11 =	vmul.f32 v53, v11;
	v13 =	vmul.f32 v54, v13;
	v57 =	vld.idx.msk [tilespmem:v1+s8+$0x0], $0xffff;
	v15 =	vsub.f32 v55, v15  }
0xaa: {  	v14 =	vmul.f32 v56, v14;
	(erf) = vrcp.f32 v12;
	v12 =	vshll.u32 v20, $0x1;
	v20 =	vld.idx.msk [tilespmem:v6+s8+$0x0], $0xffff  }
0xab: {  	v18 =	vshll.u32 v18, $0x1;
	v12 =	vadd.s32 v17, v12;
	v15 =	vmul.f32 v15, v23  }
0xac: {  	(erf) = vrcp.f32 v11;
	v17 =	vadd.s32 v26, v18;
	v11 =	vshll.u32 v19, $0x1  }
0xad: {  	(erf) = vrcp.f32 v13;
	v11 =	vadd.s32 v27, v11;
	v13 =	vsub.f32 v15, v16  }
0xae: {  	v15 =	vshll.u32 v57, $0x1  }
0xaf: {  	(erf) = vrcp.f32 v14;
	[tilespmem:v10+s22+$0x0] =	vst.idx.add.f32.msk $0xffff, v13;
	v10 =	vadd.s32 v20, v15  }
0xb0: {  	v14 =	vadd.s32 $0x8, v12;
	v15 =	vld.idx.msk [tilespmem:v12+s4+$0x0], $0xffff  }
0xb1: {  	v19 =	vadd.s32 $0x8, v11;
	v18 =	vld.idx.msk [tilespmem:v17+s4+$0x0], $0xffff  }
0xb2: {  	v16 =	vadd.s32 $0x8, v17;
	v20 =	vld.idx.msk [tilespmem:v11+s4+$0x0], $0xffff  }
0xb3: {  	[tilespmem:v9+s22+$0x0] =	vst.idx.add.f32.msk $0xffff, v13;
	v9 =	vadd.s32 $0x10, v12  }
0xb4: {  	v17 =	vadd.s32 $0x10, v17;
	v12 =	vpop (erf);
	v13 =	vld.idx.msk [tilespmem:v10+s4+$0x0], $0xffff  }
0xb5: {  	v14 =	vld.idx.msk [tilespmem:v14+s4+$0x0], $0xffff;
	v59 =	vadd.s32 $0x8, v10;
	v12 =	vmul.f32 v12, v15  }
0xb6: {  	v11 =	vadd.s32 $0x10, v11;
	v58 =	vpop (erf);
	v19 =	vld.idx.msk [tilespmem:v19+s4+$0x0], $0xffff  }
0xb7: {  	v61 =	vadd.s32 $0x10, v10;
	v60 =	vld.idx.msk [tilespmem:v16+s4+$0x0], $0xffff;
	v16 =	vmul.f32 v58, v18;
	v15 =	vpop (erf);
	v18 =	vmul.f32 v12, v12  }
0xb8: {  	v20 =	vmul.f32 v15, v20;
	v15 =	vpop (erf);
	v9 =	vld.idx.msk [tilespmem:v9+s4+$0x0], $0xffff  }
0xb9: {  	v10 =	vmul.f32 v16, v16;
	v18 =	vsub.f32 v18, v12;
	v12 =	vld.idx.msk [tilespmem:v17+s4+$0x0], $0xffff;
	v13 =	vmul.f32 v15, v13  }
0xba: {  	v62 =	vmul.f32 v20, v20;
	v15 =	vld.idx.msk [tilespmem:v59+s4+$0x0], $0xffff  }
0xbb: {  	v10 =	vsub.f32 v10, v16;
	v16 =	vld.idx.msk [tilespmem:v11+s4+$0x0], $0xffff;
	v63 =	vmul.f32 v13, v13  }
0xbc: {  	v17 =	vld.idx.msk [tilespmem:v61+s4+$0x0], $0xffff;
	v20 =	vsub.f32 v62, v20;
	v14 =	vmul.f32 v18, v14  }
0xbd: {  	v10 =	vmul.f32 v10, v60;
	v18 =	vsub.f32 v63, v13  }
0xbe: {  	s15 =	simm.s32 $0x0;
	s16 =	simm.s32 $0x7070;
	v11 =	vsub.f32 v14, v9;
	v14 =	vmul.f32 v20, v19  }
.LBB2_4:
0xbf: {  	v13 =	vld [tilespmem:s16+$0x20];
	v12 =	vsub.f32 v10, v12;
	v9 =	vmul.f32 v18, v15;
	s11 =	sadd.s32 $0x50, s11  }
0xc0: {  	s12 =	sadd.s32 $0x50, s12;
	v18 =	vld [tilespmem:s11+$0x20];
	v10 =	vsub.f32 v14, v16  }
0xc1: {  	s13 =	sadd.s32 $0x50, s13;
	v15 =	vld [tilespmem:s12+$0x20];
	v9 =	vsub.f32 v9, v17  }
0xc2: {  	s15 =	sadd.s32 $0x5, s15;
	v14 =	vld [tilespmem:s13+$0x20]  }
0xc3: {  	s14 =	sadd.s32 $0x50, s14;
	p0 =	slt.u32 s15, $0x78;
	v16 =	vld [tilespmem:s11+$0xFFFFFFE0]  }
0xc4: {  	v17 =	vld [tilespmem:s14+$0x20]  }
0xc5: {  	v19 =	vld [tilespmem:s13+$0xFFFFFFE0]  }
0xc6: {  	v20 =	vld [tilespmem:s11+$0xFFFFFFF0]  }
0xc7: {  	v18 =	vmul.f32 v18, v18;
	v21 =	vld [tilespmem:s13+$0xFFFFFFF0];
	v14 =	vmul.f32 v14, v14  }
0xc8: {  	v16 =	vmul.f32 v16, v16;
	v22 =	vld [tilespmem:s11+$0x0]  }
0xc9: {  	v23 =	vld.idx.msk [tilespmem:v15+s8+$0x0], $0xffff;
	v14 =	vadd.f32 v14, v18;
	v17 =	vmul.f32 v17, v17  }
0xca: {  	v18 =	vmul.f32 v19, v19;
	v19 =	vld.idx.msk [tilespmem:v13+s8+$0x0], $0xffff  }
0xcb: {  	v20 =	vmul.f32 v20, v20;
	v24 =	vld [tilespmem:s13+$0x0];
	v14 =	vadd.f32 v17, v14  }
0xcc: {  	v16 =	vadd.f32 v18, v16;
	v17 =	vmul.f32 v21, v21;
	v18 =	vld [tilespmem:s11+$0x10]  }
0xcd: {  	v21 =	vmul.f32 v22, v22;
	v22 =	vld [tilespmem:s13+$0x10];
	v25 =	vmul.f32 v14, v14  }
0xce: {  	v26 =	vld [tilespmem:s14+$0xFFFFFFE0];
	v17 =	vadd.f32 v17, v20  }
0xcf: {  	v23 =	vshll.u32 v23, $0x1;
	v20 =	vld [tilespmem:s14+$0xFFFFFFF0];
	v14 =	vmul.f32 v25, v14  }
0xd0: {  	v19 =	vadd.s32 v19, v23;
	v25 =	vld [tilespmem:s14+$0x0];
	v24 =	vmul.f32 v24, v24  }
0xd1: {  	v23 =	vld [tilespmem:s14+$0x10];
	v18 =	vmul.f32 v18, v18;
	(erf) = vrcp.f32 v14  }
0xd2: {  	v27 =	vld [tilespmem:s12+$0xFFFFFFF0];
	v21 =	vadd.f32 v24, v21;
	v22 =	vmul.f32 v22, v22  }
0xd3: {  	v24 =	vmul.f32 v26, v26;
	v26 =	vld [tilespmem:s12+$0x0]  }
0xd4: {  	v20 =	vmul.f32 v20, v20;
	v14 =	vld [tilespmem:s12+$0x10];
	v18 =	vadd.f32 v22, v18  }
0xd5: {  	v16 =	vadd.f32 v24, v16;
	v22 =	vmul.f32 v25, v25;
	v24 =	vld.idx.msk [tilespmem:v19+s4+$0x0], $0xffff  }
0xd6: {  	v25 =	vld [tilespmem:s12+$0xFFFFFFE0];
	v17 =	vadd.f32 v20, v17;
	v20 =	vmul.f32 v23, v23;
	v23 =	vadd.s32 $0x8, v19  }
0xd7: {  	v28 =	vld [tilespmem:s16+$0xFFFFFFE0];
	v29 =	vmul.f32 v16, v16;
	v21 =	vadd.f32 v22, v21  }
0xd8: {  	v19 =	vadd.s32 $0x10, v19;
	v22 =	vld [tilespmem:s16+$0xFFFFFFF0];
	v30 =	vmul.f32 v17, v17;
	v18 =	vadd.f32 v20, v18  }
0xd9: {  	v16 =	vmul.f32 v29, v16;
	v20 =	vld [tilespmem:s16+$0x0];
	v29 =	vmul.f32 v21, v21  }
0xda: {  	v17 =	vmul.f32 v30, v17;
	v30 =	vld [tilespmem:s16+$0x10];
	v31 =	vmul.f32 v18, v18;
	v32 =	vpop (erf)  }
0xdb: {  	v21 =	vmul.f32 v29, v21;
	v23 =	vld.idx.msk [tilespmem:v23+s4+$0x0], $0xffff;
	v24 =	vmul.f32 v32, v24  }
0xdc: {  	v29 =	vld.idx.msk [tilespmem:v27+s8+$0x0], $0xffff;
	v18 =	vmul.f32 v31, v18;
	(erf) = vrcp.f32 v16  }
0xdd: {  	v16 =	vld.idx.msk [tilespmem:v19+s4+$0x0], $0xffff;
	v19 =	vmul.f32 v24, v24;
	(erf) = vrcp.f32 v17  }
0xde: {  	v17 =	vld.idx.msk [tilespmem:v25+s8+$0x0], $0xffff;
	(erf) = vrcp.f32 v21  }
0xdf: {  	v21 =	vld.idx.msk [tilespmem:v26+s8+$0x0], $0xffff;
	v19 =	vsub.f32 v19, v24;
	(erf) = vrcp.f32 v18  }
0xe0: {  	v18 =	vld.idx.msk [tilespmem:v14+s8+$0x0], $0xffff  }
0xe1: {  	v24 =	vld.idx.msk [tilespmem:v28+s8+$0x0], $0xffff;
	v19 =	vmul.f32 v19, v23  }
0xe2: {  	v29 =	vshll.u32 v29, $0x1;
	v23 =	vld.idx.msk [tilespmem:v22+s8+$0x0], $0xffff  }
0xe3: {  	v31 =	vld.idx.msk [tilespmem:v20+s8+$0x0], $0xffff;
	v16 =	vsub.f32 v19, v16  }
0xe4: {  	v17 =	vshll.u32 v17, $0x1;
	v19 =	vld.idx.msk [tilespmem:v30+s8+$0x0], $0xffff  }
0xe5: {  	v21 =	vshll.u32 v21, $0x1;
	[tilespmem:v15+s22+$0x0] =	vst.idx.add.f32.msk $0xffff, v16;
	v15 =	vpop (erf)  }
0xe6: {  	v18 =	vshll.u32 v18, $0x1;
	[tilespmem:v13+s22+$0x0] =	vst.idx.add.f32.msk $0xffff, v16;
	v13 =	vpop (erf)  }
0xe7: {  	v16 =	vadd.s32 v24, v17;
	v17 =	vpop (erf);
	[tilespmem:v4+s22+$0x0] =	vst.idx.add.f32.msk $0xffff, v11;
	v4 =	vmov v25  }
0xe8: {  	v24 =	vadd.s32 $0x8, v16;
	v25 =	vadd.s32 $0x10, v16;
	v23 =	vadd.s32 v23, v29;
	v29 =	vpop (erf);
	[tilespmem:v8+s22+$0x0] =	vst.idx.add.f32.msk $0xffff, v11  }
0xe9: {  	v11 =	vadd.s32 $0x8, v23;
	v32 =	vadd.s32 $0x10, v23;
	v21 =	vadd.s32 v31, v21;
	[tilespmem:v3+s22+$0x0] =	vst.idx.add.f32.msk $0xffff, v12;
	v3 =	vmovc v27  }
0xea: {  	v8 =	vmovc v28;
	v27 =	vadd.s32 $0x8, v21;
	v31 =	vadd.s32 $0x10, v21;
	v18 =	vadd.s32 v19, v18;
	[tilespmem:v7+s22+$0x0] =	vst.idx.add.f32.msk $0xffff, v12  }
0xeb: {  	v12 =	vadd.s32 $0x8, v18;
	v19 =	vadd.s32 $0x10, v18;
	v7 =	vmovc v22;
	[tilespmem:v2+s22+$0x0] =	vst.idx.add.f32.msk $0xffff, v10;
	v2 =	vmov v26  }
0xec: {  	v16 =	vld.idx.msk [tilespmem:v16+s4+$0x0], $0xffff  }
0xed: {  	v22 =	vld.idx.msk [tilespmem:v23+s4+$0x0], $0xffff  }
0xee: {  	v21 =	vld.idx.msk [tilespmem:v21+s4+$0x0], $0xffff  }
0xef: {  	v18 =	vld.idx.msk [tilespmem:v18+s4+$0x0], $0xffff  }
0xf0: {  	v23 =	vld.idx.msk [tilespmem:v24+s4+$0x0], $0xffff  }
0xf1: {  	v11 =	vld.idx.msk [tilespmem:v11+s4+$0x0], $0xffff  }
0xf2: {  	v16 =	vmul.f32 v15, v16;
	v24 =	vld.idx.msk [tilespmem:v27+s4+$0x0], $0xffff  }
0xf3: {  	v13 =	vmul.f32 v13, v22;
	v15 =	vld.idx.msk [tilespmem:v12+s4+$0x0], $0xffff  }
0xf4: {  	v21 =	vmul.f32 v17, v21;
	v22 =	vld.idx.msk [tilespmem:v25+s4+$0x0], $0xffff;
	v25 =	vmul.f32 v16, v16  }
0xf5: {  	v17 =	vmul.f32 v13, v13;
	v18 =	vmul.f32 v29, v18;
	v12 =	vld.idx.msk [tilespmem:v32+s4+$0x0], $0xffff  }
.Ltmp1:
0xf6: {  	v26 =	vmul.f32 v21, v21;
	v25 =	vsub.f32 v25, v16;
	v16 =	vld.idx.msk [tilespmem:v31+s4+$0x0], $0xffff;
	(pc) =	sbr.rel @p0 .LBB2_4-.Ltmp1, $4  }
0xf7: {  	v13 =	vsub.f32 v17, v13;
	v17 =	vld.idx.msk [tilespmem:v19+s4+$0x0], $0xffff;
	v19 =	vmul.f32 v18, v18  }
0xf8: {  	v21 =	vsub.f32 v26, v21;
	v23 =	vmul.f32 v25, v23;
	[tilespmem:v5+s22+$0x0] =	vst.idx.add.f32.msk $0xffff, v10;
	v5 =	vmov v20  }
0xf9: {  	v10 =	vmul.f32 v13, v11;
	v18 =	vsub.f32 v19, v18;
	[tilespmem:v1+s22+$0x0] =	vst.idx.add.f32.msk $0xffff, v9;
	v1 =	vmov v14  }
0xfa: {  	s16 =	sadd.s32 $0x50, s16;
	v14 =	vmul.f32 v21, v24;
	v11 =	vsub.f32 v23, v22;
	[tilespmem:v6+s22+$0x0] =	vst.idx.add.f32.msk $0xffff, v9;
	v6 =	vmov v30  }
0xfb: {  	_ =	sdelay $0x3  }
0xfc: {  	v9 =	vsub.f32 v10, v12;
	[tilespmem:v4+s22+$0x0] =	vst.idx.add.f32.msk $0xffff, v11  }
0xfd: {  	[tilespmem:v8+s22+$0x0] =	vst.idx.add.f32.msk $0xffff, v11  }
0xfe: {  	v4 =	vmul.f32 v18, v15;
	v8 =	vsub.f32 v14, v16;
	[tilespmem:v3+s22+$0x0] =	vst.idx.add.f32.msk $0xffff, v9  }
0xff: {  	[tilespmem:v7+s22+$0x0] =	vst.idx.add.f32.msk $0xffff, v9  }
0x100: {  	v3 =	vsub.f32 v4, v17;
	[tilespmem:v2+s22+$0x0] =	vst.idx.add.f32.msk $0xffff, v8  }
0x101: {  	[tilespmem:v5+s22+$0x0] =	vst.idx.add.f32.msk $0xffff, v8  }
0x102: {  	[tilespmem:v1+s22+$0x0] =	vst.idx.add.f32.msk $0xffff, v3  }
0x103: {  	[tilespmem:v6+s22+$0x0] =	vst.idx.add.f32.msk $0xffff, v3  }
0x104: {  	s0 =	rddreg [dreg:$0x16]  }
0x105: {  	[tilespmem:s2], [sflag:$0x1] =	stream.linear.gather [hbm4b:s0+s8], $0x7D0, $0x38;
	[tilespmem:$0xF280] =	vst v63  }
0x106: {  	s26 =	rddreg [dreg:$0x17]  }
0x107: {  	[tilespmem:s3], [sflag:$0x1] =	stream.linear.gather [hbm4b:s26+s8], $0x7D0, $0x38;
	[tilespmem:$0xF280] =	vst v63  }
0x108: {  	s28 =	rddreg [dreg:$0x18]  }
0x109: {  	[tilespmem:s5], [sflag:$0x1] =	stream.linear.gather [hbm4b:s28+s8], $0x7D0, $0x38;
	[tilespmem:$0xF280] =	vst v63  }
0x10a: {  	s29 =	rddreg [dreg:$0x19]  }
0x10b: {  	[tilespmem:s6], [sflag:$0x1] =	stream.linear.gather [hbm4b:s29+s8], $0x7D0, $0x38;
	[tilespmem:$0xF280] =	vst v63  }
0x10c: {  	s30 =	rddreg [dreg:$0x1a]  }
0x10d: {  	[tilespmem:s7], [sflag:$0x1] =	stream.linear.gather [hbm4b:s30+s8], $0x7D0, $0x38;
	[tilespmem:$0xF280] =	vst v63  }
0x10e: {  	_ =	swait.ge [sflag:s23], $0x7D0  }
0x10f: {  	[sflag:s23] =	ssyncset.done $0x0  }
0x110: {  	[sflag:s23] =	ssyncadd.s32 $0xFFFFF830  }
0x111: {  	_ =	swait.ge [sflag:s23], $0x7D0  }
0x112: {  	[sflag:s23] =	ssyncset.done $0x0  }
0x113: {  	[sflag:s23] =	ssyncadd.s32 $0xFFFFF830  }
0x114: {  	_ =	swait.ge [sflag:s23], $0x7D0  }
0x115: {  	[sflag:s23] =	ssyncset.done $0x0  }
0x116: {  	[sflag:s23] =	ssyncadd.s32 $0xFFFFF830  }
0x117: {  	_ =	swait.ge [sflag:s23], $0x7D0  }
0x118: {  	[sflag:s23] =	ssyncset.done $0x0  }
0x119: {  	[sflag:s23] =	ssyncadd.s32 $0xFFFFF830  }
0x11a: {  	_ =	swait.ge [sflag:s23], $0x7D0  }
0x11b: {  	[sflag:s23] =	ssyncset.done $0x0  }
0x11c: {  	s31 =	simm.s32 $0x9820;
	[sflag:s23] =	ssyncadd.s32 $0xFFFFF830  }
0x11d: {  	s11 =	simm.s32 $0x7820;
	v9 =	vld [tilespmem:s31+$0x20]  }
0x11e: {  	s12 =	simm.s32 $0x9020;
	v1 =	vld [tilespmem:s11+$0x20]  }
0x11f: {  	s13 =	simm.s32 $0x8020;
	v10 =	vld [tilespmem:s12+$0x20]  }
0x120: {  	v2 =	vld [tilespmem:s13+$0x20]  }
0x121: {  	s14 =	simm.s32 $0x8820;
	v5 =	vld [tilespmem:s11+$0xFFFFFFE0]  }
0x122: {  	v3 =	vld [tilespmem:s14+$0x20]  }
0x123: {  	v6 =	vld [tilespmem:s13+$0xFFFFFFE0]  }
0x124: {  	v11 =	vld [tilespmem:s11+$0xFFFFFFF0]  }
0x125: {  	v12 =	vld [tilespmem:s13+$0xFFFFFFF0]  }
0x126: {  	v13 =	vld [tilespmem:s11+$0x0]  }
0x127: {  	v14 =	vld [tilespmem:s13+$0x0]  }
0x128: {  	v15 =	vld [tilespmem:s11+$0x10]  }
0x129: {  	v1 =	vmul.f32 v1, v1;
	v2 =	vmul.f32 v2, v2;
	v4 =	vld.idx.msk [tilespmem:v10+s8+$0x0], $0xffff  }
0x12a: {  	v7 =	vld.idx.msk [tilespmem:v9+s8+$0x0], $0xffff  }
0x12b: {  	v16 =	vld [tilespmem:s13+$0x10];
	v1 =	vadd.f32 v2, v1;
	v2 =	vmul.f32 v3, v3  }
0x12c: {  	v17 =	vld [tilespmem:s14+$0xFFFFFFE0]  }
0x12d: {  	v18 =	vld [tilespmem:s14+$0xFFFFFFF0];
	v1 =	vadd.f32 v2, v1  }
0x12e: {  	v19 =	vld [tilespmem:s14+$0x0];
	v24 =	vmul.f32 v5, v5;
	v2 =	vshll.u32 v4, $0x1  }
0x12f: {  	v21 =	vld [tilespmem:s14+$0x10];
	v25 =	vmul.f32 v6, v6;
	v20 =	vadd.s32 v7, v2;
	v2 =	vmul.f32 v1, v1  }
0x130: {  	v8 =	vld [tilespmem:s31+$0xFFFFFFE0];
	v11 =	vmul.f32 v11, v11;
	v12 =	vmul.f32 v12, v12  }
0x131: {  	v5 =	vld [tilespmem:s31+$0x0];
	v13 =	vmul.f32 v13, v13;
	v4 =	vmul.f32 v2, v1  }
0x132: {  	v14 =	vmul.f32 v14, v14;
	v15 =	vmul.f32 v15, v15;
	v3 =	vld [tilespmem:s12+$0xFFFFFFF0]  }
0x133: {  	v6 =	vld [tilespmem:s31+$0x10];
	v16 =	vmul.f32 v16, v16;
	(erf) = vrcp.f32 v4  }
0x134: {  	v11 =	vadd.f32 v12, v11;
	v12 =	vmul.f32 v17, v17;
	v17 =	vmul.f32 v18, v18;
	v7 =	vld [tilespmem:s31+$0xFFFFFFF0]  }
0x135: {  	v13 =	vadd.f32 v14, v13;
	v14 =	vadd.f32 v16, v15;
	v4 =	vld [tilespmem:s12+$0xFFFFFFE0]  }
0x136: {  	v11 =	vadd.f32 v17, v11;
	v17 =	vmul.f32 v21, v21;
	v23 =	vadd.s32 $0x8, v20;
	v2 =	vld [tilespmem:s12+$0x0]  }
0x137: {  	v22 =	vld.idx.msk [tilespmem:v20+s4+$0x0], $0xffff;
	v20 =	vadd.s32 $0x10, v20  }
0x138: {  	v14 =	vadd.f32 v17, v14;
	v17 =	vld.idx.msk [tilespmem:v8+s8+$0x0], $0xffff  }
0x139: {  	v1 =	vld [tilespmem:s12+$0x10]  }
0x13a: {  	v24 =	vadd.f32 v25, v24;
	v18 =	vld.idx.msk [tilespmem:v3+s8+$0x0], $0xffff  }
0x13b: {  	v15 =	vmul.f32 v19, v19;
	v23 =	vld.idx.msk [tilespmem:v23+s4+$0x0], $0xffff  }
0x13c: {  	v12 =	vadd.f32 v12, v24;
	v16 =	vld.idx.msk [tilespmem:v20+s4+$0x0], $0xffff;
	v19 =	vpop (erf)  }
0x13d: {  	v13 =	vadd.f32 v15, v13;
	v20 =	vld.idx.msk [tilespmem:v4+s8+$0x0], $0xffff;
	v15 =	vmul.f32 v19, v22  }
0x13e: {  	v52 =	vmul.f32 v12, v12;
	v53 =	vmul.f32 v11, v11;
	v26 =	vld.idx.msk [tilespmem:v7+s8+$0x0], $0xffff  }
0x13f: {  	v54 =	vmul.f32 v13, v13;
	v19 =	vld.idx.msk [tilespmem:v2+s8+$0x0], $0xffff;
	v55 =	vmul.f32 v15, v15  }
0x140: {  	v12 =	vmul.f32 v52, v12;
	v56 =	vmul.f32 v14, v14;
	v27 =	vld.idx.msk [tilespmem:v5+s8+$0x0], $0xffff  }
0x141: {  	v11 =	vmul.f32 v53, v11;
	v13 =	vmul.f32 v54, v13;
	v57 =	vld.idx.msk [tilespmem:v1+s8+$0x0], $0xffff;
	v15 =	vsub.f32 v55, v15  }
0x142: {  	v14 =	vmul.f32 v56, v14;
	(erf) = vrcp.f32 v12;
	v12 =	vshll.u32 v20, $0x1;
	v20 =	vld.idx.msk [tilespmem:v6+s8+$0x0], $0xffff  }
0x143: {  	v18 =	vshll.u32 v18, $0x1;
	v12 =	vadd.s32 v17, v12;
	v15 =	vmul.f32 v15, v23  }
0x144: {  	(erf) = vrcp.f32 v11;
	v17 =	vadd.s32 v26, v18;
	v11 =	vshll.u32 v19, $0x1  }
0x145: {  	(erf) = vrcp.f32 v13;
	v11 =	vadd.s32 v27, v11;
	v13 =	vsub.f32 v15, v16  }
0x146: {  	v15 =	vshll.u32 v57, $0x1  }
0x147: {  	(erf) = vrcp.f32 v14;
	[tilespmem:v10+s22+$0x0] =	vst.idx.add.f32.msk $0xffff, v13;
	v10 =	vadd.s32 v20, v15  }
0x148: {  	v14 =	vadd.s32 $0x8, v12;
	v15 =	vld.idx.msk [tilespmem:v12+s4+$0x0], $0xffff  }
0x149: {  	v19 =	vadd.s32 $0x8, v11;
	v18 =	vld.idx.msk [tilespmem:v17+s4+$0x0], $0xffff  }
0x14a: {  	v16 =	vadd.s32 $0x8, v17;
	v20 =	vld.idx.msk [tilespmem:v11+s4+$0x0], $0xffff  }
0x14b: {  	[tilespmem:v9+s22+$0x0] =	vst.idx.add.f32.msk $0xffff, v13;
	v9 =	vadd.s32 $0x10, v12  }
0x14c: {  	v17 =	vadd.s32 $0x10, v17;
	v12 =	vpop (erf);
	v13 =	vld.idx.msk [tilespmem:v10+s4+$0x0], $0xffff  }
0x14d: {  	v14 =	vld.idx.msk [tilespmem:v14+s4+$0x0], $0xffff;
	v59 =	vadd.s32 $0x8, v10;
	v12 =	vmul.f32 v12, v15  }
0x14e: {  	v11 =	vadd.s32 $0x10, v11;
	v58 =	vpop (erf);
	v19 =	vld.idx.msk [tilespmem:v19+s4+$0x0], $0xffff  }
0x14f: {  	v61 =	vadd.s32 $0x10, v10;
	v60 =	vld.idx.msk [tilespmem:v16+s4+$0x0], $0xffff;
	v16 =	vmul.f32 v58, v18;
	v15 =	vpop (erf);
	v18 =	vmul.f32 v12, v12  }
0x150: {  	v20 =	vmul.f32 v15, v20;
	v15 =	vpop (erf);
	v9 =	vld.idx.msk [tilespmem:v9+s4+$0x0], $0xffff  }
0x151: {  	v10 =	vmul.f32 v16, v16;
	v18 =	vsub.f32 v18, v12;
	v12 =	vld.idx.msk [tilespmem:v17+s4+$0x0], $0xffff;
	v13 =	vmul.f32 v15, v13  }
0x152: {  	v62 =	vmul.f32 v20, v20;
	v15 =	vld.idx.msk [tilespmem:v59+s4+$0x0], $0xffff  }
0x153: {  	v10 =	vsub.f32 v10, v16;
	v16 =	vld.idx.msk [tilespmem:v11+s4+$0x0], $0xffff;
	v63 =	vmul.f32 v13, v13  }
0x154: {  	v17 =	vld.idx.msk [tilespmem:v61+s4+$0x0], $0xffff;
	v20 =	vsub.f32 v62, v20;
	v14 =	vmul.f32 v18, v14  }
0x155: {  	v10 =	vmul.f32 v10, v60;
	v18 =	vsub.f32 v63, v13  }
0x156: {  	s15 =	simm.s32 $0x0;
	s16 =	simm.s32 $0x9870;
	v11 =	vsub.f32 v14, v9;
	v14 =	vmul.f32 v20, v19  }
.LBB2_6:
0x157: {  	v13 =	vld [tilespmem:s16+$0x20];
	v12 =	vsub.f32 v10, v12;
	v9 =	vmul.f32 v18, v15;
	s11 =	sadd.s32 $0x50, s11  }
0x158: {  	s12 =	sadd.s32 $0x50, s12;
	v18 =	vld [tilespmem:s11+$0x20];
	v10 =	vsub.f32 v14, v16  }
0x159: {  	s13 =	sadd.s32 $0x50, s13;
	v15 =	vld [tilespmem:s12+$0x20];
	v9 =	vsub.f32 v9, v17  }
0x15a: {  	s15 =	sadd.s32 $0x5, s15;
	v14 =	vld [tilespmem:s13+$0x20]  }
0x15b: {  	s14 =	sadd.s32 $0x50, s14;
	p0 =	slt.u32 s15, $0x78;
	v16 =	vld [tilespmem:s11+$0xFFFFFFE0]  }
0x15c: {  	v17 =	vld [tilespmem:s14+$0x20]  }
0x15d: {  	v19 =	vld [tilespmem:s13+$0xFFFFFFE0]  }
0x15e: {  	v20 =	vld [tilespmem:s11+$0xFFFFFFF0]  }
0x15f: {  	v18 =	vmul.f32 v18, v18;
	v21 =	vld [tilespmem:s13+$0xFFFFFFF0];
	v14 =	vmul.f32 v14, v14  }
0x160: {  	v16 =	vmul.f32 v16, v16;
	v22 =	vld [tilespmem:s11+$0x0]  }
0x161: {  	v23 =	vld.idx.msk [tilespmem:v15+s8+$0x0], $0xffff;
	v14 =	vadd.f32 v14, v18;
	v17 =	vmul.f32 v17, v17  }
0x162: {  	v18 =	vmul.f32 v19, v19;
	v19 =	vld.idx.msk [tilespmem:v13+s8+$0x0], $0xffff  }
0x163: {  	v20 =	vmul.f32 v20, v20;
	v24 =	vld [tilespmem:s13+$0x0];
	v14 =	vadd.f32 v17, v14  }
0x164: {  	v16 =	vadd.f32 v18, v16;
	v17 =	vmul.f32 v21, v21;
	v18 =	vld [tilespmem:s11+$0x10]  }
0x165: {  	v21 =	vmul.f32 v22, v22;
	v22 =	vld [tilespmem:s13+$0x10];
	v25 =	vmul.f32 v14, v14  }
0x166: {  	v26 =	vld [tilespmem:s14+$0xFFFFFFE0];
	v17 =	vadd.f32 v17, v20  }
0x167: {  	v23 =	vshll.u32 v23, $0x1;
	v20 =	vld [tilespmem:s14+$0xFFFFFFF0];
	v14 =	vmul.f32 v25, v14  }
0x168: {  	v19 =	vadd.s32 v19, v23;
	v25 =	vld [tilespmem:s14+$0x0];
	v24 =	vmul.f32 v24, v24  }
0x169: {  	v23 =	vld [tilespmem:s14+$0x10];
	v18 =	vmul.f32 v18, v18;
	(erf) = vrcp.f32 v14  }
0x16a: {  	v27 =	vld [tilespmem:s12+$0xFFFFFFF0];
	v21 =	vadd.f32 v24, v21;
	v22 =	vmul.f32 v22, v22  }
0x16b: {  	v24 =	vmul.f32 v26, v26;
	v26 =	vld [tilespmem:s12+$0x0]  }
0x16c: {  	v20 =	vmul.f32 v20, v20;
	v14 =	vld [tilespmem:s12+$0x10];
	v18 =	vadd.f32 v22, v18  }
0x16d: {  	v16 =	vadd.f32 v24, v16;
	v22 =	vmul.f32 v25, v25;
	v24 =	vld.idx.msk [tilespmem:v19+s4+$0x0], $0xffff  }
0x16e: {  	v25 =	vld [tilespmem:s12+$0xFFFFFFE0];
	v17 =	vadd.f32 v20, v17;
	v20 =	vmul.f32 v23, v23;
	v23 =	vadd.s32 $0x8, v19  }
0x16f: {  	v28 =	vld [tilespmem:s16+$0xFFFFFFE0];
	v29 =	vmul.f32 v16, v16;
	v21 =	vadd.f32 v22, v21  }
0x170: {  	v19 =	vadd.s32 $0x10, v19;
	v22 =	vld [tilespmem:s16+$0xFFFFFFF0];
	v30 =	vmul.f32 v17, v17;
	v18 =	vadd.f32 v20, v18  }
0x171: {  	v16 =	vmul.f32 v29, v16;
	v20 =	vld [tilespmem:s16+$0x0];
	v29 =	vmul.f32 v21, v21  }
0x172: {  	v17 =	vmul.f32 v30, v17;
	v30 =	vld [tilespmem:s16+$0x10];
	v31 =	vmul.f32 v18, v18;
	v32 =	vpop (erf)  }
0x173: {  	v21 =	vmul.f32 v29, v21;
	v23 =	vld.idx.msk [tilespmem:v23+s4+$0x0], $0xffff;
	v24 =	vmul.f32 v32, v24  }
0x174: {  	v29 =	vld.idx.msk [tilespmem:v27+s8+$0x0], $0xffff;
	v18 =	vmul.f32 v31, v18;
	(erf) = vrcp.f32 v16  }
0x175: {  	v16 =	vld.idx.msk [tilespmem:v19+s4+$0x0], $0xffff;
	v19 =	vmul.f32 v24, v24;
	(erf) = vrcp.f32 v17  }
0x176: {  	v17 =	vld.idx.msk [tilespmem:v25+s8+$0x0], $0xffff;
	(erf) = vrcp.f32 v21  }
0x177: {  	v21 =	vld.idx.msk [tilespmem:v26+s8+$0x0], $0xffff;
	v19 =	vsub.f32 v19, v24;
	(erf) = vrcp.f32 v18  }
0x178: {  	v18 =	vld.idx.msk [tilespmem:v14+s8+$0x0], $0xffff  }
0x179: {  	v24 =	vld.idx.msk [tilespmem:v28+s8+$0x0], $0xffff;
	v19 =	vmul.f32 v19, v23  }
0x17a: {  	v29 =	vshll.u32 v29, $0x1;
	v23 =	vld.idx.msk [tilespmem:v22+s8+$0x0], $0xffff  }
0x17b: {  	v31 =	vld.idx.msk [tilespmem:v20+s8+$0x0], $0xffff;
	v16 =	vsub.f32 v19, v16  }
0x17c: {  	v17 =	vshll.u32 v17, $0x1;
	v19 =	vld.idx.msk [tilespmem:v30+s8+$0x0], $0xffff  }
0x17d: {  	v21 =	vshll.u32 v21, $0x1;
	[tilespmem:v15+s22+$0x0] =	vst.idx.add.f32.msk $0xffff, v16;
	v15 =	vpop (erf)  }
0x17e: {  	v18 =	vshll.u32 v18, $0x1;
	[tilespmem:v13+s22+$0x0] =	vst.idx.add.f32.msk $0xffff, v16;
	v13 =	vpop (erf)  }
0x17f: {  	v16 =	vadd.s32 v24, v17;
	v17 =	vpop (erf);
	[tilespmem:v4+s22+$0x0] =	vst.idx.add.f32.msk $0xffff, v11;
	v4 =	vmov v25  }
0x180: {  	v24 =	vadd.s32 $0x8, v16;
	v25 =	vadd.s32 $0x10, v16;
	v23 =	vadd.s32 v23, v29;
	v29 =	vpop (erf);
	[tilespmem:v8+s22+$0x0] =	vst.idx.add.f32.msk $0xffff, v11  }
0x181: {  	v11 =	vadd.s32 $0x8, v23;
	v32 =	vadd.s32 $0x10, v23;
	v21 =	vadd.s32 v31, v21;
	[tilespmem:v3+s22+$0x0] =	vst.idx.add.f32.msk $0xffff, v12;
	v3 =	vmovc v27  }
0x182: {  	v8 =	vmovc v28;
	v27 =	vadd.s32 $0x8, v21;
	v31 =	vadd.s32 $0x10, v21;
	v18 =	vadd.s32 v19, v18;
	[tilespmem:v7+s22+$0x0] =	vst.idx.add.f32.msk $0xffff, v12  }
0x183: {  	v12 =	vadd.s32 $0x8, v18;
	v19 =	vadd.s32 $0x10, v18;
	v7 =	vmovc v22;
	[tilespmem:v2+s22+$0x0] =	vst.idx.add.f32.msk $0xffff, v10;
	v2 =	vmov v26  }
0x184: {  	v16 =	vld.idx.msk [tilespmem:v16+s4+$0x0], $0xffff  }
0x185: {  	v22 =	vld.idx.msk [tilespmem:v23+s4+$0x0], $0xffff  }
0x186: {  	v21 =	vld.idx.msk [tilespmem:v21+s4+$0x0], $0xffff  }
0x187: {  	v18 =	vld.idx.msk [tilespmem:v18+s4+$0x0], $0xffff  }
0x188: {  	v23 =	vld.idx.msk [tilespmem:v24+s4+$0x0], $0xffff  }
0x189: {  	v11 =	vld.idx.msk [tilespmem:v11+s4+$0x0], $0xffff  }
0x18a: {  	v16 =	vmul.f32 v15, v16;
	v24 =	vld.idx.msk [tilespmem:v27+s4+$0x0], $0xffff  }
0x18b: {  	v13 =	vmul.f32 v13, v22;
	v15 =	vld.idx.msk [tilespmem:v12+s4+$0x0], $0xffff  }
0x18c: {  	v21 =	vmul.f32 v17, v21;
	v22 =	vld.idx.msk [tilespmem:v25+s4+$0x0], $0xffff;
	v25 =	vmul.f32 v16, v16  }
0x18d: {  	v17 =	vmul.f32 v13, v13;
	v18 =	vmul.f32 v29, v18;
	v12 =	vld.idx.msk [tilespmem:v32+s4+$0x0], $0xffff  }
.Ltmp2:
0x18e: {  	v26 =	vmul.f32 v21, v21;
	v25 =	vsub.f32 v25, v16;
	v16 =	vld.idx.msk [tilespmem:v31+s4+$0x0], $0xffff;
	(pc) =	sbr.rel @p0 .LBB2_6-.Ltmp2, $4  }
0x18f: {  	v13 =	vsub.f32 v17, v13;
	v17 =	vld.idx.msk [tilespmem:v19+s4+$0x0], $0xffff;
	v19 =	vmul.f32 v18, v18  }
0x190: {  	v21 =	vsub.f32 v26, v21;
	v23 =	vmul.f32 v25, v23;
	[tilespmem:v5+s22+$0x0] =	vst.idx.add.f32.msk $0xffff, v10;
	v5 =	vmov v20  }
0x191: {  	v10 =	vmul.f32 v13, v11;
	v18 =	vsub.f32 v19, v18;
	[tilespmem:v1+s22+$0x0] =	vst.idx.add.f32.msk $0xffff, v9;
	v1 =	vmov v14  }
0x192: {  	s16 =	sadd.s32 $0x50, s16;
	v14 =	vmul.f32 v21, v24;
	v11 =	vsub.f32 v23, v22;
	[tilespmem:v6+s22+$0x0] =	vst.idx.add.f32.msk $0xffff, v9;
	v6 =	vmov v30  }
0x193: {  	_ =	sdelay $0x3  }
0x194: {  	v9 =	vsub.f32 v10, v12;
	[tilespmem:v4+s22+$0x0] =	vst.idx.add.f32.msk $0xffff, v11  }
0x195: {  	[tilespmem:v8+s22+$0x0] =	vst.idx.add.f32.msk $0xffff, v11  }
0x196: {  	v4 =	vmul.f32 v18, v15;
	v8 =	vsub.f32 v14, v16;
	[tilespmem:v3+s22+$0x0] =	vst.idx.add.f32.msk $0xffff, v9  }
0x197: {  	[tilespmem:v7+s22+$0x0] =	vst.idx.add.f32.msk $0xffff, v9  }
0x198: {  	v3 =	vsub.f32 v4, v17;
	[tilespmem:v2+s22+$0x0] =	vst.idx.add.f32.msk $0xffff, v8  }
0x199: {  	[tilespmem:v5+s22+$0x0] =	vst.idx.add.f32.msk $0xffff, v8  }
0x19a: {  	[tilespmem:v1+s22+$0x0] =	vst.idx.add.f32.msk $0xffff, v3  }
0x19b: {  	[tilespmem:v6+s22+$0x0] =	vst.idx.add.f32.msk $0xffff, v3  }
0x19c: {  	s0 =	rddreg [dreg:$0x1b]  }
0x19d: {  	[tilespmem:s9], [sflag:$0x2] =	stream.linear.gather [hbm4b:s0+s8], $0x7D0, $0x38;
	[tilespmem:$0xF280] =	vst v63  }
0x19e: {  	s26 =	rddreg [dreg:$0x1c]  }
0x19f: {  	[tilespmem:s10], [sflag:$0x2] =	stream.linear.gather [hbm4b:s26+s8], $0x7D0, $0x38;
	[tilespmem:$0xF280] =	vst v63  }
0x1a0: {  	s28 =	rddreg [dreg:$0x1d]  }
0x1a1: {  	[tilespmem:s17], [sflag:$0x2] =	stream.linear.gather [hbm4b:s28+s8], $0x7D0, $0x38;
	[tilespmem:$0xF280] =	vst v63  }
0x1a2: {  	s29 =	rddreg [dreg:$0x1e]  }
0x1a3: {  	[tilespmem:s18], [sflag:$0x2] =	stream.linear.gather [hbm4b:s29+s8], $0x7D0, $0x38;
	[tilespmem:$0xF280] =	vst v63  }
0x1a4: {  	s30 =	rddreg [dreg:$0x1f]  }
0x1a5: {  	[tilespmem:s19], [sflag:$0x2] =	stream.linear.gather [hbm4b:s30+s8], $0x7D0, $0x38;
	[tilespmem:$0xF280] =	vst v63  }
0x1a6: {  	_ =	swait.ge [sflag:s21], $0x7D0  }
0x1a7: {  	[sflag:s21] =	ssyncset.done $0x0  }
0x1a8: {  	[sflag:s21] =	ssyncadd.s32 $0xFFFFF830  }
0x1a9: {  	_ =	swait.ge [sflag:s21], $0x7D0  }
0x1aa: {  	[sflag:s21] =	ssyncset.done $0x0  }
0x1ab: {  	[sflag:s21] =	ssyncadd.s32 $0xFFFFF830  }
0x1ac: {  	_ =	swait.ge [sflag:s21], $0x7D0  }
0x1ad: {  	[sflag:s21] =	ssyncset.done $0x0  }
0x1ae: {  	[sflag:s21] =	ssyncadd.s32 $0xFFFFF830  }
0x1af: {  	_ =	swait.ge [sflag:s21], $0x7D0  }
0x1b0: {  	[sflag:s21] =	ssyncset.done $0x0  }
0x1b1: {  	[sflag:s21] =	ssyncadd.s32 $0xFFFFF830  }
0x1b2: {  	_ =	swait.ge [sflag:s21], $0x7D0  }
0x1b3: {  	[sflag:s21] =	ssyncset.done $0x0  }
0x1b4: {  	s31 =	simm.s32 $0x7020;
	[sflag:s21] =	ssyncadd.s32 $0xFFFFF830  }
0x1b5: {  	s11 =	simm.s32 $0x5020;
	v9 =	vld [tilespmem:s31+$0x20]  }
0x1b6: {  	s12 =	simm.s32 $0x6820;
	v1 =	vld [tilespmem:s11+$0x20]  }
0x1b7: {  	s13 =	simm.s32 $0x5820;
	v10 =	vld [tilespmem:s12+$0x20]  }
0x1b8: {  	v2 =	vld [tilespmem:s13+$0x20]  }
0x1b9: {  	s14 =	simm.s32 $0x6020;
	v5 =	vld [tilespmem:s11+$0xFFFFFFE0]  }
0x1ba: {  	v3 =	vld [tilespmem:s14+$0x20]  }
0x1bb: {  	v6 =	vld [tilespmem:s13+$0xFFFFFFE0]  }
0x1bc: {  	v11 =	vld [tilespmem:s11+$0xFFFFFFF0]  }
0x1bd: {  	v12 =	vld [tilespmem:s13+$0xFFFFFFF0]  }
0x1be: {  	v13 =	vld [tilespmem:s11+$0x0]  }
0x1bf: {  	v14 =	vld [tilespmem:s13+$0x0]  }
0x1c0: {  	v15 =	vld [tilespmem:s11+$0x10]  }
0x1c1: {  	v1 =	vmul.f32 v1, v1;
	v2 =	vmul.f32 v2, v2;
	v4 =	vld.idx.msk [tilespmem:v10+s8+$0x0], $0xffff  }
0x1c2: {  	v7 =	vld.idx.msk [tilespmem:v9+s8+$0x0], $0xffff  }
0x1c3: {  	v16 =	vld [tilespmem:s13+$0x10];
	v1 =	vadd.f32 v2, v1;
	v2 =	vmul.f32 v3, v3  }
0x1c4: {  	v17 =	vld [tilespmem:s14+$0xFFFFFFE0]  }
0x1c5: {  	v18 =	vld [tilespmem:s14+$0xFFFFFFF0];
	v1 =	vadd.f32 v2, v1  }
0x1c6: {  	v19 =	vld [tilespmem:s14+$0x0];
	v24 =	vmul.f32 v5, v5;
	v2 =	vshll.u32 v4, $0x1  }
0x1c7: {  	v21 =	vld [tilespmem:s14+$0x10];
	v25 =	vmul.f32 v6, v6;
	v20 =	vadd.s32 v7, v2;
	v2 =	vmul.f32 v1, v1  }
0x1c8: {  	v8 =	vld [tilespmem:s31+$0xFFFFFFE0];
	v11 =	vmul.f32 v11, v11;
	v12 =	vmul.f32 v12, v12  }
0x1c9: {  	v5 =	vld [tilespmem:s31+$0x0];
	v13 =	vmul.f32 v13, v13;
	v4 =	vmul.f32 v2, v1  }
0x1ca: {  	v14 =	vmul.f32 v14, v14;
	v15 =	vmul.f32 v15, v15;
	v3 =	vld [tilespmem:s12+$0xFFFFFFF0]  }
0x1cb: {  	v6 =	vld [tilespmem:s31+$0x10];
	v16 =	vmul.f32 v16, v16;
	(erf) = vrcp.f32 v4  }
0x1cc: {  	v11 =	vadd.f32 v12, v11;
	v12 =	vmul.f32 v17, v17;
	v17 =	vmul.f32 v18, v18;
	v7 =	vld [tilespmem:s31+$0xFFFFFFF0]  }
0x1cd: {  	v13 =	vadd.f32 v14, v13;
	v14 =	vadd.f32 v16, v15;
	v4 =	vld [tilespmem:s12+$0xFFFFFFE0]  }
0x1ce: {  	v11 =	vadd.f32 v17, v11;
	v17 =	vmul.f32 v21, v21;
	v23 =	vadd.s32 $0x8, v20;
	v2 =	vld [tilespmem:s12+$0x0]  }
0x1cf: {  	v22 =	vld.idx.msk [tilespmem:v20+s4+$0x0], $0xffff;
	v20 =	vadd.s32 $0x10, v20  }
0x1d0: {  	v14 =	vadd.f32 v17, v14;
	v17 =	vld.idx.msk [tilespmem:v8+s8+$0x0], $0xffff  }
0x1d1: {  	v1 =	vld [tilespmem:s12+$0x10]  }
0x1d2: {  	v24 =	vadd.f32 v25, v24;
	v18 =	vld.idx.msk [tilespmem:v3+s8+$0x0], $0xffff  }
0x1d3: {  	v15 =	vmul.f32 v19, v19;
	v23 =	vld.idx.msk [tilespmem:v23+s4+$0x0], $0xffff  }
0x1d4: {  	v12 =	vadd.f32 v12, v24;
	v16 =	vld.idx.msk [tilespmem:v20+s4+$0x0], $0xffff;
	v19 =	vpop (erf)  }
0x1d5: {  	v13 =	vadd.f32 v15, v13;
	v20 =	vld.idx.msk [tilespmem:v4+s8+$0x0], $0xffff;
	v15 =	vmul.f32 v19, v22  }
0x1d6: {  	v52 =	vmul.f32 v12, v12;
	v53 =	vmul.f32 v11, v11;
	v26 =	vld.idx.msk [tilespmem:v7+s8+$0x0], $0xffff  }
0x1d7: {  	v54 =	vmul.f32 v13, v13;
	v19 =	vld.idx.msk [tilespmem:v2+s8+$0x0], $0xffff;
	v55 =	vmul.f32 v15, v15  }
0x1d8: {  	v12 =	vmul.f32 v52, v12;
	v56 =	vmul.f32 v14, v14;
	v27 =	vld.idx.msk [tilespmem:v5+s8+$0x0], $0xffff  }
0x1d9: {  	v11 =	vmul.f32 v53, v11;
	v13 =	vmul.f32 v54, v13;
	v57 =	vld.idx.msk [tilespmem:v1+s8+$0x0], $0xffff;
	v15 =	vsub.f32 v55, v15  }
0x1da: {  	v14 =	vmul.f32 v56, v14;
	(erf) = vrcp.f32 v12;
	v12 =	vshll.u32 v20, $0x1;
	v20 =	vld.idx.msk [tilespmem:v6+s8+$0x0], $0xffff  }
0x1db: {  	v18 =	vshll.u32 v18, $0x1;
	v12 =	vadd.s32 v17, v12;
	v15 =	vmul.f32 v15, v23  }
0x1dc: {  	(erf) = vrcp.f32 v11;
	v17 =	vadd.s32 v26, v18;
	v11 =	vshll.u32 v19, $0x1  }
0x1dd: {  	(erf) = vrcp.f32 v13;
	v11 =	vadd.s32 v27, v11;
	v13 =	vsub.f32 v15, v16  }
0x1de: {  	v15 =	vshll.u32 v57, $0x1  }
0x1df: {  	(erf) = vrcp.f32 v14;
	[tilespmem:v10+s22+$0x0] =	vst.idx.add.f32.msk $0xffff, v13;
	v10 =	vadd.s32 v20, v15  }
0x1e0: {  	v14 =	vadd.s32 $0x8, v12;
	v15 =	vld.idx.msk [tilespmem:v12+s4+$0x0], $0xffff  }
0x1e1: {  	v19 =	vadd.s32 $0x8, v11;
	v18 =	vld.idx.msk [tilespmem:v17+s4+$0x0], $0xffff  }
0x1e2: {  	v16 =	vadd.s32 $0x8, v17;
	v20 =	vld.idx.msk [tilespmem:v11+s4+$0x0], $0xffff  }
0x1e3: {  	[tilespmem:v9+s22+$0x0] =	vst.idx.add.f32.msk $0xffff, v13;
	v9 =	vadd.s32 $0x10, v12  }
0x1e4: {  	v17 =	vadd.s32 $0x10, v17;
	v12 =	vpop (erf);
	v13 =	vld.idx.msk [tilespmem:v10+s4+$0x0], $0xffff  }
0x1e5: {  	v14 =	vld.idx.msk [tilespmem:v14+s4+$0x0], $0xffff;
	v59 =	vadd.s32 $0x8, v10;
	v12 =	vmul.f32 v12, v15  }
0x1e6: {  	v11 =	vadd.s32 $0x10, v11;
	v58 =	vpop (erf);
	v19 =	vld.idx.msk [tilespmem:v19+s4+$0x0], $0xffff  }
0x1e7: {  	v61 =	vadd.s32 $0x10, v10;
	v60 =	vld.idx.msk [tilespmem:v16+s4+$0x0], $0xffff;
	v16 =	vmul.f32 v58, v18;
	v15 =	vpop (erf);
	v18 =	vmul.f32 v12, v12  }
0x1e8: {  	v20 =	vmul.f32 v15, v20;
	v15 =	vpop (erf);
	v9 =	vld.idx.msk [tilespmem:v9+s4+$0x0], $0xffff  }
0x1e9: {  	v10 =	vmul.f32 v16, v16;
	v18 =	vsub.f32 v18, v12;
	v12 =	vld.idx.msk [tilespmem:v17+s4+$0x0], $0xffff;
	v13 =	vmul.f32 v15, v13  }
0x1ea: {  	v62 =	vmul.f32 v20, v20;
	v15 =	vld.idx.msk [tilespmem:v59+s4+$0x0], $0xffff  }
0x1eb: {  	v10 =	vsub.f32 v10, v16;
	v16 =	vld.idx.msk [tilespmem:v11+s4+$0x0], $0xffff;
	v63 =	vmul.f32 v13, v13  }
0x1ec: {  	v17 =	vld.idx.msk [tilespmem:v61+s4+$0x0], $0xffff;
	v20 =	vsub.f32 v62, v20;
	v14 =	vmul.f32 v18, v14  }
0x1ed: {  	v10 =	vmul.f32 v10, v60;
	v18 =	vsub.f32 v63, v13  }
0x1ee: {  	s15 =	simm.s32 $0x0;
	s16 =	simm.s32 $0x7070;
	v11 =	vsub.f32 v14, v9;
	v14 =	vmul.f32 v20, v19  }
.LBB2_8:
0x1ef: {  	v13 =	vld [tilespmem:s16+$0x20];
	v12 =	vsub.f32 v10, v12;
	v9 =	vmul.f32 v18, v15;
	s11 =	sadd.s32 $0x50, s11  }
0x1f0: {  	s12 =	sadd.s32 $0x50, s12;
	v18 =	vld [tilespmem:s11+$0x20];
	v10 =	vsub.f32 v14, v16  }
0x1f1: {  	s13 =	sadd.s32 $0x50, s13;
	v15 =	vld [tilespmem:s12+$0x20];
	v9 =	vsub.f32 v9, v17  }
0x1f2: {  	s15 =	sadd.s32 $0x5, s15;
	v14 =	vld [tilespmem:s13+$0x20]  }
0x1f3: {  	s14 =	sadd.s32 $0x50, s14;
	p0 =	slt.u32 s15, $0x78;
	v16 =	vld [tilespmem:s11+$0xFFFFFFE0]  }
0x1f4: {  	v17 =	vld [tilespmem:s14+$0x20]  }
0x1f5: {  	v19 =	vld [tilespmem:s13+$0xFFFFFFE0]  }
0x1f6: {  	v20 =	vld [tilespmem:s11+$0xFFFFFFF0]  }
0x1f7: {  	v18 =	vmul.f32 v18, v18;
	v21 =	vld [tilespmem:s13+$0xFFFFFFF0];
	v14 =	vmul.f32 v14, v14  }
0x1f8: {  	v16 =	vmul.f32 v16, v16;
	v22 =	vld [tilespmem:s11+$0x0]  }
0x1f9: {  	v23 =	vld.idx.msk [tilespmem:v15+s8+$0x0], $0xffff;
	v14 =	vadd.f32 v14, v18;
	v17 =	vmul.f32 v17, v17  }
0x1fa: {  	v18 =	vmul.f32 v19, v19;
	v19 =	vld.idx.msk [tilespmem:v13+s8+$0x0], $0xffff  }
0x1fb: {  	v20 =	vmul.f32 v20, v20;
	v24 =	vld [tilespmem:s13+$0x0];
	v14 =	vadd.f32 v17, v14  }
0x1fc: {  	v16 =	vadd.f32 v18, v16;
	v17 =	vmul.f32 v21, v21;
	v18 =	vld [tilespmem:s11+$0x10]  }
0x1fd: {  	v21 =	vmul.f32 v22, v22;
	v22 =	vld [tilespmem:s13+$0x10];
	v25 =	vmul.f32 v14, v14  }
0x1fe: {  	v26 =	vld [tilespmem:s14+$0xFFFFFFE0];
	v17 =	vadd.f32 v17, v20  }
0x1ff: {  	v23 =	vshll.u32 v23, $0x1;
	v20 =	vld [tilespmem:s14+$0xFFFFFFF0];
	v14 =	vmul.f32 v25, v14  }
0x200: {  	v19 =	vadd.s32 v19, v23;
	v25 =	vld [tilespmem:s14+$0x0];
	v24 =	vmul.f32 v24, v24  }
0x201: {  	v23 =	vld [tilespmem:s14+$0x10];
	v18 =	vmul.f32 v18, v18;
	(erf) = vrcp.f32 v14  }
0x202: {  	v27 =	vld [tilespmem:s12+$0xFFFFFFF0];
	v21 =	vadd.f32 v24, v21;
	v22 =	vmul.f32 v22, v22  }
0x203: {  	v24 =	vmul.f32 v26, v26;
	v26 =	vld [tilespmem:s12+$0x0]  }
0x204: {  	v20 =	vmul.f32 v20, v20;
	v14 =	vld [tilespmem:s12+$0x10];
	v18 =	vadd.f32 v22, v18  }
0x205: {  	v16 =	vadd.f32 v24, v16;
	v22 =	vmul.f32 v25, v25;
	v24 =	vld.idx.msk [tilespmem:v19+s4+$0x0], $0xffff  }
0x206: {  	v25 =	vld [tilespmem:s12+$0xFFFFFFE0];
	v17 =	vadd.f32 v20, v17;
	v20 =	vmul.f32 v23, v23;
	v23 =	vadd.s32 $0x8, v19  }
0x207: {  	v28 =	vld [tilespmem:s16+$0xFFFFFFE0];
	v29 =	vmul.f32 v16, v16;
	v21 =	vadd.f32 v22, v21  }
0x208: {  	v19 =	vadd.s32 $0x10, v19;
	v22 =	vld [tilespmem:s16+$0xFFFFFFF0];
	v30 =	vmul.f32 v17, v17;
	v18 =	vadd.f32 v20, v18  }
0x209: {  	v16 =	vmul.f32 v29, v16;
	v20 =	vld [tilespmem:s16+$0x0];
	v29 =	vmul.f32 v21, v21  }
0x20a: {  	v17 =	vmul.f32 v30, v17;
	v30 =	vld [tilespmem:s16+$0x10];
	v31 =	vmul.f32 v18, v18;
	v32 =	vpop (erf)  }
0x20b: {  	v21 =	vmul.f32 v29, v21;
	v23 =	vld.idx.msk [tilespmem:v23+s4+$0x0], $0xffff;
	v24 =	vmul.f32 v32, v24  }
0x20c: {  	v29 =	vld.idx.msk [tilespmem:v27+s8+$0x0], $0xffff;
	v18 =	vmul.f32 v31, v18;
	(erf) = vrcp.f32 v16  }
0x20d: {  	v16 =	vld.idx.msk [tilespmem:v19+s4+$0x0], $0xffff;
	v19 =	vmul.f32 v24, v24;
	(erf) = vrcp.f32 v17  }
0x20e: {  	v17 =	vld.idx.msk [tilespmem:v25+s8+$0x0], $0xffff;
	(erf) = vrcp.f32 v21  }
0x20f: {  	v21 =	vld.idx.msk [tilespmem:v26+s8+$0x0], $0xffff;
	v19 =	vsub.f32 v19, v24;
	(erf) = vrcp.f32 v18  }
0x210: {  	v18 =	vld.idx.msk [tilespmem:v14+s8+$0x0], $0xffff  }
0x211: {  	v24 =	vld.idx.msk [tilespmem:v28+s8+$0x0], $0xffff;
	v19 =	vmul.f32 v19, v23  }
0x212: {  	v29 =	vshll.u32 v29, $0x1;
	v23 =	vld.idx.msk [tilespmem:v22+s8+$0x0], $0xffff  }
0x213: {  	v31 =	vld.idx.msk [tilespmem:v20+s8+$0x0], $0xffff;
	v16 =	vsub.f32 v19, v16  }
0x214: {  	v17 =	vshll.u32 v17, $0x1;
	v19 =	vld.idx.msk [tilespmem:v30+s8+$0x0], $0xffff  }
0x215: {  	v21 =	vshll.u32 v21, $0x1;
	[tilespmem:v15+s22+$0x0] =	vst.idx.add.f32.msk $0xffff, v16;
	v15 =	vpop (erf)  }
0x216: {  	v18 =	vshll.u32 v18, $0x1;
	[tilespmem:v13+s22+$0x0] =	vst.idx.add.f32.msk $0xffff, v16;
	v13 =	vpop (erf)  }
0x217: {  	v16 =	vadd.s32 v24, v17;
	v17 =	vpop (erf);
	[tilespmem:v4+s22+$0x0] =	vst.idx.add.f32.msk $0xffff, v11;
	v4 =	vmov v25  }
0x218: {  	v24 =	vadd.s32 $0x8, v16;
	v25 =	vadd.s32 $0x10, v16;
	v23 =	vadd.s32 v23, v29;
	v29 =	vpop (erf);
	[tilespmem:v8+s22+$0x0] =	vst.idx.add.f32.msk $0xffff, v11  }
0x219: {  	v11 =	vadd.s32 $0x8, v23;
	v32 =	vadd.s32 $0x10, v23;
	v21 =	vadd.s32 v31, v21;
	[tilespmem:v3+s22+$0x0] =	vst.idx.add.f32.msk $0xffff, v12;
	v3 =	vmovc v27  }
0x21a: {  	v8 =	vmovc v28;
	v27 =	vadd.s32 $0x8, v21;
	v31 =	vadd.s32 $0x10, v21;
	v18 =	vadd.s32 v19, v18;
	[tilespmem:v7+s22+$0x0] =	vst.idx.add.f32.msk $0xffff, v12  }
0x21b: {  	v12 =	vadd.s32 $0x8, v18;
	v19 =	vadd.s32 $0x10, v18;
	v7 =	vmovc v22;
	[tilespmem:v2+s22+$0x0] =	vst.idx.add.f32.msk $0xffff, v10;
	v2 =	vmov v26  }
0x21c: {  	v16 =	vld.idx.msk [tilespmem:v16+s4+$0x0], $0xffff  }
0x21d: {  	v22 =	vld.idx.msk [tilespmem:v23+s4+$0x0], $0xffff  }
0x21e: {  	v21 =	vld.idx.msk [tilespmem:v21+s4+$0x0], $0xffff  }
0x21f: {  	v18 =	vld.idx.msk [tilespmem:v18+s4+$0x0], $0xffff  }
0x220: {  	v23 =	vld.idx.msk [tilespmem:v24+s4+$0x0], $0xffff  }
0x221: {  	v11 =	vld.idx.msk [tilespmem:v11+s4+$0x0], $0xffff  }
0x222: {  	v16 =	vmul.f32 v15, v16;
	v24 =	vld.idx.msk [tilespmem:v27+s4+$0x0], $0xffff  }
0x223: {  	v13 =	vmul.f32 v13, v22;
	v15 =	vld.idx.msk [tilespmem:v12+s4+$0x0], $0xffff  }
0x224: {  	v21 =	vmul.f32 v17, v21;
	v22 =	vld.idx.msk [tilespmem:v25+s4+$0x0], $0xffff;
	v25 =	vmul.f32 v16, v16  }
0x225: {  	v17 =	vmul.f32 v13, v13;
	v18 =	vmul.f32 v29, v18;
	v12 =	vld.idx.msk [tilespmem:v32+s4+$0x0], $0xffff  }
.Ltmp3:
0x226: {  	v26 =	vmul.f32 v21, v21;
	v25 =	vsub.f32 v25, v16;
	v16 =	vld.idx.msk [tilespmem:v31+s4+$0x0], $0xffff;
	(pc) =	sbr.rel @p0 .LBB2_8-.Ltmp3, $4  }
0x227: {  	v13 =	vsub.f32 v17, v13;
	v17 =	vld.idx.msk [tilespmem:v19+s4+$0x0], $0xffff;
	v19 =	vmul.f32 v18, v18  }
0x228: {  	v21 =	vsub.f32 v26, v21;
	v23 =	vmul.f32 v25, v23;
	[tilespmem:v5+s22+$0x0] =	vst.idx.add.f32.msk $0xffff, v10;
	v5 =	vmov v20  }
0x229: {  	v10 =	vmul.f32 v13, v11;
	v18 =	vsub.f32 v19, v18;
	[tilespmem:v1+s22+$0x0] =	vst.idx.add.f32.msk $0xffff, v9;
	v1 =	vmov v14  }
0x22a: {  	s16 =	sadd.s32 $0x50, s16;
	v14 =	vmul.f32 v21, v24;
	v11 =	vsub.f32 v23, v22;
	[tilespmem:v6+s22+$0x0] =	vst.idx.add.f32.msk $0xffff, v9;
	v6 =	vmov v30  }
0x22b: {  	_ =	sdelay $0x3  }
0x22c: {  	v9 =	vsub.f32 v10, v12;
	[tilespmem:v4+s22+$0x0] =	vst.idx.add.f32.msk $0xffff, v11  }
0x22d: {  	[tilespmem:v8+s22+$0x0] =	vst.idx.add.f32.msk $0xffff, v11  }
0x22e: {  	v4 =	vmul.f32 v18, v15;
	v8 =	vsub.f32 v14, v16;
	[tilespmem:v3+s22+$0x0] =	vst.idx.add.f32.msk $0xffff, v9  }
0x22f: {  	[tilespmem:v7+s22+$0x0] =	vst.idx.add.f32.msk $0xffff, v9  }
0x230: {  	v3 =	vsub.f32 v4, v17;
	[tilespmem:v2+s22+$0x0] =	vst.idx.add.f32.msk $0xffff, v8  }
0x231: {  	[tilespmem:v5+s22+$0x0] =	vst.idx.add.f32.msk $0xffff, v8  }
0x232: {  	[tilespmem:v1+s22+$0x0] =	vst.idx.add.f32.msk $0xffff, v3  }
0x233: {  	[tilespmem:v6+s22+$0x0] =	vst.idx.add.f32.msk $0xffff, v3  }
0x234: {  	s0 =	sld [smem:$0x7D7];
	_ =	sdelay $0x1  }
0x235: {  	s26 =	sld [smem:$0x7D8]  }
0x236: {  	[tilespmem:s2], [sflag:$0x1] =	stream.linear.gather [hbm4b:s0+s8], $0x7D0, $0x38;
	[tilespmem:$0xF280] =	vst v63  }
0x237: {  	s28 =	sld [smem:$0x7D9]  }
0x238: {  	[tilespmem:s3], [sflag:$0x1] =	stream.linear.gather [hbm4b:s26+s8], $0x7D0, $0x38;
	[tilespmem:$0xF280] =	vst v63  }
0x239: {  	s29 =	sld [smem:$0x7DA]  }
0x23a: {  	[tilespmem:s5], [sflag:$0x1] =	stream.linear.gather [hbm4b:s28+s8], $0x7D0, $0x38;
	[tilespmem:$0xF280] =	vst v63  }
0x23b: {  	s30 =	sld [smem:$0x7DB]  }
0x23c: {  	[tilespmem:s6], [sflag:$0x1] =	stream.linear.gather [hbm4b:s29+s8], $0x7D0, $0x38;
	[tilespmem:$0xF280] =	vst v63  }
0x23d: {  	_ = 	snop  }
0x23e: {  	[tilespmem:s7], [sflag:$0x1] =	stream.linear.gather [hbm4b:s30+s8], $0x7D0, $0x38;
	[tilespmem:$0xF280] =	vst v63  }
0x23f: {  	_ =	swait.ge [sflag:s23], $0x7D0  }
0x240: {  	[sflag:s23] =	ssyncset.done $0x0  }
0x241: {  	[sflag:s23] =	ssyncadd.s32 $0xFFFFF830  }
0x242: {  	_ =	swait.ge [sflag:s23], $0x7D0  }
0x243: {  	[sflag:s23] =	ssyncset.done $0x0  }
0x244: {  	[sflag:s23] =	ssyncadd.s32 $0xFFFFF830  }
0x245: {  	_ =	swait.ge [sflag:s23], $0x7D0  }
0x246: {  	[sflag:s23] =	ssyncset.done $0x0  }
0x247: {  	[sflag:s23] =	ssyncadd.s32 $0xFFFFF830  }
0x248: {  	_ =	swait.ge [sflag:s23], $0x7D0  }
0x249: {  	[sflag:s23] =	ssyncset.done $0x0  }
0x24a: {  	[sflag:s23] =	ssyncadd.s32 $0xFFFFF830  }
0x24b: {  	_ =	swait.ge [sflag:s23], $0x7D0  }
0x24c: {  	[sflag:s23] =	ssyncset.done $0x0  }
0x24d: {  	s31 =	simm.s32 $0x9820;
	[sflag:s23] =	ssyncadd.s32 $0xFFFFF830  }
0x24e: {  	s11 =	simm.s32 $0x7820;
	v9 =	vld [tilespmem:s31+$0x20]  }
0x24f: {  	s12 =	simm.s32 $0x9020;
	v1 =	vld [tilespmem:s11+$0x20]  }
0x250: {  	s13 =	simm.s32 $0x8020;
	v10 =	vld [tilespmem:s12+$0x20]  }
0x251: {  	v2 =	vld [tilespmem:s13+$0x20]  }
0x252: {  	s14 =	simm.s32 $0x8820;
	v5 =	vld [tilespmem:s11+$0xFFFFFFE0]  }
0x253: {  	v3 =	vld [tilespmem:s14+$0x20]  }
0x254: {  	v6 =	vld [tilespmem:s13+$0xFFFFFFE0]  }
0x255: {  	v11 =	vld [tilespmem:s11+$0xFFFFFFF0]  }
0x256: {  	v12 =	vld [tilespmem:s13+$0xFFFFFFF0]  }
0x257: {  	v13 =	vld [tilespmem:s11+$0x0]  }
0x258: {  	v14 =	vld [tilespmem:s13+$0x0]  }
0x259: {  	v15 =	vld [tilespmem:s11+$0x10]  }
0x25a: {  	v1 =	vmul.f32 v1, v1;
	v2 =	vmul.f32 v2, v2;
	v4 =	vld.idx.msk [tilespmem:v10+s8+$0x0], $0xffff  }
0x25b: {  	v7 =	vld.idx.msk [tilespmem:v9+s8+$0x0], $0xffff  }
0x25c: {  	v16 =	vld [tilespmem:s13+$0x10];
	v1 =	vadd.f32 v2, v1;
	v2 =	vmul.f32 v3, v3  }
0x25d: {  	v17 =	vld [tilespmem:s14+$0xFFFFFFE0]  }
0x25e: {  	v18 =	vld [tilespmem:s14+$0xFFFFFFF0];
	v1 =	vadd.f32 v2, v1  }
0x25f: {  	v19 =	vld [tilespmem:s14+$0x0];
	v24 =	vmul.f32 v5, v5;
	v2 =	vshll.u32 v4, $0x1  }
0x260: {  	v21 =	vld [tilespmem:s14+$0x10];
	v25 =	vmul.f32 v6, v6;
	v20 =	vadd.s32 v7, v2;
	v2 =	vmul.f32 v1, v1  }
0x261: {  	v8 =	vld [tilespmem:s31+$0xFFFFFFE0];
	v11 =	vmul.f32 v11, v11;
	v12 =	vmul.f32 v12, v12  }
0x262: {  	v5 =	vld [tilespmem:s31+$0x0];
	v13 =	vmul.f32 v13, v13;
	v4 =	vmul.f32 v2, v1  }
0x263: {  	v14 =	vmul.f32 v14, v14;
	v15 =	vmul.f32 v15, v15;
	v3 =	vld [tilespmem:s12+$0xFFFFFFF0]  }
0x264: {  	v6 =	vld [tilespmem:s31+$0x10];
	v16 =	vmul.f32 v16, v16;
	(erf) = vrcp.f32 v4  }
0x265: {  	v11 =	vadd.f32 v12, v11;
	v12 =	vmul.f32 v17, v17;
	v17 =	vmul.f32 v18, v18;
	v7 =	vld [tilespmem:s31+$0xFFFFFFF0]  }
0x266: {  	v13 =	vadd.f32 v14, v13;
	v14 =	vadd.f32 v16, v15;
	v4 =	vld [tilespmem:s12+$0xFFFFFFE0]  }
0x267: {  	v11 =	vadd.f32 v17, v11;
	v17 =	vmul.f32 v21, v21;
	v23 =	vadd.s32 $0x8, v20;
	v2 =	vld [tilespmem:s12+$0x0]  }
0x268: {  	v22 =	vld.idx.msk [tilespmem:v20+s4+$0x0], $0xffff;
	v20 =	vadd.s32 $0x10, v20  }
0x269: {  	v14 =	vadd.f32 v17, v14;
	v17 =	vld.idx.msk [tilespmem:v8+s8+$0x0], $0xffff  }
0x26a: {  	v1 =	vld [tilespmem:s12+$0x10]  }
0x26b: {  	v24 =	vadd.f32 v25, v24;
	v18 =	vld.idx.msk [tilespmem:v3+s8+$0x0], $0xffff  }
0x26c: {  	v15 =	vmul.f32 v19, v19;
	v23 =	vld.idx.msk [tilespmem:v23+s4+$0x0], $0xffff  }
0x26d: {  	v12 =	vadd.f32 v12, v24;
	v16 =	vld.idx.msk [tilespmem:v20+s4+$0x0], $0xffff;
	v19 =	vpop (erf)  }
0x26e: {  	v13 =	vadd.f32 v15, v13;
	v20 =	vld.idx.msk [tilespmem:v4+s8+$0x0], $0xffff;
	v15 =	vmul.f32 v19, v22  }
0x26f: {  	v52 =	vmul.f32 v12, v12;
	v53 =	vmul.f32 v11, v11;
	v26 =	vld.idx.msk [tilespmem:v7+s8+$0x0], $0xffff  }
0x270: {  	v54 =	vmul.f32 v13, v13;
	v19 =	vld.idx.msk [tilespmem:v2+s8+$0x0], $0xffff;
	v55 =	vmul.f32 v15, v15  }
0x271: {  	v12 =	vmul.f32 v52, v12;
	v56 =	vmul.f32 v14, v14;
	v27 =	vld.idx.msk [tilespmem:v5+s8+$0x0], $0xffff  }
0x272: {  	v11 =	vmul.f32 v53, v11;
	v13 =	vmul.f32 v54, v13;
	v57 =	vld.idx.msk [tilespmem:v1+s8+$0x0], $0xffff;
	v15 =	vsub.f32 v55, v15  }
0x273: {  	v14 =	vmul.f32 v56, v14;
	(erf) = vrcp.f32 v12;
	v12 =	vshll.u32 v20, $0x1;
	v20 =	vld.idx.msk [tilespmem:v6+s8+$0x0], $0xffff  }
0x274: {  	v18 =	vshll.u32 v18, $0x1;
	v12 =	vadd.s32 v17, v12;
	v15 =	vmul.f32 v15, v23  }
0x275: {  	(erf) = vrcp.f32 v11;
	v17 =	vadd.s32 v26, v18;
	v11 =	vshll.u32 v19, $0x1  }
0x276: {  	(erf) = vrcp.f32 v13;
	v11 =	vadd.s32 v27, v11;
	v13 =	vsub.f32 v15, v16  }
0x277: {  	v15 =	vshll.u32 v57, $0x1  }
0x278: {  	(erf) = vrcp.f32 v14;
	[tilespmem:v10+s22+$0x0] =	vst.idx.add.f32.msk $0xffff, v13;
	v10 =	vadd.s32 v20, v15  }
0x279: {  	v14 =	vadd.s32 $0x8, v12;
	v15 =	vld.idx.msk [tilespmem:v12+s4+$0x0], $0xffff  }
0x27a: {  	v19 =	vadd.s32 $0x8, v11;
	v18 =	vld.idx.msk [tilespmem:v17+s4+$0x0], $0xffff  }
0x27b: {  	v16 =	vadd.s32 $0x8, v17;
	v20 =	vld.idx.msk [tilespmem:v11+s4+$0x0], $0xffff  }
0x27c: {  	[tilespmem:v9+s22+$0x0] =	vst.idx.add.f32.msk $0xffff, v13;
	v9 =	vadd.s32 $0x10, v12  }
0x27d: {  	v17 =	vadd.s32 $0x10, v17;
	v12 =	vpop (erf);
	v13 =	vld.idx.msk [tilespmem:v10+s4+$0x0], $0xffff  }
0x27e: {  	v14 =	vld.idx.msk [tilespmem:v14+s4+$0x0], $0xffff;
	v59 =	vadd.s32 $0x8, v10;
	v12 =	vmul.f32 v12, v15  }
0x27f: {  	v11 =	vadd.s32 $0x10, v11;
	v58 =	vpop (erf);
	v19 =	vld.idx.msk [tilespmem:v19+s4+$0x0], $0xffff  }
0x280: {  	v61 =	vadd.s32 $0x10, v10;
	v60 =	vld.idx.msk [tilespmem:v16+s4+$0x0], $0xffff;
	v16 =	vmul.f32 v58, v18;
	v15 =	vpop (erf);
	v18 =	vmul.f32 v12, v12  }
0x281: {  	v20 =	vmul.f32 v15, v20;
	v15 =	vpop (erf);
	v9 =	vld.idx.msk [tilespmem:v9+s4+$0x0], $0xffff  }
0x282: {  	v10 =	vmul.f32 v16, v16;
	v18 =	vsub.f32 v18, v12;
	v12 =	vld.idx.msk [tilespmem:v17+s4+$0x0], $0xffff;
	v13 =	vmul.f32 v15, v13  }
0x283: {  	v62 =	vmul.f32 v20, v20;
	v15 =	vld.idx.msk [tilespmem:v59+s4+$0x0], $0xffff  }
0x284: {  	v10 =	vsub.f32 v10, v16;
	v16 =	vld.idx.msk [tilespmem:v11+s4+$0x0], $0xffff;
	v63 =	vmul.f32 v13, v13  }
0x285: {  	v17 =	vld.idx.msk [tilespmem:v61+s4+$0x0], $0xffff;
	v20 =	vsub.f32 v62, v20;
	v14 =	vmul.f32 v18, v14  }
0x286: {  	v10 =	vmul.f32 v10, v60;
	v18 =	vsub.f32 v63, v13  }
0x287: {  	s15 =	simm.s32 $0x0;
	s16 =	simm.s32 $0x9870;
	v11 =	vsub.f32 v14, v9;
	v14 =	vmul.f32 v20, v19  }
.LBB2_10:
0x288: {  	v13 =	vld [tilespmem:s16+$0x20];
	v12 =	vsub.f32 v10, v12;
	v9 =	vmul.f32 v18, v15;
	s11 =	sadd.s32 $0x50, s11  }
0x289: {  	s12 =	sadd.s32 $0x50, s12;
	v18 =	vld [tilespmem:s11+$0x20];
	v10 =	vsub.f32 v14, v16  }
0x28a: {  	s13 =	sadd.s32 $0x50, s13;
	v15 =	vld [tilespmem:s12+$0x20];
	v9 =	vsub.f32 v9, v17  }
0x28b: {  	s15 =	sadd.s32 $0x5, s15;
	v14 =	vld [tilespmem:s13+$0x20]  }
0x28c: {  	s14 =	sadd.s32 $0x50, s14;
	p0 =	slt.u32 s15, $0x78;
	v16 =	vld [tilespmem:s11+$0xFFFFFFE0]  }
0x28d: {  	v17 =	vld [tilespmem:s14+$0x20]  }
0x28e: {  	v19 =	vld [tilespmem:s13+$0xFFFFFFE0]  }
0x28f: {  	v20 =	vld [tilespmem:s11+$0xFFFFFFF0]  }
0x290: {  	v18 =	vmul.f32 v18, v18;
	v21 =	vld [tilespmem:s13+$0xFFFFFFF0];
	v14 =	vmul.f32 v14, v14  }
0x291: {  	v16 =	vmul.f32 v16, v16;
	v22 =	vld [tilespmem:s11+$0x0]  }
0x292: {  	v23 =	vld.idx.msk [tilespmem:v15+s8+$0x0], $0xffff;
	v14 =	vadd.f32 v14, v18;
	v17 =	vmul.f32 v17, v17  }
0x293: {  	v18 =	vmul.f32 v19, v19;
	v19 =	vld.idx.msk [tilespmem:v13+s8+$0x0], $0xffff  }
0x294: {  	v20 =	vmul.f32 v20, v20;
	v24 =	vld [tilespmem:s13+$0x0];
	v14 =	vadd.f32 v17, v14  }
0x295: {  	v16 =	vadd.f32 v18, v16;
	v17 =	vmul.f32 v21, v21;
	v18 =	vld [tilespmem:s11+$0x10]  }
0x296: {  	v21 =	vmul.f32 v22, v22;
	v22 =	vld [tilespmem:s13+$0x10];
	v25 =	vmul.f32 v14, v14  }
0x297: {  	v26 =	vld [tilespmem:s14+$0xFFFFFFE0];
	v17 =	vadd.f32 v17, v20  }
0x298: {  	v23 =	vshll.u32 v23, $0x1;
	v20 =	vld [tilespmem:s14+$0xFFFFFFF0];
	v14 =	vmul.f32 v25, v14  }
0x299: {  	v19 =	vadd.s32 v19, v23;
	v25 =	vld [tilespmem:s14+$0x0];
	v24 =	vmul.f32 v24, v24  }
0x29a: {  	v23 =	vld [tilespmem:s14+$0x10];
	v18 =	vmul.f32 v18, v18;
	(erf) = vrcp.f32 v14  }
0x29b: {  	v27 =	vld [tilespmem:s12+$0xFFFFFFF0];
	v21 =	vadd.f32 v24, v21;
	v22 =	vmul.f32 v22, v22  }
0x29c: {  	v24 =	vmul.f32 v26, v26;
	v26 =	vld [tilespmem:s12+$0x0]  }
0x29d: {  	v20 =	vmul.f32 v20, v20;
	v14 =	vld [tilespmem:s12+$0x10];
	v18 =	vadd.f32 v22, v18  }
0x29e: {  	v16 =	vadd.f32 v24, v16;
	v22 =	vmul.f32 v25, v25;
	v24 =	vld.idx.msk [tilespmem:v19+s4+$0x0], $0xffff  }
0x29f: {  	v25 =	vld [tilespmem:s12+$0xFFFFFFE0];
	v17 =	vadd.f32 v20, v17;
	v20 =	vmul.f32 v23, v23;
	v23 =	vadd.s32 $0x8, v19  }
0x2a0: {  	v28 =	vld [tilespmem:s16+$0xFFFFFFE0];
	v29 =	vmul.f32 v16, v16;
	v21 =	vadd.f32 v22, v21  }
0x2a1: {  	v19 =	vadd.s32 $0x10, v19;
	v22 =	vld [tilespmem:s16+$0xFFFFFFF0];
	v30 =	vmul.f32 v17, v17;
	v18 =	vadd.f32 v20, v18  }
0x2a2: {  	v16 =	vmul.f32 v29, v16;
	v20 =	vld [tilespmem:s16+$0x0];
	v29 =	vmul.f32 v21, v21  }
0x2a3: {  	v17 =	vmul.f32 v30, v17;
	v30 =	vld [tilespmem:s16+$0x10];
	v31 =	vmul.f32 v18, v18;
	v32 =	vpop (erf)  }
0x2a4: {  	v21 =	vmul.f32 v29, v21;
	v23 =	vld.idx.msk [tilespmem:v23+s4+$0x0], $0xffff;
	v24 =	vmul.f32 v32, v24  }
0x2a5: {  	v29 =	vld.idx.msk [tilespmem:v27+s8+$0x0], $0xffff;
	v18 =	vmul.f32 v31, v18;
	(erf) = vrcp.f32 v16  }
0x2a6: {  	v16 =	vld.idx.msk [tilespmem:v19+s4+$0x0], $0xffff;
	v19 =	vmul.f32 v24, v24;
	(erf) = vrcp.f32 v17  }
0x2a7: {  	v17 =	vld.idx.msk [tilespmem:v25+s8+$0x0], $0xffff;
	(erf) = vrcp.f32 v21  }
0x2a8: {  	v21 =	vld.idx.msk [tilespmem:v26+s8+$0x0], $0xffff;
	v19 =	vsub.f32 v19, v24;
	(erf) = vrcp.f32 v18  }
0x2a9: {  	v18 =	vld.idx.msk [tilespmem:v14+s8+$0x0], $0xffff  }
0x2aa: {  	v24 =	vld.idx.msk [tilespmem:v28+s8+$0x0], $0xffff;
	v19 =	vmul.f32 v19, v23  }
0x2ab: {  	v29 =	vshll.u32 v29, $0x1;
	v23 =	vld.idx.msk [tilespmem:v22+s8+$0x0], $0xffff  }
0x2ac: {  	v31 =	vld.idx.msk [tilespmem:v20+s8+$0x0], $0xffff;
	v16 =	vsub.f32 v19, v16  }
0x2ad: {  	v17 =	vshll.u32 v17, $0x1;
	v19 =	vld.idx.msk [tilespmem:v30+s8+$0x0], $0xffff  }
0x2ae: {  	v21 =	vshll.u32 v21, $0x1;
	[tilespmem:v15+s22+$0x0] =	vst.idx.add.f32.msk $0xffff, v16;
	v15 =	vpop (erf)  }
0x2af: {  	v18 =	vshll.u32 v18, $0x1;
	[tilespmem:v13+s22+$0x0] =	vst.idx.add.f32.msk $0xffff, v16;
	v13 =	vpop (erf)  }
0x2b0: {  	v16 =	vadd.s32 v24, v17;
	v17 =	vpop (erf);
	[tilespmem:v4+s22+$0x0] =	vst.idx.add.f32.msk $0xffff, v11;
	v4 =	vmov v25  }
0x2b1: {  	v24 =	vadd.s32 $0x8, v16;
	v25 =	vadd.s32 $0x10, v16;
	v23 =	vadd.s32 v23, v29;
	v29 =	vpop (erf);
	[tilespmem:v8+s22+$0x0] =	vst.idx.add.f32.msk $0xffff, v11  }
0x2b2: {  	v11 =	vadd.s32 $0x8, v23;
	v32 =	vadd.s32 $0x10, v23;
	v21 =	vadd.s32 v31, v21;
	[tilespmem:v3+s22+$0x0] =	vst.idx.add.f32.msk $0xffff, v12;
	v3 =	vmovc v27  }
0x2b3: {  	v8 =	vmovc v28;
	v27 =	vadd.s32 $0x8, v21;
	v31 =	vadd.s32 $0x10, v21;
	v18 =	vadd.s32 v19, v18;
	[tilespmem:v7+s22+$0x0] =	vst.idx.add.f32.msk $0xffff, v12  }
0x2b4: {  	v12 =	vadd.s32 $0x8, v18;
	v19 =	vadd.s32 $0x10, v18;
	v7 =	vmovc v22;
	[tilespmem:v2+s22+$0x0] =	vst.idx.add.f32.msk $0xffff, v10;
	v2 =	vmov v26  }
0x2b5: {  	v16 =	vld.idx.msk [tilespmem:v16+s4+$0x0], $0xffff  }
0x2b6: {  	v22 =	vld.idx.msk [tilespmem:v23+s4+$0x0], $0xffff  }
0x2b7: {  	v21 =	vld.idx.msk [tilespmem:v21+s4+$0x0], $0xffff  }
0x2b8: {  	v18 =	vld.idx.msk [tilespmem:v18+s4+$0x0], $0xffff  }
0x2b9: {  	v23 =	vld.idx.msk [tilespmem:v24+s4+$0x0], $0xffff  }
0x2ba: {  	v11 =	vld.idx.msk [tilespmem:v11+s4+$0x0], $0xffff  }
0x2bb: {  	v16 =	vmul.f32 v15, v16;
	v24 =	vld.idx.msk [tilespmem:v27+s4+$0x0], $0xffff  }
0x2bc: {  	v13 =	vmul.f32 v13, v22;
	v15 =	vld.idx.msk [tilespmem:v12+s4+$0x0], $0xffff  }
0x2bd: {  	v21 =	vmul.f32 v17, v21;
	v22 =	vld.idx.msk [tilespmem:v25+s4+$0x0], $0xffff;
	v25 =	vmul.f32 v16, v16  }
0x2be: {  	v17 =	vmul.f32 v13, v13;
	v18 =	vmul.f32 v29, v18;
	v12 =	vld.idx.msk [tilespmem:v32+s4+$0x0], $0xffff  }
.Ltmp4:
0x2bf: {  	v26 =	vmul.f32 v21, v21;
	v25 =	vsub.f32 v25, v16;
	v16 =	vld.idx.msk [tilespmem:v31+s4+$0x0], $0xffff;
	(pc) =	sbr.rel @p0 .LBB2_10-.Ltmp4, $4  }
0x2c0: {  	v13 =	vsub.f32 v17, v13;
	v17 =	vld.idx.msk [tilespmem:v19+s4+$0x0], $0xffff;
	v19 =	vmul.f32 v18, v18  }
0x2c1: {  	v21 =	vsub.f32 v26, v21;
	v23 =	vmul.f32 v25, v23;
	[tilespmem:v5+s22+$0x0] =	vst.idx.add.f32.msk $0xffff, v10;
	v5 =	vmov v20  }
0x2c2: {  	v10 =	vmul.f32 v13, v11;
	v18 =	vsub.f32 v19, v18;
	[tilespmem:v1+s22+$0x0] =	vst.idx.add.f32.msk $0xffff, v9;
	v1 =	vmov v14  }
0x2c3: {  	s16 =	sadd.s32 $0x50, s16;
	v14 =	vmul.f32 v21, v24;
	v11 =	vsub.f32 v23, v22;
	[tilespmem:v6+s22+$0x0] =	vst.idx.add.f32.msk $0xffff, v9;
	v6 =	vmov v30  }
0x2c4: {  	_ =	sdelay $0x3  }
0x2c5: {  	v9 =	vsub.f32 v10, v12;
	[tilespmem:v4+s22+$0x0] =	vst.idx.add.f32.msk $0xffff, v11  }
0x2c6: {  	[tilespmem:v8+s22+$0x0] =	vst.idx.add.f32.msk $0xffff, v11  }
0x2c7: {  	v4 =	vmul.f32 v18, v15;
	v8 =	vsub.f32 v14, v16;
	[tilespmem:v3+s22+$0x0] =	vst.idx.add.f32.msk $0xffff, v9  }
0x2c8: {  	[tilespmem:v7+s22+$0x0] =	vst.idx.add.f32.msk $0xffff, v9  }
0x2c9: {  	v3 =	vsub.f32 v4, v17;
	[tilespmem:v2+s22+$0x0] =	vst.idx.add.f32.msk $0xffff, v8  }
0x2ca: {  	[tilespmem:v5+s22+$0x0] =	vst.idx.add.f32.msk $0xffff, v8  }
0x2cb: {  	[tilespmem:v1+s22+$0x0] =	vst.idx.add.f32.msk $0xffff, v3  }
0x2cc: {  	[tilespmem:v6+s22+$0x0] =	vst.idx.add.f32.msk $0xffff, v3  }
0x2cd: {  	s0 =	sld [smem:$0x7DC];
	_ =	sdelay $0x1  }
0x2ce: {  	s26 =	sld [smem:$0x7DD]  }
0x2cf: {  	[tilespmem:s9], [sflag:$0x2] =	stream.linear.gather [hbm4b:s0+s8], $0x7D0, $0x38;
	[tilespmem:$0xF280] =	vst v63  }
0x2d0: {  	s28 =	sld [smem:$0x7DE]  }
0x2d1: {  	[tilespmem:s10], [sflag:$0x2] =	stream.linear.gather [hbm4b:s26+s8], $0x7D0, $0x38;
	[tilespmem:$0xF280] =	vst v63  }
0x2d2: {  	s29 =	sld [smem:$0x7DF]  }
0x2d3: {  	[tilespmem:s17], [sflag:$0x2] =	stream.linear.gather [hbm4b:s28+s8], $0x7D0, $0x38;
	[tilespmem:$0xF280] =	vst v63  }
0x2d4: {  	s30 =	sld [smem:$0x7E0]  }
0x2d5: {  	[tilespmem:s18], [sflag:$0x2] =	stream.linear.gather [hbm4b:s29+s8], $0x7D0, $0x38;
	[tilespmem:$0xF280] =	vst v63  }
0x2d6: {  	_ = 	snop  }
0x2d7: {  	[tilespmem:s19], [sflag:$0x2] =	stream.linear.gather [hbm4b:s30+s8], $0x7D0, $0x38;
	[tilespmem:$0xF280] =	vst v63  }
0x2d8: {  	_ =	swait.ge [sflag:s21], $0x7D0  }
0x2d9: {  	[sflag:s21] =	ssyncset.done $0x0  }
0x2da: {  	[sflag:s21] =	ssyncadd.s32 $0xFFFFF830  }
0x2db: {  	_ =	swait.ge [sflag:s21], $0x7D0  }
0x2dc: {  	[sflag:s21] =	ssyncset.done $0x0  }
0x2dd: {  	[sflag:s21] =	ssyncadd.s32 $0xFFFFF830  }
0x2de: {  	_ =	swait.ge [sflag:s21], $0x7D0  }
0x2df: {  	[sflag:s21] =	ssyncset.done $0x0  }
0x2e0: {  	[sflag:s21] =	ssyncadd.s32 $0xFFFFF830  }
0x2e1: {  	_ =	swait.ge [sflag:s21], $0x7D0  }
0x2e2: {  	[sflag:s21] =	ssyncset.done $0x0  }
0x2e3: {  	[sflag:s21] =	ssyncadd.s32 $0xFFFFF830  }
0x2e4: {  	_ =	swait.ge [sflag:s21], $0x7D0  }
0x2e5: {  	[sflag:s21] =	ssyncset.done $0x0  }
0x2e6: {  	s31 =	simm.s32 $0x7020;
	[sflag:s21] =	ssyncadd.s32 $0xFFFFF830  }
0x2e7: {  	s11 =	simm.s32 $0x5020;
	v9 =	vld [tilespmem:s31+$0x20]  }
0x2e8: {  	s12 =	simm.s32 $0x6820;
	v1 =	vld [tilespmem:s11+$0x20]  }
0x2e9: {  	s13 =	simm.s32 $0x5820;
	v10 =	vld [tilespmem:s12+$0x20]  }
0x2ea: {  	v2 =	vld [tilespmem:s13+$0x20]  }
0x2eb: {  	s14 =	simm.s32 $0x6020;
	v5 =	vld [tilespmem:s11+$0xFFFFFFE0]  }
0x2ec: {  	v3 =	vld [tilespmem:s14+$0x20]  }
0x2ed: {  	v6 =	vld [tilespmem:s13+$0xFFFFFFE0]  }
0x2ee: {  	v11 =	vld [tilespmem:s11+$0xFFFFFFF0]  }
0x2ef: {  	v12 =	vld [tilespmem:s13+$0xFFFFFFF0]  }
0x2f0: {  	v13 =	vld [tilespmem:s11+$0x0]  }
0x2f1: {  	v14 =	vld [tilespmem:s13+$0x0]  }
0x2f2: {  	v15 =	vld [tilespmem:s11+$0x10]  }
0x2f3: {  	v1 =	vmul.f32 v1, v1;
	v2 =	vmul.f32 v2, v2;
	v4 =	vld.idx.msk [tilespmem:v10+s8+$0x0], $0xffff  }
0x2f4: {  	v7 =	vld.idx.msk [tilespmem:v9+s8+$0x0], $0xffff  }
0x2f5: {  	v16 =	vld [tilespmem:s13+$0x10];
	v1 =	vadd.f32 v2, v1;
	v2 =	vmul.f32 v3, v3  }
0x2f6: {  	v17 =	vld [tilespmem:s14+$0xFFFFFFE0]  }
0x2f7: {  	v18 =	vld [tilespmem:s14+$0xFFFFFFF0];
	v1 =	vadd.f32 v2, v1  }
0x2f8: {  	v19 =	vld [tilespmem:s14+$0x0];
	v24 =	vmul.f32 v5, v5;
	v2 =	vshll.u32 v4, $0x1  }
0x2f9: {  	v21 =	vld [tilespmem:s14+$0x10];
	v25 =	vmul.f32 v6, v6;
	v20 =	vadd.s32 v7, v2;
	v2 =	vmul.f32 v1, v1  }
0x2fa: {  	v8 =	vld [tilespmem:s31+$0xFFFFFFE0];
	v11 =	vmul.f32 v11, v11;
	v12 =	vmul.f32 v12, v12  }
0x2fb: {  	v5 =	vld [tilespmem:s31+$0x0];
	v13 =	vmul.f32 v13, v13;
	v4 =	vmul.f32 v2, v1  }
0x2fc: {  	v14 =	vmul.f32 v14, v14;
	v15 =	vmul.f32 v15, v15;
	v3 =	vld [tilespmem:s12+$0xFFFFFFF0]  }
0x2fd: {  	v6 =	vld [tilespmem:s31+$0x10];
	v16 =	vmul.f32 v16, v16;
	(erf) = vrcp.f32 v4  }
0x2fe: {  	v11 =	vadd.f32 v12, v11;
	v12 =	vmul.f32 v17, v17;
	v17 =	vmul.f32 v18, v18;
	v7 =	vld [tilespmem:s31+$0xFFFFFFF0]  }
0x2ff: {  	v13 =	vadd.f32 v14, v13;
	v14 =	vadd.f32 v16, v15;
	v4 =	vld [tilespmem:s12+$0xFFFFFFE0]  }
0x300: {  	v11 =	vadd.f32 v17, v11;
	v17 =	vmul.f32 v21, v21;
	v23 =	vadd.s32 $0x8, v20;
	v2 =	vld [tilespmem:s12+$0x0]  }
0x301: {  	v22 =	vld.idx.msk [tilespmem:v20+s4+$0x0], $0xffff;
	v20 =	vadd.s32 $0x10, v20  }
0x302: {  	v14 =	vadd.f32 v17, v14;
	v17 =	vld.idx.msk [tilespmem:v8+s8+$0x0], $0xffff  }
0x303: {  	v1 =	vld [tilespmem:s12+$0x10]  }
0x304: {  	v24 =	vadd.f32 v25, v24;
	v18 =	vld.idx.msk [tilespmem:v3+s8+$0x0], $0xffff  }
0x305: {  	v15 =	vmul.f32 v19, v19;
	v23 =	vld.idx.msk [tilespmem:v23+s4+$0x0], $0xffff  }
0x306: {  	v12 =	vadd.f32 v12, v24;
	v16 =	vld.idx.msk [tilespmem:v20+s4+$0x0], $0xffff;
	v19 =	vpop (erf)  }
0x307: {  	v13 =	vadd.f32 v15, v13;
	v20 =	vld.idx.msk [tilespmem:v4+s8+$0x0], $0xffff;
	v15 =	vmul.f32 v19, v22  }
0x308: {  	v52 =	vmul.f32 v12, v12;
	v53 =	vmul.f32 v11, v11;
	v26 =	vld.idx.msk [tilespmem:v7+s8+$0x0], $0xffff  }
0x309: {  	v54 =	vmul.f32 v13, v13;
	v19 =	vld.idx.msk [tilespmem:v2+s8+$0x0], $0xffff;
	v55 =	vmul.f32 v15, v15  }
0x30a: {  	v12 =	vmul.f32 v52, v12;
	v56 =	vmul.f32 v14, v14;
	v27 =	vld.idx.msk [tilespmem:v5+s8+$0x0], $0xffff  }
0x30b: {  	v11 =	vmul.f32 v53, v11;
	v13 =	vmul.f32 v54, v13;
	v57 =	vld.idx.msk [tilespmem:v1+s8+$0x0], $0xffff;
	v15 =	vsub.f32 v55, v15  }
0x30c: {  	v14 =	vmul.f32 v56, v14;
	(erf) = vrcp.f32 v12;
	v12 =	vshll.u32 v20, $0x1;
	v20 =	vld.idx.msk [tilespmem:v6+s8+$0x0], $0xffff  }
0x30d: {  	v18 =	vshll.u32 v18, $0x1;
	v12 =	vadd.s32 v17, v12;
	v15 =	vmul.f32 v15, v23  }
0x30e: {  	(erf) = vrcp.f32 v11;
	v17 =	vadd.s32 v26, v18;
	v11 =	vshll.u32 v19, $0x1  }
0x30f: {  	(erf) = vrcp.f32 v13;
	v11 =	vadd.s32 v27, v11;
	v13 =	vsub.f32 v15, v16  }
0x310: {  	v15 =	vshll.u32 v57, $0x1  }
0x311: {  	(erf) = vrcp.f32 v14;
	[tilespmem:v10+s22+$0x0] =	vst.idx.add.f32.msk $0xffff, v13;
	v10 =	vadd.s32 v20, v15  }
0x312: {  	v14 =	vadd.s32 $0x8, v12;
	v15 =	vld.idx.msk [tilespmem:v12+s4+$0x0], $0xffff  }
0x313: {  	v19 =	vadd.s32 $0x8, v11;
	v18 =	vld.idx.msk [tilespmem:v17+s4+$0x0], $0xffff  }
0x314: {  	v16 =	vadd.s32 $0x8, v17;
	v20 =	vld.idx.msk [tilespmem:v11+s4+$0x0], $0xffff  }
0x315: {  	[tilespmem:v9+s22+$0x0] =	vst.idx.add.f32.msk $0xffff, v13;
	v9 =	vadd.s32 $0x10, v12  }
0x316: {  	v17 =	vadd.s32 $0x10, v17;
	v12 =	vpop (erf);
	v13 =	vld.idx.msk [tilespmem:v10+s4+$0x0], $0xffff  }
0x317: {  	v14 =	vld.idx.msk [tilespmem:v14+s4+$0x0], $0xffff;
	v59 =	vadd.s32 $0x8, v10;
	v12 =	vmul.f32 v12, v15  }
0x318: {  	v11 =	vadd.s32 $0x10, v11;
	v58 =	vpop (erf);
	v19 =	vld.idx.msk [tilespmem:v19+s4+$0x0], $0xffff  }
0x319: {  	v61 =	vadd.s32 $0x10, v10;
	v60 =	vld.idx.msk [tilespmem:v16+s4+$0x0], $0xffff;
	v16 =	vmul.f32 v58, v18;
	v15 =	vpop (erf);
	v18 =	vmul.f32 v12, v12  }
0x31a: {  	v20 =	vmul.f32 v15, v20;
	v15 =	vpop (erf);
	v9 =	vld.idx.msk [tilespmem:v9+s4+$0x0], $0xffff  }
0x31b: {  	v10 =	vmul.f32 v16, v16;
	v18 =	vsub.f32 v18, v12;
	v12 =	vld.idx.msk [tilespmem:v17+s4+$0x0], $0xffff;
	v13 =	vmul.f32 v15, v13  }
0x31c: {  	v62 =	vmul.f32 v20, v20;
	v15 =	vld.idx.msk [tilespmem:v59+s4+$0x0], $0xffff  }
0x31d: {  	v10 =	vsub.f32 v10, v16;
	v16 =	vld.idx.msk [tilespmem:v11+s4+$0x0], $0xffff;
	v63 =	vmul.f32 v13, v13  }
0x31e: {  	v17 =	vld.idx.msk [tilespmem:v61+s4+$0x0], $0xffff;
	v20 =	vsub.f32 v62, v20;
	v14 =	vmul.f32 v18, v14  }
0x31f: {  	v10 =	vmul.f32 v10, v60;
	v18 =	vsub.f32 v63, v13  }
0x320: {  	s15 =	simm.s32 $0x0;
	s16 =	simm.s32 $0x7070;
	v11 =	vsub.f32 v14, v9;
	v14 =	vmul.f32 v20, v19  }
.LBB2_12:
0x321: {  	v13 =	vld [tilespmem:s16+$0x20];
	v12 =	vsub.f32 v10, v12;
	v9 =	vmul.f32 v18, v15;
	s11 =	sadd.s32 $0x50, s11  }
0x322: {  	s12 =	sadd.s32 $0x50, s12;
	v18 =	vld [tilespmem:s11+$0x20];
	v10 =	vsub.f32 v14, v16  }
0x323: {  	s13 =	sadd.s32 $0x50, s13;
	v15 =	vld [tilespmem:s12+$0x20];
	v9 =	vsub.f32 v9, v17  }
0x324: {  	s15 =	sadd.s32 $0x5, s15;
	v14 =	vld [tilespmem:s13+$0x20]  }
0x325: {  	s14 =	sadd.s32 $0x50, s14;
	p0 =	slt.u32 s15, $0x78;
	v16 =	vld [tilespmem:s11+$0xFFFFFFE0]  }
0x326: {  	v17 =	vld [tilespmem:s14+$0x20]  }
0x327: {  	v19 =	vld [tilespmem:s13+$0xFFFFFFE0]  }
0x328: {  	v20 =	vld [tilespmem:s11+$0xFFFFFFF0]  }
0x329: {  	v18 =	vmul.f32 v18, v18;
	v21 =	vld [tilespmem:s13+$0xFFFFFFF0];
	v14 =	vmul.f32 v14, v14  }
0x32a: {  	v16 =	vmul.f32 v16, v16;
	v22 =	vld [tilespmem:s11+$0x0]  }
0x32b: {  	v23 =	vld.idx.msk [tilespmem:v15+s8+$0x0], $0xffff;
	v14 =	vadd.f32 v14, v18;
	v17 =	vmul.f32 v17, v17  }
0x32c: {  	v18 =	vmul.f32 v19, v19;
	v19 =	vld.idx.msk [tilespmem:v13+s8+$0x0], $0xffff  }
0x32d: {  	v20 =	vmul.f32 v20, v20;
	v24 =	vld [tilespmem:s13+$0x0];
	v14 =	vadd.f32 v17, v14  }
0x32e: {  	v16 =	vadd.f32 v18, v16;
	v17 =	vmul.f32 v21, v21;
	v18 =	vld [tilespmem:s11+$0x10]  }
0x32f: {  	v21 =	vmul.f32 v22, v22;
	v22 =	vld [tilespmem:s13+$0x10];
	v25 =	vmul.f32 v14, v14  }
0x330: {  	v26 =	vld [tilespmem:s14+$0xFFFFFFE0];
	v17 =	vadd.f32 v17, v20  }
0x331: {  	v23 =	vshll.u32 v23, $0x1;
	v20 =	vld [tilespmem:s14+$0xFFFFFFF0];
	v14 =	vmul.f32 v25, v14  }
0x332: {  	v19 =	vadd.s32 v19, v23;
	v25 =	vld [tilespmem:s14+$0x0];
	v24 =	vmul.f32 v24, v24  }
0x333: {  	v23 =	vld [tilespmem:s14+$0x10];
	v18 =	vmul.f32 v18, v18;
	(erf) = vrcp.f32 v14  }
0x334: {  	v27 =	vld [tilespmem:s12+$0xFFFFFFF0];
	v21 =	vadd.f32 v24, v21;
	v22 =	vmul.f32 v22, v22  }
0x335: {  	v24 =	vmul.f32 v26, v26;
	v26 =	vld [tilespmem:s12+$0x0]  }
0x336: {  	v20 =	vmul.f32 v20, v20;
	v14 =	vld [tilespmem:s12+$0x10];
	v18 =	vadd.f32 v22, v18  }
0x337: {  	v16 =	vadd.f32 v24, v16;
	v22 =	vmul.f32 v25, v25;
	v24 =	vld.idx.msk [tilespmem:v19+s4+$0x0], $0xffff  }
0x338: {  	v25 =	vld [tilespmem:s12+$0xFFFFFFE0];
	v17 =	vadd.f32 v20, v17;
	v20 =	vmul.f32 v23, v23;
	v23 =	vadd.s32 $0x8, v19  }
0x339: {  	v28 =	vld [tilespmem:s16+$0xFFFFFFE0];
	v29 =	vmul.f32 v16, v16;
	v21 =	vadd.f32 v22, v21  }
0x33a: {  	v19 =	vadd.s32 $0x10, v19;
	v22 =	vld [tilespmem:s16+$0xFFFFFFF0];
	v30 =	vmul.f32 v17, v17;
	v18 =	vadd.f32 v20, v18  }
0x33b: {  	v16 =	vmul.f32 v29, v16;
	v20 =	vld [tilespmem:s16+$0x0];
	v29 =	vmul.f32 v21, v21  }
0x33c: {  	v17 =	vmul.f32 v30, v17;
	v30 =	vld [tilespmem:s16+$0x10];
	v31 =	vmul.f32 v18, v18;
	v32 =	vpop (erf)  }
0x33d: {  	v21 =	vmul.f32 v29, v21;
	v23 =	vld.idx.msk [tilespmem:v23+s4+$0x0], $0xffff;
	v24 =	vmul.f32 v32, v24  }
0x33e: {  	v29 =	vld.idx.msk [tilespmem:v27+s8+$0x0], $0xffff;
	v18 =	vmul.f32 v31, v18;
	(erf) = vrcp.f32 v16  }
0x33f: {  	v16 =	vld.idx.msk [tilespmem:v19+s4+$0x0], $0xffff;
	v19 =	vmul.f32 v24, v24;
	(erf) = vrcp.f32 v17  }
0x340: {  	v17 =	vld.idx.msk [tilespmem:v25+s8+$0x0], $0xffff;
	(erf) = vrcp.f32 v21  }
0x341: {  	v21 =	vld.idx.msk [tilespmem:v26+s8+$0x0], $0xffff;
	v19 =	vsub.f32 v19, v24;
	(erf) = vrcp.f32 v18  }
0x342: {  	v18 =	vld.idx.msk [tilespmem:v14+s8+$0x0], $0xffff  }
0x343: {  	v24 =	vld.idx.msk [tilespmem:v28+s8+$0x0], $0xffff;
	v19 =	vmul.f32 v19, v23  }
0x344: {  	v29 =	vshll.u32 v29, $0x1;
	v23 =	vld.idx.msk [tilespmem:v22+s8+$0x0], $0xffff  }
0x345: {  	v31 =	vld.idx.msk [tilespmem:v20+s8+$0x0], $0xffff;
	v16 =	vsub.f32 v19, v16  }
0x346: {  	v17 =	vshll.u32 v17, $0x1;
	v19 =	vld.idx.msk [tilespmem:v30+s8+$0x0], $0xffff  }
0x347: {  	v21 =	vshll.u32 v21, $0x1;
	[tilespmem:v15+s22+$0x0] =	vst.idx.add.f32.msk $0xffff, v16;
	v15 =	vpop (erf)  }
0x348: {  	v18 =	vshll.u32 v18, $0x1;
	[tilespmem:v13+s22+$0x0] =	vst.idx.add.f32.msk $0xffff, v16;
	v13 =	vpop (erf)  }
0x349: {  	v16 =	vadd.s32 v24, v17;
	v17 =	vpop (erf);
	[tilespmem:v4+s22+$0x0] =	vst.idx.add.f32.msk $0xffff, v11;
	v4 =	vmov v25  }
0x34a: {  	v24 =	vadd.s32 $0x8, v16;
	v25 =	vadd.s32 $0x10, v16;
	v23 =	vadd.s32 v23, v29;
	v29 =	vpop (erf);
	[tilespmem:v8+s22+$0x0] =	vst.idx.add.f32.msk $0xffff, v11  }
0x34b: {  	v11 =	vadd.s32 $0x8, v23;
	v32 =	vadd.s32 $0x10, v23;
	v21 =	vadd.s32 v31, v21;
	[tilespmem:v3+s22+$0x0] =	vst.idx.add.f32.msk $0xffff, v12;
	v3 =	vmovc v27  }
0x34c: {  	v8 =	vmovc v28;
	v27 =	vadd.s32 $0x8, v21;
	v31 =	vadd.s32 $0x10, v21;
	v18 =	vadd.s32 v19, v18;
	[tilespmem:v7+s22+$0x0] =	vst.idx.add.f32.msk $0xffff, v12  }
0x34d: {  	v12 =	vadd.s32 $0x8, v18;
	v19 =	vadd.s32 $0x10, v18;
	v7 =	vmovc v22;
	[tilespmem:v2+s22+$0x0] =	vst.idx.add.f32.msk $0xffff, v10;
	v2 =	vmov v26  }
0x34e: {  	v16 =	vld.idx.msk [tilespmem:v16+s4+$0x0], $0xffff  }
0x34f: {  	v22 =	vld.idx.msk [tilespmem:v23+s4+$0x0], $0xffff  }
0x350: {  	v21 =	vld.idx.msk [tilespmem:v21+s4+$0x0], $0xffff  }
0x351: {  	v18 =	vld.idx.msk [tilespmem:v18+s4+$0x0], $0xffff  }
0x352: {  	v23 =	vld.idx.msk [tilespmem:v24+s4+$0x0], $0xffff  }
0x353: {  	v11 =	vld.idx.msk [tilespmem:v11+s4+$0x0], $0xffff  }
0x354: {  	v16 =	vmul.f32 v15, v16;
	v24 =	vld.idx.msk [tilespmem:v27+s4+$0x0], $0xffff  }
0x355: {  	v13 =	vmul.f32 v13, v22;
	v15 =	vld.idx.msk [tilespmem:v12+s4+$0x0], $0xffff  }
0x356: {  	v21 =	vmul.f32 v17, v21;
	v22 =	vld.idx.msk [tilespmem:v25+s4+$0x0], $0xffff;
	v25 =	vmul.f32 v16, v16  }
0x357: {  	v17 =	vmul.f32 v13, v13;
	v18 =	vmul.f32 v29, v18;
	v12 =	vld.idx.msk [tilespmem:v32+s4+$0x0], $0xffff  }
.Ltmp5:
0x358: {  	v26 =	vmul.f32 v21, v21;
	v25 =	vsub.f32 v25, v16;
	v16 =	vld.idx.msk [tilespmem:v31+s4+$0x0], $0xffff;
	(pc) =	sbr.rel @p0 .LBB2_12-.Ltmp5, $4  }
0x359: {  	v13 =	vsub.f32 v17, v13;
	v17 =	vld.idx.msk [tilespmem:v19+s4+$0x0], $0xffff;
	v19 =	vmul.f32 v18, v18  }
0x35a: {  	v21 =	vsub.f32 v26, v21;
	v23 =	vmul.f32 v25, v23;
	[tilespmem:v5+s22+$0x0] =	vst.idx.add.f32.msk $0xffff, v10;
	v5 =	vmov v20  }
0x35b: {  	v10 =	vmul.f32 v13, v11;
	v18 =	vsub.f32 v19, v18;
	[tilespmem:v1+s22+$0x0] =	vst.idx.add.f32.msk $0xffff, v9;
	v1 =	vmov v14  }
0x35c: {  	s16 =	sadd.s32 $0x50, s16;
	v14 =	vmul.f32 v21, v24;
	v11 =	vsub.f32 v23, v22;
	[tilespmem:v6+s22+$0x0] =	vst.idx.add.f32.msk $0xffff, v9;
	v6 =	vmov v30  }
0x35d: {  	_ =	sdelay $0x3  }
0x35e: {  	v9 =	vsub.f32 v10, v12;
	[tilespmem:v4+s22+$0x0] =	vst.idx.add.f32.msk $0xffff, v11  }
0x35f: {  	[tilespmem:v8+s22+$0x0] =	vst.idx.add.f32.msk $0xffff, v11  }
0x360: {  	v4 =	vmul.f32 v18, v15;
	v8 =	vsub.f32 v14, v16;
	[tilespmem:v3+s22+$0x0] =	vst.idx.add.f32.msk $0xffff, v9  }
0x361: {  	[tilespmem:v7+s22+$0x0] =	vst.idx.add.f32.msk $0xffff, v9  }
0x362: {  	v3 =	vsub.f32 v4, v17;
	[tilespmem:v2+s22+$0x0] =	vst.idx.add.f32.msk $0xffff, v8  }
0x363: {  	[tilespmem:v5+s22+$0x0] =	vst.idx.add.f32.msk $0xffff, v8  }
0x364: {  	[tilespmem:v1+s22+$0x0] =	vst.idx.add.f32.msk $0xffff, v3  }
0x365: {  	[tilespmem:v6+s22+$0x0] =	vst.idx.add.f32.msk $0xffff, v3  }
0x366: {  	s0 =	sld [smem:$0x7E1];
	_ =	sdelay $0x1  }
0x367: {  	s26 =	sld [smem:$0x7E2]  }
0x368: {  	[tilespmem:s2], [sflag:$0x1] =	stream.linear.gather [hbm4b:s0+s8], $0x7D0, $0x38;
	[tilespmem:$0xF280] =	vst v63  }
0x369: {  	s28 =	sld [smem:$0x7E3]  }
0x36a: {  	[tilespmem:s3], [sflag:$0x1] =	stream.linear.gather [hbm4b:s26+s8], $0x7D0, $0x38;
	[tilespmem:$0xF280] =	vst v63  }
0x36b: {  	s29 =	sld [smem:$0x7E4]  }
0x36c: {  	[tilespmem:s5], [sflag:$0x1] =	stream.linear.gather [hbm4b:s28+s8], $0x7D0, $0x38;
	[tilespmem:$0xF280] =	vst v63  }
0x36d: {  	s30 =	sld [smem:$0x7E5]  }
0x36e: {  	[tilespmem:s6], [sflag:$0x1] =	stream.linear.gather [hbm4b:s29+s8], $0x7D0, $0x38;
	[tilespmem:$0xF280] =	vst v63  }
0x36f: {  	_ = 	snop  }
0x370: {  	[tilespmem:s7], [sflag:$0x1] =	stream.linear.gather [hbm4b:s30+s8], $0x7D0, $0x38;
	[tilespmem:$0xF280] =	vst v63  }
0x371: {  	_ =	swait.ge [sflag:s23], $0x7D0  }
0x372: {  	[sflag:s23] =	ssyncset.done $0x0  }
0x373: {  	[sflag:s23] =	ssyncadd.s32 $0xFFFFF830  }
0x374: {  	_ =	swait.ge [sflag:s23], $0x7D0  }
0x375: {  	[sflag:s23] =	ssyncset.done $0x0  }
0x376: {  	[sflag:s23] =	ssyncadd.s32 $0xFFFFF830  }
0x377: {  	_ =	swait.ge [sflag:s23], $0x7D0  }
0x378: {  	[sflag:s23] =	ssyncset.done $0x0  }
0x379: {  	[sflag:s23] =	ssyncadd.s32 $0xFFFFF830  }
0x37a: {  	_ =	swait.ge [sflag:s23], $0x7D0  }
0x37b: {  	[sflag:s23] =	ssyncset.done $0x0  }
0x37c: {  	[sflag:s23] =	ssyncadd.s32 $0xFFFFF830  }
0x37d: {  	_ =	swait.ge [sflag:s23], $0x7D0  }
0x37e: {  	[sflag:s23] =	ssyncset.done $0x0  }
0x37f: {  	s31 =	simm.s32 $0x9820;
	[sflag:s23] =	ssyncadd.s32 $0xFFFFF830  }
0x380: {  	s11 =	simm.s32 $0x7820;
	v9 =	vld [tilespmem:s31+$0x20]  }
0x381: {  	s12 =	simm.s32 $0x9020;
	v1 =	vld [tilespmem:s11+$0x20]  }
0x382: {  	s13 =	simm.s32 $0x8020;
	v10 =	vld [tilespmem:s12+$0x20]  }
0x383: {  	v2 =	vld [tilespmem:s13+$0x20]  }
0x384: {  	s14 =	simm.s32 $0x8820;
	v5 =	vld [tilespmem:s11+$0xFFFFFFE0]  }
0x385: {  	v3 =	vld [tilespmem:s14+$0x20]  }
0x386: {  	v6 =	vld [tilespmem:s13+$0xFFFFFFE0]  }
0x387: {  	v11 =	vld [tilespmem:s11+$0xFFFFFFF0]  }
0x388: {  	v12 =	vld [tilespmem:s13+$0xFFFFFFF0]  }
0x389: {  	v13 =	vld [tilespmem:s11+$0x0]  }
0x38a: {  	v14 =	vld [tilespmem:s13+$0x0]  }
0x38b: {  	v15 =	vld [tilespmem:s11+$0x10]  }
0x38c: {  	v1 =	vmul.f32 v1, v1;
	v2 =	vmul.f32 v2, v2;
	v4 =	vld.idx.msk [tilespmem:v10+s8+$0x0], $0xffff  }
0x38d: {  	v7 =	vld.idx.msk [tilespmem:v9+s8+$0x0], $0xffff  }
0x38e: {  	v16 =	vld [tilespmem:s13+$0x10];
	v1 =	vadd.f32 v2, v1;
	v2 =	vmul.f32 v3, v3  }
0x38f: {  	v17 =	vld [tilespmem:s14+$0xFFFFFFE0]  }
0x390: {  	v18 =	vld [tilespmem:s14+$0xFFFFFFF0];
	v1 =	vadd.f32 v2, v1  }
0x391: {  	v19 =	vld [tilespmem:s14+$0x0];
	v24 =	vmul.f32 v5, v5;
	v2 =	vshll.u32 v4, $0x1  }
0x392: {  	v21 =	vld [tilespmem:s14+$0x10];
	v25 =	vmul.f32 v6, v6;
	v20 =	vadd.s32 v7, v2;
	v2 =	vmul.f32 v1, v1  }
0x393: {  	v8 =	vld [tilespmem:s31+$0xFFFFFFE0];
	v11 =	vmul.f32 v11, v11;
	v12 =	vmul.f32 v12, v12  }
0x394: {  	v5 =	vld [tilespmem:s31+$0x0];
	v13 =	vmul.f32 v13, v13;
	v4 =	vmul.f32 v2, v1  }
0x395: {  	v14 =	vmul.f32 v14, v14;
	v15 =	vmul.f32 v15, v15;
	v3 =	vld [tilespmem:s12+$0xFFFFFFF0]  }
0x396: {  	v6 =	vld [tilespmem:s31+$0x10];
	v16 =	vmul.f32 v16, v16;
	(erf) = vrcp.f32 v4  }
0x397: {  	v11 =	vadd.f32 v12, v11;
	v12 =	vmul.f32 v17, v17;
	v17 =	vmul.f32 v18, v18;
	v7 =	vld [tilespmem:s31+$0xFFFFFFF0]  }
0x398: {  	v13 =	vadd.f32 v14, v13;
	v14 =	vadd.f32 v16, v15;
	v4 =	vld [tilespmem:s12+$0xFFFFFFE0]  }
0x399: {  	v11 =	vadd.f32 v17, v11;
	v17 =	vmul.f32 v21, v21;
	v23 =	vadd.s32 $0x8, v20;
	v2 =	vld [tilespmem:s12+$0x0]  }
0x39a: {  	v22 =	vld.idx.msk [tilespmem:v20+s4+$0x0], $0xffff;
	v20 =	vadd.s32 $0x10, v20  }
0x39b: {  	v14 =	vadd.f32 v17, v14;
	v17 =	vld.idx.msk [tilespmem:v8+s8+$0x0], $0xffff  }
0x39c: {  	v1 =	vld [tilespmem:s12+$0x10]  }
0x39d: {  	v24 =	vadd.f32 v25, v24;
	v18 =	vld.idx.msk [tilespmem:v3+s8+$0x0], $0xffff  }
0x39e: {  	v15 =	vmul.f32 v19, v19;
	v23 =	vld.idx.msk [tilespmem:v23+s4+$0x0], $0xffff  }
0x39f: {  	v12 =	vadd.f32 v12, v24;
	v16 =	vld.idx.msk [tilespmem:v20+s4+$0x0], $0xffff;
	v19 =	vpop (erf)  }
0x3a0: {  	v13 =	vadd.f32 v15, v13;
	v20 =	vld.idx.msk [tilespmem:v4+s8+$0x0], $0xffff;
	v15 =	vmul.f32 v19, v22  }
0x3a1: {  	v52 =	vmul.f32 v12, v12;
	v53 =	vmul.f32 v11, v11;
	v26 =	vld.idx.msk [tilespmem:v7+s8+$0x0], $0xffff  }
0x3a2: {  	v54 =	vmul.f32 v13, v13;
	v19 =	vld.idx.msk [tilespmem:v2+s8+$0x0], $0xffff;
	v55 =	vmul.f32 v15, v15  }
0x3a3: {  	v12 =	vmul.f32 v52, v12;
	v56 =	vmul.f32 v14, v14;
	v27 =	vld.idx.msk [tilespmem:v5+s8+$0x0], $0xffff  }
0x3a4: {  	v11 =	vmul.f32 v53, v11;
	v13 =	vmul.f32 v54, v13;
	v57 =	vld.idx.msk [tilespmem:v1+s8+$0x0], $0xffff;
	v15 =	vsub.f32 v55, v15  }
0x3a5: {  	v14 =	vmul.f32 v56, v14;
	(erf) = vrcp.f32 v12;
	v12 =	vshll.u32 v20, $0x1;
	v20 =	vld.idx.msk [tilespmem:v6+s8+$0x0], $0xffff  }
0x3a6: {  	v18 =	vshll.u32 v18, $0x1;
	v12 =	vadd.s32 v17, v12;
	v15 =	vmul.f32 v15, v23  }
0x3a7: {  	(erf) = vrcp.f32 v11;
	v17 =	vadd.s32 v26, v18;
	v11 =	vshll.u32 v19, $0x1  }
0x3a8: {  	(erf) = vrcp.f32 v13;
	v11 =	vadd.s32 v27, v11;
	v13 =	vsub.f32 v15, v16  }
0x3a9: {  	v15 =	vshll.u32 v57, $0x1  }
0x3aa: {  	(erf) = vrcp.f32 v14;
	[tilespmem:v10+s22+$0x0] =	vst.idx.add.f32.msk $0xffff, v13;
	v10 =	vadd.s32 v20, v15  }
0x3ab: {  	v14 =	vadd.s32 $0x8, v12;
	v15 =	vld.idx.msk [tilespmem:v12+s4+$0x0], $0xffff  }
0x3ac: {  	v19 =	vadd.s32 $0x8, v11;
	v18 =	vld.idx.msk [tilespmem:v17+s4+$0x0], $0xffff  }
0x3ad: {  	v16 =	vadd.s32 $0x8, v17;
	v20 =	vld.idx.msk [tilespmem:v11+s4+$0x0], $0xffff  }
0x3ae: {  	[tilespmem:v9+s22+$0x0] =	vst.idx.add.f32.msk $0xffff, v13;
	v9 =	vadd.s32 $0x10, v12  }
0x3af: {  	v17 =	vadd.s32 $0x10, v17;
	v12 =	vpop (erf);
	v13 =	vld.idx.msk [tilespmem:v10+s4+$0x0], $0xffff  }
0x3b0: {  	v14 =	vld.idx.msk [tilespmem:v14+s4+$0x0], $0xffff;
	v59 =	vadd.s32 $0x8, v10;
	v12 =	vmul.f32 v12, v15  }
0x3b1: {  	v11 =	vadd.s32 $0x10, v11;
	v58 =	vpop (erf);
	v19 =	vld.idx.msk [tilespmem:v19+s4+$0x0], $0xffff  }
0x3b2: {  	v61 =	vadd.s32 $0x10, v10;
	v60 =	vld.idx.msk [tilespmem:v16+s4+$0x0], $0xffff;
	v16 =	vmul.f32 v58, v18;
	v15 =	vpop (erf);
	v18 =	vmul.f32 v12, v12  }
0x3b3: {  	v20 =	vmul.f32 v15, v20;
	v15 =	vpop (erf);
	v9 =	vld.idx.msk [tilespmem:v9+s4+$0x0], $0xffff  }
0x3b4: {  	v10 =	vmul.f32 v16, v16;
	v18 =	vsub.f32 v18, v12;
	v12 =	vld.idx.msk [tilespmem:v17+s4+$0x0], $0xffff;
	v13 =	vmul.f32 v15, v13  }
0x3b5: {  	v62 =	vmul.f32 v20, v20;
	v15 =	vld.idx.msk [tilespmem:v59+s4+$0x0], $0xffff  }
0x3b6: {  	v10 =	vsub.f32 v10, v16;
	v16 =	vld.idx.msk [tilespmem:v11+s4+$0x0], $0xffff;
	v63 =	vmul.f32 v13, v13  }
0x3b7: {  	v17 =	vld.idx.msk [tilespmem:v61+s4+$0x0], $0xffff;
	v20 =	vsub.f32 v62, v20;
	v14 =	vmul.f32 v18, v14  }
0x3b8: {  	v10 =	vmul.f32 v10, v60;
	v18 =	vsub.f32 v63, v13  }
0x3b9: {  	s15 =	simm.s32 $0x0;
	s16 =	simm.s32 $0x9870;
	v11 =	vsub.f32 v14, v9;
	v14 =	vmul.f32 v20, v19  }
.LBB2_14:
0x3ba: {  	v13 =	vld [tilespmem:s16+$0x20];
	v12 =	vsub.f32 v10, v12;
	v9 =	vmul.f32 v18, v15;
	s11 =	sadd.s32 $0x50, s11  }
0x3bb: {  	s12 =	sadd.s32 $0x50, s12;
	v18 =	vld [tilespmem:s11+$0x20];
	v10 =	vsub.f32 v14, v16  }
0x3bc: {  	s13 =	sadd.s32 $0x50, s13;
	v15 =	vld [tilespmem:s12+$0x20];
	v9 =	vsub.f32 v9, v17  }
0x3bd: {  	s15 =	sadd.s32 $0x5, s15;
	v14 =	vld [tilespmem:s13+$0x20]  }
0x3be: {  	s14 =	sadd.s32 $0x50, s14;
	p0 =	slt.u32 s15, $0x78;
	v16 =	vld [tilespmem:s11+$0xFFFFFFE0]  }
0x3bf: {  	v17 =	vld [tilespmem:s14+$0x20]  }
0x3c0: {  	v19 =	vld [tilespmem:s13+$0xFFFFFFE0]  }
0x3c1: {  	v20 =	vld [tilespmem:s11+$0xFFFFFFF0]  }
0x3c2: {  	v18 =	vmul.f32 v18, v18;
	v21 =	vld [tilespmem:s13+$0xFFFFFFF0];
	v14 =	vmul.f32 v14, v14  }
0x3c3: {  	v16 =	vmul.f32 v16, v16;
	v22 =	vld [tilespmem:s11+$0x0]  }
0x3c4: {  	v23 =	vld.idx.msk [tilespmem:v15+s8+$0x0], $0xffff;
	v14 =	vadd.f32 v14, v18;
	v17 =	vmul.f32 v17, v17  }
0x3c5: {  	v18 =	vmul.f32 v19, v19;
	v19 =	vld.idx.msk [tilespmem:v13+s8+$0x0], $0xffff  }
0x3c6: {  	v20 =	vmul.f32 v20, v20;
	v24 =	vld [tilespmem:s13+$0x0];
	v14 =	vadd.f32 v17, v14  }
0x3c7: {  	v16 =	vadd.f32 v18, v16;
	v17 =	vmul.f32 v21, v21;
	v18 =	vld [tilespmem:s11+$0x10]  }
0x3c8: {  	v21 =	vmul.f32 v22, v22;
	v22 =	vld [tilespmem:s13+$0x10];
	v25 =	vmul.f32 v14, v14  }
0x3c9: {  	v26 =	vld [tilespmem:s14+$0xFFFFFFE0];
	v17 =	vadd.f32 v17, v20  }
0x3ca: {  	v23 =	vshll.u32 v23, $0x1;
	v20 =	vld [tilespmem:s14+$0xFFFFFFF0];
	v14 =	vmul.f32 v25, v14  }
0x3cb: {  	v19 =	vadd.s32 v19, v23;
	v25 =	vld [tilespmem:s14+$0x0];
	v24 =	vmul.f32 v24, v24  }
0x3cc: {  	v23 =	vld [tilespmem:s14+$0x10];
	v18 =	vmul.f32 v18, v18;
	(erf) = vrcp.f32 v14  }
0x3cd: {  	v27 =	vld [tilespmem:s12+$0xFFFFFFF0];
	v21 =	vadd.f32 v24, v21;
	v22 =	vmul.f32 v22, v22  }
0x3ce: {  	v24 =	vmul.f32 v26, v26;
	v26 =	vld [tilespmem:s12+$0x0]  }
0x3cf: {  	v20 =	vmul.f32 v20, v20;
	v14 =	vld [tilespmem:s12+$0x10];
	v18 =	vadd.f32 v22, v18  }
0x3d0: {  	v16 =	vadd.f32 v24, v16;
	v22 =	vmul.f32 v25, v25;
	v24 =	vld.idx.msk [tilespmem:v19+s4+$0x0], $0xffff  }
0x3d1: {  	v25 =	vld [tilespmem:s12+$0xFFFFFFE0];
	v17 =	vadd.f32 v20, v17;
	v20 =	vmul.f32 v23, v23;
	v23 =	vadd.s32 $0x8, v19  }
0x3d2: {  	v28 =	vld [tilespmem:s16+$0xFFFFFFE0];
	v29 =	vmul.f32 v16, v16;
	v21 =	vadd.f32 v22, v21  }
0x3d3: {  	v19 =	vadd.s32 $0x10, v19;
	v22 =	vld [tilespmem:s16+$0xFFFFFFF0];
	v30 =	vmul.f32 v17, v17;
	v18 =	vadd.f32 v20, v18  }
0x3d4: {  	v16 =	vmul.f32 v29, v16;
	v20 =	vld [tilespmem:s16+$0x0];
	v29 =	vmul.f32 v21, v21  }
0x3d5: {  	v17 =	vmul.f32 v30, v17;
	v30 =	vld [tilespmem:s16+$0x10];
	v31 =	vmul.f32 v18, v18;
	v32 =	vpop (erf)  }
0x3d6: {  	v21 =	vmul.f32 v29, v21;
	v23 =	vld.idx.msk [tilespmem:v23+s4+$0x0], $0xffff;
	v24 =	vmul.f32 v32, v24  }
0x3d7: {  	v29 =	vld.idx.msk [tilespmem:v27+s8+$0x0], $0xffff;
	v18 =	vmul.f32 v31, v18;
	(erf) = vrcp.f32 v16  }
0x3d8: {  	v16 =	vld.idx.msk [tilespmem:v19+s4+$0x0], $0xffff;
	v19 =	vmul.f32 v24, v24;
	(erf) = vrcp.f32 v17  }
0x3d9: {  	v17 =	vld.idx.msk [tilespmem:v25+s8+$0x0], $0xffff;
	(erf) = vrcp.f32 v21  }
0x3da: {  	v21 =	vld.idx.msk [tilespmem:v26+s8+$0x0], $0xffff;
	v19 =	vsub.f32 v19, v24;
	(erf) = vrcp.f32 v18  }
0x3db: {  	v18 =	vld.idx.msk [tilespmem:v14+s8+$0x0], $0xffff  }
0x3dc: {  	v24 =	vld.idx.msk [tilespmem:v28+s8+$0x0], $0xffff;
	v19 =	vmul.f32 v19, v23  }
0x3dd: {  	v29 =	vshll.u32 v29, $0x1;
	v23 =	vld.idx.msk [tilespmem:v22+s8+$0x0], $0xffff  }
0x3de: {  	v31 =	vld.idx.msk [tilespmem:v20+s8+$0x0], $0xffff;
	v16 =	vsub.f32 v19, v16  }
0x3df: {  	v17 =	vshll.u32 v17, $0x1;
	v19 =	vld.idx.msk [tilespmem:v30+s8+$0x0], $0xffff  }
0x3e0: {  	v21 =	vshll.u32 v21, $0x1;
	[tilespmem:v15+s22+$0x0] =	vst.idx.add.f32.msk $0xffff, v16;
	v15 =	vpop (erf)  }
0x3e1: {  	v18 =	vshll.u32 v18, $0x1;
	[tilespmem:v13+s22+$0x0] =	vst.idx.add.f32.msk $0xffff, v16;
	v13 =	vpop (erf)  }
0x3e2: {  	v16 =	vadd.s32 v24, v17;
	v17 =	vpop (erf);
	[tilespmem:v4+s22+$0x0] =	vst.idx.add.f32.msk $0xffff, v11;
	v4 =	vmov v25  }
0x3e3: {  	v24 =	vadd.s32 $0x8, v16;
	v25 =	vadd.s32 $0x10, v16;
	v23 =	vadd.s32 v23, v29;
	v29 =	vpop (erf);
	[tilespmem:v8+s22+$0x0] =	vst.idx.add.f32.msk $0xffff, v11  }
0x3e4: {  	v11 =	vadd.s32 $0x8, v23;
	v32 =	vadd.s32 $0x10, v23;
	v21 =	vadd.s32 v31, v21;
	[tilespmem:v3+s22+$0x0] =	vst.idx.add.f32.msk $0xffff, v12;
	v3 =	vmovc v27  }
0x3e5: {  	v8 =	vmovc v28;
	v27 =	vadd.s32 $0x8, v21;
	v31 =	vadd.s32 $0x10, v21;
	v18 =	vadd.s32 v19, v18;
	[tilespmem:v7+s22+$0x0] =	vst.idx.add.f32.msk $0xffff, v12  }
0x3e6: {  	v12 =	vadd.s32 $0x8, v18;
	v19 =	vadd.s32 $0x10, v18;
	v7 =	vmovc v22;
	[tilespmem:v2+s22+$0x0] =	vst.idx.add.f32.msk $0xffff, v10;
	v2 =	vmov v26  }
0x3e7: {  	v16 =	vld.idx.msk [tilespmem:v16+s4+$0x0], $0xffff  }
0x3e8: {  	v22 =	vld.idx.msk [tilespmem:v23+s4+$0x0], $0xffff  }
0x3e9: {  	v21 =	vld.idx.msk [tilespmem:v21+s4+$0x0], $0xffff  }
0x3ea: {  	v18 =	vld.idx.msk [tilespmem:v18+s4+$0x0], $0xffff  }
0x3eb: {  	v23 =	vld.idx.msk [tilespmem:v24+s4+$0x0], $0xffff  }
0x3ec: {  	v11 =	vld.idx.msk [tilespmem:v11+s4+$0x0], $0xffff  }
0x3ed: {  	v16 =	vmul.f32 v15, v16;
	v24 =	vld.idx.msk [tilespmem:v27+s4+$0x0], $0xffff  }
0x3ee: {  	v13 =	vmul.f32 v13, v22;
	v15 =	vld.idx.msk [tilespmem:v12+s4+$0x0], $0xffff  }
0x3ef: {  	v21 =	vmul.f32 v17, v21;
	v22 =	vld.idx.msk [tilespmem:v25+s4+$0x0], $0xffff;
	v25 =	vmul.f32 v16, v16  }
0x3f0: {  	v17 =	vmul.f32 v13, v13;
	v18 =	vmul.f32 v29, v18;
	v12 =	vld.idx.msk [tilespmem:v32+s4+$0x0], $0xffff  }
.Ltmp6:
0x3f1: {  	v26 =	vmul.f32 v21, v21;
	v25 =	vsub.f32 v25, v16;
	v16 =	vld.idx.msk [tilespmem:v31+s4+$0x0], $0xffff;
	(pc) =	sbr.rel @p0 .LBB2_14-.Ltmp6, $4  }
0x3f2: {  	v13 =	vsub.f32 v17, v13;
	v17 =	vld.idx.msk [tilespmem:v19+s4+$0x0], $0xffff;
	v19 =	vmul.f32 v18, v18  }
0x3f3: {  	v21 =	vsub.f32 v26, v21;
	v23 =	vmul.f32 v25, v23;
	[tilespmem:v5+s22+$0x0] =	vst.idx.add.f32.msk $0xffff, v10;
	v5 =	vmov v20  }
0x3f4: {  	v10 =	vmul.f32 v13, v11;
	v18 =	vsub.f32 v19, v18;
	[tilespmem:v1+s22+$0x0] =	vst.idx.add.f32.msk $0xffff, v9;
	v1 =	vmov v14  }
0x3f5: {  	s16 =	sadd.s32 $0x50, s16;
	v14 =	vmul.f32 v21, v24;
	v11 =	vsub.f32 v23, v22;
	[tilespmem:v6+s22+$0x0] =	vst.idx.add.f32.msk $0xffff, v9;
	v6 =	vmov v30  }
0x3f6: {  	_ =	sdelay $0x3  }
0x3f7: {  	v9 =	vsub.f32 v10, v12;
	[tilespmem:v4+s22+$0x0] =	vst.idx.add.f32.msk $0xffff, v11  }
0x3f8: {  	[tilespmem:v8+s22+$0x0] =	vst.idx.add.f32.msk $0xffff, v11  }
0x3f9: {  	v4 =	vmul.f32 v18, v15;
	v8 =	vsub.f32 v14, v16;
	[tilespmem:v3+s22+$0x0] =	vst.idx.add.f32.msk $0xffff, v9  }
0x3fa: {  	[tilespmem:v7+s22+$0x0] =	vst.idx.add.f32.msk $0xffff, v9  }
0x3fb: {  	v3 =	vsub.f32 v4, v17;
	[tilespmem:v2+s22+$0x0] =	vst.idx.add.f32.msk $0xffff, v8  }
0x3fc: {  	[tilespmem:v5+s22+$0x0] =	vst.idx.add.f32.msk $0xffff, v8  }
0x3fd: {  	[tilespmem:v1+s22+$0x0] =	vst.idx.add.f32.msk $0xffff, v3  }
0x3fe: {  	[tilespmem:v6+s22+$0x0] =	vst.idx.add.f32.msk $0xffff, v3  }
0x3ff: {  	s0 =	sld [smem:$0x7E6];
	_ =	sdelay $0x1  }
0x400: {  	s26 =	sld [smem:$0x7E7]  }
0x401: {  	[tilespmem:s9], [sflag:$0x2] =	stream.linear.gather [hbm4b:s0+s8], $0x7D0, $0x38;
	[tilespmem:$0xF280] =	vst v63  }
0x402: {  	s28 =	sld [smem:$0x7E8]  }
0x403: {  	[tilespmem:s10], [sflag:$0x2] =	stream.linear.gather [hbm4b:s26+s8], $0x7D0, $0x38;
	[tilespmem:$0xF280] =	vst v63  }
0x404: {  	s29 =	sld [smem:$0x7E9]  }
0x405: {  	[tilespmem:s17], [sflag:$0x2] =	stream.linear.gather [hbm4b:s28+s8], $0x7D0, $0x38;
	[tilespmem:$0xF280] =	vst v63  }
0x406: {  	s30 =	sld [smem:$0x7EA]  }
0x407: {  	[tilespmem:s18], [sflag:$0x2] =	stream.linear.gather [hbm4b:s29+s8], $0x7D0, $0x38;
	[tilespmem:$0xF280] =	vst v63  }
0x408: {  	_ = 	snop  }
0x409: {  	[tilespmem:s19], [sflag:$0x2] =	stream.linear.gather [hbm4b:s30+s8], $0x7D0, $0x38;
	[tilespmem:$0xF280] =	vst v63  }
0x40a: {  	_ =	swait.ge [sflag:s21], $0x7D0  }
0x40b: {  	[sflag:s21] =	ssyncset.done $0x0  }
0x40c: {  	[sflag:s21] =	ssyncadd.s32 $0xFFFFF830  }
0x40d: {  	_ =	swait.ge [sflag:s21], $0x7D0  }
0x40e: {  	[sflag:s21] =	ssyncset.done $0x0  }
0x40f: {  	[sflag:s21] =	ssyncadd.s32 $0xFFFFF830  }
0x410: {  	_ =	swait.ge [sflag:s21], $0x7D0  }
0x411: {  	[sflag:s21] =	ssyncset.done $0x0  }
0x412: {  	[sflag:s21] =	ssyncadd.s32 $0xFFFFF830  }
0x413: {  	_ =	swait.ge [sflag:s21], $0x7D0  }
0x414: {  	[sflag:s21] =	ssyncset.done $0x0  }
0x415: {  	[sflag:s21] =	ssyncadd.s32 $0xFFFFF830  }
0x416: {  	_ =	swait.ge [sflag:s21], $0x7D0  }
0x417: {  	[sflag:s21] =	ssyncset.done $0x0  }
0x418: {  	s31 =	simm.s32 $0x7020;
	[sflag:s21] =	ssyncadd.s32 $0xFFFFF830  }
0x419: {  	s11 =	simm.s32 $0x5020;
	v9 =	vld [tilespmem:s31+$0x20]  }
0x41a: {  	s12 =	simm.s32 $0x6820;
	v1 =	vld [tilespmem:s11+$0x20]  }
0x41b: {  	s13 =	simm.s32 $0x5820;
	v10 =	vld [tilespmem:s12+$0x20]  }
0x41c: {  	v2 =	vld [tilespmem:s13+$0x20]  }
0x41d: {  	s14 =	simm.s32 $0x6020;
	v5 =	vld [tilespmem:s11+$0xFFFFFFE0]  }
0x41e: {  	v3 =	vld [tilespmem:s14+$0x20]  }
0x41f: {  	v6 =	vld [tilespmem:s13+$0xFFFFFFE0]  }
0x420: {  	v11 =	vld [tilespmem:s11+$0xFFFFFFF0]  }
0x421: {  	v12 =	vld [tilespmem:s13+$0xFFFFFFF0]  }
0x422: {  	v13 =	vld [tilespmem:s11+$0x0]  }
0x423: {  	v14 =	vld [tilespmem:s13+$0x0]  }
0x424: {  	v15 =	vld [tilespmem:s11+$0x10]  }
0x425: {  	v1 =	vmul.f32 v1, v1;
	v2 =	vmul.f32 v2, v2;
	v4 =	vld.idx.msk [tilespmem:v10+s8+$0x0], $0xffff  }
0x426: {  	v7 =	vld.idx.msk [tilespmem:v9+s8+$0x0], $0xffff  }
0x427: {  	v16 =	vld [tilespmem:s13+$0x10];
	v1 =	vadd.f32 v2, v1;
	v2 =	vmul.f32 v3, v3  }
0x428: {  	v17 =	vld [tilespmem:s14+$0xFFFFFFE0]  }
0x429: {  	v18 =	vld [tilespmem:s14+$0xFFFFFFF0];
	v1 =	vadd.f32 v2, v1  }
0x42a: {  	v19 =	vld [tilespmem:s14+$0x0];
	v24 =	vmul.f32 v5, v5;
	v2 =	vshll.u32 v4, $0x1  }
0x42b: {  	v21 =	vld [tilespmem:s14+$0x10];
	v25 =	vmul.f32 v6, v6;
	v20 =	vadd.s32 v7, v2;
	v2 =	vmul.f32 v1, v1  }
0x42c: {  	v8 =	vld [tilespmem:s31+$0xFFFFFFE0];
	v11 =	vmul.f32 v11, v11;
	v12 =	vmul.f32 v12, v12  }
0x42d: {  	v5 =	vld [tilespmem:s31+$0x0];
	v13 =	vmul.f32 v13, v13;
	v4 =	vmul.f32 v2, v1  }
0x42e: {  	v14 =	vmul.f32 v14, v14;
	v15 =	vmul.f32 v15, v15;
	v3 =	vld [tilespmem:s12+$0xFFFFFFF0]  }
0x42f: {  	v6 =	vld [tilespmem:s31+$0x10];
	v16 =	vmul.f32 v16, v16;
	(erf) = vrcp.f32 v4  }
0x430: {  	v11 =	vadd.f32 v12, v11;
	v12 =	vmul.f32 v17, v17;
	v17 =	vmul.f32 v18, v18;
	v7 =	vld [tilespmem:s31+$0xFFFFFFF0]  }
0x431: {  	v13 =	vadd.f32 v14, v13;
	v14 =	vadd.f32 v16, v15;
	v4 =	vld [tilespmem:s12+$0xFFFFFFE0]  }
0x432: {  	v11 =	vadd.f32 v17, v11;
	v17 =	vmul.f32 v21, v21;
	v23 =	vadd.s32 $0x8, v20;
	v2 =	vld [tilespmem:s12+$0x0]  }
0x433: {  	v22 =	vld.idx.msk [tilespmem:v20+s4+$0x0], $0xffff;
	v20 =	vadd.s32 $0x10, v20  }
0x434: {  	v14 =	vadd.f32 v17, v14;
	v17 =	vld.idx.msk [tilespmem:v8+s8+$0x0], $0xffff  }
0x435: {  	v1 =	vld [tilespmem:s12+$0x10]  }
0x436: {  	v24 =	vadd.f32 v25, v24;
	v18 =	vld.idx.msk [tilespmem:v3+s8+$0x0], $0xffff  }
0x437: {  	v15 =	vmul.f32 v19, v19;
	v23 =	vld.idx.msk [tilespmem:v23+s4+$0x0], $0xffff  }
0x438: {  	v12 =	vadd.f32 v12, v24;
	v16 =	vld.idx.msk [tilespmem:v20+s4+$0x0], $0xffff;
	v19 =	vpop (erf)  }
0x439: {  	v13 =	vadd.f32 v15, v13;
	v20 =	vld.idx.msk [tilespmem:v4+s8+$0x0], $0xffff;
	v15 =	vmul.f32 v19, v22  }
0x43a: {  	v52 =	vmul.f32 v12, v12;
	v53 =	vmul.f32 v11, v11;
	v26 =	vld.idx.msk [tilespmem:v7+s8+$0x0], $0xffff  }
0x43b: {  	v54 =	vmul.f32 v13, v13;
	v19 =	vld.idx.msk [tilespmem:v2+s8+$0x0], $0xffff;
	v55 =	vmul.f32 v15, v15  }
0x43c: {  	v12 =	vmul.f32 v52, v12;
	v56 =	vmul.f32 v14, v14;
	v27 =	vld.idx.msk [tilespmem:v5+s8+$0x0], $0xffff  }
0x43d: {  	v11 =	vmul.f32 v53, v11;
	v13 =	vmul.f32 v54, v13;
	v57 =	vld.idx.msk [tilespmem:v1+s8+$0x0], $0xffff;
	v15 =	vsub.f32 v55, v15  }
0x43e: {  	v14 =	vmul.f32 v56, v14;
	(erf) = vrcp.f32 v12;
	v12 =	vshll.u32 v20, $0x1;
	v20 =	vld.idx.msk [tilespmem:v6+s8+$0x0], $0xffff  }
0x43f: {  	v18 =	vshll.u32 v18, $0x1;
	v12 =	vadd.s32 v17, v12;
	v15 =	vmul.f32 v15, v23  }
0x440: {  	(erf) = vrcp.f32 v11;
	v17 =	vadd.s32 v26, v18;
	v11 =	vshll.u32 v19, $0x1  }
0x441: {  	(erf) = vrcp.f32 v13;
	v11 =	vadd.s32 v27, v11;
	v13 =	vsub.f32 v15, v16  }
0x442: {  	v15 =	vshll.u32 v57, $0x1  }
0x443: {  	(erf) = vrcp.f32 v14;
	[tilespmem:v10+s22+$0x0] =	vst.idx.add.f32.msk $0xffff, v13;
	v10 =	vadd.s32 v20, v15  }
0x444: {  	v14 =	vadd.s32 $0x8, v12;
	v15 =	vld.idx.msk [tilespmem:v12+s4+$0x0], $0xffff  }
0x445: {  	v19 =	vadd.s32 $0x8, v11;
	v18 =	vld.idx.msk [tilespmem:v17+s4+$0x0], $0xffff  }
0x446: {  	v16 =	vadd.s32 $0x8, v17;
	v20 =	vld.idx.msk [tilespmem:v11+s4+$0x0], $0xffff  }
0x447: {  	[tilespmem:v9+s22+$0x0] =	vst.idx.add.f32.msk $0xffff, v13;
	v9 =	vadd.s32 $0x10, v12  }
0x448: {  	v17 =	vadd.s32 $0x10, v17;
	v12 =	vpop (erf);
	v13 =	vld.idx.msk [tilespmem:v10+s4+$0x0], $0xffff  }
0x449: {  	v14 =	vld.idx.msk [tilespmem:v14+s4+$0x0], $0xffff;
	v59 =	vadd.s32 $0x8, v10;
	v12 =	vmul.f32 v12, v15  }
0x44a: {  	v11 =	vadd.s32 $0x10, v11;
	v58 =	vpop (erf);
	v19 =	vld.idx.msk [tilespmem:v19+s4+$0x0], $0xffff  }
0x44b: {  	v61 =	vadd.s32 $0x10, v10;
	v60 =	vld.idx.msk [tilespmem:v16+s4+$0x0], $0xffff;
	v16 =	vmul.f32 v58, v18;
	v15 =	vpop (erf);
	v18 =	vmul.f32 v12, v12  }
0x44c: {  	v20 =	vmul.f32 v15, v20;
	v15 =	vpop (erf);
	v9 =	vld.idx.msk [tilespmem:v9+s4+$0x0], $0xffff  }
0x44d: {  	v10 =	vmul.f32 v16, v16;
	v18 =	vsub.f32 v18, v12;
	v12 =	vld.idx.msk [tilespmem:v17+s4+$0x0], $0xffff;
	v13 =	vmul.f32 v15, v13  }
0x44e: {  	v62 =	vmul.f32 v20, v20;
	v15 =	vld.idx.msk [tilespmem:v59+s4+$0x0], $0xffff  }
0x44f: {  	v10 =	vsub.f32 v10, v16;
	v16 =	vld.idx.msk [tilespmem:v11+s4+$0x0], $0xffff;
	v63 =	vmul.f32 v13, v13  }
0x450: {  	v17 =	vld.idx.msk [tilespmem:v61+s4+$0x0], $0xffff;
	v20 =	vsub.f32 v62, v20;
	v14 =	vmul.f32 v18, v14  }
0x451: {  	v10 =	vmul.f32 v10, v60;
	v18 =	vsub.f32 v63, v13  }
0x452: {  	s15 =	simm.s32 $0x0;
	s16 =	simm.s32 $0x7070;
	v11 =	vsub.f32 v14, v9;
	v14 =	vmul.f32 v20, v19  }
.LBB2_16:
0x453: {  	v13 =	vld [tilespmem:s16+$0x20];
	v12 =	vsub.f32 v10, v12;
	v9 =	vmul.f32 v18, v15;
	s11 =	sadd.s32 $0x50, s11  }
0x454: {  	s12 =	sadd.s32 $0x50, s12;
	v18 =	vld [tilespmem:s11+$0x20];
	v10 =	vsub.f32 v14, v16  }
0x455: {  	s13 =	sadd.s32 $0x50, s13;
	v15 =	vld [tilespmem:s12+$0x20];
	v9 =	vsub.f32 v9, v17  }
0x456: {  	s15 =	sadd.s32 $0x5, s15;
	v14 =	vld [tilespmem:s13+$0x20]  }
0x457: {  	s14 =	sadd.s32 $0x50, s14;
	p0 =	slt.u32 s15, $0x78;
	v16 =	vld [tilespmem:s11+$0xFFFFFFE0]  }
0x458: {  	v17 =	vld [tilespmem:s14+$0x20]  }
0x459: {  	v19 =	vld [tilespmem:s13+$0xFFFFFFE0]  }
0x45a: {  	v20 =	vld [tilespmem:s11+$0xFFFFFFF0]  }
0x45b: {  	v18 =	vmul.f32 v18, v18;
	v21 =	vld [tilespmem:s13+$0xFFFFFFF0];
	v14 =	vmul.f32 v14, v14  }
0x45c: {  	v16 =	vmul.f32 v16, v16;
	v22 =	vld [tilespmem:s11+$0x0]  }
0x45d: {  	v23 =	vld.idx.msk [tilespmem:v15+s8+$0x0], $0xffff;
	v14 =	vadd.f32 v14, v18;
	v17 =	vmul.f32 v17, v17  }
0x45e: {  	v18 =	vmul.f32 v19, v19;
	v19 =	vld.idx.msk [tilespmem:v13+s8+$0x0], $0xffff  }
0x45f: {  	v20 =	vmul.f32 v20, v20;
	v24 =	vld [tilespmem:s13+$0x0];
	v14 =	vadd.f32 v17, v14  }
0x460: {  	v16 =	vadd.f32 v18, v16;
	v17 =	vmul.f32 v21, v21;
	v18 =	vld [tilespmem:s11+$0x10]  }
0x461: {  	v21 =	vmul.f32 v22, v22;
	v22 =	vld [tilespmem:s13+$0x10];
	v25 =	vmul.f32 v14, v14  }
0x462: {  	v26 =	vld [tilespmem:s14+$0xFFFFFFE0];
	v17 =	vadd.f32 v17, v20  }
0x463: {  	v23 =	vshll.u32 v23, $0x1;
	v20 =	vld [tilespmem:s14+$0xFFFFFFF0];
	v14 =	vmul.f32 v25, v14  }
0x464: {  	v19 =	vadd.s32 v19, v23;
	v25 =	vld [tilespmem:s14+$0x0];
	v24 =	vmul.f32 v24, v24  }
0x465: {  	v23 =	vld [tilespmem:s14+$0x10];
	v18 =	vmul.f32 v18, v18;
	(erf) = vrcp.f32 v14  }
0x466: {  	v27 =	vld [tilespmem:s12+$0xFFFFFFF0];
	v21 =	vadd.f32 v24, v21;
	v22 =	vmul.f32 v22, v22  }
0x467: {  	v24 =	vmul.f32 v26, v26;
	v26 =	vld [tilespmem:s12+$0x0]  }
0x468: {  	v20 =	vmul.f32 v20, v20;
	v14 =	vld [tilespmem:s12+$0x10];
	v18 =	vadd.f32 v22, v18  }
0x469: {  	v16 =	vadd.f32 v24, v16;
	v22 =	vmul.f32 v25, v25;
	v24 =	vld.idx.msk [tilespmem:v19+s4+$0x0], $0xffff  }
0x46a: {  	v25 =	vld [tilespmem:s12+$0xFFFFFFE0];
	v17 =	vadd.f32 v20, v17;
	v20 =	vmul.f32 v23, v23;
	v23 =	vadd.s32 $0x8, v19  }
0x46b: {  	v28 =	vld [tilespmem:s16+$0xFFFFFFE0];
	v29 =	vmul.f32 v16, v16;
	v21 =	vadd.f32 v22, v21  }
0x46c: {  	v19 =	vadd.s32 $0x10, v19;
	v22 =	vld [tilespmem:s16+$0xFFFFFFF0];
	v30 =	vmul.f32 v17, v17;
	v18 =	vadd.f32 v20, v18  }
0x46d: {  	v16 =	vmul.f32 v29, v16;
	v20 =	vld [tilespmem:s16+$0x0];
	v29 =	vmul.f32 v21, v21  }
0x46e: {  	v17 =	vmul.f32 v30, v17;
	v30 =	vld [tilespmem:s16+$0x10];
	v31 =	vmul.f32 v18, v18;
	v32 =	vpop (erf)  }
0x46f: {  	v21 =	vmul.f32 v29, v21;
	v23 =	vld.idx.msk [tilespmem:v23+s4+$0x0], $0xffff;
	v24 =	vmul.f32 v32, v24  }
0x470: {  	v29 =	vld.idx.msk [tilespmem:v27+s8+$0x0], $0xffff;
	v18 =	vmul.f32 v31, v18;
	(erf) = vrcp.f32 v16  }
0x471: {  	v16 =	vld.idx.msk [tilespmem:v19+s4+$0x0], $0xffff;
	v19 =	vmul.f32 v24, v24;
	(erf) = vrcp.f32 v17  }
0x472: {  	v17 =	vld.idx.msk [tilespmem:v25+s8+$0x0], $0xffff;
	(erf) = vrcp.f32 v21  }
0x473: {  	v21 =	vld.idx.msk [tilespmem:v26+s8+$0x0], $0xffff;
	v19 =	vsub.f32 v19, v24;
	(erf) = vrcp.f32 v18  }
0x474: {  	v18 =	vld.idx.msk [tilespmem:v14+s8+$0x0], $0xffff  }
0x475: {  	v24 =	vld.idx.msk [tilespmem:v28+s8+$0x0], $0xffff;
	v19 =	vmul.f32 v19, v23  }
0x476: {  	v29 =	vshll.u32 v29, $0x1;
	v23 =	vld.idx.msk [tilespmem:v22+s8+$0x0], $0xffff  }
0x477: {  	v31 =	vld.idx.msk [tilespmem:v20+s8+$0x0], $0xffff;
	v16 =	vsub.f32 v19, v16  }
0x478: {  	v17 =	vshll.u32 v17, $0x1;
	v19 =	vld.idx.msk [tilespmem:v30+s8+$0x0], $0xffff  }
0x479: {  	v21 =	vshll.u32 v21, $0x1;
	[tilespmem:v15+s22+$0x0] =	vst.idx.add.f32.msk $0xffff, v16;
	v15 =	vpop (erf)  }
0x47a: {  	v18 =	vshll.u32 v18, $0x1;
	[tilespmem:v13+s22+$0x0] =	vst.idx.add.f32.msk $0xffff, v16;
	v13 =	vpop (erf)  }
0x47b: {  	v16 =	vadd.s32 v24, v17;
	v17 =	vpop (erf);
	[tilespmem:v4+s22+$0x0] =	vst.idx.add.f32.msk $0xffff, v11;
	v4 =	vmov v25  }
0x47c: {  	v24 =	vadd.s32 $0x8, v16;
	v25 =	vadd.s32 $0x10, v16;
	v23 =	vadd.s32 v23, v29;
	v29 =	vpop (erf);
	[tilespmem:v8+s22+$0x0] =	vst.idx.add.f32.msk $0xffff, v11  }
0x47d: {  	v11 =	vadd.s32 $0x8, v23;
	v32 =	vadd.s32 $0x10, v23;
	v21 =	vadd.s32 v31, v21;
	[tilespmem:v3+s22+$0x0] =	vst.idx.add.f32.msk $0xffff, v12;
	v3 =	vmovc v27  }
0x47e: {  	v8 =	vmovc v28;
	v27 =	vadd.s32 $0x8, v21;
	v31 =	vadd.s32 $0x10, v21;
	v18 =	vadd.s32 v19, v18;
	[tilespmem:v7+s22+$0x0] =	vst.idx.add.f32.msk $0xffff, v12  }
0x47f: {  	v12 =	vadd.s32 $0x8, v18;
	v19 =	vadd.s32 $0x10, v18;
	v7 =	vmovc v22;
	[tilespmem:v2+s22+$0x0] =	vst.idx.add.f32.msk $0xffff, v10;
	v2 =	vmov v26  }
0x480: {  	v16 =	vld.idx.msk [tilespmem:v16+s4+$0x0], $0xffff  }
0x481: {  	v22 =	vld.idx.msk [tilespmem:v23+s4+$0x0], $0xffff  }
0x482: {  	v21 =	vld.idx.msk [tilespmem:v21+s4+$0x0], $0xffff  }
0x483: {  	v18 =	vld.idx.msk [tilespmem:v18+s4+$0x0], $0xffff  }
0x484: {  	v23 =	vld.idx.msk [tilespmem:v24+s4+$0x0], $0xffff  }
0x485: {  	v11 =	vld.idx.msk [tilespmem:v11+s4+$0x0], $0xffff  }
0x486: {  	v16 =	vmul.f32 v15, v16;
	v24 =	vld.idx.msk [tilespmem:v27+s4+$0x0], $0xffff  }
0x487: {  	v13 =	vmul.f32 v13, v22;
	v15 =	vld.idx.msk [tilespmem:v12+s4+$0x0], $0xffff  }
0x488: {  	v21 =	vmul.f32 v17, v21;
	v22 =	vld.idx.msk [tilespmem:v25+s4+$0x0], $0xffff;
	v25 =	vmul.f32 v16, v16  }
0x489: {  	v17 =	vmul.f32 v13, v13;
	v18 =	vmul.f32 v29, v18;
	v12 =	vld.idx.msk [tilespmem:v32+s4+$0x0], $0xffff  }
.Ltmp7:
0x48a: {  	v26 =	vmul.f32 v21, v21;
	v25 =	vsub.f32 v25, v16;
	v16 =	vld.idx.msk [tilespmem:v31+s4+$0x0], $0xffff;
	(pc) =	sbr.rel @p0 .LBB2_16-.Ltmp7, $4  }
0x48b: {  	v13 =	vsub.f32 v17, v13;
	v17 =	vld.idx.msk [tilespmem:v19+s4+$0x0], $0xffff;
	v19 =	vmul.f32 v18, v18  }
0x48c: {  	v21 =	vsub.f32 v26, v21;
	v23 =	vmul.f32 v25, v23;
	[tilespmem:v5+s22+$0x0] =	vst.idx.add.f32.msk $0xffff, v10;
	v5 =	vmov v20  }
0x48d: {  	v10 =	vmul.f32 v13, v11;
	v18 =	vsub.f32 v19, v18;
	[tilespmem:v1+s22+$0x0] =	vst.idx.add.f32.msk $0xffff, v9;
	v1 =	vmov v14  }
0x48e: {  	s16 =	sadd.s32 $0x50, s16;
	v14 =	vmul.f32 v21, v24;
	v11 =	vsub.f32 v23, v22;
	[tilespmem:v6+s22+$0x0] =	vst.idx.add.f32.msk $0xffff, v9;
	v6 =	vmov v30  }
0x48f: {  	_ =	sdelay $0x3  }
0x490: {  	v9 =	vsub.f32 v10, v12;
	[tilespmem:v4+s22+$0x0] =	vst.idx.add.f32.msk $0xffff, v11  }
0x491: {  	[tilespmem:v8+s22+$0x0] =	vst.idx.add.f32.msk $0xffff, v11  }
0x492: {  	v4 =	vmul.f32 v18, v15;
	v8 =	vsub.f32 v14, v16;
	[tilespmem:v3+s22+$0x0] =	vst.idx.add.f32.msk $0xffff, v9  }
0x493: {  	[tilespmem:v7+s22+$0x0] =	vst.idx.add.f32.msk $0xffff, v9  }
0x494: {  	v3 =	vsub.f32 v4, v17;
	[tilespmem:v2+s22+$0x0] =	vst.idx.add.f32.msk $0xffff, v8  }
0x495: {  	[tilespmem:v5+s22+$0x0] =	vst.idx.add.f32.msk $0xffff, v8  }
0x496: {  	[tilespmem:v1+s22+$0x0] =	vst.idx.add.f32.msk $0xffff, v3  }
0x497: {  	[tilespmem:v6+s22+$0x0] =	vst.idx.add.f32.msk $0xffff, v3  }
0x498: {  	s0 =	sld [smem:$0x7F0];
	_ =	sdelay $0x1  }
0x499: {  	s26 =	sld [smem:$0x7F1]  }
0x49a: {  	[tilespmem:s2], [sflag:$0x1] =	stream.linear.gather [hbm4b:s0+s8], $0x7D0, $0x38;
	[tilespmem:$0xF280] =	vst v63  }
0x49b: {  	s28 =	sld [smem:$0x7F2]  }
0x49c: {  	[tilespmem:s3], [sflag:$0x1] =	stream.linear.gather [hbm4b:s26+s8], $0x7D0, $0x38;
	[tilespmem:$0xF280] =	vst v63  }
0x49d: {  	s29 =	sld [smem:$0x7F3]  }
0x49e: {  	[tilespmem:s5], [sflag:$0x1] =	stream.linear.gather [hbm4b:s28+s8], $0x7D0, $0x38;
	[tilespmem:$0xF280] =	vst v63  }
0x49f: {  	s30 =	sld [smem:$0x7F4]  }
0x4a0: {  	[tilespmem:s6], [sflag:$0x1] =	stream.linear.gather [hbm4b:s29+s8], $0x7D0, $0x38;
	[tilespmem:$0xF280] =	vst v63  }
0x4a1: {  	_ = 	snop  }
0x4a2: {  	[tilespmem:s7], [sflag:$0x1] =	stream.linear.gather [hbm4b:s30+s8], $0x7D0, $0x38;
	[tilespmem:$0xF280] =	vst v63  }
0x4a3: {  	_ =	swait.ge [sflag:s23], $0x7D0  }
0x4a4: {  	[sflag:s23] =	ssyncset.done $0x0  }
0x4a5: {  	[sflag:s23] =	ssyncadd.s32 $0xFFFFF830  }
0x4a6: {  	_ =	swait.ge [sflag:s23], $0x7D0  }
0x4a7: {  	[sflag:s23] =	ssyncset.done $0x0  }
0x4a8: {  	[sflag:s23] =	ssyncadd.s32 $0xFFFFF830  }
0x4a9: {  	_ =	swait.ge [sflag:s23], $0x7D0  }
0x4aa: {  	[sflag:s23] =	ssyncset.done $0x0  }
0x4ab: {  	[sflag:s23] =	ssyncadd.s32 $0xFFFFF830  }
0x4ac: {  	_ =	swait.ge [sflag:s23], $0x7D0  }
0x4ad: {  	[sflag:s23] =	ssyncset.done $0x0  }
0x4ae: {  	[sflag:s23] =	ssyncadd.s32 $0xFFFFF830  }
0x4af: {  	_ =	swait.ge [sflag:s23], $0x7D0  }
0x4b0: {  	[sflag:s23] =	ssyncset.done $0x0  }
0x4b1: {  	s31 =	simm.s32 $0x9820;
	[sflag:s23] =	ssyncadd.s32 $0xFFFFF830  }
0x4b2: {  	s11 =	simm.s32 $0x7820;
	v9 =	vld [tilespmem:s31+$0x20]  }
0x4b3: {  	s12 =	simm.s32 $0x9020;
	v1 =	vld [tilespmem:s11+$0x20]  }
0x4b4: {  	s13 =	simm.s32 $0x8020;
	v10 =	vld [tilespmem:s12+$0x20]  }
0x4b5: {  	v2 =	vld [tilespmem:s13+$0x20]  }
0x4b6: {  	s14 =	simm.s32 $0x8820;
	v5 =	vld [tilespmem:s11+$0xFFFFFFE0]  }
0x4b7: {  	v3 =	vld [tilespmem:s14+$0x20]  }
0x4b8: {  	v6 =	vld [tilespmem:s13+$0xFFFFFFE0]  }
0x4b9: {  	v11 =	vld [tilespmem:s11+$0xFFFFFFF0]  }
0x4ba: {  	v12 =	vld [tilespmem:s13+$0xFFFFFFF0]  }
0x4bb: {  	v13 =	vld [tilespmem:s11+$0x0]  }
0x4bc: {  	v14 =	vld [tilespmem:s13+$0x0]  }
0x4bd: {  	v15 =	vld [tilespmem:s11+$0x10]  }
0x4be: {  	v1 =	vmul.f32 v1, v1;
	v2 =	vmul.f32 v2, v2;
	v4 =	vld.idx.msk [tilespmem:v10+s8+$0x0], $0xffff  }
0x4bf: {  	v7 =	vld.idx.msk [tilespmem:v9+s8+$0x0], $0xffff  }
0x4c0: {  	v16 =	vld [tilespmem:s13+$0x10];
	v1 =	vadd.f32 v2, v1;
	v2 =	vmul.f32 v3, v3  }
0x4c1: {  	v17 =	vld [tilespmem:s14+$0xFFFFFFE0]  }
0x4c2: {  	v18 =	vld [tilespmem:s14+$0xFFFFFFF0];
	v1 =	vadd.f32 v2, v1  }
0x4c3: {  	v19 =	vld [tilespmem:s14+$0x0];
	v24 =	vmul.f32 v5, v5;
	v2 =	vshll.u32 v4, $0x1  }
0x4c4: {  	v21 =	vld [tilespmem:s14+$0x10];
	v25 =	vmul.f32 v6, v6;
	v20 =	vadd.s32 v7, v2;
	v2 =	vmul.f32 v1, v1  }
0x4c5: {  	v8 =	vld [tilespmem:s31+$0xFFFFFFE0];
	v11 =	vmul.f32 v11, v11;
	v12 =	vmul.f32 v12, v12  }
0x4c6: {  	v5 =	vld [tilespmem:s31+$0x0];
	v13 =	vmul.f32 v13, v13;
	v4 =	vmul.f32 v2, v1  }
0x4c7: {  	v14 =	vmul.f32 v14, v14;
	v15 =	vmul.f32 v15, v15;
	v3 =	vld [tilespmem:s12+$0xFFFFFFF0]  }
0x4c8: {  	v6 =	vld [tilespmem:s31+$0x10];
	v16 =	vmul.f32 v16, v16;
	(erf) = vrcp.f32 v4  }
0x4c9: {  	v11 =	vadd.f32 v12, v11;
	v12 =	vmul.f32 v17, v17;
	v17 =	vmul.f32 v18, v18;
	v7 =	vld [tilespmem:s31+$0xFFFFFFF0]  }
0x4ca: {  	v13 =	vadd.f32 v14, v13;
	v14 =	vadd.f32 v16, v15;
	v4 =	vld [tilespmem:s12+$0xFFFFFFE0]  }
0x4cb: {  	v11 =	vadd.f32 v17, v11;
	v17 =	vmul.f32 v21, v21;
	v23 =	vadd.s32 $0x8, v20;
	v2 =	vld [tilespmem:s12+$0x0]  }
0x4cc: {  	v22 =	vld.idx.msk [tilespmem:v20+s4+$0x0], $0xffff;
	v20 =	vadd.s32 $0x10, v20  }
0x4cd: {  	v14 =	vadd.f32 v17, v14;
	v17 =	vld.idx.msk [tilespmem:v8+s8+$0x0], $0xffff  }
0x4ce: {  	v1 =	vld [tilespmem:s12+$0x10]  }
0x4cf: {  	v24 =	vadd.f32 v25, v24;
	v18 =	vld.idx.msk [tilespmem:v3+s8+$0x0], $0xffff  }
0x4d0: {  	v15 =	vmul.f32 v19, v19;
	v23 =	vld.idx.msk [tilespmem:v23+s4+$0x0], $0xffff  }
0x4d1: {  	v12 =	vadd.f32 v12, v24;
	v16 =	vld.idx.msk [tilespmem:v20+s4+$0x0], $0xffff;
	v19 =	vpop (erf)  }
0x4d2: {  	v13 =	vadd.f32 v15, v13;
	v20 =	vld.idx.msk [tilespmem:v4+s8+$0x0], $0xffff;
	v15 =	vmul.f32 v19, v22  }
0x4d3: {  	v52 =	vmul.f32 v12, v12;
	v53 =	vmul.f32 v11, v11;
	v26 =	vld.idx.msk [tilespmem:v7+s8+$0x0], $0xffff  }
0x4d4: {  	v54 =	vmul.f32 v13, v13;
	v19 =	vld.idx.msk [tilespmem:v2+s8+$0x0], $0xffff;
	v55 =	vmul.f32 v15, v15  }
0x4d5: {  	v12 =	vmul.f32 v52, v12;
	v56 =	vmul.f32 v14, v14;
	v27 =	vld.idx.msk [tilespmem:v5+s8+$0x0], $0xffff  }
0x4d6: {  	v11 =	vmul.f32 v53, v11;
	v13 =	vmul.f32 v54, v13;
	v57 =	vld.idx.msk [tilespmem:v1+s8+$0x0], $0xffff;
	v15 =	vsub.f32 v55, v15  }
0x4d7: {  	v14 =	vmul.f32 v56, v14;
	(erf) = vrcp.f32 v12;
	v12 =	vshll.u32 v20, $0x1;
	v20 =	vld.idx.msk [tilespmem:v6+s8+$0x0], $0xffff  }
0x4d8: {  	v18 =	vshll.u32 v18, $0x1;
	v12 =	vadd.s32 v17, v12;
	v15 =	vmul.f32 v15, v23  }
0x4d9: {  	(erf) = vrcp.f32 v11;
	v17 =	vadd.s32 v26, v18;
	v11 =	vshll.u32 v19, $0x1  }
0x4da: {  	(erf) = vrcp.f32 v13;
	v11 =	vadd.s32 v27, v11;
	v13 =	vsub.f32 v15, v16  }
0x4db: {  	v15 =	vshll.u32 v57, $0x1  }
0x4dc: {  	(erf) = vrcp.f32 v14;
	[tilespmem:v10+s22+$0x0] =	vst.idx.add.f32.msk $0xffff, v13;
	v10 =	vadd.s32 v20, v15  }
0x4dd: {  	v14 =	vadd.s32 $0x8, v12;
	v15 =	vld.idx.msk [tilespmem:v12+s4+$0x0], $0xffff  }
0x4de: {  	v19 =	vadd.s32 $0x8, v11;
	v18 =	vld.idx.msk [tilespmem:v17+s4+$0x0], $0xffff  }
0x4df: {  	v16 =	vadd.s32 $0x8, v17;
	v20 =	vld.idx.msk [tilespmem:v11+s4+$0x0], $0xffff  }
0x4e0: {  	[tilespmem:v9+s22+$0x0] =	vst.idx.add.f32.msk $0xffff, v13;
	v9 =	vadd.s32 $0x10, v12  }
0x4e1: {  	v17 =	vadd.s32 $0x10, v17;
	v12 =	vpop (erf);
	v13 =	vld.idx.msk [tilespmem:v10+s4+$0x0], $0xffff  }
0x4e2: {  	v14 =	vld.idx.msk [tilespmem:v14+s4+$0x0], $0xffff;
	v59 =	vadd.s32 $0x8, v10;
	v12 =	vmul.f32 v12, v15  }
0x4e3: {  	v11 =	vadd.s32 $0x10, v11;
	v58 =	vpop (erf);
	v19 =	vld.idx.msk [tilespmem:v19+s4+$0x0], $0xffff  }
0x4e4: {  	v61 =	vadd.s32 $0x10, v10;
	v60 =	vld.idx.msk [tilespmem:v16+s4+$0x0], $0xffff;
	v16 =	vmul.f32 v58, v18;
	v15 =	vpop (erf);
	v18 =	vmul.f32 v12, v12  }
0x4e5: {  	v20 =	vmul.f32 v15, v20;
	v15 =	vpop (erf);
	v9 =	vld.idx.msk [tilespmem:v9+s4+$0x0], $0xffff  }
0x4e6: {  	v10 =	vmul.f32 v16, v16;
	v18 =	vsub.f32 v18, v12;
	v12 =	vld.idx.msk [tilespmem:v17+s4+$0x0], $0xffff;
	v13 =	vmul.f32 v15, v13  }
0x4e7: {  	v62 =	vmul.f32 v20, v20;
	v15 =	vld.idx.msk [tilespmem:v59+s4+$0x0], $0xffff  }
0x4e8: {  	v10 =	vsub.f32 v10, v16;
	v16 =	vld.idx.msk [tilespmem:v11+s4+$0x0], $0xffff;
	v63 =	vmul.f32 v13, v13  }
0x4e9: {  	v17 =	vld.idx.msk [tilespmem:v61+s4+$0x0], $0xffff;
	v20 =	vsub.f32 v62, v20;
	v14 =	vmul.f32 v18, v14  }
0x4ea: {  	v10 =	vmul.f32 v10, v60;
	v18 =	vsub.f32 v63, v13  }
0x4eb: {  	s15 =	simm.s32 $0x0;
	s16 =	simm.s32 $0x9870;
	v11 =	vsub.f32 v14, v9;
	v14 =	vmul.f32 v20, v19  }
.LBB2_18:
0x4ec: {  	v13 =	vld [tilespmem:s16+$0x20];
	v12 =	vsub.f32 v10, v12;
	v9 =	vmul.f32 v18, v15;
	s11 =	sadd.s32 $0x50, s11  }
0x4ed: {  	s12 =	sadd.s32 $0x50, s12;
	v18 =	vld [tilespmem:s11+$0x20];
	v10 =	vsub.f32 v14, v16  }
0x4ee: {  	s13 =	sadd.s32 $0x50, s13;
	v15 =	vld [tilespmem:s12+$0x20];
	v9 =	vsub.f32 v9, v17  }
0x4ef: {  	s15 =	sadd.s32 $0x5, s15;
	v14 =	vld [tilespmem:s13+$0x20]  }
0x4f0: {  	s14 =	sadd.s32 $0x50, s14;
	p0 =	slt.u32 s15, $0x78;
	v16 =	vld [tilespmem:s11+$0xFFFFFFE0]  }
0x4f1: {  	v17 =	vld [tilespmem:s14+$0x20]  }
0x4f2: {  	v19 =	vld [tilespmem:s13+$0xFFFFFFE0]  }
0x4f3: {  	v20 =	vld [tilespmem:s11+$0xFFFFFFF0]  }
0x4f4: {  	v18 =	vmul.f32 v18, v18;
	v21 =	vld [tilespmem:s13+$0xFFFFFFF0];
	v14 =	vmul.f32 v14, v14  }
0x4f5: {  	v16 =	vmul.f32 v16, v16;
	v22 =	vld [tilespmem:s11+$0x0]  }
0x4f6: {  	v23 =	vld.idx.msk [tilespmem:v15+s8+$0x0], $0xffff;
	v14 =	vadd.f32 v14, v18;
	v17 =	vmul.f32 v17, v17  }
0x4f7: {  	v18 =	vmul.f32 v19, v19;
	v19 =	vld.idx.msk [tilespmem:v13+s8+$0x0], $0xffff  }
0x4f8: {  	v20 =	vmul.f32 v20, v20;
	v24 =	vld [tilespmem:s13+$0x0];
	v14 =	vadd.f32 v17, v14  }
0x4f9: {  	v16 =	vadd.f32 v18, v16;
	v17 =	vmul.f32 v21, v21;
	v18 =	vld [tilespmem:s11+$0x10]  }
0x4fa: {  	v21 =	vmul.f32 v22, v22;
	v22 =	vld [tilespmem:s13+$0x10];
	v25 =	vmul.f32 v14, v14  }
0x4fb: {  	v26 =	vld [tilespmem:s14+$0xFFFFFFE0];
	v17 =	vadd.f32 v17, v20  }
0x4fc: {  	v23 =	vshll.u32 v23, $0x1;
	v20 =	vld [tilespmem:s14+$0xFFFFFFF0];
	v14 =	vmul.f32 v25, v14  }
0x4fd: {  	v19 =	vadd.s32 v19, v23;
	v25 =	vld [tilespmem:s14+$0x0];
	v24 =	vmul.f32 v24, v24  }
0x4fe: {  	v23 =	vld [tilespmem:s14+$0x10];
	v18 =	vmul.f32 v18, v18;
	(erf) = vrcp.f32 v14  }
0x4ff: {  	v27 =	vld [tilespmem:s12+$0xFFFFFFF0];
	v21 =	vadd.f32 v24, v21;
	v22 =	vmul.f32 v22, v22  }
0x500: {  	v24 =	vmul.f32 v26, v26;
	v26 =	vld [tilespmem:s12+$0x0]  }
0x501: {  	v20 =	vmul.f32 v20, v20;
	v14 =	vld [tilespmem:s12+$0x10];
	v18 =	vadd.f32 v22, v18  }
0x502: {  	v16 =	vadd.f32 v24, v16;
	v22 =	vmul.f32 v25, v25;
	v24 =	vld.idx.msk [tilespmem:v19+s4+$0x0], $0xffff  }
0x503: {  	v25 =	vld [tilespmem:s12+$0xFFFFFFE0];
	v17 =	vadd.f32 v20, v17;
	v20 =	vmul.f32 v23, v23;
	v23 =	vadd.s32 $0x8, v19  }
0x504: {  	v28 =	vld [tilespmem:s16+$0xFFFFFFE0];
	v29 =	vmul.f32 v16, v16;
	v21 =	vadd.f32 v22, v21  }
0x505: {  	v19 =	vadd.s32 $0x10, v19;
	v22 =	vld [tilespmem:s16+$0xFFFFFFF0];
	v30 =	vmul.f32 v17, v17;
	v18 =	vadd.f32 v20, v18  }
0x506: {  	v16 =	vmul.f32 v29, v16;
	v20 =	vld [tilespmem:s16+$0x0];
	v29 =	vmul.f32 v21, v21  }
0x507: {  	v17 =	vmul.f32 v30, v17;
	v30 =	vld [tilespmem:s16+$0x10];
	v31 =	vmul.f32 v18, v18;
	v32 =	vpop (erf)  }
0x508: {  	v21 =	vmul.f32 v29, v21;
	v23 =	vld.idx.msk [tilespmem:v23+s4+$0x0], $0xffff;
	v24 =	vmul.f32 v32, v24  }
0x509: {  	v29 =	vld.idx.msk [tilespmem:v27+s8+$0x0], $0xffff;
	v18 =	vmul.f32 v31, v18;
	(erf) = vrcp.f32 v16  }
0x50a: {  	v16 =	vld.idx.msk [tilespmem:v19+s4+$0x0], $0xffff;
	v19 =	vmul.f32 v24, v24;
	(erf) = vrcp.f32 v17  }
0x50b: {  	v17 =	vld.idx.msk [tilespmem:v25+s8+$0x0], $0xffff;
	(erf) = vrcp.f32 v21  }
0x50c: {  	v21 =	vld.idx.msk [tilespmem:v26+s8+$0x0], $0xffff;
	v19 =	vsub.f32 v19, v24;
	(erf) = vrcp.f32 v18  }
0x50d: {  	v18 =	vld.idx.msk [tilespmem:v14+s8+$0x0], $0xffff  }
0x50e: {  	v24 =	vld.idx.msk [tilespmem:v28+s8+$0x0], $0xffff;
	v19 =	vmul.f32 v19, v23  }
0x50f: {  	v29 =	vshll.u32 v29, $0x1;
	v23 =	vld.idx.msk [tilespmem:v22+s8+$0x0], $0xffff  }
0x510: {  	v31 =	vld.idx.msk [tilespmem:v20+s8+$0x0], $0xffff;
	v16 =	vsub.f32 v19, v16  }
0x511: {  	v17 =	vshll.u32 v17, $0x1;
	v19 =	vld.idx.msk [tilespmem:v30+s8+$0x0], $0xffff  }
0x512: {  	v21 =	vshll.u32 v21, $0x1;
	[tilespmem:v15+s22+$0x0] =	vst.idx.add.f32.msk $0xffff, v16;
	v15 =	vpop (erf)  }
0x513: {  	v18 =	vshll.u32 v18, $0x1;
	[tilespmem:v13+s22+$0x0] =	vst.idx.add.f32.msk $0xffff, v16;
	v13 =	vpop (erf)  }
0x514: {  	v16 =	vadd.s32 v24, v17;
	v17 =	vpop (erf);
	[tilespmem:v4+s22+$0x0] =	vst.idx.add.f32.msk $0xffff, v11;
	v4 =	vmov v25  }
0x515: {  	v24 =	vadd.s32 $0x8, v16;
	v25 =	vadd.s32 $0x10, v16;
	v23 =	vadd.s32 v23, v29;
	v29 =	vpop (erf);
	[tilespmem:v8+s22+$0x0] =	vst.idx.add.f32.msk $0xffff, v11  }
0x516: {  	v11 =	vadd.s32 $0x8, v23;
	v32 =	vadd.s32 $0x10, v23;
	v21 =	vadd.s32 v31, v21;
	[tilespmem:v3+s22+$0x0] =	vst.idx.add.f32.msk $0xffff, v12;
	v3 =	vmovc v27  }
0x517: {  	v8 =	vmovc v28;
	v27 =	vadd.s32 $0x8, v21;
	v31 =	vadd.s32 $0x10, v21;
	v18 =	vadd.s32 v19, v18;
	[tilespmem:v7+s22+$0x0] =	vst.idx.add.f32.msk $0xffff, v12  }
0x518: {  	v12 =	vadd.s32 $0x8, v18;
	v19 =	vadd.s32 $0x10, v18;
	v7 =	vmovc v22;
	[tilespmem:v2+s22+$0x0] =	vst.idx.add.f32.msk $0xffff, v10;
	v2 =	vmov v26  }
0x519: {  	v16 =	vld.idx.msk [tilespmem:v16+s4+$0x0], $0xffff  }
0x51a: {  	v22 =	vld.idx.msk [tilespmem:v23+s4+$0x0], $0xffff  }
0x51b: {  	v21 =	vld.idx.msk [tilespmem:v21+s4+$0x0], $0xffff  }
0x51c: {  	v18 =	vld.idx.msk [tilespmem:v18+s4+$0x0], $0xffff  }
0x51d: {  	v23 =	vld.idx.msk [tilespmem:v24+s4+$0x0], $0xffff  }
0x51e: {  	v11 =	vld.idx.msk [tilespmem:v11+s4+$0x0], $0xffff  }
0x51f: {  	v16 =	vmul.f32 v15, v16;
	v24 =	vld.idx.msk [tilespmem:v27+s4+$0x0], $0xffff  }
0x520: {  	v13 =	vmul.f32 v13, v22;
	v15 =	vld.idx.msk [tilespmem:v12+s4+$0x0], $0xffff  }
0x521: {  	v21 =	vmul.f32 v17, v21;
	v22 =	vld.idx.msk [tilespmem:v25+s4+$0x0], $0xffff;
	v25 =	vmul.f32 v16, v16  }
0x522: {  	v17 =	vmul.f32 v13, v13;
	v18 =	vmul.f32 v29, v18;
	v12 =	vld.idx.msk [tilespmem:v32+s4+$0x0], $0xffff  }
.Ltmp8:
0x523: {  	v26 =	vmul.f32 v21, v21;
	v25 =	vsub.f32 v25, v16;
	v16 =	vld.idx.msk [tilespmem:v31+s4+$0x0], $0xffff;
	(pc) =	sbr.rel @p0 .LBB2_18-.Ltmp8, $4  }
0x524: {  	v13 =	vsub.f32 v17, v13;
	v17 =	vld.idx.msk [tilespmem:v19+s4+$0x0], $0xffff;
	v19 =	vmul.f32 v18, v18  }
0x525: {  	v21 =	vsub.f32 v26, v21;
	v23 =	vmul.f32 v25, v23;
	[tilespmem:v5+s22+$0x0] =	vst.idx.add.f32.msk $0xffff, v10;
	v5 =	vmov v20  }
0x526: {  	v10 =	vmul.f32 v13, v11;
	v18 =	vsub.f32 v19, v18;
	[tilespmem:v1+s22+$0x0] =	vst.idx.add.f32.msk $0xffff, v9;
	v1 =	vmov v14  }
0x527: {  	s16 =	sadd.s32 $0x50, s16;
	v14 =	vmul.f32 v21, v24;
	v11 =	vsub.f32 v23, v22;
	[tilespmem:v6+s22+$0x0] =	vst.idx.add.f32.msk $0xffff, v9;
	v6 =	vmov v30  }
0x528: {  	_ =	sdelay $0x3  }
0x529: {  	v9 =	vsub.f32 v10, v12;
	[tilespmem:v4+s22+$0x0] =	vst.idx.add.f32.msk $0xffff, v11  }
0x52a: {  	[tilespmem:v8+s22+$0x0] =	vst.idx.add.f32.msk $0xffff, v11  }
0x52b: {  	v4 =	vmul.f32 v18, v15;
	v8 =	vsub.f32 v14, v16;
	[tilespmem:v3+s22+$0x0] =	vst.idx.add.f32.msk $0xffff, v9  }
0x52c: {  	[tilespmem:v7+s22+$0x0] =	vst.idx.add.f32.msk $0xffff, v9  }
0x52d: {  	v3 =	vsub.f32 v4, v17;
	[tilespmem:v2+s22+$0x0] =	vst.idx.add.f32.msk $0xffff, v8  }
0x52e: {  	[tilespmem:v5+s22+$0x0] =	vst.idx.add.f32.msk $0xffff, v8  }
0x52f: {  	[tilespmem:v1+s22+$0x0] =	vst.idx.add.f32.msk $0xffff, v3  }
0x530: {  	[tilespmem:v6+s22+$0x0] =	vst.idx.add.f32.msk $0xffff, v3  }
0x531: {  	s0 =	sld [smem:$0x7F5];
	_ =	sdelay $0x1  }
0x532: {  	s26 =	sld [smem:$0x7F6]  }
0x533: {  	[tilespmem:s9], [sflag:$0x2] =	stream.linear.gather [hbm4b:s0+s8], $0x7D0, $0x38;
	[tilespmem:$0xF280] =	vst v63  }
0x534: {  	s28 =	sld [smem:$0x7F7]  }
0x535: {  	[tilespmem:s10], [sflag:$0x2] =	stream.linear.gather [hbm4b:s26+s8], $0x7D0, $0x38;
	[tilespmem:$0xF280] =	vst v63  }
0x536: {  	s29 =	sld [smem:$0x7F8]  }
0x537: {  	[tilespmem:s17], [sflag:$0x2] =	stream.linear.gather [hbm4b:s28+s8], $0x7D0, $0x38;
	[tilespmem:$0xF280] =	vst v63  }
0x538: {  	s30 =	sld [smem:$0x7F9]  }
0x539: {  	[tilespmem:s18], [sflag:$0x2] =	stream.linear.gather [hbm4b:s29+s8], $0x7D0, $0x38;
	[tilespmem:$0xF280] =	vst v63  }
0x53a: {  	_ = 	snop  }
0x53b: {  	[tilespmem:s19], [sflag:$0x2] =	stream.linear.gather [hbm4b:s30+s8], $0x7D0, $0x38;
	[tilespmem:$0xF280] =	vst v63  }
0x53c: {  	_ =	swait.ge [sflag:s21], $0x7D0  }
0x53d: {  	[sflag:s21] =	ssyncset.done $0x0  }
0x53e: {  	[sflag:s21] =	ssyncadd.s32 $0xFFFFF830  }
0x53f: {  	_ =	swait.ge [sflag:s21], $0x7D0  }
0x540: {  	[sflag:s21] =	ssyncset.done $0x0  }
0x541: {  	[sflag:s21] =	ssyncadd.s32 $0xFFFFF830  }
0x542: {  	_ =	swait.ge [sflag:s21], $0x7D0  }
0x543: {  	[sflag:s21] =	ssyncset.done $0x0  }
0x544: {  	[sflag:s21] =	ssyncadd.s32 $0xFFFFF830  }
0x545: {  	_ =	swait.ge [sflag:s21], $0x7D0  }
0x546: {  	[sflag:s21] =	ssyncset.done $0x0  }
0x547: {  	[sflag:s21] =	ssyncadd.s32 $0xFFFFF830  }
0x548: {  	_ =	swait.ge [sflag:s21], $0x7D0  }
0x549: {  	[sflag:s21] =	ssyncset.done $0x0  }
0x54a: {  	s31 =	simm.s32 $0x7020;
	[sflag:s21] =	ssyncadd.s32 $0xFFFFF830  }
0x54b: {  	s11 =	simm.s32 $0x5020;
	v9 =	vld [tilespmem:s31+$0x20]  }
0x54c: {  	s12 =	simm.s32 $0x6820;
	v1 =	vld [tilespmem:s11+$0x20]  }
0x54d: {  	s13 =	simm.s32 $0x5820;
	v10 =	vld [tilespmem:s12+$0x20]  }
0x54e: {  	v2 =	vld [tilespmem:s13+$0x20]  }
0x54f: {  	s14 =	simm.s32 $0x6020;
	v5 =	vld [tilespmem:s11+$0xFFFFFFE0]  }
0x550: {  	v3 =	vld [tilespmem:s14+$0x20]  }
0x551: {  	v6 =	vld [tilespmem:s13+$0xFFFFFFE0]  }
0x552: {  	v11 =	vld [tilespmem:s11+$0xFFFFFFF0]  }
0x553: {  	v12 =	vld [tilespmem:s13+$0xFFFFFFF0]  }
0x554: {  	v13 =	vld [tilespmem:s11+$0x0]  }
0x555: {  	v14 =	vld [tilespmem:s13+$0x0]  }
0x556: {  	v15 =	vld [tilespmem:s11+$0x10]  }
0x557: {  	v1 =	vmul.f32 v1, v1;
	v2 =	vmul.f32 v2, v2;
	v4 =	vld.idx.msk [tilespmem:v10+s8+$0x0], $0xffff  }
0x558: {  	v7 =	vld.idx.msk [tilespmem:v9+s8+$0x0], $0xffff  }
0x559: {  	v16 =	vld [tilespmem:s13+$0x10];
	v1 =	vadd.f32 v2, v1;
	v2 =	vmul.f32 v3, v3  }
0x55a: {  	v17 =	vld [tilespmem:s14+$0xFFFFFFE0]  }
0x55b: {  	v18 =	vld [tilespmem:s14+$0xFFFFFFF0];
	v1 =	vadd.f32 v2, v1  }
0x55c: {  	v19 =	vld [tilespmem:s14+$0x0];
	v24 =	vmul.f32 v5, v5;
	v2 =	vshll.u32 v4, $0x1  }
0x55d: {  	v21 =	vld [tilespmem:s14+$0x10];
	v25 =	vmul.f32 v6, v6;
	v20 =	vadd.s32 v7, v2;
	v2 =	vmul.f32 v1, v1  }
0x55e: {  	v8 =	vld [tilespmem:s31+$0xFFFFFFE0];
	v11 =	vmul.f32 v11, v11;
	v12 =	vmul.f32 v12, v12  }
0x55f: {  	v5 =	vld [tilespmem:s31+$0x0];
	v13 =	vmul.f32 v13, v13;
	v4 =	vmul.f32 v2, v1  }
0x560: {  	v14 =	vmul.f32 v14, v14;
	v15 =	vmul.f32 v15, v15;
	v3 =	vld [tilespmem:s12+$0xFFFFFFF0]  }
0x561: {  	v6 =	vld [tilespmem:s31+$0x10];
	v16 =	vmul.f32 v16, v16;
	(erf) = vrcp.f32 v4  }
0x562: {  	v11 =	vadd.f32 v12, v11;
	v12 =	vmul.f32 v17, v17;
	v17 =	vmul.f32 v18, v18;
	v7 =	vld [tilespmem:s31+$0xFFFFFFF0]  }
0x563: {  	v13 =	vadd.f32 v14, v13;
	v14 =	vadd.f32 v16, v15;
	v4 =	vld [tilespmem:s12+$0xFFFFFFE0]  }
0x564: {  	v11 =	vadd.f32 v17, v11;
	v17 =	vmul.f32 v21, v21;
	v23 =	vadd.s32 $0x8, v20;
	v2 =	vld [tilespmem:s12+$0x0]  }
0x565: {  	v22 =	vld.idx.msk [tilespmem:v20+s4+$0x0], $0xffff;
	v20 =	vadd.s32 $0x10, v20  }
0x566: {  	v14 =	vadd.f32 v17, v14;
	v17 =	vld.idx.msk [tilespmem:v8+s8+$0x0], $0xffff  }
0x567: {  	v1 =	vld [tilespmem:s12+$0x10]  }
0x568: {  	v24 =	vadd.f32 v25, v24;
	v18 =	vld.idx.msk [tilespmem:v3+s8+$0x0], $0xffff  }
0x569: {  	v15 =	vmul.f32 v19, v19;
	v23 =	vld.idx.msk [tilespmem:v23+s4+$0x0], $0xffff  }
0x56a: {  	v12 =	vadd.f32 v12, v24;
	v16 =	vld.idx.msk [tilespmem:v20+s4+$0x0], $0xffff;
	v19 =	vpop (erf)  }
0x56b: {  	v13 =	vadd.f32 v15, v13;
	v20 =	vld.idx.msk [tilespmem:v4+s8+$0x0], $0xffff;
	v15 =	vmul.f32 v19, v22  }
0x56c: {  	v52 =	vmul.f32 v12, v12;
	v53 =	vmul.f32 v11, v11;
	v26 =	vld.idx.msk [tilespmem:v7+s8+$0x0], $0xffff  }
0x56d: {  	v54 =	vmul.f32 v13, v13;
	v19 =	vld.idx.msk [tilespmem:v2+s8+$0x0], $0xffff;
	v55 =	vmul.f32 v15, v15  }
0x56e: {  	v12 =	vmul.f32 v52, v12;
	v56 =	vmul.f32 v14, v14;
	v27 =	vld.idx.msk [tilespmem:v5+s8+$0x0], $0xffff  }
0x56f: {  	v11 =	vmul.f32 v53, v11;
	v13 =	vmul.f32 v54, v13;
	v57 =	vld.idx.msk [tilespmem:v1+s8+$0x0], $0xffff;
	v15 =	vsub.f32 v55, v15  }
0x570: {  	v14 =	vmul.f32 v56, v14;
	(erf) = vrcp.f32 v12;
	v12 =	vshll.u32 v20, $0x1;
	v20 =	vld.idx.msk [tilespmem:v6+s8+$0x0], $0xffff  }
0x571: {  	v18 =	vshll.u32 v18, $0x1;
	v12 =	vadd.s32 v17, v12;
	v15 =	vmul.f32 v15, v23  }
0x572: {  	(erf) = vrcp.f32 v11;
	v17 =	vadd.s32 v26, v18;
	v11 =	vshll.u32 v19, $0x1  }
0x573: {  	(erf) = vrcp.f32 v13;
	v11 =	vadd.s32 v27, v11;
	v13 =	vsub.f32 v15, v16  }
0x574: {  	v15 =	vshll.u32 v57, $0x1  }
0x575: {  	(erf) = vrcp.f32 v14;
	[tilespmem:v10+s22+$0x0] =	vst.idx.add.f32.msk $0xffff, v13;
	v10 =	vadd.s32 v20, v15  }
0x576: {  	v14 =	vadd.s32 $0x8, v12;
	v15 =	vld.idx.msk [tilespmem:v12+s4+$0x0], $0xffff  }
0x577: {  	v19 =	vadd.s32 $0x8, v11;
	v18 =	vld.idx.msk [tilespmem:v17+s4+$0x0], $0xffff  }
0x578: {  	v16 =	vadd.s32 $0x8, v17;
	v20 =	vld.idx.msk [tilespmem:v11+s4+$0x0], $0xffff  }
0x579: {  	[tilespmem:v9+s22+$0x0] =	vst.idx.add.f32.msk $0xffff, v13;
	v9 =	vadd.s32 $0x10, v12  }
0x57a: {  	v17 =	vadd.s32 $0x10, v17;
	v12 =	vpop (erf);
	v13 =	vld.idx.msk [tilespmem:v10+s4+$0x0], $0xffff  }
0x57b: {  	v14 =	vld.idx.msk [tilespmem:v14+s4+$0x0], $0xffff;
	v59 =	vadd.s32 $0x8, v10;
	v12 =	vmul.f32 v12, v15  }
0x57c: {  	v11 =	vadd.s32 $0x10, v11;
	v58 =	vpop (erf);
	v19 =	vld.idx.msk [tilespmem:v19+s4+$0x0], $0xffff  }
0x57d: {  	v61 =	vadd.s32 $0x10, v10;
	v60 =	vld.idx.msk [tilespmem:v16+s4+$0x0], $0xffff;
	v16 =	vmul.f32 v58, v18;
	v15 =	vpop (erf);
	v18 =	vmul.f32 v12, v12  }
0x57e: {  	v20 =	vmul.f32 v15, v20;
	v15 =	vpop (erf);
	v9 =	vld.idx.msk [tilespmem:v9+s4+$0x0], $0xffff  }
0x57f: {  	v10 =	vmul.f32 v16, v16;
	v18 =	vsub.f32 v18, v12;
	v12 =	vld.idx.msk [tilespmem:v17+s4+$0x0], $0xffff;
	v13 =	vmul.f32 v15, v13  }
0x580: {  	v62 =	vmul.f32 v20, v20;
	v15 =	vld.idx.msk [tilespmem:v59+s4+$0x0], $0xffff  }
0x581: {  	v10 =	vsub.f32 v10, v16;
	v16 =	vld.idx.msk [tilespmem:v11+s4+$0x0], $0xffff;
	v63 =	vmul.f32 v13, v13  }
0x582: {  	v17 =	vld.idx.msk [tilespmem:v61+s4+$0x0], $0xffff;
	v20 =	vsub.f32 v62, v20;
	v14 =	vmul.f32 v18, v14  }
0x583: {  	v10 =	vmul.f32 v10, v60;
	v18 =	vsub.f32 v63, v13  }
0x584: {  	s15 =	simm.s32 $0x0;
	s16 =	simm.s32 $0x7070;
	v11 =	vsub.f32 v14, v9;
	v14 =	vmul.f32 v20, v19  }
.LBB2_20:
0x585: {  	v13 =	vld [tilespmem:s16+$0x20];
	v12 =	vsub.f32 v10, v12;
	v9 =	vmul.f32 v18, v15;
	s11 =	sadd.s32 $0x50, s11  }
0x586: {  	s12 =	sadd.s32 $0x50, s12;
	v18 =	vld [tilespmem:s11+$0x20];
	v10 =	vsub.f32 v14, v16  }
0x587: {  	s13 =	sadd.s32 $0x50, s13;
	v15 =	vld [tilespmem:s12+$0x20];
	v9 =	vsub.f32 v9, v17  }
0x588: {  	s15 =	sadd.s32 $0x5, s15;
	v14 =	vld [tilespmem:s13+$0x20]  }
0x589: {  	s14 =	sadd.s32 $0x50, s14;
	p0 =	slt.u32 s15, $0x78;
	v16 =	vld [tilespmem:s11+$0xFFFFFFE0]  }
0x58a: {  	v17 =	vld [tilespmem:s14+$0x20]  }
0x58b: {  	v19 =	vld [tilespmem:s13+$0xFFFFFFE0]  }
0x58c: {  	v20 =	vld [tilespmem:s11+$0xFFFFFFF0]  }
0x58d: {  	v18 =	vmul.f32 v18, v18;
	v21 =	vld [tilespmem:s13+$0xFFFFFFF0];
	v14 =	vmul.f32 v14, v14  }
0x58e: {  	v16 =	vmul.f32 v16, v16;
	v22 =	vld [tilespmem:s11+$0x0]  }
0x58f: {  	v23 =	vld.idx.msk [tilespmem:v15+s8+$0x0], $0xffff;
	v14 =	vadd.f32 v14, v18;
	v17 =	vmul.f32 v17, v17  }
0x590: {  	v18 =	vmul.f32 v19, v19;
	v19 =	vld.idx.msk [tilespmem:v13+s8+$0x0], $0xffff  }
0x591: {  	v20 =	vmul.f32 v20, v20;
	v24 =	vld [tilespmem:s13+$0x0];
	v14 =	vadd.f32 v17, v14  }
0x592: {  	v16 =	vadd.f32 v18, v16;
	v17 =	vmul.f32 v21, v21;
	v18 =	vld [tilespmem:s11+$0x10]  }
0x593: {  	v21 =	vmul.f32 v22, v22;
	v22 =	vld [tilespmem:s13+$0x10];
	v25 =	vmul.f32 v14, v14  }
0x594: {  	v26 =	vld [tilespmem:s14+$0xFFFFFFE0];
	v17 =	vadd.f32 v17, v20  }
0x595: {  	v23 =	vshll.u32 v23, $0x1;
	v20 =	vld [tilespmem:s14+$0xFFFFFFF0];
	v14 =	vmul.f32 v25, v14  }
0x596: {  	v19 =	vadd.s32 v19, v23;
	v25 =	vld [tilespmem:s14+$0x0];
	v24 =	vmul.f32 v24, v24  }
0x597: {  	v23 =	vld [tilespmem:s14+$0x10];
	v18 =	vmul.f32 v18, v18;
	(erf) = vrcp.f32 v14  }
0x598: {  	v27 =	vld [tilespmem:s12+$0xFFFFFFF0];
	v21 =	vadd.f32 v24, v21;
	v22 =	vmul.f32 v22, v22  }
0x599: {  	v24 =	vmul.f32 v26, v26;
	v26 =	vld [tilespmem:s12+$0x0]  }
0x59a: {  	v20 =	vmul.f32 v20, v20;
	v14 =	vld [tilespmem:s12+$0x10];
	v18 =	vadd.f32 v22, v18  }
0x59b: {  	v16 =	vadd.f32 v24, v16;
	v22 =	vmul.f32 v25, v25;
	v24 =	vld.idx.msk [tilespmem:v19+s4+$0x0], $0xffff  }
0x59c: {  	v25 =	vld [tilespmem:s12+$0xFFFFFFE0];
	v17 =	vadd.f32 v20, v17;
	v20 =	vmul.f32 v23, v23;
	v23 =	vadd.s32 $0x8, v19  }
0x59d: {  	v28 =	vld [tilespmem:s16+$0xFFFFFFE0];
	v29 =	vmul.f32 v16, v16;
	v21 =	vadd.f32 v22, v21  }
0x59e: {  	v19 =	vadd.s32 $0x10, v19;
	v22 =	vld [tilespmem:s16+$0xFFFFFFF0];
	v30 =	vmul.f32 v17, v17;
	v18 =	vadd.f32 v20, v18  }
0x59f: {  	v16 =	vmul.f32 v29, v16;
	v20 =	vld [tilespmem:s16+$0x0];
	v29 =	vmul.f32 v21, v21  }
0x5a0: {  	v17 =	vmul.f32 v30, v17;
	v30 =	vld [tilespmem:s16+$0x10];
	v31 =	vmul.f32 v18, v18;
	v32 =	vpop (erf)  }
0x5a1: {  	v21 =	vmul.f32 v29, v21;
	v23 =	vld.idx.msk [tilespmem:v23+s4+$0x0], $0xffff;
	v24 =	vmul.f32 v32, v24  }
0x5a2: {  	v29 =	vld.idx.msk [tilespmem:v27+s8+$0x0], $0xffff;
	v18 =	vmul.f32 v31, v18;
	(erf) = vrcp.f32 v16  }
0x5a3: {  	v16 =	vld.idx.msk [tilespmem:v19+s4+$0x0], $0xffff;
	v19 =	vmul.f32 v24, v24;
	(erf) = vrcp.f32 v17  }
0x5a4: {  	v17 =	vld.idx.msk [tilespmem:v25+s8+$0x0], $0xffff;
	(erf) = vrcp.f32 v21  }
0x5a5: {  	v21 =	vld.idx.msk [tilespmem:v26+s8+$0x0], $0xffff;
	v19 =	vsub.f32 v19, v24;
	(erf) = vrcp.f32 v18  }
0x5a6: {  	v18 =	vld.idx.msk [tilespmem:v14+s8+$0x0], $0xffff  }
0x5a7: {  	v24 =	vld.idx.msk [tilespmem:v28+s8+$0x0], $0xffff;
	v19 =	vmul.f32 v19, v23  }
0x5a8: {  	v29 =	vshll.u32 v29, $0x1;
	v23 =	vld.idx.msk [tilespmem:v22+s8+$0x0], $0xffff  }
0x5a9: {  	v31 =	vld.idx.msk [tilespmem:v20+s8+$0x0], $0xffff;
	v16 =	vsub.f32 v19, v16  }
0x5aa: {  	v17 =	vshll.u32 v17, $0x1;
	v19 =	vld.idx.msk [tilespmem:v30+s8+$0x0], $0xffff  }
0x5ab: {  	v21 =	vshll.u32 v21, $0x1;
	[tilespmem:v15+s22+$0x0] =	vst.idx.add.f32.msk $0xffff, v16;
	v15 =	vpop (erf)  }
0x5ac: {  	v18 =	vshll.u32 v18, $0x1;
	[tilespmem:v13+s22+$0x0] =	vst.idx.add.f32.msk $0xffff, v16;
	v13 =	vpop (erf)  }
0x5ad: {  	v16 =	vadd.s32 v24, v17;
	v17 =	vpop (erf);
	[tilespmem:v4+s22+$0x0] =	vst.idx.add.f32.msk $0xffff, v11;
	v4 =	vmov v25  }
0x5ae: {  	v24 =	vadd.s32 $0x8, v16;
	v25 =	vadd.s32 $0x10, v16;
	v23 =	vadd.s32 v23, v29;
	v29 =	vpop (erf);
	[tilespmem:v8+s22+$0x0] =	vst.idx.add.f32.msk $0xffff, v11  }
0x5af: {  	v11 =	vadd.s32 $0x8, v23;
	v32 =	vadd.s32 $0x10, v23;
	v21 =	vadd.s32 v31, v21;
	[tilespmem:v3+s22+$0x0] =	vst.idx.add.f32.msk $0xffff, v12;
	v3 =	vmovc v27  }
0x5b0: {  	v8 =	vmovc v28;
	v27 =	vadd.s32 $0x8, v21;
	v31 =	vadd.s32 $0x10, v21;
	v18 =	vadd.s32 v19, v18;
	[tilespmem:v7+s22+$0x0] =	vst.idx.add.f32.msk $0xffff, v12  }
0x5b1: {  	v12 =	vadd.s32 $0x8, v18;
	v19 =	vadd.s32 $0x10, v18;
	v7 =	vmovc v22;
	[tilespmem:v2+s22+$0x0] =	vst.idx.add.f32.msk $0xffff, v10;
	v2 =	vmov v26  }
0x5b2: {  	v16 =	vld.idx.msk [tilespmem:v16+s4+$0x0], $0xffff  }
0x5b3: {  	v22 =	vld.idx.msk [tilespmem:v23+s4+$0x0], $0xffff  }
0x5b4: {  	v21 =	vld.idx.msk [tilespmem:v21+s4+$0x0], $0xffff  }
0x5b5: {  	v18 =	vld.idx.msk [tilespmem:v18+s4+$0x0], $0xffff  }
0x5b6: {  	v23 =	vld.idx.msk [tilespmem:v24+s4+$0x0], $0xffff  }
0x5b7: {  	v11 =	vld.idx.msk [tilespmem:v11+s4+$0x0], $0xffff  }
0x5b8: {  	v16 =	vmul.f32 v15, v16;
	v24 =	vld.idx.msk [tilespmem:v27+s4+$0x0], $0xffff  }
0x5b9: {  	v13 =	vmul.f32 v13, v22;
	v15 =	vld.idx.msk [tilespmem:v12+s4+$0x0], $0xffff  }
0x5ba: {  	v21 =	vmul.f32 v17, v21;
	v22 =	vld.idx.msk [tilespmem:v25+s4+$0x0], $0xffff;
	v25 =	vmul.f32 v16, v16  }
0x5bb: {  	v17 =	vmul.f32 v13, v13;
	v18 =	vmul.f32 v29, v18;
	v12 =	vld.idx.msk [tilespmem:v32+s4+$0x0], $0xffff  }
.Ltmp9:
0x5bc: {  	v26 =	vmul.f32 v21, v21;
	v25 =	vsub.f32 v25, v16;
	v16 =	vld.idx.msk [tilespmem:v31+s4+$0x0], $0xffff;
	(pc) =	sbr.rel @p0 .LBB2_20-.Ltmp9, $4  }
0x5bd: {  	v13 =	vsub.f32 v17, v13;
	v17 =	vld.idx.msk [tilespmem:v19+s4+$0x0], $0xffff;
	v19 =	vmul.f32 v18, v18  }
0x5be: {  	v21 =	vsub.f32 v26, v21;
	v23 =	vmul.f32 v25, v23;
	[tilespmem:v5+s22+$0x0] =	vst.idx.add.f32.msk $0xffff, v10;
	v5 =	vmov v20  }
0x5bf: {  	v10 =	vmul.f32 v13, v11;
	v18 =	vsub.f32 v19, v18;
	[tilespmem:v1+s22+$0x0] =	vst.idx.add.f32.msk $0xffff, v9;
	v1 =	vmov v14  }
0x5c0: {  	s16 =	sadd.s32 $0x50, s16;
	v14 =	vmul.f32 v21, v24;
	v11 =	vsub.f32 v23, v22;
	[tilespmem:v6+s22+$0x0] =	vst.idx.add.f32.msk $0xffff, v9;
	v6 =	vmov v30  }
0x5c1: {  	_ =	sdelay $0x3  }
0x5c2: {  	v9 =	vsub.f32 v10, v12;
	[tilespmem:v4+s22+$0x0] =	vst.idx.add.f32.msk $0xffff, v11  }
0x5c3: {  	[tilespmem:v8+s22+$0x0] =	vst.idx.add.f32.msk $0xffff, v11  }
0x5c4: {  	v4 =	vmul.f32 v18, v15;
	v8 =	vsub.f32 v14, v16;
	[tilespmem:v3+s22+$0x0] =	vst.idx.add.f32.msk $0xffff, v9  }
0x5c5: {  	[tilespmem:v7+s22+$0x0] =	vst.idx.add.f32.msk $0xffff, v9  }
0x5c6: {  	v3 =	vsub.f32 v4, v17;
	[tilespmem:v2+s22+$0x0] =	vst.idx.add.f32.msk $0xffff, v8  }
0x5c7: {  	[tilespmem:v5+s22+$0x0] =	vst.idx.add.f32.msk $0xffff, v8  }
0x5c8: {  	[tilespmem:v1+s22+$0x0] =	vst.idx.add.f32.msk $0xffff, v3  }
0x5c9: {  	[tilespmem:v6+s22+$0x0] =	vst.idx.add.f32.msk $0xffff, v3  }
0x5ca: {  	_ =	swait.ge [sflag:s23], $0x7D0  }
0x5cb: {  	[sflag:s23] =	ssyncset.done $0x0  }
0x5cc: {  	[sflag:s23] =	ssyncadd.s32 $0xFFFFF830  }
0x5cd: {  	_ =	swait.ge [sflag:s23], $0x7D0  }
0x5ce: {  	[sflag:s23] =	ssyncset.done $0x0  }
0x5cf: {  	[sflag:s23] =	ssyncadd.s32 $0xFFFFF830  }
0x5d0: {  	_ =	swait.ge [sflag:s23], $0x7D0  }
0x5d1: {  	[sflag:s23] =	ssyncset.done $0x0  }
0x5d2: {  	[sflag:s23] =	ssyncadd.s32 $0xFFFFF830  }
0x5d3: {  	_ =	swait.ge [sflag:s23], $0x7D0  }
0x5d4: {  	[sflag:s23] =	ssyncset.done $0x0  }
0x5d5: {  	[sflag:s23] =	ssyncadd.s32 $0xFFFFF830  }
0x5d6: {  	_ =	swait.ge [sflag:s23], $0x7D0  }
0x5d7: {  	[sflag:s23] =	ssyncset.done $0x0  }
0x5d8: {  	s0 =	simm.s32 $0x9820;
	[sflag:s23] =	ssyncadd.s32 $0xFFFFF830  }
0x5d9: {  	s11 =	simm.s32 $0x7820;
	v9 =	vld [tilespmem:s0+$0x20]  }
0x5da: {  	s12 =	simm.s32 $0x9020;
	v1 =	vld [tilespmem:s11+$0x20]  }
0x5db: {  	s13 =	simm.s32 $0x8020;
	v10 =	vld [tilespmem:s12+$0x20]  }
0x5dc: {  	v2 =	vld [tilespmem:s13+$0x20]  }
0x5dd: {  	s14 =	simm.s32 $0x8820;
	v5 =	vld [tilespmem:s11+$0xFFFFFFE0]  }
0x5de: {  	v3 =	vld [tilespmem:s14+$0x20]  }
0x5df: {  	v6 =	vld [tilespmem:s13+$0xFFFFFFE0]  }
0x5e0: {  	v11 =	vld [tilespmem:s11+$0xFFFFFFF0]  }
0x5e1: {  	v12 =	vld [tilespmem:s13+$0xFFFFFFF0]  }
0x5e2: {  	v13 =	vld [tilespmem:s11+$0x0]  }
0x5e3: {  	v14 =	vld [tilespmem:s13+$0x0]  }
0x5e4: {  	v15 =	vld [tilespmem:s11+$0x10]  }
0x5e5: {  	v1 =	vmul.f32 v1, v1;
	v2 =	vmul.f32 v2, v2;
	v4 =	vld.idx.msk [tilespmem:v10+s8+$0x0], $0xffff  }
0x5e6: {  	v7 =	vld.idx.msk [tilespmem:v9+s8+$0x0], $0xffff  }
0x5e7: {  	v16 =	vld [tilespmem:s13+$0x10];
	v1 =	vadd.f32 v2, v1;
	v2 =	vmul.f32 v3, v3  }
0x5e8: {  	v17 =	vld [tilespmem:s14+$0xFFFFFFE0]  }
0x5e9: {  	v18 =	vld [tilespmem:s14+$0xFFFFFFF0];
	v1 =	vadd.f32 v2, v1  }
0x5ea: {  	v19 =	vld [tilespmem:s14+$0x0];
	v24 =	vmul.f32 v5, v5;
	v2 =	vshll.u32 v4, $0x1  }
0x5eb: {  	v21 =	vld [tilespmem:s14+$0x10];
	v25 =	vmul.f32 v6, v6;
	v20 =	vadd.s32 v7, v2;
	v2 =	vmul.f32 v1, v1  }
0x5ec: {  	v8 =	vld [tilespmem:s0+$0xFFFFFFE0];
	v11 =	vmul.f32 v11, v11;
	v12 =	vmul.f32 v12, v12  }
0x5ed: {  	v5 =	vld [tilespmem:s0+$0x0];
	v13 =	vmul.f32 v13, v13;
	v4 =	vmul.f32 v2, v1  }
0x5ee: {  	v14 =	vmul.f32 v14, v14;
	v15 =	vmul.f32 v15, v15;
	v3 =	vld [tilespmem:s12+$0xFFFFFFF0]  }
0x5ef: {  	v6 =	vld [tilespmem:s0+$0x10];
	v16 =	vmul.f32 v16, v16;
	(erf) = vrcp.f32 v4  }
0x5f0: {  	v11 =	vadd.f32 v12, v11;
	v12 =	vmul.f32 v17, v17;
	v17 =	vmul.f32 v18, v18;
	v7 =	vld [tilespmem:s0+$0xFFFFFFF0]  }
0x5f1: {  	v13 =	vadd.f32 v14, v13;
	v14 =	vadd.f32 v16, v15;
	v4 =	vld [tilespmem:s12+$0xFFFFFFE0]  }
0x5f2: {  	v11 =	vadd.f32 v17, v11;
	v17 =	vmul.f32 v21, v21;
	v23 =	vadd.s32 $0x8, v20;
	v2 =	vld [tilespmem:s12+$0x0]  }
0x5f3: {  	v22 =	vld.idx.msk [tilespmem:v20+s4+$0x0], $0xffff;
	v20 =	vadd.s32 $0x10, v20  }
0x5f4: {  	v14 =	vadd.f32 v17, v14;
	v17 =	vld.idx.msk [tilespmem:v8+s8+$0x0], $0xffff  }
0x5f5: {  	v1 =	vld [tilespmem:s12+$0x10]  }
0x5f6: {  	v24 =	vadd.f32 v25, v24;
	v18 =	vld.idx.msk [tilespmem:v3+s8+$0x0], $0xffff  }
0x5f7: {  	v15 =	vmul.f32 v19, v19;
	v23 =	vld.idx.msk [tilespmem:v23+s4+$0x0], $0xffff  }
0x5f8: {  	v12 =	vadd.f32 v12, v24;
	v16 =	vld.idx.msk [tilespmem:v20+s4+$0x0], $0xffff;
	v19 =	vpop (erf)  }
0x5f9: {  	v13 =	vadd.f32 v15, v13;
	v20 =	vld.idx.msk [tilespmem:v4+s8+$0x0], $0xffff;
	v15 =	vmul.f32 v19, v22  }
0x5fa: {  	v52 =	vmul.f32 v12, v12;
	v53 =	vmul.f32 v11, v11;
	v26 =	vld.idx.msk [tilespmem:v7+s8+$0x0], $0xffff  }
0x5fb: {  	v54 =	vmul.f32 v13, v13;
	v19 =	vld.idx.msk [tilespmem:v2+s8+$0x0], $0xffff;
	v55 =	vmul.f32 v15, v15  }
0x5fc: {  	v12 =	vmul.f32 v52, v12;
	v56 =	vmul.f32 v14, v14;
	v27 =	vld.idx.msk [tilespmem:v5+s8+$0x0], $0xffff  }
0x5fd: {  	v11 =	vmul.f32 v53, v11;
	v13 =	vmul.f32 v54, v13;
	v57 =	vld.idx.msk [tilespmem:v1+s8+$0x0], $0xffff;
	v15 =	vsub.f32 v55, v15  }
0x5fe: {  	v14 =	vmul.f32 v56, v14;
	(erf) = vrcp.f32 v12;
	v12 =	vshll.u32 v20, $0x1;
	v20 =	vld.idx.msk [tilespmem:v6+s8+$0x0], $0xffff  }
0x5ff: {  	v18 =	vshll.u32 v18, $0x1;
	v12 =	vadd.s32 v17, v12;
	v15 =	vmul.f32 v15, v23  }
0x600: {  	(erf) = vrcp.f32 v11;
	v17 =	vadd.s32 v26, v18;
	v11 =	vshll.u32 v19, $0x1  }
0x601: {  	(erf) = vrcp.f32 v13;
	v11 =	vadd.s32 v27, v11;
	v13 =	vsub.f32 v15, v16  }
0x602: {  	v15 =	vshll.u32 v57, $0x1  }
0x603: {  	(erf) = vrcp.f32 v14;
	[tilespmem:v10+s22+$0x0] =	vst.idx.add.f32.msk $0xffff, v13;
	v10 =	vadd.s32 v20, v15  }
0x604: {  	v14 =	vadd.s32 $0x8, v12;
	v15 =	vld.idx.msk [tilespmem:v12+s4+$0x0], $0xffff  }
0x605: {  	v19 =	vadd.s32 $0x8, v11;
	v18 =	vld.idx.msk [tilespmem:v17+s4+$0x0], $0xffff  }
0x606: {  	v16 =	vadd.s32 $0x8, v17;
	v20 =	vld.idx.msk [tilespmem:v11+s4+$0x0], $0xffff  }
0x607: {  	[tilespmem:v9+s22+$0x0] =	vst.idx.add.f32.msk $0xffff, v13;
	v9 =	vadd.s32 $0x10, v12  }
0x608: {  	v17 =	vadd.s32 $0x10, v17;
	v12 =	vpop (erf);
	v13 =	vld.idx.msk [tilespmem:v10+s4+$0x0], $0xffff  }
0x609: {  	v14 =	vld.idx.msk [tilespmem:v14+s4+$0x0], $0xffff;
	v59 =	vadd.s32 $0x8, v10;
	v12 =	vmul.f32 v12, v15  }
0x60a: {  	v11 =	vadd.s32 $0x10, v11;
	v58 =	vpop (erf);
	v19 =	vld.idx.msk [tilespmem:v19+s4+$0x0], $0xffff  }
0x60b: {  	v61 =	vadd.s32 $0x10, v10;
	v60 =	vld.idx.msk [tilespmem:v16+s4+$0x0], $0xffff;
	v16 =	vmul.f32 v58, v18;
	v15 =	vpop (erf);
	v18 =	vmul.f32 v12, v12  }
0x60c: {  	v20 =	vmul.f32 v15, v20;
	v15 =	vpop (erf);
	v9 =	vld.idx.msk [tilespmem:v9+s4+$0x0], $0xffff  }
0x60d: {  	v10 =	vmul.f32 v16, v16;
	v18 =	vsub.f32 v18, v12;
	v12 =	vld.idx.msk [tilespmem:v17+s4+$0x0], $0xffff;
	v13 =	vmul.f32 v15, v13  }
0x60e: {  	v62 =	vmul.f32 v20, v20;
	v15 =	vld.idx.msk [tilespmem:v59+s4+$0x0], $0xffff  }
0x60f: {  	v10 =	vsub.f32 v10, v16;
	v16 =	vld.idx.msk [tilespmem:v11+s4+$0x0], $0xffff;
	v63 =	vmul.f32 v13, v13  }
0x610: {  	v17 =	vld.idx.msk [tilespmem:v61+s4+$0x0], $0xffff;
	v20 =	vsub.f32 v62, v20;
	v14 =	vmul.f32 v18, v14  }
0x611: {  	v10 =	vmul.f32 v10, v60;
	v18 =	vsub.f32 v63, v13  }
0x612: {  	s15 =	simm.s32 $0x0;
	s16 =	simm.s32 $0x9870;
	v11 =	vsub.f32 v14, v9;
	v14 =	vmul.f32 v20, v19  }
.LBB2_22:
0x613: {  	v13 =	vld [tilespmem:s16+$0x20];
	v12 =	vsub.f32 v10, v12;
	v9 =	vmul.f32 v18, v15;
	s11 =	sadd.s32 $0x50, s11  }
0x614: {  	s12 =	sadd.s32 $0x50, s12;
	v18 =	vld [tilespmem:s11+$0x20];
	v10 =	vsub.f32 v14, v16  }
0x615: {  	s13 =	sadd.s32 $0x50, s13;
	v15 =	vld [tilespmem:s12+$0x20];
	v9 =	vsub.f32 v9, v17  }
0x616: {  	s15 =	sadd.s32 $0x5, s15;
	v14 =	vld [tilespmem:s13+$0x20]  }
0x617: {  	s14 =	sadd.s32 $0x50, s14;
	p0 =	slt.u32 s15, $0x78;
	v16 =	vld [tilespmem:s11+$0xFFFFFFE0]  }
0x618: {  	v17 =	vld [tilespmem:s14+$0x20]  }
0x619: {  	v19 =	vld [tilespmem:s13+$0xFFFFFFE0]  }
0x61a: {  	v20 =	vld [tilespmem:s11+$0xFFFFFFF0]  }
0x61b: {  	v18 =	vmul.f32 v18, v18;
	v21 =	vld [tilespmem:s13+$0xFFFFFFF0];
	v14 =	vmul.f32 v14, v14  }
0x61c: {  	v16 =	vmul.f32 v16, v16;
	v22 =	vld [tilespmem:s11+$0x0]  }
0x61d: {  	v23 =	vld.idx.msk [tilespmem:v15+s8+$0x0], $0xffff;
	v14 =	vadd.f32 v14, v18;
	v17 =	vmul.f32 v17, v17  }
0x61e: {  	v18 =	vmul.f32 v19, v19;
	v19 =	vld.idx.msk [tilespmem:v13+s8+$0x0], $0xffff  }
0x61f: {  	v20 =	vmul.f32 v20, v20;
	v24 =	vld [tilespmem:s13+$0x0];
	v14 =	vadd.f32 v17, v14  }
0x620: {  	v16 =	vadd.f32 v18, v16;
	v17 =	vmul.f32 v21, v21;
	v18 =	vld [tilespmem:s11+$0x10]  }
0x621: {  	v21 =	vmul.f32 v22, v22;
	v22 =	vld [tilespmem:s13+$0x10];
	v25 =	vmul.f32 v14, v14  }
0x622: {  	v26 =	vld [tilespmem:s14+$0xFFFFFFE0];
	v17 =	vadd.f32 v17, v20  }
0x623: {  	v23 =	vshll.u32 v23, $0x1;
	v20 =	vld [tilespmem:s14+$0xFFFFFFF0];
	v14 =	vmul.f32 v25, v14  }
0x624: {  	v19 =	vadd.s32 v19, v23;
	v25 =	vld [tilespmem:s14+$0x0];
	v24 =	vmul.f32 v24, v24  }
0x625: {  	v23 =	vld [tilespmem:s14+$0x10];
	v18 =	vmul.f32 v18, v18;
	(erf) = vrcp.f32 v14  }
0x626: {  	v27 =	vld [tilespmem:s12+$0xFFFFFFF0];
	v21 =	vadd.f32 v24, v21;
	v22 =	vmul.f32 v22, v22  }
0x627: {  	v24 =	vmul.f32 v26, v26;
	v26 =	vld [tilespmem:s12+$0x0]  }
0x628: {  	v20 =	vmul.f32 v20, v20;
	v14 =	vld [tilespmem:s12+$0x10];
	v18 =	vadd.f32 v22, v18  }
0x629: {  	v16 =	vadd.f32 v24, v16;
	v22 =	vmul.f32 v25, v25;
	v24 =	vld.idx.msk [tilespmem:v19+s4+$0x0], $0xffff  }
0x62a: {  	v25 =	vld [tilespmem:s12+$0xFFFFFFE0];
	v17 =	vadd.f32 v20, v17;
	v20 =	vmul.f32 v23, v23;
	v23 =	vadd.s32 $0x8, v19  }
0x62b: {  	v28 =	vld [tilespmem:s16+$0xFFFFFFE0];
	v29 =	vmul.f32 v16, v16;
	v21 =	vadd.f32 v22, v21  }
0x62c: {  	v19 =	vadd.s32 $0x10, v19;
	v22 =	vld [tilespmem:s16+$0xFFFFFFF0];
	v30 =	vmul.f32 v17, v17;
	v18 =	vadd.f32 v20, v18  }
0x62d: {  	v16 =	vmul.f32 v29, v16;
	v20 =	vld [tilespmem:s16+$0x0];
	v29 =	vmul.f32 v21, v21  }
0x62e: {  	v17 =	vmul.f32 v30, v17;
	v30 =	vld [tilespmem:s16+$0x10];
	v31 =	vmul.f32 v18, v18;
	v32 =	vpop (erf)  }
0x62f: {  	v21 =	vmul.f32 v29, v21;
	v23 =	vld.idx.msk [tilespmem:v23+s4+$0x0], $0xffff;
	v24 =	vmul.f32 v32, v24  }
0x630: {  	v29 =	vld.idx.msk [tilespmem:v27+s8+$0x0], $0xffff;
	v18 =	vmul.f32 v31, v18;
	(erf) = vrcp.f32 v16  }
0x631: {  	v16 =	vld.idx.msk [tilespmem:v19+s4+$0x0], $0xffff;
	v19 =	vmul.f32 v24, v24;
	(erf) = vrcp.f32 v17  }
0x632: {  	v17 =	vld.idx.msk [tilespmem:v25+s8+$0x0], $0xffff;
	(erf) = vrcp.f32 v21  }
0x633: {  	v21 =	vld.idx.msk [tilespmem:v26+s8+$0x0], $0xffff;
	v19 =	vsub.f32 v19, v24;
	(erf) = vrcp.f32 v18  }
0x634: {  	v18 =	vld.idx.msk [tilespmem:v14+s8+$0x0], $0xffff  }
0x635: {  	v24 =	vld.idx.msk [tilespmem:v28+s8+$0x0], $0xffff;
	v19 =	vmul.f32 v19, v23  }
0x636: {  	v29 =	vshll.u32 v29, $0x1;
	v23 =	vld.idx.msk [tilespmem:v22+s8+$0x0], $0xffff  }
0x637: {  	v31 =	vld.idx.msk [tilespmem:v20+s8+$0x0], $0xffff;
	v16 =	vsub.f32 v19, v16  }
0x638: {  	v17 =	vshll.u32 v17, $0x1;
	v19 =	vld.idx.msk [tilespmem:v30+s8+$0x0], $0xffff  }
0x639: {  	v21 =	vshll.u32 v21, $0x1;
	[tilespmem:v15+s22+$0x0] =	vst.idx.add.f32.msk $0xffff, v16;
	v15 =	vpop (erf)  }
0x63a: {  	v18 =	vshll.u32 v18, $0x1;
	[tilespmem:v13+s22+$0x0] =	vst.idx.add.f32.msk $0xffff, v16;
	v13 =	vpop (erf)  }
0x63b: {  	v16 =	vadd.s32 v24, v17;
	v17 =	vpop (erf);
	[tilespmem:v4+s22+$0x0] =	vst.idx.add.f32.msk $0xffff, v11;
	v4 =	vmov v25  }
0x63c: {  	v24 =	vadd.s32 $0x8, v16;
	v25 =	vadd.s32 $0x10, v16;
	v23 =	vadd.s32 v23, v29;
	v29 =	vpop (erf);
	[tilespmem:v8+s22+$0x0] =	vst.idx.add.f32.msk $0xffff, v11  }
0x63d: {  	v11 =	vadd.s32 $0x8, v23;
	v32 =	vadd.s32 $0x10, v23;
	v21 =	vadd.s32 v31, v21;
	[tilespmem:v3+s22+$0x0] =	vst.idx.add.f32.msk $0xffff, v12;
	v3 =	vmovc v27  }
0x63e: {  	v8 =	vmovc v28;
	v27 =	vadd.s32 $0x8, v21;
	v31 =	vadd.s32 $0x10, v21;
	v18 =	vadd.s32 v19, v18;
	[tilespmem:v7+s22+$0x0] =	vst.idx.add.f32.msk $0xffff, v12  }
0x63f: {  	v12 =	vadd.s32 $0x8, v18;
	v19 =	vadd.s32 $0x10, v18;
	v7 =	vmovc v22;
	[tilespmem:v2+s22+$0x0] =	vst.idx.add.f32.msk $0xffff, v10;
	v2 =	vmov v26  }
0x640: {  	v16 =	vld.idx.msk [tilespmem:v16+s4+$0x0], $0xffff  }
0x641: {  	v22 =	vld.idx.msk [tilespmem:v23+s4+$0x0], $0xffff  }
0x642: {  	v21 =	vld.idx.msk [tilespmem:v21+s4+$0x0], $0xffff  }
0x643: {  	v18 =	vld.idx.msk [tilespmem:v18+s4+$0x0], $0xffff  }
0x644: {  	v23 =	vld.idx.msk [tilespmem:v24+s4+$0x0], $0xffff  }
0x645: {  	v11 =	vld.idx.msk [tilespmem:v11+s4+$0x0], $0xffff  }
0x646: {  	v16 =	vmul.f32 v15, v16;
	v24 =	vld.idx.msk [tilespmem:v27+s4+$0x0], $0xffff  }
0x647: {  	v13 =	vmul.f32 v13, v22;
	v15 =	vld.idx.msk [tilespmem:v12+s4+$0x0], $0xffff  }
0x648: {  	v21 =	vmul.f32 v17, v21;
	v22 =	vld.idx.msk [tilespmem:v25+s4+$0x0], $0xffff;
	v25 =	vmul.f32 v16, v16  }
0x649: {  	v17 =	vmul.f32 v13, v13;
	v18 =	vmul.f32 v29, v18;
	v12 =	vld.idx.msk [tilespmem:v32+s4+$0x0], $0xffff  }
.Ltmp10:
0x64a: {  	v26 =	vmul.f32 v21, v21;
	v25 =	vsub.f32 v25, v16;
	v16 =	vld.idx.msk [tilespmem:v31+s4+$0x0], $0xffff;
	(pc) =	sbr.rel @p0 .LBB2_22-.Ltmp10, $4  }
0x64b: {  	v13 =	vsub.f32 v17, v13;
	v17 =	vld.idx.msk [tilespmem:v19+s4+$0x0], $0xffff;
	v19 =	vmul.f32 v18, v18  }
0x64c: {  	v21 =	vsub.f32 v26, v21;
	v23 =	vmul.f32 v25, v23;
	[tilespmem:v5+s22+$0x0] =	vst.idx.add.f32.msk $0xffff, v10;
	v5 =	vmov v20  }
0x64d: {  	v10 =	vmul.f32 v13, v11;
	v18 =	vsub.f32 v19, v18;
	[tilespmem:v1+s22+$0x0] =	vst.idx.add.f32.msk $0xffff, v9;
	v1 =	vmov v14  }
0x64e: {  	s16 =	sadd.s32 $0x50, s16;
	v14 =	vmul.f32 v21, v24;
	v11 =	vsub.f32 v23, v22;
	[tilespmem:v6+s22+$0x0] =	vst.idx.add.f32.msk $0xffff, v9;
	v6 =	vmov v30  }
0x64f: {  	_ =	sdelay $0x3  }
0x650: {  	v9 =	vsub.f32 v10, v12;
	[tilespmem:v4+s22+$0x0] =	vst.idx.add.f32.msk $0xffff, v11  }
0x651: {  	[tilespmem:v8+s22+$0x0] =	vst.idx.add.f32.msk $0xffff, v11  }
0x652: {  	v4 =	vmul.f32 v18, v15;
	v8 =	vsub.f32 v14, v16;
	[tilespmem:v3+s22+$0x0] =	vst.idx.add.f32.msk $0xffff, v9  }
0x653: {  	[tilespmem:v7+s22+$0x0] =	vst.idx.add.f32.msk $0xffff, v9  }
0x654: {  	v3 =	vsub.f32 v4, v17;
	[tilespmem:v2+s22+$0x0] =	vst.idx.add.f32.msk $0xffff, v8  }
0x655: {  	[tilespmem:v5+s22+$0x0] =	vst.idx.add.f32.msk $0xffff, v8  }
0x656: {  	[tilespmem:v1+s22+$0x0] =	vst.idx.add.f32.msk $0xffff, v3  }
0x657: {  	[tilespmem:v6+s22+$0x0] =	vst.idx.add.f32.msk $0xffff, v3  }
0x658: {  	s0 =	sld [smem:$0x7FA];
	_ =	sdelay $0x1  }
0x659: {  	s1 =	simm.s32 $0x400  }
0x65a: {  	[spmem:s0] =	stream.strided.scatter [tilespmem:s22], [sflag:$0x4], $0x2800, s1, s24, $0x38;
	[tilespmem:$0xF280] =	vst v63  }
0x65b: {  	_ =	swait.ge [sflag:s20], $0x2800  }
0x65c: {  	[sflag:s20] =	ssyncset.done $0x0  }
0x65d: {  	[sflag:s20] =	ssyncadd.s32 $0xFFFFD800  }
0x65e: {  	[bflag:$0x0] =	sbarrier.arrive $0xFFFF  }
0x65f: {  	s16 =	sld [smem:$0x7FB]  }
0x660: {  	s17 =	simm.s32 $0x1400  }
0x661: {  	s2 =	simm.s32 $0x14000;
	s3 =	simm.s32 $0xC800;
	s12 =	simm.s32 $0x0  }
0x662: {  	[tilespmem:s3], [sflag:$0x4] =	stream.strided.gather [spmem:s16], $0x2800, s2, s17, $0x38;
	[tilespmem:$0xF280] =	vst v63  }
0x663: {  	s18 =	sand.u32 $0x1C00, s12;
	s0 =	sand.u32 $0x40, s12;
	_ =	swait.ge [sflag:s20], $0x2800  }
0x664: {  	s19 =	sadd.s32 $0xC800, s18;
	s11 =	sor.u32 $0x30, s0;
	[sflag:s20] =	ssyncset.done $0x0  }
0x665: {  	[sflag:s20] =	ssyncadd.s32 $0xFFFFD800;
	s20 =	sor.u32 s11, s19  }
0x666: {  	v10 =	vld [tilespmem:s20+$0x0]  }
0x667: {  	s5 =	sor.u32 s0, s19;
	v11 =	vld [tilespmem:s20+$0x80]  }
0x668: {  	v12 =	vld [tilespmem:s5+$0x0]  }
0x669: {  	v13 =	vld [tilespmem:s20+$0x100]  }
0x66a: {  	s13 =	sor.u32 $0x10, s0;
	v14 =	vld [tilespmem:s5+$0x80]  }
0x66b: {  	s6 =	sor.u32 s13, s19;
	v15 =	vld [tilespmem:s20+$0x180]  }
0x66c: {  	v16 =	vld [tilespmem:s6+$0x0]  }
0x66d: {  	v17 =	vld [tilespmem:s20+$0x200]  }
0x66e: {  	s14 =	sor.u32 $0x20, s0;
	v18 =	vld [tilespmem:s6+$0x80]  }
0x66f: {  	s2 =	sor.u32 s14, s19;
	v19 =	vld [tilespmem:s20+$0x280]  }
0x670: {  	v20 =	vld [tilespmem:s2+$0x0]  }
0x671: {  	v21 =	vld [tilespmem:s20+$0x300]  }
0x672: {  	v22 =	vld [tilespmem:s2+$0x80]  }
0x673: {  	s7 =	sadd.s32 $0xDC00, s18;
	v9 =	vld [tilespmem:s20+$0x380]  }
0x674: {  	s21 =	sor.u32 s11, s7;
	v23 =	vld [tilespmem:s5+$0x100]  }
0x675: {  	s8 =	sadd.s32 $0xDC80, s18;
	v8 =	vld [tilespmem:s21+$0x0]  }
0x676: {  	s22 =	sor.u32 s11, s8;
	v24 =	vld [tilespmem:s6+$0x100]  }
0x677: {  	s9 =	sadd.s32 $0xDD00, s18;
	v4 =	vld [tilespmem:s22+$0x0]  }
0x678: {  	s23 =	sor.u32 s11, s9;
	s16 =	sadd.s32 $0xDE80, s18;
	v25 =	vld [tilespmem:s2+$0x100]  }
0x679: {  	s26 =	sor.u32 s11, s16;
	v7 =	vld [tilespmem:s23+$0x0]  }
0x67a: {  	s10 =	sadd.s32 $0xDD80, s18;
	v1 =	vld [tilespmem:s26+$0x0]  }
0x67b: {  	s24 =	sor.u32 s11, s10;
	v26 =	vld [tilespmem:s5+$0x180]  }
0x67c: {  	s15 =	sadd.s32 $0xDE00, s18;
	v6 =	vld [tilespmem:s24+$0x0]  }
0x67d: {  	s25 =	sor.u32 s11, s15;
	v27 =	vld [tilespmem:s6+$0x180]  }
0x67e: {  	s17 =	sadd.s32 $0xDF00, s18;
	v5 =	vld [tilespmem:s25+$0x0]  }
0x67f: {  	s28 =	sor.u32 s11, s17;
	v28 =	vld [tilespmem:s2+$0x180];
	[tilespmem:$0x1FFD0] =	vst v1  }
0x680: {  	v1 =	vld [tilespmem:s28+$0x0];
	_ =	sdelay $0x3  }
0x681: {  	s1 =	sadd.s32 $0xDF80, s18  }
0x682: {  	s29 =	sor.u32 s11, s1;
	v29 =	vld [tilespmem:s5+$0x200];
	[tilespmem:$0x1FFE0] =	vst v1  }
0x683: {  	v1 =	vld [tilespmem:s29+$0x0];
	_ =	sdelay $0x4  }
0x684: {  	v30 =	vld [tilespmem:s6+$0x200];
	[tilespmem:$0x1FFF0] =	vst v1  }
0x685: {  	v31 =	vld [tilespmem:s2+$0x200]  }
0x686: {  	v32 =	vld [tilespmem:s5+$0x280]  }
0x687: {  	v33 =	vld [tilespmem:s6+$0x280]  }
0x688: {  	v34 =	vld [tilespmem:s2+$0x280]  }
0x689: {  	v35 =	vld [tilespmem:s5+$0x300]  }
0x68a: {  	v36 =	vld [tilespmem:s6+$0x300]  }
0x68b: {  	v37 =	vld [tilespmem:s2+$0x300]  }
0x68c: {  	v38 =	vld [tilespmem:s5+$0x380]  }
0x68d: {  	v39 =	vld [tilespmem:s6+$0x380]  }
0x68e: {  	s30 =	sor.u32 s0, s7;
	v40 =	vld [tilespmem:s2+$0x380]  }
0x68f: {  	s31 =	sor.u32 s13, s7;
	v41 =	vld [tilespmem:s30+$0x0]  }
0x690: {  	s18 =	sor.u32 s14, s8;
	v42 =	vld [tilespmem:s31+$0x0]  }
0x691: {  	s19 =	sor.u32 s0, s9;
	v46 =	vld [tilespmem:s18+$0x0]  }
0x692: {  	s20 =	sor.u32 s13, s9;
	v47 =	vld [tilespmem:s19+$0x0]  }
0x693: {  	s21 =	sor.u32 s14, s9;
	v48 =	vld [tilespmem:s20+$0x0]  }
0x694: {  	s22 =	sor.u32 s0, s10;
	v49 =	vld [tilespmem:s21+$0x0]  }
0x695: {  	s23 =	sor.u32 s13, s10;
	v50 =	vld [tilespmem:s22+$0x0]  }
0x696: {  	s24 =	sor.u32 s14, s10;
	v51 =	vld [tilespmem:s23+$0x0]  }
0x697: {  	s25 =	sor.u32 s0, s15;
	v52 =	vld [tilespmem:s24+$0x0]  }
0x698: {  	s26 =	sor.u32 s13, s15;
	v53 =	vld [tilespmem:s25+$0x0]  }
0x699: {  	s28 =	sor.u32 s14, s15;
	v54 =	vld [tilespmem:s26+$0x0]  }
0x69a: {  	s29 =	sor.u32 s0, s16;
	v55 =	vld [tilespmem:s28+$0x0]  }
0x69b: {  	s9 =	sor.u32 s13, s1;
	v56 =	vld [tilespmem:s29+$0x0]  }
0x69c: {  	s5 =	sor.u32 s14, s7;
	v63 =	vld [tilespmem:s9+$0x0]  }
0x69d: {  	s6 =	sor.u32 s0, s8;
	v43 =	vld [tilespmem:s5+$0x0]  }
0x69e: {  	s7 =	sor.u32 s13, s8;
	v44 =	vld [tilespmem:s6+$0x0]  }
0x69f: {  	s30 =	sor.u32 s13, s16;
	v45 =	vld [tilespmem:s7+$0x0]  }
0x6a0: {  	s31 =	sor.u32 s14, s16;
	v57 =	vld [tilespmem:s30+$0x0]  }
0x6a1: {  	s5 =	sor.u32 s0, s17;
	v58 =	vld [tilespmem:s31+$0x0]  }
0x6a2: {  	s6 =	sor.u32 s13, s17;
	v59 =	vld [tilespmem:s5+$0x0]  }
0x6a3: {  	s8 =	simm.s32 $0x200;
	s16 =	simm.s32 $0x40;
	s7 =	sor.u32 s14, s17;
	v60 =	vld [tilespmem:s6+$0x0]  }
0x6a4: {  	s0 =	sor.u32 s0, s1;
	s17 =	sand.u32 $0x40, s16;
	s2 =	sand.u32 $0x1C00, s8;
	v61 =	vld [tilespmem:s7+$0x0]  }
0x6a5: {  	v10 =	vadd.f32 v11, v10;
	s1 =	sor.u32 s14, s1;
	v62 =	vld [tilespmem:s0+$0x0];
	s10 =	sadd.s32 $0xC800, s2;
	s15 =	sor.u32 $0x30, s17  }
0x6a6: {  	v3 =	vld [tilespmem:s1+$0x0];
	s18 =	sor.u32 s15, s10  }
0x6a7: {  	v10 =	vadd.f32 v13, v10;
	v11 =	vld [tilespmem:s18+$0x0]  }
0x6a8: {  	s19 =	sor.u32 s17, s10;
	v13 =	vld [tilespmem:s18+$0x80]  }
0x6a9: {  	v10 =	vadd.f32 v15, v10;
	v2 =	vld [tilespmem:s19+$0x0]  }
0x6aa: {  	v15 =	vld [tilespmem:s18+$0x100]  }
0x6ab: {  	v10 =	vadd.f32 v17, v10;
	v1 =	vld [tilespmem:s18+$0x180]  }
0x6ac: {  	v16 =	vadd.f32 v18, v16;
	v17 =	vld [tilespmem:s18+$0x200]  }
0x6ad: {  	v12 =	vadd.f32 v14, v12;
	v10 =	vadd.f32 v19, v10;
	v14 =	vld [tilespmem:s18+$0x280]  }
0x6ae: {  	v16 =	vadd.f32 v24, v16;
	s26 =	sadd.s32 $0xDC00, s2;
	v18 =	vld [tilespmem:s18+$0x300]  }
0x6af: {  	v19 =	vadd.f32 v22, v20;
	v10 =	vadd.f32 v21, v10;
	s25 =	sadd.s32 $0xDC80, s2;
	s24 =	sor.u32 s15, s26;
	v20 =	vld [tilespmem:s18+$0x380]  }
0x6b0: {  	v12 =	vadd.f32 v23, v12;
	s6 =	sadd.s32 $0xDD00, s2;
	s28 =	sor.u32 s15, s25;
	v21 =	vld [tilespmem:s24+$0x0]  }
0x6b1: {  	v9 =	vadd.f32 v9, v10;
	v10 =	vadd.f32 v27, v16;
	s23 =	sadd.s32 $0xDE00, s2;
	s29 =	sor.u32 s15, s6;
	v22 =	vld [tilespmem:s28+$0x0]  }
0x6b2: {  	v12 =	vadd.f32 v26, v12;
	s22 =	sadd.s32 $0xDE80, s2;
	s31 =	sor.u32 s15, s23;
	v16 =	vld [tilespmem:s29+$0x0]  }
0x6b3: {  	v19 =	vadd.f32 v25, v19;
	v30 =	vadd.f32 v30, v10;
	s5 =	sor.u32 s15, s22;
	v10 =	vld [tilespmem:s31+$0x0]  }
0x6b4: {  	v8 =	vadd.f32 v8, v9;
	s20 =	sor.u32 $0x10, s17;
	v9 =	vld [tilespmem:s5+$0x0]  }
0x6b5: {  	v29 =	vadd.f32 v29, v12;
	v19 =	vadd.f32 v28, v19;
	s8 =	sor.u32 s20, s10;
	v25 =	vld [tilespmem:s19+$0x80]  }
0x6b6: {  	v26 =	vld [tilespmem:s8+$0x0]  }
0x6b7: {  	s21 =	sadd.s32 $0xDF00, s2;
	v27 =	vld [tilespmem:s19+$0x100];
	v19 =	vadd.f32 v31, v19;
	v23 =	vadd.f32 v32, v29  }
0x6b8: {  	s7 =	sor.u32 s15, s21;
	v28 =	vld [tilespmem:s19+$0x180];
	v32 =	vadd.f32 v4, v8;
	v24 =	vadd.f32 v33, v30  }
0x6b9: {  	v8 =	vld [tilespmem:s7+$0x0];
	v19 =	vadd.f32 v34, v19;
	v23 =	vadd.f32 v35, v23  }
0x6ba: {  	v29 =	vld [tilespmem:s8+$0x180];
	v7 =	vadd.f32 v7, v32;
	v24 =	vadd.f32 v36, v24  }
0x6bb: {  	v30 =	vld [tilespmem:s19+$0x200];
	v19 =	vadd.f32 v37, v19;
	v23 =	vadd.f32 v38, v23  }
0x6bc: {  	v31 =	vld [tilespmem:s8+$0x200];
	v6 =	vadd.f32 v6, v7;
	v7 =	vadd.f32 v39, v24  }
0x6bd: {  	v33 =	vld [tilespmem:s8+$0x280];
	v11 =	vadd.f32 v13, v11;
	v2 =	vadd.f32 v25, v2  }
0x6be: {  	s24 =	sadd.s32 $0xDD80, s2;
	v37 =	vld [tilespmem:$0x1FFD0];
	v19 =	vadd.f32 v40, v19;
	v23 =	vadd.f32 v41, v23  }
0x6bf: {  	s18 =	sadd.s32 $0xDF80, s2;
	s30 =	sor.u32 s15, s24;
	v24 =	vld [tilespmem:s8+$0x80];
	v5 =	vadd.f32 v5, v6;
	v6 =	vadd.f32 v42, v7  }
0x6c0: {  	s2 =	sor.u32 s15, s18;
	v12 =	vld [tilespmem:s30+$0x0];
	v11 =	vadd.f32 v15, v11;
	v2 =	vadd.f32 v27, v2  }
0x6c1: {  	v4 =	vld [tilespmem:s2+$0x0];
	v19 =	vadd.f32 v43, v19;
	v23 =	vadd.f32 v44, v23  }
0x6c2: {  	v38 =	vld [tilespmem:$0x1FFE0];
	v6 =	vadd.f32 v45, v6;
	v1 =	vadd.f32 v1, v11  }
0x6c3: {  	v7 =	vld [tilespmem:s8+$0x100];
	v2 =	vadd.f32 v28, v2;
	v5 =	vadd.f32 v37, v5  }
0x6c4: {  	v32 =	vld [tilespmem:s19+$0x280];
	v24 =	vadd.f32 v24, v26;
	v19 =	vadd.f32 v46, v19  }
0x6c5: {  	v39 =	vld [tilespmem:$0x1FFF0];
	v23 =	vadd.f32 v47, v23;
	v6 =	vadd.f32 v48, v6  }
0x6c6: {  	v40 =	vld [tilespmem:s19+$0x300];
	v1 =	vadd.f32 v17, v1;
	v2 =	vadd.f32 v30, v2  }
0x6c7: {  	s28 =	sor.u32 $0x20, s17;
	v41 =	vld [tilespmem:s19+$0x380];
	v5 =	vadd.f32 v38, v5;
	v19 =	vadd.f32 v49, v19  }
0x6c8: {  	s0 =	sor.u32 s28, s10;
	v42 =	vld [tilespmem:s8+$0x300];
	v7 =	vadd.f32 v7, v24;
	v23 =	vadd.f32 v50, v23  }
0x6c9: {  	v11 =	vld [tilespmem:s0+$0x80];
	v6 =	vadd.f32 v51, v6;
	v19 =	vadd.f32 v52, v19  }
0x6ca: {  	v46 =	vld [tilespmem:s0+$0x0];
	v1 =	vadd.f32 v14, v1;
	v2 =	vadd.f32 v32, v2  }
0x6cb: {  	v43 =	vld [tilespmem:s8+$0x380];
	v5 =	vadd.f32 v39, v5;
	v19 =	vadd.f32 v55, v19  }
0x6cc: {  	v47 =	vld [tilespmem:s0+$0x100];
	v7 =	vadd.f32 v29, v7;
	v23 =	vadd.f32 v53, v23  }
0x6cd: {  	v48 =	vld [tilespmem:s0+$0x180];
	v6 =	vadd.f32 v54, v6;
	v44 =	vadd.f32 v58, v19  }
0x6ce: {  	v49 =	vld [tilespmem:s0+$0x280];
	v1 =	vadd.f32 v18, v1;
	v2 =	vadd.f32 v40, v2  }
0x6cf: {  	v50 =	vld [tilespmem:s0+$0x300];
	v11 =	vadd.f32 v11, v46;
	v15 =	vadd.f32 v61, v44  }
0x6d0: {  	v51 =	vld [tilespmem:s0+$0x380];
	v7 =	vadd.f32 v31, v7;
	v23 =	vadd.f32 v56, v23  }
0x6d1: {  	s9 =	sor.u32 s17, s26;
	v1 =	vadd.f32 v20, v1;
	v15 =	vadd.f32 v3, v15;
	v3 =	vld [tilespmem:s0+$0x200]  }
0x6d2: {  	s10 =	sor.u32 s20, s26;
	v52 =	vld [tilespmem:s9+$0x0];
	v6 =	vadd.f32 v57, v6;
	v11 =	vadd.f32 v47, v11  }
0x6d3: {  	s19 =	sor.u32 s28, s26;
	v53 =	vld [tilespmem:s10+$0x0];
	v2 =	vadd.f32 v41, v2;
	v1 =	vadd.f32 v21, v1  }
0x6d4: {  	s26 =	sor.u32 s17, s25;
	v54 =	vld [tilespmem:s19+$0x0];
	v7 =	vadd.f32 v33, v7;
	v11 =	vadd.f32 v48, v11  }
0x6d5: {  	s29 =	sor.u32 s20, s25;
	v55 =	vld [tilespmem:s26+$0x0];
	v45 =	vadd.f32 v59, v23;
	v1 =	vadd.f32 v22, v1  }
0x6d6: {  	s31 =	sor.u32 s17, s6;
	v56 =	vld [tilespmem:s29+$0x0];
	v6 =	vadd.f32 v60, v6;
	v3 =	vadd.f32 v3, v11  }
0x6d7: {  	s1 =	sor.u32 s20, s6;
	v57 =	vld [tilespmem:s31+$0x0];
	v7 =	vadd.f32 v42, v7;
	v1 =	vadd.f32 v16, v1  }
0x6d8: {  	s2 =	sor.u32 s28, s6;
	v58 =	vld [tilespmem:s1+$0x0];
	v2 =	vadd.f32 v52, v2;
	v3 =	vadd.f32 v49, v3  }
0x6d9: {  	s3 =	sor.u32 s17, s24;
	v59 =	vld [tilespmem:s2+$0x0];
	v7 =	vadd.f32 v43, v7;
	v1 =	vadd.f32 v12, v1  }
0x6da: {  	s30 =	sor.u32 s28, s25;
	v60 =	vld [tilespmem:s3+$0x0];
	v19 =	vadd.f32 v62, v45;
	v3 =	vadd.f32 v50, v3  }
0x6db: {  	s5 =	sor.u32 s20, s24;
	v7 =	vadd.f32 v53, v7;
	v1 =	vadd.f32 v10, v1;
	v11 =	vld [tilespmem:s30+$0x0]  }
0x6dc: {  	s7 =	sor.u32 s17, s23;
	v6 =	vadd.f32 v63, v6;
	v61 =	vld [tilespmem:s5+$0x0];
	v3 =	vadd.f32 v51, v3  }
0x6dd: {  	s9 =	sor.u32 s20, s23;
	v62 =	vld [tilespmem:s7+$0x0];
	v7 =	vadd.f32 v56, v7;
	v1 =	vadd.f32 v9, v1  }
0x6de: {  	s6 =	sor.u32 s28, s24;
	s8 =	sand.u32 $0x380, s12;
	v63 =	vld [tilespmem:s9+$0x0];
	v2 =	vadd.f32 v55, v2;
	v3 =	vadd.f32 v54, v3  }
0x6df: {  	s12 =	sor.u32 s28, s23;
	s10 =	sor.u32 $0xF000, s8;
	v10 =	vld [tilespmem:s6+$0x0];
	v7 =	vadd.f32 v58, v7;
	v8 =	vadd.f32 v8, v1  }
0x6e0: {  	s24 =	sor.u32 s20, s22;
	s23 =	sor.u32 s17, s22;
	s13 =	sor.u32 s13, s10;
	v2 =	vadd.f32 v57, v2;
	v9 =	vld [tilespmem:s12+$0x0];
	v3 =	vadd.f32 v11, v3  }
0x6e1: {  	s25 =	sor.u32 s28, s22;
	s26 =	sor.u32 s17, s21;
	s0 =	sor.u32 s11, s10;
	[tilespmem:s13+$0x0] =	vst v6;
	v6 =	vadd.f32 v4, v8;
	v4 =	vadd.f32 v61, v7;
	v11 =	vld [tilespmem:s23+$0x0]  }
0x6e2: {  	s19 =	sor.u32 s14, s10;
	s14 =	simm.s32 $0x80;
	s31 =	sand.u32 $0x380, s16;
	[tilespmem:s0+$0x0] =	vst v5;
	v12 =	vadd.f32 v60, v2;
	v2 =	vld [tilespmem:s26+$0x0];
	v5 =	vadd.f32 v59, v3  }
0x6e3: {  	s29 =	sor.u32 s20, s21;
	s2 =	sor.u32 $0xF000, s31;
	s11 =	simm.s32 $0xF000;
	v1 =	vld [tilespmem:s24+$0x0];
	v8 =	vadd.f32 v63, v4  }
0x6e4: {  	s13 =	simm.s32 $0x400;
	[tilespmem:s11+$0x0] =	vst v19;
	s26 =	sor.u32 s20, s18;
	s30 =	sor.u32 s28, s21;
	v4 =	vld [tilespmem:s29+$0x0];
	v5 =	vadd.f32 v10, v5;
	v10 =	vadd.f32 v62, v12  }
0x6e5: {  	[tilespmem:s19+$0x0] =	vst v15;
	s21 =	sor.u32 s28, s2;
	s23 =	sor.u32 s20, s2;
	s2 =	sor.u32 s15, s2;
	v3 =	vld [tilespmem:s25+$0x0]  }
0x6e6: {  	s12 =	simm.s32 $0x4;
	s24 =	sor.u32 s28, s18;
	[tilespmem:s2+$0x0] =	vst v6;
	s25 =	sor.u32 s17, s18;
	v7 =	vadd.f32 v9, v5;
	v6 =	vadd.f32 v11, v10;
	v5 =	vld [tilespmem:s30+$0x0]  }
.LBB2_24:
0x6e7: {  	s6 =	sand.u32 $0x40, s14;
	s28 =	sand.u32 $0x1C00, s13;
	v9 =	vld [tilespmem:s25+$0x0]  }
0x6e8: {  	s0 =	sadd.s32 $0xC800, s28;
	s15 =	sor.u32 $0x30, s6;
	v1 =	vadd.f32 v1, v8;
	v8 =	vld [tilespmem:s26+$0x0]  }
0x6e9: {  	s1 =	sor.u32 s15, s0;
	v2 =	vadd.f32 v2, v6;
	v6 =	vld [tilespmem:s24+$0x0]  }
0x6ea: {  	v3 =	vadd.f32 v3, v7;
	v7 =	vld [tilespmem:s1+$0x0]  }
0x6eb: {  	s18 =	sor.u32 s6, s0;
	v1 =	vadd.f32 v4, v1;
	v4 =	vld [tilespmem:s1+$0x80]  }
0x6ec: {  	v3 =	vadd.f32 v5, v3;
	v5 =	vld [tilespmem:s18+$0x0];
	v2 =	vadd.f32 v9, v2  }
0x6ed: {  	s11 =	sadd.s32 $0x40, s11;
	v9 =	vld [tilespmem:s1+$0x100]  }
0x6ee: {  	v1 =	vadd.f32 v8, v1;
	v8 =	vld [tilespmem:s18+$0x80];
	[tilespmem:s11+$0x0] =	vst v2;
	v2 =	vadd.f32 v6, v3  }
0x6ef: {  	v3 =	vld [tilespmem:s1+$0x180]  }
0x6f0: {  	s20 =	sor.u32 $0x10, s6;
	[tilespmem:s21+$0x0] =	vst v2;
	v2 =	vld [tilespmem:s1+$0x200]  }
0x6f1: {  	s16 =	sor.u32 s20, s0;
	[tilespmem:s23+$0x0] =	vst v1;
	v4 =	vadd.f32 v4, v7;
	v7 =	vld [tilespmem:s1+$0x280]  }
0x6f2: {  	v1 =	vld [tilespmem:s16+$0x0]  }
0x6f3: {  	s22 =	sor.u32 $0x20, s6;
	v6 =	vld [tilespmem:s16+$0x80]  }
0x6f4: {  	s17 =	sor.u32 s22, s0;
	v10 =	vld [tilespmem:s16+$0x100];
	v4 =	vadd.f32 v9, v4  }
0x6f5: {  	v9 =	vld [tilespmem:s17+$0x80]  }
0x6f6: {  	v5 =	vadd.f32 v8, v5;
	v8 =	vld [tilespmem:s17+$0x0];
	v3 =	vadd.f32 v3, v4  }
0x6f7: {  	v4 =	vld [tilespmem:s1+$0x300]  }
0x6f8: {  	s10 =	sadd.s32 $0xDC00, s28;
	v2 =	vadd.f32 v2, v3;
	v3 =	vld [tilespmem:s1+$0x380]  }
0x6f9: {  	s23 =	sor.u32 s15, s10;
	v1 =	vadd.f32 v6, v1;
	v6 =	vld [tilespmem:s18+$0x100]  }
0x6fa: {  	s2 =	sadd.s32 $0xDC80, s28;
	v2 =	vadd.f32 v7, v2;
	v7 =	vld [tilespmem:s23+$0x0]  }
0x6fb: {  	s29 =	sadd.s32 $0xDD00, s28;
	s26 =	sor.u32 s15, s2;
	v1 =	vadd.f32 v10, v1;
	v10 =	vld [tilespmem:s16+$0x180]  }
0x6fc: {  	s25 =	sor.u32 s20, s2;
	s24 =	sor.u32 s6, s2;
	s2 =	sor.u32 s22, s2;
	v2 =	vadd.f32 v4, v2;
	v4 =	vadd.f32 v9, v8;
	v8 =	vld [tilespmem:s26+$0x0]  }
0x6fd: {  	[dreg:$0x10] =	wrdreg s2;
	s2 =	sor.u32 s15, s29;
	v9 =	vld [tilespmem:s17+$0x100]  }
0x6fe: {  	s3 =	sadd.s32 $0xDD80, s28;
	s7 =	sadd.s32 $0xDE00, s28;
	s19 =	sor.u32 s6, s10;
	v2 =	vadd.f32 v3, v2;
	v3 =	vadd.f32 v6, v5;
	v5 =	vld [tilespmem:s2+$0x0]  }
0x6ff: {  	s0 =	sor.u32 s22, s10;
	s31 =	sor.u32 s6, s29;
	[dreg:$0xd] =	wrdreg s19;
	v6 =	vld [tilespmem:s18+$0x180]  }
0x700: {  	s30 =	sor.u32 s20, s29;
	s5 =	sor.u32 s15, s3;
	[dreg:$0xc] =	wrdreg s0;
	v1 =	vadd.f32 v10, v1;
	v10 =	vld [tilespmem:s16+$0x200]  }
0x701: {  	s9 =	sor.u32 s6, s3;
	[dreg:$0xb] =	wrdreg s25;
	s21 =	sor.u32 s20, s10;
	v2 =	vadd.f32 v7, v2;
	v7 =	vld [tilespmem:s5+$0x0]  }
0x702: {  	s8 =	sor.u32 s6, s7;
	[dreg:$0xa] =	wrdreg s21;
	s21 =	sor.u32 s15, s7;
	v4 =	vadd.f32 v9, v4;
	v9 =	vld [tilespmem:s17+$0x180]  }
0x703: {  	[dreg:$0xf] =	wrdreg s30;
	s30 =	sor.u32 s20, s3;
	s23 =	sadd.s32 $0xDE80, s28;
	v2 =	vadd.f32 v8, v2;
	v8 =	vld [tilespmem:s21+$0x0]  }
0x704: {  	s25 =	sadd.s32 $0xDF00, s28;
	[dreg:$0xe] =	wrdreg s24;
	s24 =	sor.u32 s15, s23;
	v3 =	vadd.f32 v6, v3;
	v6 =	vld [tilespmem:s18+$0x200]  }
0x705: {  	s19 =	sor.u32 s20, s7;
	s0 =	sor.u32 s6, s25;
	s10 =	sor.u32 s22, s3;
	v2 =	vadd.f32 v5, v2;
	v5 =	vld [tilespmem:s24+$0x0]  }
0x706: {  	s3 =	sor.u32 s6, s23;
	s1 =	sor.u32 s22, s23;
	s26 =	sor.u32 s15, s25;
	v1 =	vadd.f32 v10, v1;
	v10 =	vld [tilespmem:s18+$0x300]  }
0x707: {  	s2 =	sor.u32 s20, s25;
	s5 =	sor.u32 s22, s7;
	s7 =	sor.u32 s20, s23;
	v2 =	vadd.f32 v7, v2;
	v4 =	vadd.f32 v9, v4;
	v9 =	vld [tilespmem:s17+$0x200]  }
0x708: {  	s23 =	sand.u32 $0x380, s14;
	s24 =	sadd.s32 $0xDF80, s28;
	s28 =	sor.u32 s22, s25;
	v7 =	vld [tilespmem:s26+$0x0]  }
0x709: {  	s25 =	sor.u32 s6, s24;
	s21 =	sor.u32 s15, s24;
	s6 =	sor.u32 $0xF000, s23;
	v2 =	vadd.f32 v8, v2;
	v3 =	vadd.f32 v6, v3;
	v6 =	vld [tilespmem:s16+$0x280]  }
0x70a: {  	s23 =	sor.u32 s20, s6;
	v8 =	vld [tilespmem:s21+$0x0]  }
0x70b: {  	s21 =	sor.u32 s22, s6;
	s6 =	sor.u32 s15, s6;
	s15 =	rddreg [dreg:$0xd];
	v2 =	vadd.f32 v5, v2;
	v5 =	vld [tilespmem:s18+$0x280]  }
0x70c: {  	v4 =	vadd.f32 v9, v4;
	v9 =	vld [tilespmem:s15+$0x0]  }
0x70d: {  	v2 =	vadd.f32 v7, v2;
	v7 =	vld [tilespmem:s17+$0x280]  }
0x70e: {  	v1 =	vadd.f32 v6, v1;
	v6 =	vld [tilespmem:s16+$0x380]  }
0x70f: {  	v2 =	vadd.f32 v8, v2;
	v8 =	vld [tilespmem:s16+$0x300]  }
0x710: {  	v3 =	vadd.f32 v5, v3;
	v5 =	vld [tilespmem:s17+$0x300]  }
0x711: {  	[tilespmem:s6+$0x0] =	vst v2;
	v2 =	vld [tilespmem:s18+$0x380]  }
0x712: {  	v4 =	vadd.f32 v7, v4;
	v7 =	vld [tilespmem:s17+$0x380]  }
0x713: {  	s16 =	rddreg [dreg:$0xa];
	v3 =	vadd.f32 v10, v3;
	v10 =	vld [tilespmem:s3+$0x0]  }
0x714: {  	s18 =	rddreg [dreg:$0xe];
	v1 =	vadd.f32 v8, v1;
	v8 =	vld [tilespmem:s16+$0x0]  }
0x715: {  	s17 =	rddreg [dreg:$0xc];
	v4 =	vadd.f32 v5, v4;
	v5 =	vld [tilespmem:s18+$0x0]  }
0x716: {  	s26 =	sor.u32 s20, s24;
	s20 =	rddreg [dreg:$0xb];
	v2 =	vadd.f32 v2, v3;
	v3 =	vld [tilespmem:s17+$0x0]  }
0x717: {  	s29 =	sor.u32 s22, s29;
	s24 =	sor.u32 s22, s24;
	s22 =	rddreg [dreg:$0x10];
	v1 =	vadd.f32 v6, v1;
	v6 =	vld [tilespmem:s20+$0x0]  }
0x718: {  	v4 =	vadd.f32 v7, v4;
	v7 =	vld [tilespmem:s22+$0x0]  }
0x719: {  	v2 =	vadd.f32 v9, v2;
	v9 =	vld [tilespmem:s31+$0x0];
	s31 =	rddreg [dreg:$0xf]  }
0x71a: {  	v1 =	vadd.f32 v8, v1;
	v8 =	vld [tilespmem:s31+$0x0]  }
0x71b: {  	v2 =	vadd.f32 v5, v2;
	v5 =	vld [tilespmem:s9+$0x0]  }
0x71c: {  	v3 =	vadd.f32 v3, v4;
	v4 =	vld [tilespmem:s29+$0x0]  }
0x71d: {  	v1 =	vadd.f32 v6, v1;
	v6 =	vld [tilespmem:s30+$0x0]  }
0x71e: {  	v3 =	vadd.f32 v7, v3;
	v7 =	vld [tilespmem:s10+$0x0]  }
0x71f: {  	v2 =	vadd.f32 v9, v2;
	v9 =	vld [tilespmem:s8+$0x0]  }
0x720: {  	s12 =	sadd.s32 $0x4, s12;
	v1 =	vadd.f32 v8, v1;
	v8 =	vld [tilespmem:s19+$0x0]  }
0x721: {  	p0 =	slt.u32 s12, $0x24;
	v2 =	vadd.f32 v5, v2;
	v5 =	vld [tilespmem:s5+$0x0];
	v3 =	vadd.f32 v4, v3  }
.Ltmp11:
0x722: {  	v4 =	vadd.f32 v6, v1;
	v1 =	vld [tilespmem:s7+$0x0];
	(pc) =	sbr.rel @p0 .LBB2_24-.Ltmp11, $4  }
0x723: {  	v6 =	vadd.f32 v7, v3;
	v3 =	vld [tilespmem:s1+$0x0]  }
0x724: {  	v9 =	vadd.f32 v9, v2;
	v2 =	vld [tilespmem:s0+$0x0]  }
0x725: {  	v8 =	vadd.f32 v8, v4;
	v4 =	vld [tilespmem:s2+$0x0]  }
0x726: {  	s13 =	sadd.s32 $0x200, s13;
	s14 =	sadd.s32 $0x40, s14;
	v7 =	vadd.f32 v5, v6;
	v6 =	vadd.f32 v10, v9;
	v5 =	vld [tilespmem:s28+$0x0]  }
0x727: {  	v9 =	vld [tilespmem:s25+$0x0]  }
0x728: {  	v10 =	vld [tilespmem:s26+$0x0]  }
0x729: {  	v1 =	vadd.f32 v1, v8;
	v63 =	vld [tilespmem:s24+$0x0]  }
0x72a: {  	v3 =	vadd.f32 v3, v7;
	v2 =	vadd.f32 v2, v6  }
0x72b: {  	v1 =	vadd.f32 v4, v1  }
0x72c: {  	v3 =	vadd.f32 v5, v3;
	v2 =	vadd.f32 v9, v2  }
0x72d: {  	s0 =	sadd.s32 $0x40, s11;
	v1 =	vadd.f32 v10, v1  }
0x72e: {  	[tilespmem:s0+$0x0] =	vst v2;
	v2 =	vadd.f32 v63, v3  }
0x72f: {  	[tilespmem:s23+$0x0] =	vst v1  }
0x730: {  	[tilespmem:s21+$0x0] =	vst v2  }
0x731: {  	s0 =	sld [smem:$0x7FC]  }
0x732: {  	s24 =	simm.s32 $0x80  }
0x733: {  	s1 =	simm.s32 $0x100;
	s2 =	simm.s32 $0xF000;
	s20 =	simm.s32 $0x4  }
0x734: {  	[hbm4b:s0+s24] =	stream.strided.scatter [tilespmem:s2], [sflag:$0x4], $0x280, s1, s24, $0x38;
	[tilespmem:$0xF280] =	vst v63  }
0x735: {  	_ =	swait.ge [sflag:s20], $0x280  }
0x736: {  	s30 =	sld [smem:$0x7D6]  }
0x737: {  	s31 =	sld [smem:$0x7FD];
	_ =	sdelay $0x1  }
0x738: {  	s1 =	sadd.s32 $0x1, s30  }
0x739: {  	s8 =	simm.s32 $0x0;
	s3 =	simm.s32 $0x5800;
	p0 =	sne.s32 s1, s31  }
.Ltmp12:
0x73a: {  	s5 =	simm.s32 $0x6000;
	s6 =	simm.s32 $0x6800;
	(pc) =	sbr.rel @p0 .LBB2_1-.Ltmp12, $4  }
0x73b: {  	s7 =	simm.s32 $0x7000;
	s9 =	simm.s32 $0x7800;
	s10 =	simm.s32 $0x8000  }
0x73c: {  	s17 =	simm.s32 $0x8800;
	s18 =	simm.s32 $0x9000;
	s19 =	simm.s32 $0x9800  }
0x73d: {  	s22 =	simm.s32 $0x2780;
	s23 =	simm.s32 $0x2;
	[sflag:s20] =	ssyncset.done $0x0  }
0x73e: {  	s21 =	simm.s32 $0x1;
	s2 =	simm.s32 $0x5000;
	[sflag:s20] =	ssyncadd.s32 $0xFFFFFD80  }
0x73f: {  	_ =	sfence.sel $0x180000  }
0x740: {  	[bflag:$0x0] =	sbarrier.arrive $0xFFFF  }
0x741: {  	_ =	strace $0x90000047  }
0x742: {  	s0 =	stileid.u32;
	[bflag:$0x2] =	sbarrier.arrive $0xFFFF  }
0x743: {  	p0 =	sne.s32 s0, $0x0;
	s0 =	rddreg [dreg:$0x9]  }
0x744: {  	s0 =	sadd.s32 @!p0 $0x100000, s0  }
0x745: {  	[sflag:s0] =	ssyncadd.tile.s32 @!p0 $0x1;
	_ =	shalt  }
.Lfunc_end2:
_tile_overlayer_lowered:
.L_overlay_start_2:
0x746: {  	(tag) =	ssettag $0x2  }
0x747: {  	s0 =	rddreg [dreg:$0x0];
	s2 =	stileid.u32  }
0x748: {  	s1 =	rddreg [dreg:$0x1];
	p0 =	sne.s32 s2, $0x0  }
0x749: {  	s3 =	rddreg [dreg:$0x2];
	[bflag:$0x3] =	sbarrier.arrive $0xFFFF;
	s2 =	simm.s32 @!p0 $0x1C04  }
0x74a: {  	[timem:s3], [sflag:s2] =	dma.local @!p0 [hbm:s0], s1  }
0x74b: {  	s0 =	simm.s32 @!p0 $0x4  }
0x74c: {  	_ =	swait.ge @!p0 [sflag:s0], s1  }
0x74d: {  	s1 =	ssub.s32 @!p0 $0x0, s1;
	[sflag:s0] =	ssyncset.done @!p0 $0x0  }
0x74e: {  	[sflag:s0] =	ssyncadd.s32 @!p0 s1  }
0x74f: {  	[bflag:$0x3] =	sbarrier.arrive $0xFFFF  }
0x750: {  	_ =	shalt  }

</sc_bundles>
